<compile_context>
chip_gen: v7x
topology: tpu7x:2x2x1
jax: 0.10.2.dev20260603
libtpu: 0.0.44.dev20260713+nightly
codegen_flags: <defaults>
</compile_context>

<pallas_src>
import functools
import jax
import jax.numpy as jnp
from jax import lax
from jax.experimental import pallas as pl
from jax.experimental.pallas import tpu as pltpu
from jax.experimental.pallas import tpu_sc as plsc

N = 10000
E = 320000
D = 128
ED = 16
G = 64
L = 3
H = 256
BN_EPS = 128.0

BN_ROWS = 1000
NBLK = N // BN_ROWS
BE = 4000
NW = 32
EPW = E // NW
CH = 80
NCH = EPW // CH
ZR = 208
RPT = 624


def _leaky(v):
    return jnp.where(v >= 0, v, 0.01 * v)


def _leaky2(v):
    return jnp.where(v >= 0, v, 1e-4 * v)



def _eproj_body(ea, W, b, out):
    out[0] = ea[...] @ W[0] + b[0]


def _eproj(ea, Wall, ball):
    return pl.pallas_call(
        _eproj_body,
        grid=(4, E // BE),
        in_specs=[
            pl.BlockSpec((BE, ED), lambda l, e: (e, 0)),
            pl.BlockSpec((1, ED, D), lambda l, e: (l, 0, 0)),
            pl.BlockSpec((1, 1, D), lambda l, e: (l, 0, 0)),
        ],
        out_specs=pl.BlockSpec((1, BE, D), lambda l, e: (l, e, 0)),
        out_shape=jax.ShapeDtypeStruct((4, E, D), jnp.float32),
    )(ea, Wall, ball.reshape(4, 1, D))



def _make_sc_edge(layer, apply_act):
    mesh = plsc.VectorSubcoreMesh(core_axis_name="c", subcore_axis_name="s")

    @functools.partial(
        pl.kernel,
        mesh=mesh,
        out_type=jax.ShapeDtypeStruct((2, N, D), jnp.float32),
        scratch_types=[
            pltpu.VMEM_SHARED((N, D), jnp.float32),
            pltpu.VMEM((CH, D), jnp.float32),
            pltpu.VMEM((CH, D), jnp.float32),
            pltpu.VMEM((CH,), jnp.int32),
            pltpu.VMEM((CH,), jnp.int32),
            pltpu.VMEM((ZR, D), jnp.float32),
            pltpu.VMEM((2, D), jnp.float32),
            pltpu.SemaphoreType.DMA,
            pltpu.SemaphoreType.DMA,
            pltpu.SemaphoreType.DMA,
            pltpu.SemaphoreType.DMA,
        ],
    )
    def k(h_hbm, ep_hbm, ei_hbm, ab_hbm, out_hbm,
          agg_sh, epb, xrb, srcb, dstb, zb, abb, s1, s2, s3, s4):
        cid = lax.axis_index("c")
        sid = lax.axis_index("s")
        wid = cid * 16 + sid

        def zrow(r, _):
            for j in range(D // 16):
                zb[r, pl.ds(j * 16, 16)] = jnp.zeros((16,), jnp.float32)
            return 0
        lax.fori_loop(0, ZR, zrow, 0)
        for kk in range(RPT // ZR):
            pltpu.sync_copy(zb, agg_sh.at[pl.ds(sid * RPT + kk * ZR, ZR)])

        @pl.when(sid == 15)
        def _():
            pltpu.sync_copy(zb.at[pl.ds(0, 16)], agg_sh.at[pl.ds(16 * RPT, 16)])
        pltpu.sync_copy(ab_hbm, abb)
        plsc.subcore_barrier()

        if apply_act:
            avs = [abb[0, pl.ds(j * 16, 16)] for j in range(D // 16)]
            bvs = [abb[1, pl.ds(j * 16, 16)] for j in range(D // 16)]

        def chunk(it, _):
            base = wid * EPW + it * CH
            c_src = pltpu.async_copy(ei_hbm.at[pl.ds(base, CH)], srcb, s1)
            c_ep = pltpu.async_copy(ep_hbm.at[layer, pl.ds(base, CH)], epb, s2)
            c_dst = pltpu.async_copy(ei_hbm.at[pl.ds(E + base, CH)], dstb, s3)
            c_src.wait()
            c_g = pltpu.async_copy(h_hbm.at[srcb], xrb, s4)
            c_ep.wait()
            c_g.wait()

            def edge(e, _):
                for j in range(D // 16):
                    sl = pl.ds(j * 16, 16)
                    v = xrb[e, sl]
                    if apply_act:
                        v = avs[j] * v + bvs[j]
                        v = _leaky2(v)
                    epb[e, sl] = jnp.maximum(v + epb[e, sl], 0.0)
                return 0
            lax.fori_loop(0, CH, edge, 0)
            c_dst.wait()
            pltpu.sync_copy(epb, agg_sh.at[dstb], add=True)
            return 0
        lax.fori_loop(0, NCH, chunk, 0)

        plsc.subcore_barrier()
        pltpu.sync_copy(agg_sh.at[pl.ds(sid * RPT, RPT)],
                        out_hbm.at[cid, pl.ds(sid * RPT, RPT)])

        @pl.when(sid == 15)
        def _():
            pltpu.sync_copy(agg_sh.at[pl.ds(16 * RPT, 16)],
                            out_hbm.at[cid, pl.ds(16 * RPT, 16)])

    return k



def _make_dense(apply_act):
    def body(hprev, ab, agg, W, b, eps, hpre_ref, stats_ref):
        i = pl.program_id(0)
        hin = hprev[...]
        if apply_act:
            hin = _leaky2(hin * ab[0:1, :] + ab[1:2, :])
        hs = hin * (1.0 + eps[0, 0]) + agg[0] + agg[1]
        hp = hs @ W[...] + b[...]
        hpre_ref[...] = hp
        st = jnp.stack([jnp.sum(hp, 0, keepdims=True),
                        jnp.sum(hp * hp, 0, keepdims=True)])

        @pl.when(i == 0)
        def _():
            stats_ref[...] = st

        @pl.when(i > 0)
        def _():
            stats_ref[...] += st

    def call(hprev, ab, agg, W, b, eps):
        return pl.pallas_call(
            body,
            grid=(NBLK,),
            in_specs=[
                pl.BlockSpec((BN_ROWS, D), lambda i: (i, 0)),
                pl.BlockSpec((2, D), lambda i: (0, 0)),
                pl.BlockSpec((2, BN_ROWS, D), lambda i: (0, i, 0)),
                pl.BlockSpec((D, D), lambda i: (0, 0)),
                pl.BlockSpec((1, D), lambda i: (0, 0)),
                pl.BlockSpec((1, 1), lambda i: (0, 0), memory_space=pltpu.SMEM),
            ],
            out_specs=[
                pl.BlockSpec((BN_ROWS, D), lambda i: (i, 0)),
                pl.BlockSpec((2, 1, D), lambda i: (0, 0, 0)),
            ],
            out_shape=[
                jax.ShapeDtypeStruct((N, D), jnp.float32),
                jax.ShapeDtypeStruct((2, 1, D), jnp.float32),
            ],
        )(hprev, ab, agg, W, b.reshape(1, D), eps.reshape(1, 1))
    return call


def _bn_affine(stats, g, bt):
    m = stats[0, 0] / N
    var = stats[1, 0] / N - m * m
    a = g / jnp.sqrt(var + BN_EPS)
    return jnp.stack([a, bt - m * a])



def _pool_body(hpre, ab, bf32, out_ref):
    i = pl.program_id(0)
    h4 = _leaky2(hpre[...] * ab[0:1, :] + ab[1:2, :])
    b = bf32[0][0]
    oh = (b[:, None] ==
          lax.broadcasted_iota(jnp.int32, (BN_ROWS, G), 1).astype(jnp.float32)
          ).astype(jnp.float32)
    part = lax.dot_general(oh, h4, (((0,), (0,)), ((), ())))

    @pl.when(i == 0)
    def _():
        out_ref[...] = part

    @pl.when(i > 0)
    def _():
        out_ref[...] += part


def _pool(hpre3, ab3, bf32):
    return pl.pallas_call(
        _pool_body,
        grid=(NBLK,),
        in_specs=[
            pl.BlockSpec((BN_ROWS, D), lambda i: (i, 0)),
            pl.BlockSpec((2, D), lambda i: (0, 0)),
            pl.BlockSpec((1, 1, BN_ROWS), lambda i: (i, 0, 0)),
        ],
        out_specs=pl.BlockSpec((G, D), lambda i: (0, 0)),
        out_shape=jax.ShapeDtypeStruct((G, D), jnp.float32),
    )(hpre3, ab3, bf32)



def _head_body(h1, h2, h3, h4, Aall, Ball, bf32, hpool,
               Wc1, bc1, Wcls, bcls, Wf, bf, o_ref):
    b = bf32[0][0]
    oh = (b[:, None] ==
          lax.broadcasted_iota(jnp.int32, (BN_ROWS, G), 1).astype(jnp.float32)
          ).astype(jnp.float32)
    hp = oh @ hpool[...]
    hs = [h1[...], h2[...], h3[...], h4[...]]
    hs = [_leaky2(h * Aall[i:i + 1, :] + Ball[i:i + 1, :])
          for i, h in enumerate(hs)]
    z = jnp.concatenate(hs + [hp], axis=1)
    a = z @ Wc1[...] + bc1[...]
    a = _leaky(a @ Wcls[0] + bcls[0:1, :])
    a = _leaky(a @ Wcls[1] + bcls[1:2, :])
    o = jnp.sum(a * Wf[...], axis=1, keepdims=True) + bf[0, 0]
    o_ref[...] = jax.nn.sigmoid(o)


def _head(hpres, Aall, Ball, bf32, hpool, Wc1, bc1, Wcls, bcls, Wf, bf):
    row = lambda i: (i, 0)
    full = lambda i: (0, 0)
    return pl.pallas_call(
        _head_body,
        grid=(NBLK,),
        in_specs=[
            pl.BlockSpec((BN_ROWS, D), row),
            pl.BlockSpec((BN_ROWS, D), row),
            pl.BlockSpec((BN_ROWS, D), row),
            pl.BlockSpec((BN_ROWS, D), row),
            pl.BlockSpec((4, D), full),
            pl.BlockSpec((4, D), full),
            pl.BlockSpec((1, 1, BN_ROWS), lambda i: (i, 0, 0)),
            pl.BlockSpec((G, D), full),
            pl.BlockSpec((D * (L + 2), H), full),
            pl.BlockSpec((1, H), full),
            pl.BlockSpec((2, H, H), lambda i: (0, 0, 0)),
            pl.BlockSpec((2, H), full),
            pl.BlockSpec((1, H), full),
            pl.BlockSpec((1, 1), full, memory_space=pltpu.SMEM),
        ],
        out_specs=pl.BlockSpec((BN_ROWS, 1), row),
        out_shape=jax.ShapeDtypeStruct((N, 1), jnp.float32),
    )(hpres[0], hpres[1], hpres[2], hpres[3], Aall, Ball, bf32, hpool,
      Wc1, bc1.reshape(1, H), Wcls, bcls, Wf.reshape(1, H), bf.reshape(1, 1))



def kernel(x, edge_index, edge_attr, batch, We1, be1, W1, b1, g1, bt1, eps1,
           Wes, bes, Ws, bs, gs, bts, epss, Wc1, bc1, Wcls, bcls, Wf, bf):
    Wall = jnp.concatenate([We1[None], Wes], axis=0)
    ball = jnp.concatenate([be1[None], bes], axis=0)
    EP = _eproj(edge_attr, Wall, ball)

    sc0 = _make_sc_edge(0, False)
    dense0 = _make_dense(False)
    dense1 = _make_dense(True)

    ab_id = jnp.stack([jnp.ones((D,), jnp.float32), jnp.zeros((D,), jnp.float32)])
    ei_flat = edge_index.reshape(-1)
    agg = sc0(x, EP, ei_flat, ab_id)
    hpre, stats = dense0(x, ab_id, agg, W1, b1, eps1)
    ab = _bn_affine(stats, g1, bt1)

    hpres = [hpre]
    abs_ = [ab]
    for i in range(L):
        sc_i = _make_sc_edge(i + 1, True)
        agg = sc_i(hpre, EP, ei_flat, ab)
        hpre, stats = dense1(hpre, ab, agg, Ws[i], bs[i], epss[i])
        ab = _bn_affine(stats, gs[i], bts[i])
        hpres.append(hpre)
        abs_.append(ab)

    bf32 = batch.astype(jnp.float32).reshape(NBLK, 1, BN_ROWS)
    hpool = _pool(hpres[3], abs_[3], bf32)
    Aall = jnp.stack([a[0] for a in abs_])
    Ball = jnp.stack([a[1] for a in abs_])
    return _head(hpres, Aall, Ball, bf32, hpool, Wc1, bc1, Wcls, bcls, Wf, bf)

# --- scband reference (transcript-rebuilt; emitter-appended) ---
"""Pipeline reference for scband-gine-33578054320563 (READ-ONLY COPY).

The authoritative reference and input builder live on the scoring server;
editing this copy changes nothing except your own understanding.
"""

import jax, jax.numpy as jnp
import numpy as np

N = 10000
E = 320000
D = 128
ED = 16
G = 64
L = 3
H = 256
BN_EPS = 128.0  # torch.nn.BatchNorm1d(out_channels, out_channels) passes out_channels as eps


def setup_inputs(seed: int = 0):
    key = jax.random.key(seed)
    ks = jax.random.split(key, 16)
    s = 0.05
    inp = {}
    inp['x'] = jax.random.normal(ks[0], (N, D), jnp.float32)
    inp['edge_index'] = jax.random.randint(ks[1], (2, E), 0, N)
    inp['edge_attr'] = jax.random.normal(ks[2], (E, ED), jnp.float32)
    inp['batch'] = jnp.sort(jax.random.randint(ks[3], (N,), 0, G))
    inp['We1'] = jax.random.normal(ks[4], (ED, D), jnp.float32) * s
    inp['be1'] = jnp.zeros((D,), jnp.float32)
    inp['W1'] = jax.random.normal(ks[5], (D, D), jnp.float32) * s
    inp['b1'] = jnp.zeros((D,), jnp.float32)
    inp['g1'] = jnp.ones((D,), jnp.float32)
    inp['bt1'] = jnp.zeros((D,), jnp.float32)
    inp['eps1'] = jnp.zeros((), jnp.float32)
    inp['Wes'] = jax.random.normal(ks[6], (L, ED, D), jnp.float32) * s
    inp['bes'] = jnp.zeros((L, D), jnp.float32)
    inp['Ws'] = jax.random.normal(ks[7], (L, D, D), jnp.float32) * s
    inp['bs'] = jnp.zeros((L, D), jnp.float32)
    inp['gs'] = jnp.ones((L, D), jnp.float32)
    inp['bts'] = jnp.zeros((L, D), jnp.float32)
    inp['epss'] = jnp.zeros((L,), jnp.float32)
    inp['Wc1'] = jax.random.normal(ks[8], (D * (L + 2), H), jnp.float32) * s
    inp['bc1'] = jnp.zeros((H,), jnp.float32)
    inp['Wcls'] = jax.random.normal(ks[9], (2, H, H), jnp.float32) * s
    inp['bcls'] = jnp.zeros((2, H), jnp.float32)
    inp['Wf'] = jax.random.normal(ks[10], (H, 1), jnp.float32) * s
    inp['bf'] = jnp.zeros((1,), jnp.float32)
    return inp


def _leaky(v):
    return jnp.where(v >= 0, v, 0.01 * v)


def _bn(v, g, b):
    m = jnp.mean(v, axis=0)
    var = jnp.var(v, axis=0)
    return (v - m) / jnp.sqrt(var + BN_EPS) * g + b


def _gine(x, ea, src, dst, eps, We, be, W, b, g, bt):
    msg = jax.nn.relu(x[src] + ea @ We + be)
    agg = jax.ops.segment_sum(msg, dst, num_segments=N)
    h = (1.0 + eps) * x + agg
    h = h @ W + b
    h = _bn(h, g, bt)
    h = _leaky(h)  # LeakyReLU inside the GINEConv nn Sequential (dropout p=0)
    return h


def reference(x, edge_index, edge_attr, batch, We1, be1, W1, b1, g1, bt1, eps1,
              Wes, bes, Ws, bs, gs, bts, epss, Wc1, bc1, Wcls, bcls, Wf, bf):
    src = edge_index[0]
    dst = edge_index[1]
    hs = []
    h = _gine(x, edge_attr, src, dst, eps1, We1, be1, W1, b1, g1, bt1)
    h = _leaky(h)
    hs.append(h)
    for i in range(L):
        h = _gine(h, edge_attr, src, dst, epss[i], Wes[i], bes[i], Ws[i], bs[i], gs[i], bts[i])
        h = _leaky(h)
        hs.append(h)
    h_pool = jax.ops.segment_sum(h, batch, num_segments=G)
    h_pool_ = h_pool[batch]  # batch is sorted; equals repeat_interleave(h_pool, counts)
    h = jnp.concatenate(hs + [h_pool_], axis=1)
    h = h @ Wc1 + bc1
    for i in range(2):
        h = h @ Wcls[i] + bcls[i]
        h = _leaky(h)
    h = h @ Wf + bf
    return jax.nn.sigmoid(h)

if __name__ == "__main__":
    import jax
    _d = setup_inputs()
    print(jax.jit(kernel)(*tuple(_d.values())))

</pallas_src>

<mosaic_0001>
#map = affine_map<(d0, d1) -> (0, 0)>
#map1 = affine_map<(d0, d1) -> (0, 0, 0)>
#map2 = affine_map<(d0, d1) -> (0)>
module attributes {stable_mosaic.version = 14 : i64} {
  func.func @k(%arg0: i32, %arg1: i32, %arg2: memref<10000x128xf32, #tpu.memory_space<hbm>>, %arg3: memref<4x320000x128xf32, #tpu.memory_space<hbm>>, %arg4: memref<640000xi32, #tpu.memory_space<hbm>>, %arg5: memref<2x128xf32, #tpu.memory_space<hbm>>, %arg6: memref<2x10000x128xf32, #tpu.memory_space<hbm>>, %arg7: memref<10000x128xf32, #tpu.memory_space<vmem_shared>>, %arg8: memref<80x128xf32, #tpu.memory_space<vmem>>, %arg9: memref<80x128xf32, #tpu.memory_space<vmem>>, %arg10: memref<80xi32, #tpu.memory_space<vmem>>, %arg11: memref<80xi32, #tpu.memory_space<vmem>>, %arg12: memref<208x128xf32, #tpu.memory_space<vmem>>, %arg13: memref<2x128xf32, #tpu.memory_space<vmem>>, %arg14: memref<!tpu.dma_semaphore, #tpu.memory_space<semaphore_mem>>, %arg15: memref<!tpu.dma_semaphore, #tpu.memory_space<semaphore_mem>>, %arg16: memref<!tpu.dma_semaphore, #tpu.memory_space<semaphore_mem>>, %arg17: memref<!tpu.dma_semaphore, #tpu.memory_space<semaphore_mem>>) attributes {dimension_semantics = [#tpu.dimension_semantics<core_parallel>, #tpu.dimension_semantics<subcore_parallel>], iteration_bounds = array<i64: 2, 16>, scalar_prefetch = 0 : i64, scratch_operands = 11 : i64, tpu.core_type = #tpu.core_type<sc_vector_subcore>, window_params = [{transform_indices = #map}, {transform_indices = #map1}, {transform_indices = #map2}, {transform_indices = #map}, {transform_indices = #map1}]} {
    %mul3A = arith.constant 16 : i32
    %mul3A_0 = arith.muli %arg0, %mul3A : i32
    %add3A = arith.addi %mul3A_0, %arg1 : i32
    %scan3A = arith.constant 0 : i32
    %scan3A_1 = arith.constant 0 : i32
    %scan3A_2 = arith.constant 208 : i32
    %scan3A_3 = arith.addi %scan3A_1, %scan3A_2 : i32
    %scan3A_4 = arith.constant 1 : i32
    %scan3A_5 = scf.for %scan3A_117 = %scan3A_1 to %scan3A_3 step %scan3A_4 iter_args(%scan3A_118 = %scan3A) -> (i32)  : i32 {
      %broadcast_in_dim3A = arith.constant 0.000000e+00 : f32
      %broadcast_in_dim3A_119 = vector.broadcast %broadcast_in_dim3A : f32 to vector<16xf32>
      %swap3A = arith.index_cast %scan3A_117 : i32 to index
      %swap3A_120 = arith.constant 0 : index
      %swap3A_121 = tpu.vector_load %arg12[%swap3A, %swap3A_120] {strides = array<i32>} : memref<208x128xf32, #tpu.memory_space<vmem>>, vector<1x16xf32>,
      %swap3A_122 = vector.shape_cast %swap3A_121 : vector<1x16xf32> to vector<16xf32>
      %swap3A_123 = vector.shape_cast %broadcast_in_dim3A_119 : vector<16xf32> to vector<1x16xf32>
      tpu.vector_store %arg12[%swap3A, %swap3A_120], %swap3A_123 {strides = array<i32>} : memref<208x128xf32, #tpu.memory_space<vmem>>, vector<1x16xf32>,
      %broadcast_in_dim3A_124 = arith.constant 0.000000e+00 : f32
      %broadcast_in_dim3A_125 = vector.broadcast %broadcast_in_dim3A_124 : f32 to vector<16xf32>
      %swap3A_126 = arith.index_cast %scan3A_117 : i32 to index
      %swap3A_127 = arith.constant 16 : index
      %swap3A_128 = tpu.vector_load %arg12[%swap3A_126, %swap3A_127] {strides = array<i32>} : memref<208x128xf32, #tpu.memory_space<vmem>>, vector<1x16xf32>,
      %swap3A_129 = vector.shape_cast %swap3A_128 : vector<1x16xf32> to vector<16xf32>
      %swap3A_130 = vector.shape_cast %broadcast_in_dim3A_125 : vector<16xf32> to vector<1x16xf32>
      tpu.vector_store %arg12[%swap3A_126, %swap3A_127], %swap3A_130 {strides = array<i32>} : memref<208x128xf32, #tpu.memory_space<vmem>>, vector<1x16xf32>,
      %broadcast_in_dim3A_131 = arith.constant 0.000000e+00 : f32
      %broadcast_in_dim3A_132 = vector.broadcast %broadcast_in_dim3A_131 : f32 to vector<16xf32>
      %swap3A_133 = arith.index_cast %scan3A_117 : i32 to index
      %swap3A_134 = arith.constant 32 : index
      %swap3A_135 = tpu.vector_load %arg12[%swap3A_133, %swap3A_134] {strides = array<i32>} : memref<208x128xf32, #tpu.memory_space<vmem>>, vector<1x16xf32>,
      %swap3A_136 = vector.shape_cast %swap3A_135 : vector<1x16xf32> to vector<16xf32>
      %swap3A_137 = vector.shape_cast %broadcast_in_dim3A_132 : vector<16xf32> to vector<1x16xf32>
      tpu.vector_store %arg12[%swap3A_133, %swap3A_134], %swap3A_137 {strides = array<i32>} : memref<208x128xf32, #tpu.memory_space<vmem>>, vector<1x16xf32>,
      %broadcast_in_dim3A_138 = arith.constant 0.000000e+00 : f32
      %broadcast_in_dim3A_139 = vector.broadcast %broadcast_in_dim3A_138 : f32 to vector<16xf32>
      %swap3A_140 = arith.index_cast %scan3A_117 : i32 to index
      %swap3A_141 = arith.constant 48 : index
      %swap3A_142 = tpu.vector_load %arg12[%swap3A_140, %swap3A_141] {strides = array<i32>} : memref<208x128xf32, #tpu.memory_space<vmem>>, vector<1x16xf32>,
      %swap3A_143 = vector.shape_cast %swap3A_142 : vector<1x16xf32> to vector<16xf32>
      %swap3A_144 = vector.shape_cast %broadcast_in_dim3A_139 : vector<16xf32> to vector<1x16xf32>
      tpu.vector_store %arg12[%swap3A_140, %swap3A_141], %swap3A_144 {strides = array<i32>} : memref<208x128xf32, #tpu.memory_space<vmem>>, vector<1x16xf32>,
      %broadcast_in_dim3A_145 = arith.constant 0.000000e+00 : f32
      %broadcast_in_dim3A_146 = vector.broadcast %broadcast_in_dim3A_145 : f32 to vector<16xf32>
      %swap3A_147 = arith.index_cast %scan3A_117 : i32 to index
      %swap3A_148 = arith.constant 64 : index
      %swap3A_149 = tpu.vector_load %arg12[%swap3A_147, %swap3A_148] {strides = array<i32>} : memref<208x128xf32, #tpu.memory_space<vmem>>, vector<1x16xf32>,
      %swap3A_150 = vector.shape_cast %swap3A_149 : vector<1x16xf32> to vector<16xf32>
      %swap3A_151 = vector.shape_cast %broadcast_in_dim3A_146 : vector<16xf32> to vector<1x16xf32>
      tpu.vector_store %arg12[%swap3A_147, %swap3A_148], %swap3A_151 {strides = array<i32>} : memref<208x128xf32, #tpu.memory_space<vmem>>, vector<1x16xf32>,
      %broadcast_in_dim3A_152 = arith.constant 0.000000e+00 : f32
      %broadcast_in_dim3A_153 = vector.broadcast %broadcast_in_dim3A_152 : f32 to vector<16xf32>
      %swap3A_154 = arith.index_cast %scan3A_117 : i32 to index
      %swap3A_155 = arith.constant 80 : index
      %swap3A_156 = tpu.vector_load %arg12[%swap3A_154, %swap3A_155] {strides = array<i32>} : memref<208x128xf32, #tpu.memory_space<vmem>>, vector<1x16xf32>,
      %swap3A_157 = vector.shape_cast %swap3A_156 : vector<1x16xf32> to vector<16xf32>
      %swap3A_158 = vector.shape_cast %broadcast_in_dim3A_153 : vector<16xf32> to vector<1x16xf32>
      tpu.vector_store %arg12[%swap3A_154, %swap3A_155], %swap3A_158 {strides = array<i32>} : memref<208x128xf32, #tpu.memory_space<vmem>>, vector<1x16xf32>,
      %broadcast_in_dim3A_159 = arith.constant 0.000000e+00 : f32
      %broadcast_in_dim3A_160 = vector.broadcast %broadcast_in_dim3A_159 : f32 to vector<16xf32>
      %swap3A_161 = arith.index_cast %scan3A_117 : i32 to index
      %swap3A_162 = arith.constant 96 : index
      %swap3A_163 = tpu.vector_load %arg12[%swap3A_161, %swap3A_162] {strides = array<i32>} : memref<208x128xf32, #tpu.memory_space<vmem>>, vector<1x16xf32>,
      %swap3A_164 = vector.shape_cast %swap3A_163 : vector<1x16xf32> to vector<16xf32>
      %swap3A_165 = vector.shape_cast %broadcast_in_dim3A_160 : vector<16xf32> to vector<1x16xf32>
      tpu.vector_store %arg12[%swap3A_161, %swap3A_162], %swap3A_165 {strides = array<i32>} : memref<208x128xf32, #tpu.memory_space<vmem>>, vector<1x16xf32>,
      %broadcast_in_dim3A_166 = arith.constant 0.000000e+00 : f32
      %broadcast_in_dim3A_167 = vector.broadcast %broadcast_in_dim3A_166 : f32 to vector<16xf32>
      %swap3A_168 = arith.index_cast %scan3A_117 : i32 to index
      %swap3A_169 = arith.constant 112 : index
      %swap3A_170 = tpu.vector_load %arg12[%swap3A_168, %swap3A_169] {strides = array<i32>} : memref<208x128xf32, #tpu.memory_space<vmem>>, vector<1x16xf32>,
      %swap3A_171 = vector.shape_cast %swap3A_170 : vector<1x16xf32> to vector<16xf32>
      %swap3A_172 = vector.shape_cast %broadcast_in_dim3A_167 : vector<16xf32> to vector<1x16xf32>
      tpu.vector_store %arg12[%swap3A_168, %swap3A_169], %swap3A_172 {strides = array<i32>} : memref<208x128xf32, #tpu.memory_space<vmem>>, vector<1x16xf32>,
      %scan3A_173 = arith.constant 0 : i32
      scf.yield %scan3A_173 : i32
    }
    %scan3A_6 = arith.constant 208 : i32
    %mul3A_7 = arith.constant 624 : i32
    %mul3A_8 = arith.muli %arg1, %mul3A_7 : i32
    %add3A_9 = arith.constant 0 : i32
    %add3A_10 = arith.addi %mul3A_8, %add3A_9 : i32
    "tpu.region"() ({
      %run_scoped3A = tpu.sem_alloc : memref<!tpu.dma_semaphore, #tpu.memory_space<semaphore_mem>>
      %dma_start3A = arith.constant 0 : i32
      %dma_start3A_117 = tpu.memref_slice %arg7[%add3A_10, %dma_start3A] : memref<10000x128xf32, #tpu.memory_space<vmem_shared>> -> memref<208x128xf32, #tpu.memory_space<vmem_shared>>
      %dma_start3A_118 = arith.constant 0 : i32
      %dma_start3A_119 = tpu.memref_slice %arg7[%add3A_10, %dma_start3A_118] : memref<10000x128xf32, #tpu.memory_space<vmem_shared>> -> memref<208x128xf32, #tpu.memory_space<vmem_shared>>
      tpu.enqueue_dma source(%arg12 : memref<208x128xf32, #tpu.memory_space<vmem>>) target(%dma_start3A_119 : memref<208x128xf32, #tpu.memory_space<vmem_shared>>) target_semaphore(%run_scoped3A : memref<!tpu.dma_semaphore, #tpu.memory_space<semaphore_mem>>)
      %dma_wait3A = arith.constant 0 : i32
      %dma_wait3A_120 = tpu.memref_slice %arg7[%add3A_10, %dma_wait3A] : memref<10000x128xf32, #tpu.memory_space<vmem_shared>> -> memref<208x128xf32, #tpu.memory_space<vmem_shared>>
      %dma_wait3A_121 = arith.constant 0 : i32
      %dma_wait3A_122 = tpu.memref_slice %arg7[%add3A_10, %dma_wait3A_121] : memref<10000x128xf32, #tpu.memory_space<vmem_shared>> -> memref<208x128xf32, #tpu.memory_space<vmem_shared>>
      tpu.wait_dma2 semaphore(%run_scoped3A : memref<!tpu.dma_semaphore, #tpu.memory_space<semaphore_mem>>) src(%arg12 : memref<208x128xf32, #tpu.memory_space<vmem>>) dst(%dma_wait3A_122 : memref<208x128xf32, #tpu.memory_space<vmem_shared>>)
      tpu.yield
    }) : () -> ()
    %mul3A_11 = arith.constant 624 : i32
    %mul3A_12 = arith.muli %arg1, %mul3A_11 : i32
    %add3A_13 = arith.constant 208 : i32
    %add3A_14 = arith.addi %mul3A_12, %add3A_13 : i32
    "tpu.region"() ({
      %run_scoped3A = tpu.sem_alloc : memref<!tpu.dma_semaphore, #tpu.memory_space<semaphore_mem>>
      %dma_start3A = arith.constant 0 : i32
      %dma_start3A_117 = tpu.memref_slice %arg7[%add3A_14, %dma_start3A] : memref<10000x128xf32, #tpu.memory_space<vmem_shared>> -> memref<208x128xf32, #tpu.memory_space<vmem_shared>>
      %dma_start3A_118 = arith.constant 0 : i32
      %dma_start3A_119 = tpu.memref_slice %arg7[%add3A_14, %dma_start3A_118] : memref<10000x128xf32, #tpu.memory_space<vmem_shared>> -> memref<208x128xf32, #tpu.memory_space<vmem_shared>>
      tpu.enqueue_dma source(%arg12 : memref<208x128xf32, #tpu.memory_space<vmem>>) target(%dma_start3A_119 : memref<208x128xf32, #tpu.memory_space<vmem_shared>>) target_semaphore(%run_scoped3A : memref<!tpu.dma_semaphore, #tpu.memory_space<semaphore_mem>>)
      %dma_wait3A = arith.constant 0 : i32
      %dma_wait3A_120 = tpu.memref_slice %arg7[%add3A_14, %dma_wait3A] : memref<10000x128xf32, #tpu.memory_space<vmem_shared>> -> memref<208x128xf32, #tpu.memory_space<vmem_shared>>
      %dma_wait3A_121 = arith.constant 0 : i32
      %dma_wait3A_122 = tpu.memref_slice %arg7[%add3A_14, %dma_wait3A_121] : memref<10000x128xf32, #tpu.memory_space<vmem_shared>> -> memref<208x128xf32, #tpu.memory_space<vmem_shared>>
      tpu.wait_dma2 semaphore(%run_scoped3A : memref<!tpu.dma_semaphore, #tpu.memory_space<semaphore_mem>>) src(%arg12 : memref<208x128xf32, #tpu.memory_space<vmem>>) dst(%dma_wait3A_122 : memref<208x128xf32, #tpu.memory_space<vmem_shared>>)
      tpu.yield
    }) : () -> ()
    %mul3A_15 = arith.constant 624 : i32
    %mul3A_16 = arith.muli %arg1, %mul3A_15 : i32
    %add3A_17 = arith.constant 416 : i32
    %add3A_18 = arith.addi %mul3A_16, %add3A_17 : i32
    "tpu.region"() ({
      %run_scoped3A = tpu.sem_alloc : memref<!tpu.dma_semaphore, #tpu.memory_space<semaphore_mem>>
      %dma_start3A = arith.constant 0 : i32
      %dma_start3A_117 = tpu.memref_slice %arg7[%add3A_18, %dma_start3A] : memref<10000x128xf32, #tpu.memory_space<vmem_shared>> -> memref<208x128xf32, #tpu.memory_space<vmem_shared>>
      %dma_start3A_118 = arith.constant 0 : i32
      %dma_start3A_119 = tpu.memref_slice %arg7[%add3A_18, %dma_start3A_118] : memref<10000x128xf32, #tpu.memory_space<vmem_shared>> -> memref<208x128xf32, #tpu.memory_space<vmem_shared>>
      tpu.enqueue_dma source(%arg12 : memref<208x128xf32, #tpu.memory_space<vmem>>) target(%dma_start3A_119 : memref<208x128xf32, #tpu.memory_space<vmem_shared>>) target_semaphore(%run_scoped3A : memref<!tpu.dma_semaphore, #tpu.memory_space<semaphore_mem>>)
      %dma_wait3A = arith.constant 0 : i32
      %dma_wait3A_120 = tpu.memref_slice %arg7[%add3A_18, %dma_wait3A] : memref<10000x128xf32, #tpu.memory_space<vmem_shared>> -> memref<208x128xf32, #tpu.memory_space<vmem_shared>>
      %dma_wait3A_121 = arith.constant 0 : i32
      %dma_wait3A_122 = tpu.memref_slice %arg7[%add3A_18, %dma_wait3A_121] : memref<10000x128xf32, #tpu.memory_space<vmem_shared>> -> memref<208x128xf32, #tpu.memory_space<vmem_shared>>
      tpu.wait_dma2 semaphore(%run_scoped3A : memref<!tpu.dma_semaphore, #tpu.memory_space<semaphore_mem>>) src(%arg12 : memref<208x128xf32, #tpu.memory_space<vmem>>) dst(%dma_wait3A_122 : memref<208x128xf32, #tpu.memory_space<vmem_shared>>)
      tpu.yield
    }) : () -> ()
    %eq3A = arith.constant 15 : i32
    %eq3A_19 = arith.cmpi eq, %arg1, %eq3A : i32
    %convert_element_type3A = arith.extui %eq3A_19 : i1 to i32
    %cond3A = arith.constant 0 : i32
    %cond3A_20 = arith.cmpi ne, %convert_element_type3A, %cond3A : i32
    scf.if %cond3A_20 {
      "tpu.region"() ({
        %run_scoped3A = tpu.sem_alloc : memref<!tpu.dma_semaphore, #tpu.memory_space<semaphore_mem>>
        %dma_start3A = arith.constant 0 : i32
        %dma_start3A_117 = arith.constant 0 : i32
        %dma_start3A_118 = tpu.memref_slice %arg12[%dma_start3A, %dma_start3A_117] : memref<208x128xf32, #tpu.memory_space<vmem>> -> memref<16x128xf32, #tpu.memory_space<vmem>>
        %dma_start3A_119 = arith.constant 9984 : i32
        %dma_start3A_120 = arith.constant 0 : i32
        %dma_start3A_121 = tpu.memref_slice %arg7[%dma_start3A_119, %dma_start3A_120] : memref<10000x128xf32, #tpu.memory_space<vmem_shared>> -> memref<16x128xf32, #tpu.memory_space<vmem_shared>>
        %dma_start3A_122 = arith.constant 9984 : i32
        %dma_start3A_123 = arith.constant 0 : i32
        %dma_start3A_124 = tpu.memref_slice %arg7[%dma_start3A_122, %dma_start3A_123] : memref<10000x128xf32, #tpu.memory_space<vmem_shared>> -> memref<16x128xf32, #tpu.memory_space<vmem_shared>>
        %dma_start3A_125 = arith.constant 0 : i32
        %dma_start3A_126 = arith.constant 0 : i32
        %dma_start3A_127 = tpu.memref_slice %arg12[%dma_start3A_125, %dma_start3A_126] : memref<208x128xf32, #tpu.memory_space<vmem>> -> memref<16x128xf32, #tpu.memory_space<vmem>>
        tpu.enqueue_dma source(%dma_start3A_127 : memref<16x128xf32, #tpu.memory_space<vmem>>) target(%dma_start3A_124 : memref<16x128xf32, #tpu.memory_space<vmem_shared>>) target_semaphore(%run_scoped3A : memref<!tpu.dma_semaphore, #tpu.memory_space<semaphore_mem>>)
        %dma_wait3A = arith.constant 0 : i32
        %dma_wait3A_128 = arith.constant 0 : i32
        %dma_wait3A_129 = tpu.memref_slice %arg12[%dma_wait3A, %dma_wait3A_128] : memref<208x128xf32, #tpu.memory_space<vmem>> -> memref<16x128xf32, #tpu.memory_space<vmem>>
        %dma_wait3A_130 = arith.constant 9984 : i32
        %dma_wait3A_131 = arith.constant 0 : i32
        %dma_wait3A_132 = tpu.memref_slice %arg7[%dma_wait3A_130, %dma_wait3A_131] : memref<10000x128xf32, #tpu.memory_space<vmem_shared>> -> memref<16x128xf32, #tpu.memory_space<vmem_shared>>
        %dma_wait3A_133 = arith.constant 9984 : i32
        %dma_wait3A_134 = arith.constant 0 : i32
        %dma_wait3A_135 = tpu.memref_slice %arg7[%dma_wait3A_133, %dma_wait3A_134] : memref<10000x128xf32, #tpu.memory_space<vmem_shared>> -> memref<16x128xf32, #tpu.memory_space<vmem_shared>>
        %dma_wait3A_136 = arith.constant 0 : i32
        %dma_wait3A_137 = arith.constant 0 : i32
        %dma_wait3A_138 = tpu.memref_slice %arg12[%dma_wait3A_136, %dma_wait3A_137] : memref<208x128xf32, #tpu.memory_space<vmem>> -> memref<16x128xf32, #tpu.memory_space<vmem>>
        tpu.wait_dma2 semaphore(%run_scoped3A : memref<!tpu.dma_semaphore, #tpu.memory_space<semaphore_mem>>) src(%dma_wait3A_138 : memref<16x128xf32, #tpu.memory_space<vmem>>) dst(%dma_wait3A_135 : memref<16x128xf32, #tpu.memory_space<vmem_shared>>)
        tpu.yield
      }) : () -> ()
    } else {
    }
    "tpu.region"() ({
      %run_scoped3A = tpu.sem_alloc : memref<!tpu.dma_semaphore, #tpu.memory_space<semaphore_mem>>
      tpu.enqueue_dma source(%arg5 : memref<2x128xf32, #tpu.memory_space<hbm>>) target(%arg13 : memref<2x128xf32, #tpu.memory_space<vmem>>) target_semaphore(%run_scoped3A : memref<!tpu.dma_semaphore, #tpu.memory_space<semaphore_mem>>)
      tpu.wait_dma2 semaphore(%run_scoped3A : memref<!tpu.dma_semaphore, #tpu.memory_space<semaphore_mem>>) src(%arg5 : memref<2x128xf32, #tpu.memory_space<hbm>>) dst(%arg13 : memref<2x128xf32, #tpu.memory_space<vmem>>)
      tpu.yield
    }) : () -> ()
    %barrier3A = arith.constant 0 : index
    tpu.barrier barrier_id(%barrier3A)
    %get3A = arith.constant 0 : i32
    %get3A_21 = arith.index_cast %get3A : i32 to index
    %get3A_22 = arith.constant 0 : index
    %get3A_23 = tpu.vector_load %arg13[%get3A_21, %get3A_22] {strides = array<i32>} : memref<2x128xf32, #tpu.memory_space<vmem>>, vector<1x16xf32>,
    %get3A_24 = vector.shape_cast %get3A_23 : vector<1x16xf32> to vector<16xf32>
    %get3A_25 = arith.constant 0 : i32
    %get3A_26 = arith.index_cast %get3A_25 : i32 to index
    %get3A_27 = arith.constant 16 : index
    %get3A_28 = tpu.vector_load %arg13[%get3A_26, %get3A_27] {strides = array<i32>} : memref<2x128xf32, #tpu.memory_space<vmem>>, vector<1x16xf32>,
    %get3A_29 = vector.shape_cast %get3A_28 : vector<1x16xf32> to vector<16xf32>
    %get3A_30 = arith.constant 0 : i32
    %get3A_31 = arith.index_cast %get3A_30 : i32 to index
    %get3A_32 = arith.constant 32 : index
    %get3A_33 = tpu.vector_load %arg13[%get3A_31, %get3A_32] {strides = array<i32>} : memref<2x128xf32, #tpu.memory_space<vmem>>, vector<1x16xf32>,
    %get3A_34 = vector.shape_cast %get3A_33 : vector<1x16xf32> to vector<16xf32>
    %get3A_35 = arith.constant 0 : i32
    %get3A_36 = arith.index_cast %get3A_35 : i32 to index
    %get3A_37 = arith.constant 48 : index
    %get3A_38 = tpu.vector_load %arg13[%get3A_36, %get3A_37] {strides = array<i32>} : memref<2x128xf32, #tpu.memory_space<vmem>>, vector<1x16xf32>,
    %get3A_39 = vector.shape_cast %get3A_38 : vector<1x16xf32> to vector<16xf32>
    %get3A_40 = arith.constant 0 : i32
    %get3A_41 = arith.index_cast %get3A_40 : i32 to index
    %get3A_42 = arith.constant 64 : index
    %get3A_43 = tpu.vector_load %arg13[%get3A_41, %get3A_42] {strides = array<i32>} : memref<2x128xf32, #tpu.memory_space<vmem>>, vector<1x16xf32>,
    %get3A_44 = vector.shape_cast %get3A_43 : vector<1x16xf32> to vector<16xf32>
    %get3A_45 = arith.constant 0 : i32
    %get3A_46 = arith.index_cast %get3A_45 : i32 to index
    %get3A_47 = arith.constant 80 : index
    %get3A_48 = tpu.vector_load %arg13[%get3A_46, %get3A_47] {strides = array<i32>} : memref<2x128xf32, #tpu.memory_space<vmem>>, vector<1x16xf32>,
    %get3A_49 = vector.shape_cast %get3A_48 : vector<1x16xf32> to vector<16xf32>
    %get3A_50 = arith.constant 0 : i32
    %get3A_51 = arith.index_cast %get3A_50 : i32 to index
    %get3A_52 = arith.constant 96 : index
    %get3A_53 = tpu.vector_load %arg13[%get3A_51, %get3A_52] {strides = array<i32>} : memref<2x128xf32, #tpu.memory_space<vmem>>, vector<1x16xf32>,
    %get3A_54 = vector.shape_cast %get3A_53 : vector<1x16xf32> to vector<16xf32>
    %get3A_55 = arith.constant 0 : i32
    %get3A_56 = arith.index_cast %get3A_55 : i32 to index
    %get3A_57 = arith.constant 112 : index
    %get3A_58 = tpu.vector_load %arg13[%get3A_56, %get3A_57] {strides = array<i32>} : memref<2x128xf32, #tpu.memory_space<vmem>>, vector<1x16xf32>,
    %get3A_59 = vector.shape_cast %get3A_58 : vector<1x16xf32> to vector<16xf32>
    %get3A_60 = arith.constant 1 : i32
    %get3A_61 = arith.index_cast %get3A_60 : i32 to index
    %get3A_62 = arith.constant 0 : index
    %get3A_63 = tpu.vector_load %arg13[%get3A_61, %get3A_62] {strides = array<i32>} : memref<2x128xf32, #tpu.memory_space<vmem>>, vector<1x16xf32>,
    %get3A_64 = vector.shape_cast %get3A_63 : vector<1x16xf32> to vector<16xf32>
    %get3A_65 = arith.constant 1 : i32
    %get3A_66 = arith.index_cast %get3A_65 : i32 to index
    %get3A_67 = arith.constant 16 : index
    %get3A_68 = tpu.vector_load %arg13[%get3A_66, %get3A_67] {strides = array<i32>} : memref<2x128xf32, #tpu.memory_space<vmem>>, vector<1x16xf32>,
    %get3A_69 = vector.shape_cast %get3A_68 : vector<1x16xf32> to vector<16xf32>
    %get3A_70 = arith.constant 1 : i32
    %get3A_71 = arith.index_cast %get3A_70 : i32 to index
    %get3A_72 = arith.constant 32 : index
    %get3A_73 = tpu.vector_load %arg13[%get3A_71, %get3A_72] {strides = array<i32>} : memref<2x128xf32, #tpu.memory_space<vmem>>, vector<1x16xf32>,
    %get3A_74 = vector.shape_cast %get3A_73 : vector<1x16xf32> to vector<16xf32>
    %get3A_75 = arith.constant 1 : i32
    %get3A_76 = arith.index_cast %get3A_75 : i32 to index
    %get3A_77 = arith.constant 48 : index
    %get3A_78 = tpu.vector_load %arg13[%get3A_76, %get3A_77] {strides = array<i32>} : memref<2x128xf32, #tpu.memory_space<vmem>>, vector<1x16xf32>,
    %get3A_79 = vector.shape_cast %get3A_78 : vector<1x16xf32> to vector<16xf32>
    %get3A_80 = arith.constant 1 : i32
    %get3A_81 = arith.index_cast %get3A_80 : i32 to index
    %get3A_82 = arith.constant 64 : index
    %get3A_83 = tpu.vector_load %arg13[%get3A_81, %get3A_82] {strides = array<i32>} : memref<2x128xf32, #tpu.memory_space<vmem>>, vector<1x16xf32>,
    %get3A_84 = vector.shape_cast %get3A_83 : vector<1x16xf32> to vector<16xf32>
    %get3A_85 = arith.constant 1 : i32
    %get3A_86 = arith.index_cast %get3A_85 : i32 to index
    %get3A_87 = arith.constant 80 : index
    %get3A_88 = tpu.vector_load %arg13[%get3A_86, %get3A_87] {strides = array<i32>} : memref<2x128xf32, #tpu.memory_space<vmem>>, vector<1x16xf32>,
    %get3A_89 = vector.shape_cast %get3A_88 : vector<1x16xf32> to vector<16xf32>
    %get3A_90 = arith.constant 1 : i32
    %get3A_91 = arith.index_cast %get3A_90 : i32 to index
    %get3A_92 = arith.constant 96 : index
    %get3A_93 = tpu.vector_load %arg13[%get3A_91, %get3A_92] {strides = array<i32>} : memref<2x128xf32, #tpu.memory_space<vmem>>, vector<1x16xf32>,
    %get3A_94 = vector.shape_cast %get3A_93 : vector<1x16xf32> to vector<16xf32>
    %get3A_95 = arith.constant 1 : i32
    %get3A_96 = arith.index_cast %get3A_95 : i32 to index
    %get3A_97 = arith.constant 112 : index
    %get3A_98 = tpu.vector_load %arg13[%get3A_96, %get3A_97] {strides = array<i32>} : memref<2x128xf32, #tpu.memory_space<vmem>>, vector<1x16xf32>,
    %get3A_99 = vector.shape_cast %get3A_98 : vector<1x16xf32> to vector<16xf32>
    %scan3A_100 = arith.constant 0 : i32
    %scan3A_101 = arith.constant 0 : i32
    %scan3A_102 = arith.constant 125 : i32
    %scan3A_103 = arith.addi %scan3A_101, %scan3A_102 : i32
    %scan3A_104 = arith.constant 1 : i32
    %scan3A_105 = scf.for %scan3A_117 = %scan3A_101 to %scan3A_103 step %scan3A_104 iter_args(%scan3A_118 = %scan3A_100) -> (i32)  : i32 {
      %mul3A_119 = arith.constant 10000 : i32
      %mul3A_120 = arith.muli %add3A, %mul3A_119 : i32
      %mul3A_121 = arith.constant 80 : i32
      %mul3A_122 = arith.muli %scan3A_117, %mul3A_121 : i32
      %add3A_123 = arith.addi %mul3A_120, %mul3A_122 : i32
      %dma_start3A = tpu.memref_slice %arg4[%add3A_123] : memref<640000xi32, #tpu.memory_space<hbm>> -> memref<80xi32, #tpu.memory_space<hbm>>
      %dma_start3A_124 = tpu.memref_slice %arg4[%add3A_123] : memref<640000xi32, #tpu.memory_space<hbm>> -> memref<80xi32, #tpu.memory_space<hbm>>
      tpu.enqueue_dma source(%dma_start3A_124 : memref<80xi32, #tpu.memory_space<hbm>>) target(%arg10 : memref<80xi32, #tpu.memory_space<vmem>>) target_semaphore(%arg14 : memref<!tpu.dma_semaphore, #tpu.memory_space<semaphore_mem>>)
      %dma_start3A_125 = arith.constant 3 : i32
      %dma_start3A_126 = arith.constant 0 : i32
      %dma_start3A_127 = tpu.memref_slice %arg3[%dma_start3A_125, %add3A_123, %dma_start3A_126] : memref<4x320000x128xf32, #tpu.memory_space<hbm>> -> memref<1x80x128xf32, #tpu.memory_space<hbm>>
      %dma_start3A_128 = tpu.memref_squeeze %dma_start3A_127 : memref<1x80x128xf32, #tpu.memory_space<hbm>> -> memref<80x128xf32, #tpu.memory_space<hbm>>
      %dma_start3A_129 = arith.constant 0 : i32
      %dma_start3A_130 = tpu.memref_slice %arg3[%dma_start3A_125, %add3A_123, %dma_start3A_129] : memref<4x320000x128xf32, #tpu.memory_space<hbm>> -> memref<1x80x128xf32, #tpu.memory_space<hbm>>
      %dma_start3A_131 = tpu.memref_squeeze %dma_start3A_130 : memref<1x80x128xf32, #tpu.memory_space<hbm>> -> memref<80x128xf32, #tpu.memory_space<hbm>>
      tpu.enqueue_dma source(%dma_start3A_131 : memref<80x128xf32, #tpu.memory_space<hbm>>) target(%arg8 : memref<80x128xf32, #tpu.memory_space<vmem>>) target_semaphore(%arg15 : memref<!tpu.dma_semaphore, #tpu.memory_space<semaphore_mem>>)
      %add3A_132 = arith.constant 320000 : i32
      %add3A_133 = arith.addi %add3A_132, %add3A_123 : i32
      %dma_start3A_134 = tpu.memref_slice %arg4[%add3A_133] : memref<640000xi32, #tpu.memory_space<hbm>> -> memref<80xi32, #tpu.memory_space<hbm>>
      %dma_start3A_135 = tpu.memref_slice %arg4[%add3A_133] : memref<640000xi32, #tpu.memory_space<hbm>> -> memref<80xi32, #tpu.memory_space<hbm>>
      tpu.enqueue_dma source(%dma_start3A_135 : memref<80xi32, #tpu.memory_space<hbm>>) target(%arg11 : memref<80xi32, #tpu.memory_space<vmem>>) target_semaphore(%arg16 : memref<!tpu.dma_semaphore, #tpu.memory_space<semaphore_mem>>)
      %dma_wait3A = tpu.memref_slice %arg4[%add3A_123] : memref<640000xi32, #tpu.memory_space<hbm>> -> memref<80xi32, #tpu.memory_space<hbm>>
      %dma_wait3A_136 = tpu.memref_slice %arg4[%add3A_123] : memref<640000xi32, #tpu.memory_space<hbm>> -> memref<80xi32, #tpu.memory_space<hbm>>
      tpu.wait_dma2 semaphore(%arg14 : memref<!tpu.dma_semaphore, #tpu.memory_space<semaphore_mem>>) src(%dma_wait3A_136 : memref<80xi32, #tpu.memory_space<hbm>>) dst(%arg10 : memref<80xi32, #tpu.memory_space<vmem>>)
      %dma_start3A_137 = arith.constant 0 : i32
      %dma_start3A_138 = arith.constant 0 : i32
      %dma_start3A_139 = tpu.memref_slice %arg2[%dma_start3A_137, %dma_start3A_138] : memref<10000x128xf32, #tpu.memory_space<hbm>> -> memref<10000x128xf32, #tpu.memory_space<hbm>>
      tpu.enqueue_indirect_dma source(%dma_start3A_139 : memref<10000x128xf32, #tpu.memory_space<hbm>>) target(%arg9 : memref<80x128xf32, #tpu.memory_space<vmem>>) offsets(%arg10 : memref<80xi32, #tpu.memory_space<vmem>>) semaphore(%arg17 : memref<!tpu.dma_semaphore, #tpu.memory_space<semaphore_mem>>)
      %dma_wait3A_140 = arith.constant 3 : i32
      %dma_wait3A_141 = arith.constant 0 : i32
      %dma_wait3A_142 = tpu.memref_slice %arg3[%dma_wait3A_140, %add3A_123, %dma_wait3A_141] : memref<4x320000x128xf32, #tpu.memory_space<hbm>> -> memref<1x80x128xf32, #tpu.memory_space<hbm>>
      %dma_wait3A_143 = tpu.memref_squeeze %dma_wait3A_142 : memref<1x80x128xf32, #tpu.memory_space<hbm>> -> memref<80x128xf32, #tpu.memory_space<hbm>>
      %dma_wait3A_144 = arith.constant 0 : i32
      %dma_wait3A_145 = tpu.memref_slice %arg3[%dma_wait3A_140, %add3A_123, %dma_wait3A_144] : memref<4x320000x128xf32, #tpu.memory_space<hbm>> -> memref<1x80x128xf32, #tpu.memory_space<hbm>>
      %dma_wait3A_146 = tpu.memref_squeeze %dma_wait3A_145 : memref<1x80x128xf32, #tpu.memory_space<hbm>> -> memref<80x128xf32, #tpu.memory_space<hbm>>
      tpu.wait_dma2 semaphore(%arg15 : memref<!tpu.dma_semaphore, #tpu.memory_space<semaphore_mem>>) src(%dma_wait3A_146 : memref<80x128xf32, #tpu.memory_space<hbm>>) dst(%arg8 : memref<80x128xf32, #tpu.memory_space<vmem>>)
      %dma_wait3A_147 = arith.constant 0 : i32
      %dma_wait3A_148 = arith.constant 0 : i32
      %dma_wait3A_149 = tpu.memref_slice %arg2[%dma_wait3A_147, %dma_wait3A_148] : memref<10000x128xf32, #tpu.memory_space<hbm>> -> memref<10000x128xf32, #tpu.memory_space<hbm>>
      tpu.wait_indirect_dma semaphore(%arg17 : memref<!tpu.dma_semaphore, #tpu.memory_space<semaphore_mem>>) src(%dma_wait3A_149 : memref<10000x128xf32, #tpu.memory_space<hbm>>) dst(%arg9 : memref<80x128xf32, #tpu.memory_space<vmem>>)
      %scan3A_150 = arith.constant 0 : i32
      %scan3A_151 = arith.constant 0 : i32
      %scan3A_152 = arith.constant 80 : i32
      %scan3A_153 = arith.addi %scan3A_151, %scan3A_152 : i32
      %scan3A_154 = arith.constant 1 : i32
      %scan3A_155 = scf.for %scan3A_160 = %scan3A_151 to %scan3A_153 step %scan3A_154 iter_args(%scan3A_161 = %scan3A_150) -> (i32)  : i32 {
        %get3A_162 = arith.index_cast %scan3A_160 : i32 to index
        %get3A_163 = arith.constant 0 : index
        %get3A_164 = tpu.vector_load %arg9[%get3A_162, %get3A_163] {strides = array<i32>} : memref<80x128xf32, #tpu.memory_space<vmem>>, vector<1x16xf32>,
        %get3A_165 = vector.shape_cast %get3A_164 : vector<1x16xf32> to vector<16xf32>
        %mul3A_166 = arith.mulf %get3A_24, %get3A_165 : vector<16xf32>
        %add3A_167 = arith.addf %mul3A_166, %get3A_64 : vector<16xf32>
        %ge3A = arith.constant 0.000000e+00 : f32
        %ge3A_168 = vector.broadcast %ge3A : f32 to vector<16xf32>
        %ge3A_169 = arith.cmpf oge, %add3A_167, %ge3A_168 : vector<16xf32>
        %mul3A_170 = arith.constant 9.99999974E-5 : f32
        %mul3A_171 = vector.broadcast %mul3A_170 : f32 to vector<16xf32>
        %mul3A_172 = arith.mulf %mul3A_171, %add3A_167 : vector<16xf32>
        %select_n3A = arith.select %ge3A_169, %add3A_167, %mul3A_172 : vector<16xi1>, vector<16xf32>
        %get3A_173 = arith.index_cast %scan3A_160 : i32 to index
        %get3A_174 = arith.constant 0 : index
        %get3A_175 = tpu.vector_load %arg8[%get3A_173, %get3A_174] {strides = array<i32>} : memref<80x128xf32, #tpu.memory_space<vmem>>, vector<1x16xf32>,
        %get3A_176 = vector.shape_cast %get3A_175 : vector<1x16xf32> to vector<16xf32>
        %add3A_177 = arith.addf %select_n3A, %get3A_176 : vector<16xf32>
        %max3A = arith.constant 0.000000e+00 : f32
        %max3A_178 = vector.broadcast %max3A : f32 to vector<16xf32>
        %max3A_179 = arith.maximumf %add3A_177, %max3A_178 : vector<16xf32>
        %swap3A = arith.index_cast %scan3A_160 : i32 to index
        %swap3A_180 = arith.constant 0 : index
        %swap3A_181 = tpu.vector_load %arg8[%swap3A, %swap3A_180] {strides = array<i32>} : memref<80x128xf32, #tpu.memory_space<vmem>>, vector<1x16xf32>,
        %swap3A_182 = vector.shape_cast %swap3A_181 : vector<1x16xf32> to vector<16xf32>
        %swap3A_183 = vector.shape_cast %max3A_179 : vector<16xf32> to vector<1x16xf32>
        tpu.vector_store %arg8[%swap3A, %swap3A_180], %swap3A_183 {strides = array<i32>} : memref<80x128xf32, #tpu.memory_space<vmem>>, vector<1x16xf32>,
        %get3A_184 = arith.index_cast %scan3A_160 : i32 to index
        %get3A_185 = arith.constant 16 : index
        %get3A_186 = tpu.vector_load %arg9[%get3A_184, %get3A_185] {strides = array<i32>} : memref<80x128xf32, #tpu.memory_space<vmem>>, vector<1x16xf32>,
        %get3A_187 = vector.shape_cast %get3A_186 : vector<1x16xf32> to vector<16xf32>
        %mul3A_188 = arith.mulf %get3A_29, %get3A_187 : vector<16xf32>
        %add3A_189 = arith.addf %mul3A_188, %get3A_69 : vector<16xf32>
        %ge3A_190 = arith.constant 0.000000e+00 : f32
        %ge3A_191 = vector.broadcast %ge3A_190 : f32 to vector<16xf32>
        %ge3A_192 = arith.cmpf oge, %add3A_189, %ge3A_191 : vector<16xf32>
        %mul3A_193 = arith.constant 9.99999974E-5 : f32
        %mul3A_194 = vector.broadcast %mul3A_193 : f32 to vector<16xf32>
        %mul3A_195 = arith.mulf %mul3A_194, %add3A_189 : vector<16xf32>
        %select_n3A_196 = arith.select %ge3A_192, %add3A_189, %mul3A_195 : vector<16xi1>, vector<16xf32>
        %get3A_197 = arith.index_cast %scan3A_160 : i32 to index
        %get3A_198 = arith.constant 16 : index
        %get3A_199 = tpu.vector_load %arg8[%get3A_197, %get3A_198] {strides = array<i32>} : memref<80x128xf32, #tpu.memory_space<vmem>>, vector<1x16xf32>,
        %get3A_200 = vector.shape_cast %get3A_199 : vector<1x16xf32> to vector<16xf32>
        %add3A_201 = arith.addf %select_n3A_196, %get3A_200 : vector<16xf32>
        %max3A_202 = arith.constant 0.000000e+00 : f32
        %max3A_203 = vector.broadcast %max3A_202 : f32 to vector<16xf32>
        %max3A_204 = arith.maximumf %add3A_201, %max3A_203 : vector<16xf32>
        %swap3A_205 = arith.index_cast %scan3A_160 : i32 to index
        %swap3A_206 = arith.constant 16 : index
        %swap3A_207 = tpu.vector_load %arg8[%swap3A_205, %swap3A_206] {strides = array<i32>} : memref<80x128xf32, #tpu.memory_space<vmem>>, vector<1x16xf32>,
        %swap3A_208 = vector.shape_cast %swap3A_207 : vector<1x16xf32> to vector<16xf32>
        %swap3A_209 = vector.shape_cast %max3A_204 : vector<16xf32> to vector<1x16xf32>
        tpu.vector_store %arg8[%swap3A_205, %swap3A_206], %swap3A_209 {strides = array<i32>} : memref<80x128xf32, #tpu.memory_space<vmem>>, vector<1x16xf32>,
        %get3A_210 = arith.index_cast %scan3A_160 : i32 to index
        %get3A_211 = arith.constant 32 : index
        %get3A_212 = tpu.vector_load %arg9[%get3A_210, %get3A_211] {strides = array<i32>} : memref<80x128xf32, #tpu.memory_space<vmem>>, vector<1x16xf32>,
        %get3A_213 = vector.shape_cast %get3A_212 : vector<1x16xf32> to vector<16xf32>
        %mul3A_214 = arith.mulf %get3A_34, %get3A_213 : vector<16xf32>
        %add3A_215 = arith.addf %mul3A_214, %get3A_74 : vector<16xf32>
        %ge3A_216 = arith.constant 0.000000e+00 : f32
        %ge3A_217 = vector.broadcast %ge3A_216 : f32 to vector<16xf32>
        %ge3A_218 = arith.cmpf oge, %add3A_215, %ge3A_217 : vector<16xf32>
        %mul3A_219 = arith.constant 9.99999974E-5 : f32
        %mul3A_220 = vector.broadcast %mul3A_219 : f32 to vector<16xf32>
        %mul3A_221 = arith.mulf %mul3A_220, %add3A_215 : vector<16xf32>
        %select_n3A_222 = arith.select %ge3A_218, %add3A_215, %mul3A_221 : vector<16xi1>, vector<16xf32>
        %get3A_223 = arith.index_cast %scan3A_160 : i32 to index
        %get3A_224 = arith.constant 32 : index
        %get3A_225 = tpu.vector_load %arg8[%get3A_223, %get3A_224] {strides = array<i32>} : memref<80x128xf32, #tpu.memory_space<vmem>>, vector<1x16xf32>,
        %get3A_226 = vector.shape_cast %get3A_225 : vector<1x16xf32> to vector<16xf32>
        %add3A_227 = arith.addf %select_n3A_222, %get3A_226 : vector<16xf32>
        %max3A_228 = arith.constant 0.000000e+00 : f32
        %max3A_229 = vector.broadcast %max3A_228 : f32 to vector<16xf32>
        %max3A_230 = arith.maximumf %add3A_227, %max3A_229 : vector<16xf32>
        %swap3A_231 = arith.index_cast %scan3A_160 : i32 to index
        %swap3A_232 = arith.constant 32 : index
        %swap3A_233 = tpu.vector_load %arg8[%swap3A_231, %swap3A_232] {strides = array<i32>} : memref<80x128xf32, #tpu.memory_space<vmem>>, vector<1x16xf32>,
        %swap3A_234 = vector.shape_cast %swap3A_233 : vector<1x16xf32> to vector<16xf32>
        %swap3A_235 = vector.shape_cast %max3A_230 : vector<16xf32> to vector<1x16xf32>
        tpu.vector_store %arg8[%swap3A_231, %swap3A_232], %swap3A_235 {strides = array<i32>} : memref<80x128xf32, #tpu.memory_space<vmem>>, vector<1x16xf32>,
        %get3A_236 = arith.index_cast %scan3A_160 : i32 to index
        %get3A_237 = arith.constant 48 : index
        %get3A_238 = tpu.vector_load %arg9[%get3A_236, %get3A_237] {strides = array<i32>} : memref<80x128xf32, #tpu.memory_space<vmem>>, vector<1x16xf32>,
        %get3A_239 = vector.shape_cast %get3A_238 : vector<1x16xf32> to vector<16xf32>
        %mul3A_240 = arith.mulf %get3A_39, %get3A_239 : vector<16xf32>
        %add3A_241 = arith.addf %mul3A_240, %get3A_79 : vector<16xf32>
        %ge3A_242 = arith.constant 0.000000e+00 : f32
        %ge3A_243 = vector.broadcast %ge3A_242 : f32 to vector<16xf32>
        %ge3A_244 = arith.cmpf oge, %add3A_241, %ge3A_243 : vector<16xf32>
        %mul3A_245 = arith.constant 9.99999974E-5 : f32
        %mul3A_246 = vector.broadcast %mul3A_245 : f32 to vector<16xf32>
        %mul3A_247 = arith.mulf %mul3A_246, %add3A_241 : vector<16xf32>
        %select_n3A_248 = arith.select %ge3A_244, %add3A_241, %mul3A_247 : vector<16xi1>, vector<16xf32>
        %get3A_249 = arith.index_cast %scan3A_160 : i32 to index
        %get3A_250 = arith.constant 48 : index
        %get3A_251 = tpu.vector_load %arg8[%get3A_249, %get3A_250] {strides = array<i32>} : memref<80x128xf32, #tpu.memory_space<vmem>>, vector<1x16xf32>,
        %get3A_252 = vector.shape_cast %get3A_251 : vector<1x16xf32> to vector<16xf32>
        %add3A_253 = arith.addf %select_n3A_248, %get3A_252 : vector<16xf32>
        %max3A_254 = arith.constant 0.000000e+00 : f32
        %max3A_255 = vector.broadcast %max3A_254 : f32 to vector<16xf32>
        %max3A_256 = arith.maximumf %add3A_253, %max3A_255 : vector<16xf32>
        %swap3A_257 = arith.index_cast %scan3A_160 : i32 to index
        %swap3A_258 = arith.constant 48 : index
        %swap3A_259 = tpu.vector_load %arg8[%swap3A_257, %swap3A_258] {strides = array<i32>} : memref<80x128xf32, #tpu.memory_space<vmem>>, vector<1x16xf32>,
        %swap3A_260 = vector.shape_cast %swap3A_259 : vector<1x16xf32> to vector<16xf32>
        %swap3A_261 = vector.shape_cast %max3A_256 : vector<16xf32> to vector<1x16xf32>
        tpu.vector_store %arg8[%swap3A_257, %swap3A_258], %swap3A_261 {strides = array<i32>} : memref<80x128xf32, #tpu.memory_space<vmem>>, vector<1x16xf32>,
        %get3A_262 = arith.index_cast %scan3A_160 : i32 to index
        %get3A_263 = arith.constant 64 : index
        %get3A_264 = tpu.vector_load %arg9[%get3A_262, %get3A_263] {strides = array<i32>} : memref<80x128xf32, #tpu.memory_space<vmem>>, vector<1x16xf32>,
        %get3A_265 = vector.shape_cast %get3A_264 : vector<1x16xf32> to vector<16xf32>
        %mul3A_266 = arith.mulf %get3A_44, %get3A_265 : vector<16xf32>
        %add3A_267 = arith.addf %mul3A_266, %get3A_84 : vector<16xf32>
        %ge3A_268 = arith.constant 0.000000e+00 : f32
        %ge3A_269 = vector.broadcast %ge3A_268 : f32 to vector<16xf32>
        %ge3A_270 = arith.cmpf oge, %add3A_267, %ge3A_269 : vector<16xf32>
        %mul3A_271 = arith.constant 9.99999974E-5 : f32
        %mul3A_272 = vector.broadcast %mul3A_271 : f32 to vector<16xf32>
        %mul3A_273 = arith.mulf %mul3A_272, %add3A_267 : vector<16xf32>
        %select_n3A_274 = arith.select %ge3A_270, %add3A_267, %mul3A_273 : vector<16xi1>, vector<16xf32>
        %get3A_275 = arith.index_cast %scan3A_160 : i32 to index
        %get3A_276 = arith.constant 64 : index
        %get3A_277 = tpu.vector_load %arg8[%get3A_275, %get3A_276] {strides = array<i32>} : memref<80x128xf32, #tpu.memory_space<vmem>>, vector<1x16xf32>,
        %get3A_278 = vector.shape_cast %get3A_277 : vector<1x16xf32> to vector<16xf32>
        %add3A_279 = arith.addf %select_n3A_274, %get3A_278 : vector<16xf32>
        %max3A_280 = arith.constant 0.000000e+00 : f32
        %max3A_281 = vector.broadcast %max3A_280 : f32 to vector<16xf32>
        %max3A_282 = arith.maximumf %add3A_279, %max3A_281 : vector<16xf32>
        %swap3A_283 = arith.index_cast %scan3A_160 : i32 to index
        %swap3A_284 = arith.constant 64 : index
        %swap3A_285 = tpu.vector_load %arg8[%swap3A_283, %swap3A_284] {strides = array<i32>} : memref<80x128xf32, #tpu.memory_space<vmem>>, vector<1x16xf32>,
        %swap3A_286 = vector.shape_cast %swap3A_285 : vector<1x16xf32> to vector<16xf32>
        %swap3A_287 = vector.shape_cast %max3A_282 : vector<16xf32> to vector<1x16xf32>
        tpu.vector_store %arg8[%swap3A_283, %swap3A_284], %swap3A_287 {strides = array<i32>} : memref<80x128xf32, #tpu.memory_space<vmem>>, vector<1x16xf32>,
        %get3A_288 = arith.index_cast %scan3A_160 : i32 to index
        %get3A_289 = arith.constant 80 : index
        %get3A_290 = tpu.vector_load %arg9[%get3A_288, %get3A_289] {strides = array<i32>} : memref<80x128xf32, #tpu.memory_space<vmem>>, vector<1x16xf32>,
        %get3A_291 = vector.shape_cast %get3A_290 : vector<1x16xf32> to vector<16xf32>
        %mul3A_292 = arith.mulf %get3A_49, %get3A_291 : vector<16xf32>
        %add3A_293 = arith.addf %mul3A_292, %get3A_89 : vector<16xf32>
        %ge3A_294 = arith.constant 0.000000e+00 : f32
        %ge3A_295 = vector.broadcast %ge3A_294 : f32 to vector<16xf32>
        %ge3A_296 = arith.cmpf oge, %add3A_293, %ge3A_295 : vector<16xf32>
        %mul3A_297 = arith.constant 9.99999974E-5 : f32
        %mul3A_298 = vector.broadcast %mul3A_297 : f32 to vector<16xf32>
        %mul3A_299 = arith.mulf %mul3A_298, %add3A_293 : vector<16xf32>
        %select_n3A_300 = arith.select %ge3A_296, %add3A_293, %mul3A_299 : vector<16xi1>, vector<16xf32>
        %get3A_301 = arith.index_cast %scan3A_160 : i32 to index
        %get3A_302 = arith.constant 80 : index
        %get3A_303 = tpu.vector_load %arg8[%get3A_301, %get3A_302] {strides = array<i32>} : memref<80x128xf32, #tpu.memory_space<vmem>>, vector<1x16xf32>,
        %get3A_304 = vector.shape_cast %get3A_303 : vector<1x16xf32> to vector<16xf32>
        %add3A_305 = arith.addf %select_n3A_300, %get3A_304 : vector<16xf32>
        %max3A_306 = arith.constant 0.000000e+00 : f32
        %max3A_307 = vector.broadcast %max3A_306 : f32 to vector<16xf32>
        %max3A_308 = arith.maximumf %add3A_305, %max3A_307 : vector<16xf32>
        %swap3A_309 = arith.index_cast %scan3A_160 : i32 to index
        %swap3A_310 = arith.constant 80 : index
        %swap3A_311 = tpu.vector_load %arg8[%swap3A_309, %swap3A_310] {strides = array<i32>} : memref<80x128xf32, #tpu.memory_space<vmem>>, vector<1x16xf32>,
        %swap3A_312 = vector.shape_cast %swap3A_311 : vector<1x16xf32> to vector<16xf32>
        %swap3A_313 = vector.shape_cast %max3A_308 : vector<16xf32> to vector<1x16xf32>
        tpu.vector_store %arg8[%swap3A_309, %swap3A_310], %swap3A_313 {strides = array<i32>} : memref<80x128xf32, #tpu.memory_space<vmem>>, vector<1x16xf32>,
        %get3A_314 = arith.index_cast %scan3A_160 : i32 to index
        %get3A_315 = arith.constant 96 : index
        %get3A_316 = tpu.vector_load %arg9[%get3A_314, %get3A_315] {strides = array<i32>} : memref<80x128xf32, #tpu.memory_space<vmem>>, vector<1x16xf32>,
        %get3A_317 = vector.shape_cast %get3A_316 : vector<1x16xf32> to vector<16xf32>
        %mul3A_318 = arith.mulf %get3A_54, %get3A_317 : vector<16xf32>
        %add3A_319 = arith.addf %mul3A_318, %get3A_94 : vector<16xf32>
        %ge3A_320 = arith.constant 0.000000e+00 : f32
        %ge3A_321 = vector.broadcast %ge3A_320 : f32 to vector<16xf32>
        %ge3A_322 = arith.cmpf oge, %add3A_319, %ge3A_321 : vector<16xf32>
        %mul3A_323 = arith.constant 9.99999974E-5 : f32
        %mul3A_324 = vector.broadcast %mul3A_323 : f32 to vector<16xf32>
        %mul3A_325 = arith.mulf %mul3A_324, %add3A_319 : vector<16xf32>
        %select_n3A_326 = arith.select %ge3A_322, %add3A_319, %mul3A_325 : vector<16xi1>, vector<16xf32>
        %get3A_327 = arith.index_cast %scan3A_160 : i32 to index
        %get3A_328 = arith.constant 96 : index
        %get3A_329 = tpu.vector_load %arg8[%get3A_327, %get3A_328] {strides = array<i32>} : memref<80x128xf32, #tpu.memory_space<vmem>>, vector<1x16xf32>,
        %get3A_330 = vector.shape_cast %get3A_329 : vector<1x16xf32> to vector<16xf32>
        %add3A_331 = arith.addf %select_n3A_326, %get3A_330 : vector<16xf32>
        %max3A_332 = arith.constant 0.000000e+00 : f32
        %max3A_333 = vector.broadcast %max3A_332 : f32 to vector<16xf32>
        %max3A_334 = arith.maximumf %add3A_331, %max3A_333 : vector<16xf32>
        %swap3A_335 = arith.index_cast %scan3A_160 : i32 to index
        %swap3A_336 = arith.constant 96 : index
        %swap3A_337 = tpu.vector_load %arg8[%swap3A_335, %swap3A_336] {strides = array<i32>} : memref<80x128xf32, #tpu.memory_space<vmem>>, vector<1x16xf32>,
        %swap3A_338 = vector.shape_cast %swap3A_337 : vector<1x16xf32> to vector<16xf32>
        %swap3A_339 = vector.shape_cast %max3A_334 : vector<16xf32> to vector<1x16xf32>
        tpu.vector_store %arg8[%swap3A_335, %swap3A_336], %swap3A_339 {strides = array<i32>} : memref<80x128xf32, #tpu.memory_space<vmem>>, vector<1x16xf32>,
        %get3A_340 = arith.index_cast %scan3A_160 : i32 to index
        %get3A_341 = arith.constant 112 : index
        %get3A_342 = tpu.vector_load %arg9[%get3A_340, %get3A_341] {strides = array<i32>} : memref<80x128xf32, #tpu.memory_space<vmem>>, vector<1x16xf32>,
        %get3A_343 = vector.shape_cast %get3A_342 : vector<1x16xf32> to vector<16xf32>
        %mul3A_344 = arith.mulf %get3A_59, %get3A_343 : vector<16xf32>
        %add3A_345 = arith.addf %mul3A_344, %get3A_99 : vector<16xf32>
        %ge3A_346 = arith.constant 0.000000e+00 : f32
        %ge3A_347 = vector.broadcast %ge3A_346 : f32 to vector<16xf32>
        %ge3A_348 = arith.cmpf oge, %add3A_345, %ge3A_347 : vector<16xf32>
        %mul3A_349 = arith.constant 9.99999974E-5 : f32
        %mul3A_350 = vector.broadcast %mul3A_349 : f32 to vector<16xf32>
        %mul3A_351 = arith.mulf %mul3A_350, %add3A_345 : vector<16xf32>
        %select_n3A_352 = arith.select %ge3A_348, %add3A_345, %mul3A_351 : vector<16xi1>, vector<16xf32>
        %get3A_353 = arith.index_cast %scan3A_160 : i32 to index
        %get3A_354 = arith.constant 112 : index
        %get3A_355 = tpu.vector_load %arg8[%get3A_353, %get3A_354] {strides = array<i32>} : memref<80x128xf32, #tpu.memory_space<vmem>>, vector<1x16xf32>,
        %get3A_356 = vector.shape_cast %get3A_355 : vector<1x16xf32> to vector<16xf32>
        %add3A_357 = arith.addf %select_n3A_352, %get3A_356 : vector<16xf32>
        %max3A_358 = arith.constant 0.000000e+00 : f32
        %max3A_359 = vector.broadcast %max3A_358 : f32 to vector<16xf32>
        %max3A_360 = arith.maximumf %add3A_357, %max3A_359 : vector<16xf32>
        %swap3A_361 = arith.index_cast %scan3A_160 : i32 to index
        %swap3A_362 = arith.constant 112 : index
        %swap3A_363 = tpu.vector_load %arg8[%swap3A_361, %swap3A_362] {strides = array<i32>} : memref<80x128xf32, #tpu.memory_space<vmem>>, vector<1x16xf32>,
        %swap3A_364 = vector.shape_cast %swap3A_363 : vector<1x16xf32> to vector<16xf32>
        %swap3A_365 = vector.shape_cast %max3A_360 : vector<16xf32> to vector<1x16xf32>
        tpu.vector_store %arg8[%swap3A_361, %swap3A_362], %swap3A_365 {strides = array<i32>} : memref<80x128xf32, #tpu.memory_space<vmem>>, vector<1x16xf32>,
        %scan3A_366 = arith.constant 0 : i32
        scf.yield %scan3A_366 : i32
      }
      %scan3A_156 = arith.constant 80 : i32
      %dma_wait3A_157 = tpu.memref_slice %arg4[%add3A_133] : memref<640000xi32, #tpu.memory_space<hbm>> -> memref<80xi32, #tpu.memory_space<hbm>>
      %dma_wait3A_158 = tpu.memref_slice %arg4[%add3A_133] : memref<640000xi32, #tpu.memory_space<hbm>> -> memref<80xi32, #tpu.memory_space<hbm>>
      tpu.wait_dma2 semaphore(%arg16 : memref<!tpu.dma_semaphore, #tpu.memory_space<semaphore_mem>>) src(%dma_wait3A_158 : memref<80xi32, #tpu.memory_space<hbm>>) dst(%arg11 : memref<80xi32, #tpu.memory_space<vmem>>)
      "tpu.region"() ({
        %run_scoped3A = tpu.sem_alloc : memref<!tpu.dma_semaphore, #tpu.memory_space<semaphore_mem>>
        %dma_start3A_160 = arith.constant 0 : i32
        %dma_start3A_161 = arith.constant 0 : i32
        %dma_start3A_162 = tpu.memref_slice %arg7[%dma_start3A_160, %dma_start3A_161] : memref<10000x128xf32, #tpu.memory_space<vmem_shared>> -> memref<10000x128xf32, #tpu.memory_space<vmem_shared>>
        tpu.enqueue_indirect_dma source(%arg8 : memref<80x128xf32, #tpu.memory_space<vmem>>) target(%dma_start3A_162 : memref<10000x128xf32, #tpu.memory_space<vmem_shared>>) offsets(%arg11 : memref<80xi32, #tpu.memory_space<vmem>>) semaphore(%run_scoped3A : memref<!tpu.dma_semaphore, #tpu.memory_space<semaphore_mem>>) {add = true}
        %dma_wait3A_163 = arith.constant 0 : i32
        %dma_wait3A_164 = arith.constant 0 : i32
        %dma_wait3A_165 = tpu.memref_slice %arg7[%dma_wait3A_163, %dma_wait3A_164] : memref<10000x128xf32, #tpu.memory_space<vmem_shared>> -> memref<10000x128xf32, #tpu.memory_space<vmem_shared>>
        tpu.wait_indirect_dma semaphore(%run_scoped3A : memref<!tpu.dma_semaphore, #tpu.memory_space<semaphore_mem>>) src(%arg8 : memref<80x128xf32, #tpu.memory_space<vmem>>) dst(%dma_wait3A_165 : memref<10000x128xf32, #tpu.memory_space<vmem_shared>>)
        tpu.yield
      }) : () -> ()
      %scan3A_159 = arith.constant 0 : i32
      scf.yield %scan3A_159 : i32
    }
    %scan3A_106 = arith.constant 125 : i32
    %barrier3A_107 = arith.constant 0 : index
    tpu.barrier barrier_id(%barrier3A_107)
    %mul3A_108 = arith.constant 624 : i32
    %mul3A_109 = arith.muli %arg1, %mul3A_108 : i32
    %mul3A_110 = arith.constant 624 : i32
    %mul3A_111 = arith.muli %arg1, %mul3A_110 : i32
    "tpu.region"() ({
      %run_scoped3A = tpu.sem_alloc : memref<!tpu.dma_semaphore, #tpu.memory_space<semaphore_mem>>
      %dma_start3A = arith.constant 0 : i32
      %dma_start3A_117 = tpu.memref_slice %arg6[%arg0, %mul3A_111, %dma_start3A] : memref<2x10000x128xf32, #tpu.memory_space<hbm>> -> memref<1x624x128xf32, #tpu.memory_space<hbm>>
      %dma_start3A_118 = tpu.memref_squeeze %dma_start3A_117 : memref<1x624x128xf32, #tpu.memory_space<hbm>> -> memref<624x128xf32, #tpu.memory_space<hbm>>
      %dma_start3A_119 = arith.constant 0 : i32
      %dma_start3A_120 = tpu.memref_slice %arg7[%mul3A_109, %dma_start3A_119] : memref<10000x128xf32, #tpu.memory_space<vmem_shared>> -> memref<624x128xf32, #tpu.memory_space<vmem_shared>>
      tpu.enqueue_dma source(%dma_start3A_120 : memref<624x128xf32, #tpu.memory_space<vmem_shared>>) target(%dma_start3A_118 : memref<624x128xf32, #tpu.memory_space<hbm>>) target_semaphore(%run_scoped3A : memref<!tpu.dma_semaphore, #tpu.memory_space<semaphore_mem>>)
      %dma_wait3A = arith.constant 0 : i32
      %dma_wait3A_121 = tpu.memref_slice %arg6[%arg0, %mul3A_111, %dma_wait3A] : memref<2x10000x128xf32, #tpu.memory_space<hbm>> -> memref<1x624x128xf32, #tpu.memory_space<hbm>>
      %dma_wait3A_122 = tpu.memref_squeeze %dma_wait3A_121 : memref<1x624x128xf32, #tpu.memory_space<hbm>> -> memref<624x128xf32, #tpu.memory_space<hbm>>
      %dma_wait3A_123 = arith.constant 0 : i32
      %dma_wait3A_124 = tpu.memref_slice %arg7[%mul3A_109, %dma_wait3A_123] : memref<10000x128xf32, #tpu.memory_space<vmem_shared>> -> memref<624x128xf32, #tpu.memory_space<vmem_shared>>
      tpu.wait_dma2 semaphore(%run_scoped3A : memref<!tpu.dma_semaphore, #tpu.memory_space<semaphore_mem>>) src(%dma_wait3A_124 : memref<624x128xf32, #tpu.memory_space<vmem_shared>>) dst(%dma_wait3A_122 : memref<624x128xf32, #tpu.memory_space<hbm>>)
      tpu.yield
    }) : () -> ()
    %eq3A_112 = arith.constant 15 : i32
    %eq3A_113 = arith.cmpi eq, %arg1, %eq3A_112 : i32
    %convert_element_type3A_114 = arith.extui %eq3A_113 : i1 to i32
    %cond3A_115 = arith.constant 0 : i32
    %cond3A_116 = arith.cmpi ne, %convert_element_type3A_114, %cond3A_115 : i32
    scf.if %cond3A_116 {
      "tpu.region"() ({
        %run_scoped3A = tpu.sem_alloc : memref<!tpu.dma_semaphore, #tpu.memory_space<semaphore_mem>>
        %dma_start3A = arith.constant 9984 : i32
        %dma_start3A_117 = arith.constant 0 : i32
        %dma_start3A_118 = tpu.memref_slice %arg6[%arg0, %dma_start3A, %dma_start3A_117] : memref<2x10000x128xf32, #tpu.memory_space<hbm>> -> memref<1x16x128xf32, #tpu.memory_space<hbm>>
        %dma_start3A_119 = tpu.memref_squeeze %dma_start3A_118 : memref<1x16x128xf32, #tpu.memory_space<hbm>> -> memref<16x128xf32, #tpu.memory_space<hbm>>
        %dma_start3A_120 = arith.constant 9984 : i32
        %dma_start3A_121 = arith.constant 0 : i32
        %dma_start3A_122 = tpu.memref_slice %arg7[%dma_start3A_120, %dma_start3A_121] : memref<10000x128xf32, #tpu.memory_space<vmem_shared>> -> memref<16x128xf32, #tpu.memory_space<vmem_shared>>
        tpu.enqueue_dma source(%dma_start3A_122 : memref<16x128xf32, #tpu.memory_space<vmem_shared>>) target(%dma_start3A_119 : memref<16x128xf32, #tpu.memory_space<hbm>>) target_semaphore(%run_scoped3A : memref<!tpu.dma_semaphore, #tpu.memory_space<semaphore_mem>>)
        %dma_wait3A = arith.constant 9984 : i32
        %dma_wait3A_123 = arith.constant 0 : i32
        %dma_wait3A_124 = tpu.memref_slice %arg6[%arg0, %dma_wait3A, %dma_wait3A_123] : memref<2x10000x128xf32, #tpu.memory_space<hbm>> -> memref<1x16x128xf32, #tpu.memory_space<hbm>>
        %dma_wait3A_125 = tpu.memref_squeeze %dma_wait3A_124 : memref<1x16x128xf32, #tpu.memory_space<hbm>> -> memref<16x128xf32, #tpu.memory_space<hbm>>
        %dma_wait3A_126 = arith.constant 9984 : i32
        %dma_wait3A_127 = arith.constant 0 : i32
        %dma_wait3A_128 = tpu.memref_slice %arg7[%dma_wait3A_126, %dma_wait3A_127] : memref<10000x128xf32, #tpu.memory_space<vmem_shared>> -> memref<16x128xf32, #tpu.memory_space<vmem_shared>>
        tpu.wait_dma2 semaphore(%run_scoped3A : memref<!tpu.dma_semaphore, #tpu.memory_space<semaphore_mem>>) src(%dma_wait3A_128 : memref<16x128xf32, #tpu.memory_space<vmem_shared>>) dst(%dma_wait3A_125 : memref<16x128xf32, #tpu.memory_space<hbm>>)
        tpu.yield
      }) : () -> ()
    } else {
    }
    return
  }
}

#map = affine_map<(d0, d1) -> (0, 0)>
#map1 = affine_map<(d0, d1) -> (0, 0, 0)>
#map2 = affine_map<(d0, d1) -> (0)>
module attributes {stable_mosaic.version = 14 : i64} {
  func.func @k(%arg0: i32, %arg1: i32, %arg2: memref<10000x128xf32, #tpu.memory_space<hbm>>, %arg3: memref<4x320000x128xf32, #tpu.memory_space<hbm>>, %arg4: memref<640000xi32, #tpu.memory_space<hbm>>, %arg5: memref<2x128xf32, #tpu.memory_space<hbm>>, %arg6: memref<2x10000x128xf32, #tpu.memory_space<hbm>>, %arg7: memref<10000x128xf32, #tpu.memory_space<vmem_shared>>, %arg8: memref<80x128xf32, #tpu.memory_space<vmem>>, %arg9: memref<80x128xf32, #tpu.memory_space<vmem>>, %arg10: memref<80xi32, #tpu.memory_space<vmem>>, %arg11: memref<80xi32, #tpu.memory_space<vmem>>, %arg12: memref<208x128xf32, #tpu.memory_space<vmem>>, %arg13: memref<2x128xf32, #tpu.memory_space<vmem>>, %arg14: memref<!tpu.dma_semaphore, #tpu.memory_space<semaphore_mem>>, %arg15: memref<!tpu.dma_semaphore, #tpu.memory_space<semaphore_mem>>, %arg16: memref<!tpu.dma_semaphore, #tpu.memory_space<semaphore_mem>>, %arg17: memref<!tpu.dma_semaphore, #tpu.memory_space<semaphore_mem>>) attributes {dimension_semantics = [#tpu.dimension_semantics<core_parallel>, #tpu.dimension_semantics<subcore_parallel>], iteration_bounds = array<i64: 2, 16>, scalar_prefetch = 0 : i64, scratch_operands = 11 : i64, tpu.core_type = #tpu.core_type<sc_vector_subcore>, window_params = [{transform_indices = #map}, {transform_indices = #map1}, {transform_indices = #map2}, {transform_indices = #map}, {transform_indices = #map1}]} {
    %mul3A = arith.constant 16 : i32
    %mul3A_0 = arith.muli %arg0, %mul3A : i32
    %add3A = arith.addi %mul3A_0, %arg1 : i32
    %scan3A = arith.constant 0 : i32
    %scan3A_1 = arith.constant 0 : i32
    %scan3A_2 = arith.constant 208 : i32
    %scan3A_3 = arith.addi %scan3A_1, %scan3A_2 : i32
    %scan3A_4 = arith.constant 1 : i32
    %scan3A_5 = scf.for %scan3A_117 = %scan3A_1 to %scan3A_3 step %scan3A_4 iter_args(%scan3A_118 = %scan3A) -> (i32)  : i32 {
      %broadcast_in_dim3A = arith.constant 0.000000e+00 : f32
      %broadcast_in_dim3A_119 = vector.broadcast %broadcast_in_dim3A : f32 to vector<16xf32>
      %swap3A = arith.index_cast %scan3A_117 : i32 to index
      %swap3A_120 = arith.constant 0 : index
      %swap3A_121 = tpu.vector_load %arg12[%swap3A, %swap3A_120] {strides = array<i32>} : memref<208x128xf32, #tpu.memory_space<vmem>>, vector<1x16xf32>,
      %swap3A_122 = vector.shape_cast %swap3A_121 : vector<1x16xf32> to vector<16xf32>
      %swap3A_123 = vector.shape_cast %broadcast_in_dim3A_119 : vector<16xf32> to vector<1x16xf32>
      tpu.vector_store %arg12[%swap3A, %swap3A_120], %swap3A_123 {strides = array<i32>} : memref<208x128xf32, #tpu.memory_space<vmem>>, vector<1x16xf32>,
      %broadcast_in_dim3A_124 = arith.constant 0.000000e+00 : f32
      %broadcast_in_dim3A_125 = vector.broadcast %broadcast_in_dim3A_124 : f32 to vector<16xf32>
      %swap3A_126 = arith.index_cast %scan3A_117 : i32 to index
      %swap3A_127 = arith.constant 16 : index
      %swap3A_128 = tpu.vector_load %arg12[%swap3A_126, %swap3A_127] {strides = array<i32>} : memref<208x128xf32, #tpu.memory_space<vmem>>, vector<1x16xf32>,
      %swap3A_129 = vector.shape_cast %swap3A_128 : vector<1x16xf32> to vector<16xf32>
      %swap3A_130 = vector.shape_cast %broadcast_in_dim3A_125 : vector<16xf32> to vector<1x16xf32>
      tpu.vector_store %arg12[%swap3A_126, %swap3A_127], %swap3A_130 {strides = array<i32>} : memref<208x128xf32, #tpu.memory_space<vmem>>, vector<1x16xf32>,
      %broadcast_in_dim3A_131 = arith.constant 0.000000e+00 : f32
      %broadcast_in_dim3A_132 = vector.broadcast %broadcast_in_dim3A_131 : f32 to vector<16xf32>
      %swap3A_133 = arith.index_cast %scan3A_117 : i32 to index
      %swap3A_134 = arith.constant 32 : index
      %swap3A_135 = tpu.vector_load %arg12[%swap3A_133, %swap3A_134] {strides = array<i32>} : memref<208x128xf32, #tpu.memory_space<vmem>>, vector<1x16xf32>,
      %swap3A_136 = vector.shape_cast %swap3A_135 : vector<1x16xf32> to vector<16xf32>
      %swap3A_137 = vector.shape_cast %broadcast_in_dim3A_132 : vector<16xf32> to vector<1x16xf32>
      tpu.vector_store %arg12[%swap3A_133, %swap3A_134], %swap3A_137 {strides = array<i32>} : memref<208x128xf32, #tpu.memory_space<vmem>>, vector<1x16xf32>,
      %broadcast_in_dim3A_138 = arith.constant 0.000000e+00 : f32
      %broadcast_in_dim3A_139 = vector.broadcast %broadcast_in_dim3A_138 : f32 to vector<16xf32>
      %swap3A_140 = arith.index_cast %scan3A_117 : i32 to index
      %swap3A_141 = arith.constant 48 : index
      %swap3A_142 = tpu.vector_load %arg12[%swap3A_140, %swap3A_141] {strides = array<i32>} : memref<208x128xf32, #tpu.memory_space<vmem>>, vector<1x16xf32>,
      %swap3A_143 = vector.shape_cast %swap3A_142 : vector<1x16xf32> to vector<16xf32>
      %swap3A_144 = vector.shape_cast %broadcast_in_dim3A_139 : vector<16xf32> to vector<1x16xf32>
      tpu.vector_store %arg12[%swap3A_140, %swap3A_141], %swap3A_144 {strides = array<i32>} : memref<208x128xf32, #tpu.memory_space<vmem>>, vector<1x16xf32>,
      %broadcast_in_dim3A_145 = arith.constant 0.000000e+00 : f32
      %broadcast_in_dim3A_146 = vector.broadcast %broadcast_in_dim3A_145 : f32 to vector<16xf32>
      %swap3A_147 = arith.index_cast %scan3A_117 : i32 to index
      %swap3A_148 = arith.constant 64 : index
      %swap3A_149 = tpu.vector_load %arg12[%swap3A_147, %swap3A_148] {strides = array<i32>} : memref<208x128xf32, #tpu.memory_space<vmem>>, vector<1x16xf32>,
      %swap3A_150 = vector.shape_cast %swap3A_149 : vector<1x16xf32> to vector<16xf32>
      %swap3A_151 = vector.shape_cast %broadcast_in_dim3A_146 : vector<16xf32> to vector<1x16xf32>
      tpu.vector_store %arg12[%swap3A_147, %swap3A_148], %swap3A_151 {strides = array<i32>} : memref<208x128xf32, #tpu.memory_space<vmem>>, vector<1x16xf32>,
      %broadcast_in_dim3A_152 = arith.constant 0.000000e+00 : f32
      %broadcast_in_dim3A_153 = vector.broadcast %broadcast_in_dim3A_152 : f32 to vector<16xf32>
      %swap3A_154 = arith.index_cast %scan3A_117 : i32 to index
      %swap3A_155 = arith.constant 80 : index
      %swap3A_156 = tpu.vector_load %arg12[%swap3A_154, %swap3A_155] {strides = array<i32>} : memref<208x128xf32, #tpu.memory_space<vmem>>, vector<1x16xf32>,
      %swap3A_157 = vector.shape_cast %swap3A_156 : vector<1x16xf32> to vector<16xf32>
      %swap3A_158 = vector.shape_cast %broadcast_in_dim3A_153 : vector<16xf32> to vector<1x16xf32>
      tpu.vector_store %arg12[%swap3A_154, %swap3A_155], %swap3A_158 {strides = array<i32>} : memref<208x128xf32, #tpu.memory_space<vmem>>, vector<1x16xf32>,
      %broadcast_in_dim3A_159 = arith.constant 0.000000e+00 : f32
      %broadcast_in_dim3A_160 = vector.broadcast %broadcast_in_dim3A_159 : f32 to vector<16xf32>
      %swap3A_161 = arith.index_cast %scan3A_117 : i32 to index
      %swap3A_162 = arith.constant 96 : index
      %swap3A_163 = tpu.vector_load %arg12[%swap3A_161, %swap3A_162] {strides = array<i32>} : memref<208x128xf32, #tpu.memory_space<vmem>>, vector<1x16xf32>,
      %swap3A_164 = vector.shape_cast %swap3A_163 : vector<1x16xf32> to vector<16xf32>
      %swap3A_165 = vector.shape_cast %broadcast_in_dim3A_160 : vector<16xf32> to vector<1x16xf32>
      tpu.vector_store %arg12[%swap3A_161, %swap3A_162], %swap3A_165 {strides = array<i32>} : memref<208x128xf32, #tpu.memory_space<vmem>>, vector<1x16xf32>,
      %broadcast_in_dim3A_166 = arith.constant 0.000000e+00 : f32
      %broadcast_in_dim3A_167 = vector.broadcast %broadcast_in_dim3A_166 : f32 to vector<16xf32>
      %swap3A_168 = arith.index_cast %scan3A_117 : i32 to index
      %swap3A_169 = arith.constant 112 : index
      %swap3A_170 = tpu.vector_load %arg12[%swap3A_168, %swap3A_169] {strides = array<i32>} : memref<208x128xf32, #tpu.memory_space<vmem>>, vector<1x16xf32>,
      %swap3A_171 = vector.shape_cast %swap3A_170 : vector<1x16xf32> to vector<16xf32>
      %swap3A_172 = vector.shape_cast %broadcast_in_dim3A_167 : vector<16xf32> to vector<1x16xf32>
      tpu.vector_store %arg12[%swap3A_168, %swap3A_169], %swap3A_172 {strides = array<i32>} : memref<208x128xf32, #tpu.memory_space<vmem>>, vector<1x16xf32>,
      %scan3A_173 = arith.constant 0 : i32
      scf.yield %scan3A_173 : i32
    }
    %scan3A_6 = arith.constant 208 : i32
    %mul3A_7 = arith.constant 624 : i32
    %mul3A_8 = arith.muli %arg1, %mul3A_7 : i32
    %add3A_9 = arith.constant 0 : i32
    %add3A_10 = arith.addi %mul3A_8, %add3A_9 : i32
    "tpu.region"() ({
      %run_scoped3A = tpu.sem_alloc : memref<!tpu.dma_semaphore, #tpu.memory_space<semaphore_mem>>
      %dma_start3A = arith.constant 0 : i32
      %dma_start3A_117 = tpu.memref_slice %arg7[%add3A_10, %dma_start3A] : memref<10000x128xf32, #tpu.memory_space<vmem_shared>> -> memref<208x128xf32, #tpu.memory_space<vmem_shared>>
      %dma_start3A_118 = arith.constant 0 : i32
      %dma_start3A_119 = tpu.memref_slice %arg7[%add3A_10, %dma_start3A_118] : memref<10000x128xf32, #tpu.memory_space<vmem_shared>> -> memref<208x128xf32, #tpu.memory_space<vmem_shared>>
      tpu.enqueue_dma source(%arg12 : memref<208x128xf32, #tpu.memory_space<vmem>>) target(%dma_start3A_119 : memref<208x128xf32, #tpu.memory_space<vmem_shared>>) target_semaphore(%run_scoped3A : memref<!tpu.dma_semaphore, #tpu.memory_space<semaphore_mem>>)
      %dma_wait3A = arith.constant 0 : i32
      %dma_wait3A_120 = tpu.memref_slice %arg7[%add3A_10, %dma_wait3A] : memref<10000x128xf32, #tpu.memory_space<vmem_shared>> -> memref<208x128xf32, #tpu.memory_space<vmem_shared>>
      %dma_wait3A_121 = arith.constant 0 : i32
      %dma_wait3A_122 = tpu.memref_slice %arg7[%add3A_10, %dma_wait3A_121] : memref<10000x128xf32, #tpu.memory_space<vmem_shared>> -> memref<208x128xf32, #tpu.memory_space<vmem_shared>>
      tpu.wait_dma2 semaphore(%run_scoped3A : memref<!tpu.dma_semaphore, #tpu.memory_space<semaphore_mem>>) src(%arg12 : memref<208x128xf32, #tpu.memory_space<vmem>>) dst(%dma_wait3A_122 : memref<208x128xf32, #tpu.memory_space<vmem_shared>>)
      tpu.yield
    }) : () -> ()
    %mul3A_11 = arith.constant 624 : i32
    %mul3A_12 = arith.muli %arg1, %mul3A_11 : i32
    %add3A_13 = arith.constant 208 : i32
    %add3A_14 = arith.addi %mul3A_12, %add3A_13 : i32
    "tpu.region"() ({
      %run_scoped3A = tpu.sem_alloc : memref<!tpu.dma_semaphore, #tpu.memory_space<semaphore_mem>>
      %dma_start3A = arith.constant 0 : i32
      %dma_start3A_117 = tpu.memref_slice %arg7[%add3A_14, %dma_start3A] : memref<10000x128xf32, #tpu.memory_space<vmem_shared>> -> memref<208x128xf32, #tpu.memory_space<vmem_shared>>
      %dma_start3A_118 = arith.constant 0 : i32
      %dma_start3A_119 = tpu.memref_slice %arg7[%add3A_14, %dma_start3A_118] : memref<10000x128xf32, #tpu.memory_space<vmem_shared>> -> memref<208x128xf32, #tpu.memory_space<vmem_shared>>
      tpu.enqueue_dma source(%arg12 : memref<208x128xf32, #tpu.memory_space<vmem>>) target(%dma_start3A_119 : memref<208x128xf32, #tpu.memory_space<vmem_shared>>) target_semaphore(%run_scoped3A : memref<!tpu.dma_semaphore, #tpu.memory_space<semaphore_mem>>)
      %dma_wait3A = arith.constant 0 : i32
      %dma_wait3A_120 = tpu.memref_slice %arg7[%add3A_14, %dma_wait3A] : memref<10000x128xf32, #tpu.memory_space<vmem_shared>> -> memref<208x128xf32, #tpu.memory_space<vmem_shared>>
      %dma_wait3A_121 = arith.constant 0 : i32
      %dma_wait3A_122 = tpu.memref_slice %arg7[%add3A_14, %dma_wait3A_121] : memref<10000x128xf32, #tpu.memory_space<vmem_shared>> -> memref<208x128xf32, #tpu.memory_space<vmem_shared>>
      tpu.wait_dma2 semaphore(%run_scoped3A : memref<!tpu.dma_semaphore, #tpu.memory_space<semaphore_mem>>) src(%arg12 : memref<208x128xf32, #tpu.memory_space<vmem>>) dst(%dma_wait3A_122 : memref<208x128xf32, #tpu.memory_space<vmem_shared>>)
      tpu.yield
    }) : () -> ()
    %mul3A_15 = arith.constant 624 : i32
    %mul3A_16 = arith.muli %arg1, %mul3A_15 : i32
    %add3A_17 = arith.constant 416 : i32
    %add3A_18 = arith.addi %mul3A_16, %add3A_17 : i32
    "tpu.region"() ({
      %run_scoped3A = tpu.sem_alloc : memref<!tpu.dma_semaphore, #tpu.memory_space<semaphore_mem>>
      %dma_start3A = arith.constant 0 : i32
      %dma_start3A_117 = tpu.memref_slice %arg7[%add3A_18, %dma_start3A] : memref<10000x128xf32, #tpu.memory_space<vmem_shared>> -> memref<208x128xf32, #tpu.memory_space<vmem_shared>>
      %dma_start3A_118 = arith.constant 0 : i32
      %dma_start3A_119 = tpu.memref_slice %arg7[%add3A_18, %dma_start3A_118] : memref<10000x128xf32, #tpu.memory_space<vmem_shared>> -> memref<208x128xf32, #tpu.memory_space<vmem_shared>>
      tpu.enqueue_dma source(%arg12 : memref<208x128xf32, #tpu.memory_space<vmem>>) target(%dma_start3A_119 : memref<208x128xf32, #tpu.memory_space<vmem_shared>>) target_semaphore(%run_scoped3A : memref<!tpu.dma_semaphore, #tpu.memory_space<semaphore_mem>>)
      %dma_wait3A = arith.constant 0 : i32
      %dma_wait3A_120 = tpu.memref_slice %arg7[%add3A_18, %dma_wait3A] : memref<10000x128xf32, #tpu.memory_space<vmem_shared>> -> memref<208x128xf32, #tpu.memory_space<vmem_shared>>
      %dma_wait3A_121 = arith.constant 0 : i32
      %dma_wait3A_122 = tpu.memref_slice %arg7[%add3A_18, %dma_wait3A_121] : memref<10000x128xf32, #tpu.memory_space<vmem_shared>> -> memref<208x128xf32, #tpu.memory_space<vmem_shared>>
      tpu.wait_dma2 semaphore(%run_scoped3A : memref<!tpu.dma_semaphore, #tpu.memory_space<semaphore_mem>>) src(%arg12 : memref<208x128xf32, #tpu.memory_space<vmem>>) dst(%dma_wait3A_122 : memref<208x128xf32, #tpu.memory_space<vmem_shared>>)
      tpu.yield
    }) : () -> ()
    %eq3A = arith.constant 15 : i32
    %eq3A_19 = arith.cmpi eq, %arg1, %eq3A : i32
    %convert_element_type3A = arith.extui %eq3A_19 : i1 to i32
    %cond3A = arith.constant 0 : i32
    %cond3A_20 = arith.cmpi ne, %convert_element_type3A, %cond3A : i32
    scf.if %cond3A_20 {
      "tpu.region"() ({
        %run_scoped3A = tpu.sem_alloc : memref<!tpu.dma_semaphore, #tpu.memory_space<semaphore_mem>>
        %dma_start3A = arith.constant 0 : i32
        %dma_start3A_117 = arith.constant 0 : i32
        %dma_start3A_118 = tpu.memref_slice %arg12[%dma_start3A, %dma_start3A_117] : memref<208x128xf32, #tpu.memory_space<vmem>> -> memref<16x128xf32, #tpu.memory_space<vmem>>
        %dma_start3A_119 = arith.constant 9984 : i32
        %dma_start3A_120 = arith.constant 0 : i32
        %dma_start3A_121 = tpu.memref_slice %arg7[%dma_start3A_119, %dma_start3A_120] : memref<10000x128xf32, #tpu.memory_space<vmem_shared>> -> memref<16x128xf32, #tpu.memory_space<vmem_shared>>
        %dma_start3A_122 = arith.constant 9984 : i32
        %dma_start3A_123 = arith.constant 0 : i32
        %dma_start3A_124 = tpu.memref_slice %arg7[%dma_start3A_122, %dma_start3A_123] : memref<10000x128xf32, #tpu.memory_space<vmem_shared>> -> memref<16x128xf32, #tpu.memory_space<vmem_shared>>
        %dma_start3A_125 = arith.constant 0 : i32
        %dma_start3A_126 = arith.constant 0 : i32
        %dma_start3A_127 = tpu.memref_slice %arg12[%dma_start3A_125, %dma_start3A_126] : memref<208x128xf32, #tpu.memory_space<vmem>> -> memref<16x128xf32, #tpu.memory_space<vmem>>
        tpu.enqueue_dma source(%dma_start3A_127 : memref<16x128xf32, #tpu.memory_space<vmem>>) target(%dma_start3A_124 : memref<16x128xf32, #tpu.memory_space<vmem_shared>>) target_semaphore(%run_scoped3A : memref<!tpu.dma_semaphore, #tpu.memory_space<semaphore_mem>>)
        %dma_wait3A = arith.constant 0 : i32
        %dma_wait3A_128 = arith.constant 0 : i32
        %dma_wait3A_129 = tpu.memref_slice %arg12[%dma_wait3A, %dma_wait3A_128] : memref<208x128xf32, #tpu.memory_space<vmem>> -> memref<16x128xf32, #tpu.memory_space<vmem>>
        %dma_wait3A_130 = arith.constant 9984 : i32
        %dma_wait3A_131 = arith.constant 0 : i32
        %dma_wait3A_132 = tpu.memref_slice %arg7[%dma_wait3A_130, %dma_wait3A_131] : memref<10000x128xf32, #tpu.memory_space<vmem_shared>> -> memref<16x128xf32, #tpu.memory_space<vmem_shared>>
        %dma_wait3A_133 = arith.constant 9984 : i32
        %dma_wait3A_134 = arith.constant 0 : i32
        %dma_wait3A_135 = tpu.memref_slice %arg7[%dma_wait3A_133, %dma_wait3A_134] : memref<10000x128xf32, #tpu.memory_space<vmem_shared>> -> memref<16x128xf32, #tpu.memory_space<vmem_shared>>
        %dma_wait3A_136 = arith.constant 0 : i32
        %dma_wait3A_137 = arith.constant 0 : i32
        %dma_wait3A_138 = tpu.memref_slice %arg12[%dma_wait3A_136, %dma_wait3A_137] : memref<208x128xf32, #tpu.memory_space<vmem>> -> memref<16x128xf32, #tpu.memory_space<vmem>>
        tpu.wait_dma2 semaphore(%run_scoped3A : memref<!tpu.dma_semaphore, #tpu.memory_space<semaphore_mem>>) src(%dma_wait3A_138 : memref<16x128xf32, #tpu.memory_space<vmem>>) dst(%dma_wait3A_135 : memref<16x128xf32, #tpu.memory_space<vmem_shared>>)
        tpu.yield
      }) : () -> ()
    } else {
    }
    "tpu.region"() ({
      %run_scoped3A = tpu.sem_alloc : memref<!tpu.dma_semaphore, #tpu.memory_space<semaphore_mem>>
      tpu.enqueue_dma source(%arg5 : memref<2x128xf32, #tpu.memory_space<hbm>>) target(%arg13 : memref<2x128xf32, #tpu.memory_space<vmem>>) target_semaphore(%run_scoped3A : memref<!tpu.dma_semaphore, #tpu.memory_space<semaphore_mem>>)
      tpu.wait_dma2 semaphore(%run_scoped3A : memref<!tpu.dma_semaphore, #tpu.memory_space<semaphore_mem>>) src(%arg5 : memref<2x128xf32, #tpu.memory_space<hbm>>) dst(%arg13 : memref<2x128xf32, #tpu.memory_space<vmem>>)
      tpu.yield
    }) : () -> ()
    %barrier3A = arith.constant 0 : index
    tpu.barrier barrier_id(%barrier3A)
    %get3A = arith.constant 0 : i32
    %get3A_21 = arith.index_cast %get3A : i32 to index
    %get3A_22 = arith.constant 0 : index
    %get3A_23 = tpu.vector_load %arg13[%get3A_21, %get3A_22] {strides = array<i32>} : memref<2x128xf32, #tpu.memory_space<vmem>>, vector<1x16xf32>,
    %get3A_24 = vector.shape_cast %get3A_23 : vector<1x16xf32> to vector<16xf32>
    %get3A_25 = arith.constant 0 : i32
    %get3A_26 = arith.index_cast %get3A_25 : i32 to index
    %get3A_27 = arith.constant 16 : index
    %get3A_28 = tpu.vector_load %arg13[%get3A_26, %get3A_27] {strides = array<i32>} : memref<2x128xf32, #tpu.memory_space<vmem>>, vector<1x16xf32>,
    %get3A_29 = vector.shape_cast %get3A_28 : vector<1x16xf32> to vector<16xf32>
    %get3A_30 = arith.constant 0 : i32
    %get3A_31 = arith.index_cast %get3A_30 : i32 to index
    %get3A_32 = arith.constant 32 : index
    %get3A_33 = tpu.vector_load %arg13[%get3A_31, %get3A_32] {strides = array<i32>} : memref<2x128xf32, #tpu.memory_space<vmem>>, vector<1x16xf32>,
    %get3A_34 = vector.shape_cast %get3A_33 : vector<1x16xf32> to vector<16xf32>
    %get3A_35 = arith.constant 0 : i32
    %get3A_36 = arith.index_cast %get3A_35 : i32 to index
    %get3A_37 = arith.constant 48 : index
    %get3A_38 = tpu.vector_load %arg13[%get3A_36, %get3A_37] {strides = array<i32>} : memref<2x128xf32, #tpu.memory_space<vmem>>, vector<1x16xf32>,
    %get3A_39 = vector.shape_cast %get3A_38 : vector<1x16xf32> to vector<16xf32>
    %get3A_40 = arith.constant 0 : i32
    %get3A_41 = arith.index_cast %get3A_40 : i32 to index
    %get3A_42 = arith.constant 64 : index
    %get3A_43 = tpu.vector_load %arg13[%get3A_41, %get3A_42] {strides = array<i32>} : memref<2x128xf32, #tpu.memory_space<vmem>>, vector<1x16xf32>,
    %get3A_44 = vector.shape_cast %get3A_43 : vector<1x16xf32> to vector<16xf32>
    %get3A_45 = arith.constant 0 : i32
    %get3A_46 = arith.index_cast %get3A_45 : i32 to index
    %get3A_47 = arith.constant 80 : index
    %get3A_48 = tpu.vector_load %arg13[%get3A_46, %get3A_47] {strides = array<i32>} : memref<2x128xf32, #tpu.memory_space<vmem>>, vector<1x16xf32>,
    %get3A_49 = vector.shape_cast %get3A_48 : vector<1x16xf32> to vector<16xf32>
    %get3A_50 = arith.constant 0 : i32
    %get3A_51 = arith.index_cast %get3A_50 : i32 to index
    %get3A_52 = arith.constant 96 : index
    %get3A_53 = tpu.vector_load %arg13[%get3A_51, %get3A_52] {strides = array<i32>} : memref<2x128xf32, #tpu.memory_space<vmem>>, vector<1x16xf32>,
    %get3A_54 = vector.shape_cast %get3A_53 : vector<1x16xf32> to vector<16xf32>
    %get3A_55 = arith.constant 0 : i32
    %get3A_56 = arith.index_cast %get3A_55 : i32 to index
    %get3A_57 = arith.constant 112 : index
    %get3A_58 = tpu.vector_load %arg13[%get3A_56, %get3A_57] {strides = array<i32>} : memref<2x128xf32, #tpu.memory_space<vmem>>, vector<1x16xf32>,
    %get3A_59 = vector.shape_cast %get3A_58 : vector<1x16xf32> to vector<16xf32>
    %get3A_60 = arith.constant 1 : i32
    %get3A_61 = arith.index_cast %get3A_60 : i32 to index
    %get3A_62 = arith.constant 0 : index
    %get3A_63 = tpu.vector_load %arg13[%get3A_61, %get3A_62] {strides = array<i32>} : memref<2x128xf32, #tpu.memory_space<vmem>>, vector<1x16xf32>,
    %get3A_64 = vector.shape_cast %get3A_63 : vector<1x16xf32> to vector<16xf32>
    %get3A_65 = arith.constant 1 : i32
    %get3A_66 = arith.index_cast %get3A_65 : i32 to index
    %get3A_67 = arith.constant 16 : index
    %get3A_68 = tpu.vector_load %arg13[%get3A_66, %get3A_67] {strides = array<i32>} : memref<2x128xf32, #tpu.memory_space<vmem>>, vector<1x16xf32>,
    %get3A_69 = vector.shape_cast %get3A_68 : vector<1x16xf32> to vector<16xf32>
    %get3A_70 = arith.constant 1 : i32
    %get3A_71 = arith.index_cast %get3A_70 : i32 to index
    %get3A_72 = arith.constant 32 : index
    %get3A_73 = tpu.vector_load %arg13[%get3A_71, %get3A_72] {strides = array<i32>} : memref<2x128xf32, #tpu.memory_space<vmem>>, vector<1x16xf32>,
    %get3A_74 = vector.shape_cast %get3A_73 : vector<1x16xf32> to vector<16xf32>
    %get3A_75 = arith.constant 1 : i32
    %get3A_76 = arith.index_cast %get3A_75 : i32 to index
    %get3A_77 = arith.constant 48 : index
    %get3A_78 = tpu.vector_load %arg13[%get3A_76, %get3A_77] {strides = array<i32>} : memref<2x128xf32, #tpu.memory_space<vmem>>, vector<1x16xf32>,
    %get3A_79 = vector.shape_cast %get3A_78 : vector<1x16xf32> to vector<16xf32>
    %get3A_80 = arith.constant 1 : i32
    %get3A_81 = arith.index_cast %get3A_80 : i32 to index
    %get3A_82 = arith.constant 64 : index
    %get3A_83 = tpu.vector_load %arg13[%get3A_81, %get3A_82] {strides = array<i32>} : memref<2x128xf32, #tpu.memory_space<vmem>>, vector<1x16xf32>,
    %get3A_84 = vector.shape_cast %get3A_83 : vector<1x16xf32> to vector<16xf32>
    %get3A_85 = arith.constant 1 : i32
    %get3A_86 = arith.index_cast %get3A_85 : i32 to index
    %get3A_87 = arith.constant 80 : index
    %get3A_88 = tpu.vector_load %arg13[%get3A_86, %get3A_87] {strides = array<i32>} : memref<2x128xf32, #tpu.memory_space<vmem>>, vector<1x16xf32>,
    %get3A_89 = vector.shape_cast %get3A_88 : vector<1x16xf32> to vector<16xf32>
    %get3A_90 = arith.constant 1 : i32
    %get3A_91 = arith.index_cast %get3A_90 : i32 to index
    %get3A_92 = arith.constant 96 : index
    %get3A_93 = tpu.vector_load %arg13[%get3A_91, %get3A_92] {strides = array<i32>} : memref<2x128xf32, #tpu.memory_space<vmem>>, vector<1x16xf32>,
    %get3A_94 = vector.shape_cast %get3A_93 : vector<1x16xf32> to vector<16xf32>
    %get3A_95 = arith.constant 1 : i32
    %get3A_96 = arith.index_cast %get3A_95 : i32 to index
    %get3A_97 = arith.constant 112 : index
    %get3A_98 = tpu.vector_load %arg13[%get3A_96, %get3A_97] {strides = array<i32>} : memref<2x128xf32, #tpu.memory_space<vmem>>, vector<1x16xf32>,
    %get3A_99 = vector.shape_cast %get3A_98 : vector<1x16xf32> to vector<16xf32>
    %scan3A_100 = arith.constant 0 : i32
    %scan3A_101 = arith.constant 0 : i32
    %scan3A_102 = arith.constant 125 : i32
    %scan3A_103 = arith.addi %scan3A_101, %scan3A_102 : i32
    %scan3A_104 = arith.constant 1 : i32
    %scan3A_105 = scf.for %scan3A_117 = %scan3A_101 to %scan3A_103 step %scan3A_104 iter_args(%scan3A_118 = %scan3A_100) -> (i32)  : i32 {
      %mul3A_119 = arith.constant 10000 : i32
      %mul3A_120 = arith.muli %add3A, %mul3A_119 : i32
      %mul3A_121 = arith.constant 80 : i32
      %mul3A_122 = arith.muli %scan3A_117, %mul3A_121 : i32
      %add3A_123 = arith.addi %mul3A_120, %mul3A_122 : i32
      %dma_start3A = tpu.memref_slice %arg4[%add3A_123] : memref<640000xi32, #tpu.memory_space<hbm>> -> memref<80xi32, #tpu.memory_space<hbm>>
      %dma_start3A_124 = tpu.memref_slice %arg4[%add3A_123] : memref<640000xi32, #tpu.memory_space<hbm>> -> memref<80xi32, #tpu.memory_space<hbm>>
      tpu.enqueue_dma source(%dma_start3A_124 : memref<80xi32, #tpu.memory_space<hbm>>) target(%arg10 : memref<80xi32, #tpu.memory_space<vmem>>) target_semaphore(%arg14 : memref<!tpu.dma_semaphore, #tpu.memory_space<semaphore_mem>>)
      %dma_start3A_125 = arith.constant 2 : i32
      %dma_start3A_126 = arith.constant 0 : i32
      %dma_start3A_127 = tpu.memref_slice %arg3[%dma_start3A_125, %add3A_123, %dma_start3A_126] : memref<4x320000x128xf32, #tpu.memory_space<hbm>> -> memref<1x80x128xf32, #tpu.memory_space<hbm>>
      %dma_start3A_128 = tpu.memref_squeeze %dma_start3A_127 : memref<1x80x128xf32, #tpu.memory_space<hbm>> -> memref<80x128xf32, #tpu.memory_space<hbm>>
      %dma_start3A_129 = arith.constant 0 : i32
      %dma_start3A_130 = tpu.memref_slice %arg3[%dma_start3A_125, %add3A_123, %dma_start3A_129] : memref<4x320000x128xf32, #tpu.memory_space<hbm>> -> memref<1x80x128xf32, #tpu.memory_space<hbm>>
      %dma_start3A_131 = tpu.memref_squeeze %dma_start3A_130 : memref<1x80x128xf32, #tpu.memory_space<hbm>> -> memref<80x128xf32, #tpu.memory_space<hbm>>
      tpu.enqueue_dma source(%dma_start3A_131 : memref<80x128xf32, #tpu.memory_space<hbm>>) target(%arg8 : memref<80x128xf32, #tpu.memory_space<vmem>>) target_semaphore(%arg15 : memref<!tpu.dma_semaphore, #tpu.memory_space<semaphore_mem>>)
      %add3A_132 = arith.constant 320000 : i32
      %add3A_133 = arith.addi %add3A_132, %add3A_123 : i32
      %dma_start3A_134 = tpu.memref_slice %arg4[%add3A_133] : memref<640000xi32, #tpu.memory_space<hbm>> -> memref<80xi32, #tpu.memory_space<hbm>>
      %dma_start3A_135 = tpu.memref_slice %arg4[%add3A_133] : memref<640000xi32, #tpu.memory_space<hbm>> -> memref<80xi32, #tpu.memory_space<hbm>>
      tpu.enqueue_dma source(%dma_start3A_135 : memref<80xi32, #tpu.memory_space<hbm>>) target(%arg11 : memref<80xi32, #tpu.memory_space<vmem>>) target_semaphore(%arg16 : memref<!tpu.dma_semaphore, #tpu.memory_space<semaphore_mem>>)
      %dma_wait3A = tpu.memref_slice %arg4[%add3A_123] : memref<640000xi32, #tpu.memory_space<hbm>> -> memref<80xi32, #tpu.memory_space<hbm>>
      %dma_wait3A_136 = tpu.memref_slice %arg4[%add3A_123] : memref<640000xi32, #tpu.memory_space<hbm>> -> memref<80xi32, #tpu.memory_space<hbm>>
      tpu.wait_dma2 semaphore(%arg14 : memref<!tpu.dma_semaphore, #tpu.memory_space<semaphore_mem>>) src(%dma_wait3A_136 : memref<80xi32, #tpu.memory_space<hbm>>) dst(%arg10 : memref<80xi32, #tpu.memory_space<vmem>>)
      %dma_start3A_137 = arith.constant 0 : i32
      %dma_start3A_138 = arith.constant 0 : i32
      %dma_start3A_139 = tpu.memref_slice %arg2[%dma_start3A_137, %dma_start3A_138] : memref<10000x128xf32, #tpu.memory_space<hbm>> -> memref<10000x128xf32, #tpu.memory_space<hbm>>
      tpu.enqueue_indirect_dma source(%dma_start3A_139 : memref<10000x128xf32, #tpu.memory_space<hbm>>) target(%arg9 : memref<80x128xf32, #tpu.memory_space<vmem>>) offsets(%arg10 : memref<80xi32, #tpu.memory_space<vmem>>) semaphore(%arg17 : memref<!tpu.dma_semaphore, #tpu.memory_space<semaphore_mem>>)
      %dma_wait3A_140 = arith.constant 2 : i32
      %dma_wait3A_141 = arith.constant 0 : i32
      %dma_wait3A_142 = tpu.memref_slice %arg3[%dma_wait3A_140, %add3A_123, %dma_wait3A_141] : memref<4x320000x128xf32, #tpu.memory_space<hbm>> -> memref<1x80x128xf32, #tpu.memory_space<hbm>>
      %dma_wait3A_143 = tpu.memref_squeeze %dma_wait3A_142 : memref<1x80x128xf32, #tpu.memory_space<hbm>> -> memref<80x128xf32, #tpu.memory_space<hbm>>
      %dma_wait3A_144 = arith.constant 0 : i32
      %dma_wait3A_145 = tpu.memref_slice %arg3[%dma_wait3A_140, %add3A_123, %dma_wait3A_144] : memref<4x320000x128xf32, #tpu.memory_space<hbm>> -> memref<1x80x128xf32, #tpu.memory_space<hbm>>
      %dma_wait3A_146 = tpu.memref_squeeze %dma_wait3A_145 : memref<1x80x128xf32, #tpu.memory_space<hbm>> -> memref<80x128xf32, #tpu.memory_space<hbm>>
      tpu.wait_dma2 semaphore(%arg15 : memref<!tpu.dma_semaphore, #tpu.memory_space<semaphore_mem>>) src(%dma_wait3A_146 : memref<80x128xf32, #tpu.memory_space<hbm>>) dst(%arg8 : memref<80x128xf32, #tpu.memory_space<vmem>>)
      %dma_wait3A_147 = arith.constant 0 : i32
      %dma_wait3A_148 = arith.constant 0 : i32
      %dma_wait3A_149 = tpu.memref_slice %arg2[%dma_wait3A_147, %dma_wait3A_148] : memref<10000x128xf32, #tpu.memory_space<hbm>> -> memref<10000x128xf32, #tpu.memory_space<hbm>>
      tpu.wait_indirect_dma semaphore(%arg17 : memref<!tpu.dma_semaphore, #tpu.memory_space<semaphore_mem>>) src(%dma_wait3A_149 : memref<10000x128xf32, #tpu.memory_space<hbm>>) dst(%arg9 : memref<80x128xf32, #tpu.memory_space<vmem>>)
      %scan3A_150 = arith.constant 0 : i32
      %scan3A_151 = arith.constant 0 : i32
      %scan3A_152 = arith.constant 80 : i32
      %scan3A_153 = arith.addi %scan3A_151, %scan3A_152 : i32
      %scan3A_154 = arith.constant 1 : i32
      %scan3A_155 = scf.for %scan3A_160 = %scan3A_151 to %scan3A_153 step %scan3A_154 iter_args(%scan3A_161 = %scan3A_150) -> (i32)  : i32 {
        %get3A_162 = arith.index_cast %scan3A_160 : i32 to index
        %get3A_163 = arith.constant 0 : index
        %get3A_164 = tpu.vector_load %arg9[%get3A_162, %get3A_163] {strides = array<i32>} : memref<80x128xf32, #tpu.memory_space<vmem>>, vector<1x16xf32>,
        %get3A_165 = vector.shape_cast %get3A_164 : vector<1x16xf32> to vector<16xf32>
        %mul3A_166 = arith.mulf %get3A_24, %get3A_165 : vector<16xf32>
        %add3A_167 = arith.addf %mul3A_166, %get3A_64 : vector<16xf32>
        %ge3A = arith.constant 0.000000e+00 : f32
        %ge3A_168 = vector.broadcast %ge3A : f32 to vector<16xf32>
        %ge3A_169 = arith.cmpf oge, %add3A_167, %ge3A_168 : vector<16xf32>
        %mul3A_170 = arith.constant 9.99999974E-5 : f32
        %mul3A_171 = vector.broadcast %mul3A_170 : f32 to vector<16xf32>
        %mul3A_172 = arith.mulf %mul3A_171, %add3A_167 : vector<16xf32>
        %select_n3A = arith.select %ge3A_169, %add3A_167, %mul3A_172 : vector<16xi1>, vector<16xf32>
        %get3A_173 = arith.index_cast %scan3A_160 : i32 to index
        %get3A_174 = arith.constant 0 : index
        %get3A_175 = tpu.vector_load %arg8[%get3A_173, %get3A_174] {strides = array<i32>} : memref<80x128xf32, #tpu.memory_space<vmem>>, vector<1x16xf32>,
        %get3A_176 = vector.shape_cast %get3A_175 : vector<1x16xf32> to vector<16xf32>
        %add3A_177 = arith.addf %select_n3A, %get3A_176 : vector<16xf32>
        %max3A = arith.constant 0.000000e+00 : f32
        %max3A_178 = vector.broadcast %max3A : f32 to vector<16xf32>
        %max3A_179 = arith.maximumf %add3A_177, %max3A_178 : vector<16xf32>
        %swap3A = arith.index_cast %scan3A_160 : i32 to index
        %swap3A_180 = arith.constant 0 : index
        %swap3A_181 = tpu.vector_load %arg8[%swap3A, %swap3A_180] {strides = array<i32>} : memref<80x128xf32, #tpu.memory_space<vmem>>, vector<1x16xf32>,
        %swap3A_182 = vector.shape_cast %swap3A_181 : vector<1x16xf32> to vector<16xf32>
        %swap3A_183 = vector.shape_cast %max3A_179 : vector<16xf32> to vector<1x16xf32>
        tpu.vector_store %arg8[%swap3A, %swap3A_180], %swap3A_183 {strides = array<i32>} : memref<80x128xf32, #tpu.memory_space<vmem>>, vector<1x16xf32>,
        %get3A_184 = arith.index_cast %scan3A_160 : i32 to index
        %get3A_185 = arith.constant 16 : index
        %get3A_186 = tpu.vector_load %arg9[%get3A_184, %get3A_185] {strides = array<i32>} : memref<80x128xf32, #tpu.memory_space<vmem>>, vector<1x16xf32>,
        %get3A_187 = vector.shape_cast %get3A_186 : vector<1x16xf32> to vector<16xf32>
        %mul3A_188 = arith.mulf %get3A_29, %get3A_187 : vector<16xf32>
        %add3A_189 = arith.addf %mul3A_188, %get3A_69 : vector<16xf32>
        %ge3A_190 = arith.constant 0.000000e+00 : f32
        %ge3A_191 = vector.broadcast %ge3A_190 : f32 to vector<16xf32>
        %ge3A_192 = arith.cmpf oge, %add3A_189, %ge3A_191 : vector<16xf32>
        %mul3A_193 = arith.constant 9.99999974E-5 : f32
        %mul3A_194 = vector.broadcast %mul3A_193 : f32 to vector<16xf32>
        %mul3A_195 = arith.mulf %mul3A_194, %add3A_189 : vector<16xf32>
        %select_n3A_196 = arith.select %ge3A_192, %add3A_189, %mul3A_195 : vector<16xi1>, vector<16xf32>
        %get3A_197 = arith.index_cast %scan3A_160 : i32 to index
        %get3A_198 = arith.constant 16 : index
        %get3A_199 = tpu.vector_load %arg8[%get3A_197, %get3A_198] {strides = array<i32>} : memref<80x128xf32, #tpu.memory_space<vmem>>, vector<1x16xf32>,
        %get3A_200 = vector.shape_cast %get3A_199 : vector<1x16xf32> to vector<16xf32>
        %add3A_201 = arith.addf %select_n3A_196, %get3A_200 : vector<16xf32>
        %max3A_202 = arith.constant 0.000000e+00 : f32
        %max3A_203 = vector.broadcast %max3A_202 : f32 to vector<16xf32>
        %max3A_204 = arith.maximumf %add3A_201, %max3A_203 : vector<16xf32>
        %swap3A_205 = arith.index_cast %scan3A_160 : i32 to index
        %swap3A_206 = arith.constant 16 : index
        %swap3A_207 = tpu.vector_load %arg8[%swap3A_205, %swap3A_206] {strides = array<i32>} : memref<80x128xf32, #tpu.memory_space<vmem>>, vector<1x16xf32>,
        %swap3A_208 = vector.shape_cast %swap3A_207 : vector<1x16xf32> to vector<16xf32>
        %swap3A_209 = vector.shape_cast %max3A_204 : vector<16xf32> to vector<1x16xf32>
        tpu.vector_store %arg8[%swap3A_205, %swap3A_206], %swap3A_209 {strides = array<i32>} : memref<80x128xf32, #tpu.memory_space<vmem>>, vector<1x16xf32>,
        %get3A_210 = arith.index_cast %scan3A_160 : i32 to index
        %get3A_211 = arith.constant 32 : index
        %get3A_212 = tpu.vector_load %arg9[%get3A_210, %get3A_211] {strides = array<i32>} : memref<80x128xf32, #tpu.memory_space<vmem>>, vector<1x16xf32>,
        %get3A_213 = vector.shape_cast %get3A_212 : vector<1x16xf32> to vector<16xf32>
        %mul3A_214 = arith.mulf %get3A_34, %get3A_213 : vector<16xf32>
        %add3A_215 = arith.addf %mul3A_214, %get3A_74 : vector<16xf32>
        %ge3A_216 = arith.constant 0.000000e+00 : f32
        %ge3A_217 = vector.broadcast %ge3A_216 : f32 to vector<16xf32>
        %ge3A_218 = arith.cmpf oge, %add3A_215, %ge3A_217 : vector<16xf32>
        %mul3A_219 = arith.constant 9.99999974E-5 : f32
        %mul3A_220 = vector.broadcast %mul3A_219 : f32 to vector<16xf32>
        %mul3A_221 = arith.mulf %mul3A_220, %add3A_215 : vector<16xf32>
        %select_n3A_222 = arith.select %ge3A_218, %add3A_215, %mul3A_221 : vector<16xi1>, vector<16xf32>
        %get3A_223 = arith.index_cast %scan3A_160 : i32 to index
        %get3A_224 = arith.constant 32 : index
        %get3A_225 = tpu.vector_load %arg8[%get3A_223, %get3A_224] {strides = array<i32>} : memref<80x128xf32, #tpu.memory_space<vmem>>, vector<1x16xf32>,
        %get3A_226 = vector.shape_cast %get3A_225 : vector<1x16xf32> to vector<16xf32>
        %add3A_227 = arith.addf %select_n3A_222, %get3A_226 : vector<16xf32>
        %max3A_228 = arith.constant 0.000000e+00 : f32
        %max3A_229 = vector.broadcast %max3A_228 : f32 to vector<16xf32>
        %max3A_230 = arith.maximumf %add3A_227, %max3A_229 : vector<16xf32>
        %swap3A_231 = arith.index_cast %scan3A_160 : i32 to index
        %swap3A_232 = arith.constant 32 : index
        %swap3A_233 = tpu.vector_load %arg8[%swap3A_231, %swap3A_232] {strides = array<i32>} : memref<80x128xf32, #tpu.memory_space<vmem>>, vector<1x16xf32>,
        %swap3A_234 = vector.shape_cast %swap3A_233 : vector<1x16xf32> to vector<16xf32>
        %swap3A_235 = vector.shape_cast %max3A_230 : vector<16xf32> to vector<1x16xf32>
        tpu.vector_store %arg8[%swap3A_231, %swap3A_232], %swap3A_235 {strides = array<i32>} : memref<80x128xf32, #tpu.memory_space<vmem>>, vector<1x16xf32>,
        %get3A_236 = arith.index_cast %scan3A_160 : i32 to index
        %get3A_237 = arith.constant 48 : index
        %get3A_238 = tpu.vector_load %arg9[%get3A_236, %get3A_237] {strides = array<i32>} : memref<80x128xf32, #tpu.memory_space<vmem>>, vector<1x16xf32>,
        %get3A_239 = vector.shape_cast %get3A_238 : vector<1x16xf32> to vector<16xf32>
        %mul3A_240 = arith.mulf %get3A_39, %get3A_239 : vector<16xf32>
        %add3A_241 = arith.addf %mul3A_240, %get3A_79 : vector<16xf32>
        %ge3A_242 = arith.constant 0.000000e+00 : f32
        %ge3A_243 = vector.broadcast %ge3A_242 : f32 to vector<16xf32>
        %ge3A_244 = arith.cmpf oge, %add3A_241, %ge3A_243 : vector<16xf32>
        %mul3A_245 = arith.constant 9.99999974E-5 : f32
        %mul3A_246 = vector.broadcast %mul3A_245 : f32 to vector<16xf32>
        %mul3A_247 = arith.mulf %mul3A_246, %add3A_241 : vector<16xf32>
        %select_n3A_248 = arith.select %ge3A_244, %add3A_241, %mul3A_247 : vector<16xi1>, vector<16xf32>
        %get3A_249 = arith.index_cast %scan3A_160 : i32 to index
        %get3A_250 = arith.constant 48 : index
        %get3A_251 = tpu.vector_load %arg8[%get3A_249, %get3A_250] {strides = array<i32>} : memref<80x128xf32, #tpu.memory_space<vmem>>, vector<1x16xf32>,
        %get3A_252 = vector.shape_cast %get3A_251 : vector<1x16xf32> to vector<16xf32>
        %add3A_253 = arith.addf %select_n3A_248, %get3A_252 : vector<16xf32>
        %max3A_254 = arith.constant 0.000000e+00 : f32
        %max3A_255 = vector.broadcast %max3A_254 : f32 to vector<16xf32>
        %max3A_256 = arith.maximumf %add3A_253, %max3A_255 : vector<16xf32>
        %swap3A_257 = arith.index_cast %scan3A_160 : i32 to index
        %swap3A_258 = arith.constant 48 : index
        %swap3A_259 = tpu.vector_load %arg8[%swap3A_257, %swap3A_258] {strides = array<i32>} : memref<80x128xf32, #tpu.memory_space<vmem>>, vector<1x16xf32>,
        %swap3A_260 = vector.shape_cast %swap3A_259 : vector<1x16xf32> to vector<16xf32>
        %swap3A_261 = vector.shape_cast %max3A_256 : vector<16xf32> to vector<1x16xf32>
        tpu.vector_store %arg8[%swap3A_257, %swap3A_258], %swap3A_261 {strides = array<i32>} : memref<80x128xf32, #tpu.memory_space<vmem>>, vector<1x16xf32>,
        %get3A_262 = arith.index_cast %scan3A_160 : i32 to index
        %get3A_263 = arith.constant 64 : index
        %get3A_264 = tpu.vector_load %arg9[%get3A_262, %get3A_263] {strides = array<i32>} : memref<80x128xf32, #tpu.memory_space<vmem>>, vector<1x16xf32>,
        %get3A_265 = vector.shape_cast %get3A_264 : vector<1x16xf32> to vector<16xf32>
        %mul3A_266 = arith.mulf %get3A_44, %get3A_265 : vector<16xf32>
        %add3A_267 = arith.addf %mul3A_266, %get3A_84 : vector<16xf32>
        %ge3A_268 = arith.constant 0.000000e+00 : f32
        %ge3A_269 = vector.broadcast %ge3A_268 : f32 to vector<16xf32>
        %ge3A_270 = arith.cmpf oge, %add3A_267, %ge3A_269 : vector<16xf32>
        %mul3A_271 = arith.constant 9.99999974E-5 : f32
        %mul3A_272 = vector.broadcast %mul3A_271 : f32 to vector<16xf32>
        %mul3A_273 = arith.mulf %mul3A_272, %add3A_267 : vector<16xf32>
        %select_n3A_274 = arith.select %ge3A_270, %add3A_267, %mul3A_273 : vector<16xi1>, vector<16xf32>
        %get3A_275 = arith.index_cast %scan3A_160 : i32 to index
        %get3A_276 = arith.constant 64 : index
        %get3A_277 = tpu.vector_load %arg8[%get3A_275, %get3A_276] {strides = array<i32>} : memref<80x128xf32, #tpu.memory_space<vmem>>, vector<1x16xf32>,
        %get3A_278 = vector.shape_cast %get3A_277 : vector<1x16xf32> to vector<16xf32>
        %add3A_279 = arith.addf %select_n3A_274, %get3A_278 : vector<16xf32>
        %max3A_280 = arith.constant 0.000000e+00 : f32
        %max3A_281 = vector.broadcast %max3A_280 : f32 to vector<16xf32>
        %max3A_282 = arith.maximumf %add3A_279, %max3A_281 : vector<16xf32>
        %swap3A_283 = arith.index_cast %scan3A_160 : i32 to index
        %swap3A_284 = arith.constant 64 : index
        %swap3A_285 = tpu.vector_load %arg8[%swap3A_283, %swap3A_284] {strides = array<i32>} : memref<80x128xf32, #tpu.memory_space<vmem>>, vector<1x16xf32>,
        %swap3A_286 = vector.shape_cast %swap3A_285 : vector<1x16xf32> to vector<16xf32>
        %swap3A_287 = vector.shape_cast %max3A_282 : vector<16xf32> to vector<1x16xf32>
        tpu.vector_store %arg8[%swap3A_283, %swap3A_284], %swap3A_287 {strides = array<i32>} : memref<80x128xf32, #tpu.memory_space<vmem>>, vector<1x16xf32>,
        %get3A_288 = arith.index_cast %scan3A_160 : i32 to index
        %get3A_289 = arith.constant 80 : index
        %get3A_290 = tpu.vector_load %arg9[%get3A_288, %get3A_289] {strides = array<i32>} : memref<80x128xf32, #tpu.memory_space<vmem>>, vector<1x16xf32>,
        %get3A_291 = vector.shape_cast %get3A_290 : vector<1x16xf32> to vector<16xf32>
        %mul3A_292 = arith.mulf %get3A_49, %get3A_291 : vector<16xf32>
        %add3A_293 = arith.addf %mul3A_292, %get3A_89 : vector<16xf32>
        %ge3A_294 = arith.constant 0.000000e+00 : f32
        %ge3A_295 = vector.broadcast %ge3A_294 : f32 to vector<16xf32>
        %ge3A_296 = arith.cmpf oge, %add3A_293, %ge3A_295 : vector<16xf32>
        %mul3A_297 = arith.constant 9.99999974E-5 : f32
        %mul3A_298 = vector.broadcast %mul3A_297 : f32 to vector<16xf32>
        %mul3A_299 = arith.mulf %mul3A_298, %add3A_293 : vector<16xf32>
        %select_n3A_300 = arith.select %ge3A_296, %add3A_293, %mul3A_299 : vector<16xi1>, vector<16xf32>
        %get3A_301 = arith.index_cast %scan3A_160 : i32 to index
        %get3A_302 = arith.constant 80 : index
        %get3A_303 = tpu.vector_load %arg8[%get3A_301, %get3A_302] {strides = array<i32>} : memref<80x128xf32, #tpu.memory_space<vmem>>, vector<1x16xf32>,
        %get3A_304 = vector.shape_cast %get3A_303 : vector<1x16xf32> to vector<16xf32>
        %add3A_305 = arith.addf %select_n3A_300, %get3A_304 : vector<16xf32>
        %max3A_306 = arith.constant 0.000000e+00 : f32
        %max3A_307 = vector.broadcast %max3A_306 : f32 to vector<16xf32>
        %max3A_308 = arith.maximumf %add3A_305, %max3A_307 : vector<16xf32>
        %swap3A_309 = arith.index_cast %scan3A_160 : i32 to index
        %swap3A_310 = arith.constant 80 : index
        %swap3A_311 = tpu.vector_load %arg8[%swap3A_309, %swap3A_310] {strides = array<i32>} : memref<80x128xf32, #tpu.memory_space<vmem>>, vector<1x16xf32>,
        %swap3A_312 = vector.shape_cast %swap3A_311 : vector<1x16xf32> to vector<16xf32>
        %swap3A_313 = vector.shape_cast %max3A_308 : vector<16xf32> to vector<1x16xf32>
        tpu.vector_store %arg8[%swap3A_309, %swap3A_310], %swap3A_313 {strides = array<i32>} : memref<80x128xf32, #tpu.memory_space<vmem>>, vector<1x16xf32>,
        %get3A_314 = arith.index_cast %scan3A_160 : i32 to index
        %get3A_315 = arith.constant 96 : index
        %get3A_316 = tpu.vector_load %arg9[%get3A_314, %get3A_315] {strides = array<i32>} : memref<80x128xf32, #tpu.memory_space<vmem>>, vector<1x16xf32>,
        %get3A_317 = vector.shape_cast %get3A_316 : vector<1x16xf32> to vector<16xf32>
        %mul3A_318 = arith.mulf %get3A_54, %get3A_317 : vector<16xf32>
        %add3A_319 = arith.addf %mul3A_318, %get3A_94 : vector<16xf32>
        %ge3A_320 = arith.constant 0.000000e+00 : f32
        %ge3A_321 = vector.broadcast %ge3A_320 : f32 to vector<16xf32>
        %ge3A_322 = arith.cmpf oge, %add3A_319, %ge3A_321 : vector<16xf32>
        %mul3A_323 = arith.constant 9.99999974E-5 : f32
        %mul3A_324 = vector.broadcast %mul3A_323 : f32 to vector<16xf32>
        %mul3A_325 = arith.mulf %mul3A_324, %add3A_319 : vector<16xf32>
        %select_n3A_326 = arith.select %ge3A_322, %add3A_319, %mul3A_325 : vector<16xi1>, vector<16xf32>
        %get3A_327 = arith.index_cast %scan3A_160 : i32 to index
        %get3A_328 = arith.constant 96 : index
        %get3A_329 = tpu.vector_load %arg8[%get3A_327, %get3A_328] {strides = array<i32>} : memref<80x128xf32, #tpu.memory_space<vmem>>, vector<1x16xf32>,
        %get3A_330 = vector.shape_cast %get3A_329 : vector<1x16xf32> to vector<16xf32>
        %add3A_331 = arith.addf %select_n3A_326, %get3A_330 : vector<16xf32>
        %max3A_332 = arith.constant 0.000000e+00 : f32
        %max3A_333 = vector.broadcast %max3A_332 : f32 to vector<16xf32>
        %max3A_334 = arith.maximumf %add3A_331, %max3A_333 : vector<16xf32>
        %swap3A_335 = arith.index_cast %scan3A_160 : i32 to index
        %swap3A_336 = arith.constant 96 : index
        %swap3A_337 = tpu.vector_load %arg8[%swap3A_335, %swap3A_336] {strides = array<i32>} : memref<80x128xf32, #tpu.memory_space<vmem>>, vector<1x16xf32>,
        %swap3A_338 = vector.shape_cast %swap3A_337 : vector<1x16xf32> to vector<16xf32>
        %swap3A_339 = vector.shape_cast %max3A_334 : vector<16xf32> to vector<1x16xf32>
        tpu.vector_store %arg8[%swap3A_335, %swap3A_336], %swap3A_339 {strides = array<i32>} : memref<80x128xf32, #tpu.memory_space<vmem>>, vector<1x16xf32>,
        %get3A_340 = arith.index_cast %scan3A_160 : i32 to index
        %get3A_341 = arith.constant 112 : index
        %get3A_342 = tpu.vector_load %arg9[%get3A_340, %get3A_341] {strides = array<i32>} : memref<80x128xf32, #tpu.memory_space<vmem>>, vector<1x16xf32>,
        %get3A_343 = vector.shape_cast %get3A_342 : vector<1x16xf32> to vector<16xf32>
        %mul3A_344 = arith.mulf %get3A_59, %get3A_343 : vector<16xf32>
        %add3A_345 = arith.addf %mul3A_344, %get3A_99 : vector<16xf32>
        %ge3A_346 = arith.constant 0.000000e+00 : f32
        %ge3A_347 = vector.broadcast %ge3A_346 : f32 to vector<16xf32>
        %ge3A_348 = arith.cmpf oge, %add3A_345, %ge3A_347 : vector<16xf32>
        %mul3A_349 = arith.constant 9.99999974E-5 : f32
        %mul3A_350 = vector.broadcast %mul3A_349 : f32 to vector<16xf32>
        %mul3A_351 = arith.mulf %mul3A_350, %add3A_345 : vector<16xf32>
        %select_n3A_352 = arith.select %ge3A_348, %add3A_345, %mul3A_351 : vector<16xi1>, vector<16xf32>
        %get3A_353 = arith.index_cast %scan3A_160 : i32 to index
        %get3A_354 = arith.constant 112 : index
        %get3A_355 = tpu.vector_load %arg8[%get3A_353, %get3A_354] {strides = array<i32>} : memref<80x128xf32, #tpu.memory_space<vmem>>, vector<1x16xf32>,
        %get3A_356 = vector.shape_cast %get3A_355 : vector<1x16xf32> to vector<16xf32>
        %add3A_357 = arith.addf %select_n3A_352, %get3A_356 : vector<16xf32>
        %max3A_358 = arith.constant 0.000000e+00 : f32
        %max3A_359 = vector.broadcast %max3A_358 : f32 to vector<16xf32>
        %max3A_360 = arith.maximumf %add3A_357, %max3A_359 : vector<16xf32>
        %swap3A_361 = arith.index_cast %scan3A_160 : i32 to index
        %swap3A_362 = arith.constant 112 : index
        %swap3A_363 = tpu.vector_load %arg8[%swap3A_361, %swap3A_362] {strides = array<i32>} : memref<80x128xf32, #tpu.memory_space<vmem>>, vector<1x16xf32>,
        %swap3A_364 = vector.shape_cast %swap3A_363 : vector<1x16xf32> to vector<16xf32>
        %swap3A_365 = vector.shape_cast %max3A_360 : vector<16xf32> to vector<1x16xf32>
        tpu.vector_store %arg8[%swap3A_361, %swap3A_362], %swap3A_365 {strides = array<i32>} : memref<80x128xf32, #tpu.memory_space<vmem>>, vector<1x16xf32>,
        %scan3A_366 = arith.constant 0 : i32
        scf.yield %scan3A_366 : i32
      }
      %scan3A_156 = arith.constant 80 : i32
      %dma_wait3A_157 = tpu.memref_slice %arg4[%add3A_133] : memref<640000xi32, #tpu.memory_space<hbm>> -> memref<80xi32, #tpu.memory_space<hbm>>
      %dma_wait3A_158 = tpu.memref_slice %arg4[%add3A_133] : memref<640000xi32, #tpu.memory_space<hbm>> -> memref<80xi32, #tpu.memory_space<hbm>>
      tpu.wait_dma2 semaphore(%arg16 : memref<!tpu.dma_semaphore, #tpu.memory_space<semaphore_mem>>) src(%dma_wait3A_158 : memref<80xi32, #tpu.memory_space<hbm>>) dst(%arg11 : memref<80xi32, #tpu.memory_space<vmem>>)
      "tpu.region"() ({
        %run_scoped3A = tpu.sem_alloc : memref<!tpu.dma_semaphore, #tpu.memory_space<semaphore_mem>>
        %dma_start3A_160 = arith.constant 0 : i32
        %dma_start3A_161 = arith.constant 0 : i32
        %dma_start3A_162 = tpu.memref_slice %arg7[%dma_start3A_160, %dma_start3A_161] : memref<10000x128xf32, #tpu.memory_space<vmem_shared>> -> memref<10000x128xf32, #tpu.memory_space<vmem_shared>>
        tpu.enqueue_indirect_dma source(%arg8 : memref<80x128xf32, #tpu.memory_space<vmem>>) target(%dma_start3A_162 : memref<10000x128xf32, #tpu.memory_space<vmem_shared>>) offsets(%arg11 : memref<80xi32, #tpu.memory_space<vmem>>) semaphore(%run_scoped3A : memref<!tpu.dma_semaphore, #tpu.memory_space<semaphore_mem>>) {add = true}
        %dma_wait3A_163 = arith.constant 0 : i32
        %dma_wait3A_164 = arith.constant 0 : i32
        %dma_wait3A_165 = tpu.memref_slice %arg7[%dma_wait3A_163, %dma_wait3A_164] : memref<10000x128xf32, #tpu.memory_space<vmem_shared>> -> memref<10000x128xf32, #tpu.memory_space<vmem_shared>>
        tpu.wait_indirect_dma semaphore(%run_scoped3A : memref<!tpu.dma_semaphore, #tpu.memory_space<semaphore_mem>>) src(%arg8 : memref<80x128xf32, #tpu.memory_space<vmem>>) dst(%dma_wait3A_165 : memref<10000x128xf32, #tpu.memory_space<vmem_shared>>)
        tpu.yield
      }) : () -> ()
      %scan3A_159 = arith.constant 0 : i32
      scf.yield %scan3A_159 : i32
    }
    %scan3A_106 = arith.constant 125 : i32
    %barrier3A_107 = arith.constant 0 : index
    tpu.barrier barrier_id(%barrier3A_107)
    %mul3A_108 = arith.constant 624 : i32
    %mul3A_109 = arith.muli %arg1, %mul3A_108 : i32
    %mul3A_110 = arith.constant 624 : i32
    %mul3A_111 = arith.muli %arg1, %mul3A_110 : i32
    "tpu.region"() ({
      %run_scoped3A = tpu.sem_alloc : memref<!tpu.dma_semaphore, #tpu.memory_space<semaphore_mem>>
      %dma_start3A = arith.constant 0 : i32
      %dma_start3A_117 = tpu.memref_slice %arg6[%arg0, %mul3A_111, %dma_start3A] : memref<2x10000x128xf32, #tpu.memory_space<hbm>> -> memref<1x624x128xf32, #tpu.memory_space<hbm>>
      %dma_start3A_118 = tpu.memref_squeeze %dma_start3A_117 : memref<1x624x128xf32, #tpu.memory_space<hbm>> -> memref<624x128xf32, #tpu.memory_space<hbm>>
      %dma_start3A_119 = arith.constant 0 : i32
      %dma_start3A_120 = tpu.memref_slice %arg7[%mul3A_109, %dma_start3A_119] : memref<10000x128xf32, #tpu.memory_space<vmem_shared>> -> memref<624x128xf32, #tpu.memory_space<vmem_shared>>
      tpu.enqueue_dma source(%dma_start3A_120 : memref<624x128xf32, #tpu.memory_space<vmem_shared>>) target(%dma_start3A_118 : memref<624x128xf32, #tpu.memory_space<hbm>>) target_semaphore(%run_scoped3A : memref<!tpu.dma_semaphore, #tpu.memory_space<semaphore_mem>>)
      %dma_wait3A = arith.constant 0 : i32
      %dma_wait3A_121 = tpu.memref_slice %arg6[%arg0, %mul3A_111, %dma_wait3A] : memref<2x10000x128xf32, #tpu.memory_space<hbm>> -> memref<1x624x128xf32, #tpu.memory_space<hbm>>
      %dma_wait3A_122 = tpu.memref_squeeze %dma_wait3A_121 : memref<1x624x128xf32, #tpu.memory_space<hbm>> -> memref<624x128xf32, #tpu.memory_space<hbm>>
      %dma_wait3A_123 = arith.constant 0 : i32
      %dma_wait3A_124 = tpu.memref_slice %arg7[%mul3A_109, %dma_wait3A_123] : memref<10000x128xf32, #tpu.memory_space<vmem_shared>> -> memref<624x128xf32, #tpu.memory_space<vmem_shared>>
      tpu.wait_dma2 semaphore(%run_scoped3A : memref<!tpu.dma_semaphore, #tpu.memory_space<semaphore_mem>>) src(%dma_wait3A_124 : memref<624x128xf32, #tpu.memory_space<vmem_shared>>) dst(%dma_wait3A_122 : memref<624x128xf32, #tpu.memory_space<hbm>>)
      tpu.yield
    }) : () -> ()
    %eq3A_112 = arith.constant 15 : i32
    %eq3A_113 = arith.cmpi eq, %arg1, %eq3A_112 : i32
    %convert_element_type3A_114 = arith.extui %eq3A_113 : i1 to i32
    %cond3A_115 = arith.constant 0 : i32
    %cond3A_116 = arith.cmpi ne, %convert_element_type3A_114, %cond3A_115 : i32
    scf.if %cond3A_116 {
      "tpu.region"() ({
        %run_scoped3A = tpu.sem_alloc : memref<!tpu.dma_semaphore, #tpu.memory_space<semaphore_mem>>
        %dma_start3A = arith.constant 9984 : i32
        %dma_start3A_117 = arith.constant 0 : i32
        %dma_start3A_118 = tpu.memref_slice %arg6[%arg0, %dma_start3A, %dma_start3A_117] : memref<2x10000x128xf32, #tpu.memory_space<hbm>> -> memref<1x16x128xf32, #tpu.memory_space<hbm>>
        %dma_start3A_119 = tpu.memref_squeeze %dma_start3A_118 : memref<1x16x128xf32, #tpu.memory_space<hbm>> -> memref<16x128xf32, #tpu.memory_space<hbm>>
        %dma_start3A_120 = arith.constant 9984 : i32
        %dma_start3A_121 = arith.constant 0 : i32
        %dma_start3A_122 = tpu.memref_slice %arg7[%dma_start3A_120, %dma_start3A_121] : memref<10000x128xf32, #tpu.memory_space<vmem_shared>> -> memref<16x128xf32, #tpu.memory_space<vmem_shared>>
        tpu.enqueue_dma source(%dma_start3A_122 : memref<16x128xf32, #tpu.memory_space<vmem_shared>>) target(%dma_start3A_119 : memref<16x128xf32, #tpu.memory_space<hbm>>) target_semaphore(%run_scoped3A : memref<!tpu.dma_semaphore, #tpu.memory_space<semaphore_mem>>)
        %dma_wait3A = arith.constant 9984 : i32
        %dma_wait3A_123 = arith.constant 0 : i32
        %dma_wait3A_124 = tpu.memref_slice %arg6[%arg0, %dma_wait3A, %dma_wait3A_123] : memref<2x10000x128xf32, #tpu.memory_space<hbm>> -> memref<1x16x128xf32, #tpu.memory_space<hbm>>
        %dma_wait3A_125 = tpu.memref_squeeze %dma_wait3A_124 : memref<1x16x128xf32, #tpu.memory_space<hbm>> -> memref<16x128xf32, #tpu.memory_space<hbm>>
        %dma_wait3A_126 = arith.constant 9984 : i32
        %dma_wait3A_127 = arith.constant 0 : i32
        %dma_wait3A_128 = tpu.memref_slice %arg7[%dma_wait3A_126, %dma_wait3A_127] : memref<10000x128xf32, #tpu.memory_space<vmem_shared>> -> memref<16x128xf32, #tpu.memory_space<vmem_shared>>
        tpu.wait_dma2 semaphore(%run_scoped3A : memref<!tpu.dma_semaphore, #tpu.memory_space<semaphore_mem>>) src(%dma_wait3A_128 : memref<16x128xf32, #tpu.memory_space<vmem_shared>>) dst(%dma_wait3A_125 : memref<16x128xf32, #tpu.memory_space<hbm>>)
        tpu.yield
      }) : () -> ()
    } else {
    }
    return
  }
}

#map = affine_map<(d0, d1) -> (0, 0)>
#map1 = affine_map<(d0, d1) -> (0, 0, 0)>
#map2 = affine_map<(d0, d1) -> (0)>
module attributes {stable_mosaic.version = 14 : i64} {
  func.func @k(%arg0: i32, %arg1: i32, %arg2: memref<10000x128xf32, #tpu.memory_space<hbm>>, %arg3: memref<4x320000x128xf32, #tpu.memory_space<hbm>>, %arg4: memref<640000xi32, #tpu.memory_space<hbm>>, %arg5: memref<2x128xf32, #tpu.memory_space<hbm>>, %arg6: memref<2x10000x128xf32, #tpu.memory_space<hbm>>, %arg7: memref<10000x128xf32, #tpu.memory_space<vmem_shared>>, %arg8: memref<80x128xf32, #tpu.memory_space<vmem>>, %arg9: memref<80x128xf32, #tpu.memory_space<vmem>>, %arg10: memref<80xi32, #tpu.memory_space<vmem>>, %arg11: memref<80xi32, #tpu.memory_space<vmem>>, %arg12: memref<208x128xf32, #tpu.memory_space<vmem>>, %arg13: memref<2x128xf32, #tpu.memory_space<vmem>>, %arg14: memref<!tpu.dma_semaphore, #tpu.memory_space<semaphore_mem>>, %arg15: memref<!tpu.dma_semaphore, #tpu.memory_space<semaphore_mem>>, %arg16: memref<!tpu.dma_semaphore, #tpu.memory_space<semaphore_mem>>, %arg17: memref<!tpu.dma_semaphore, #tpu.memory_space<semaphore_mem>>) attributes {dimension_semantics = [#tpu.dimension_semantics<core_parallel>, #tpu.dimension_semantics<subcore_parallel>], iteration_bounds = array<i64: 2, 16>, scalar_prefetch = 0 : i64, scratch_operands = 11 : i64, tpu.core_type = #tpu.core_type<sc_vector_subcore>, window_params = [{transform_indices = #map}, {transform_indices = #map1}, {transform_indices = #map2}, {transform_indices = #map}, {transform_indices = #map1}]} {
    %mul3A = arith.constant 16 : i32
    %mul3A_0 = arith.muli %arg0, %mul3A : i32
    %add3A = arith.addi %mul3A_0, %arg1 : i32
    %scan3A = arith.constant 0 : i32
    %scan3A_1 = arith.constant 0 : i32
    %scan3A_2 = arith.constant 208 : i32
    %scan3A_3 = arith.addi %scan3A_1, %scan3A_2 : i32
    %scan3A_4 = arith.constant 1 : i32
    %scan3A_5 = scf.for %scan3A_38 = %scan3A_1 to %scan3A_3 step %scan3A_4 iter_args(%scan3A_39 = %scan3A) -> (i32)  : i32 {
      %broadcast_in_dim3A = arith.constant 0.000000e+00 : f32
      %broadcast_in_dim3A_40 = vector.broadcast %broadcast_in_dim3A : f32 to vector<16xf32>
      %swap3A = arith.index_cast %scan3A_38 : i32 to index
      %swap3A_41 = arith.constant 0 : index
      %swap3A_42 = tpu.vector_load %arg12[%swap3A, %swap3A_41] {strides = array<i32>} : memref<208x128xf32, #tpu.memory_space<vmem>>, vector<1x16xf32>,
      %swap3A_43 = vector.shape_cast %swap3A_42 : vector<1x16xf32> to vector<16xf32>
      %swap3A_44 = vector.shape_cast %broadcast_in_dim3A_40 : vector<16xf32> to vector<1x16xf32>
      tpu.vector_store %arg12[%swap3A, %swap3A_41], %swap3A_44 {strides = array<i32>} : memref<208x128xf32, #tpu.memory_space<vmem>>, vector<1x16xf32>,
      %broadcast_in_dim3A_45 = arith.constant 0.000000e+00 : f32
      %broadcast_in_dim3A_46 = vector.broadcast %broadcast_in_dim3A_45 : f32 to vector<16xf32>
      %swap3A_47 = arith.index_cast %scan3A_38 : i32 to index
      %swap3A_48 = arith.constant 16 : index
      %swap3A_49 = tpu.vector_load %arg12[%swap3A_47, %swap3A_48] {strides = array<i32>} : memref<208x128xf32, #tpu.memory_space<vmem>>, vector<1x16xf32>,
      %swap3A_50 = vector.shape_cast %swap3A_49 : vector<1x16xf32> to vector<16xf32>
      %swap3A_51 = vector.shape_cast %broadcast_in_dim3A_46 : vector<16xf32> to vector<1x16xf32>
      tpu.vector_store %arg12[%swap3A_47, %swap3A_48], %swap3A_51 {strides = array<i32>} : memref<208x128xf32, #tpu.memory_space<vmem>>, vector<1x16xf32>,
      %broadcast_in_dim3A_52 = arith.constant 0.000000e+00 : f32
      %broadcast_in_dim3A_53 = vector.broadcast %broadcast_in_dim3A_52 : f32 to vector<16xf32>
      %swap3A_54 = arith.index_cast %scan3A_38 : i32 to index
      %swap3A_55 = arith.constant 32 : index
      %swap3A_56 = tpu.vector_load %arg12[%swap3A_54, %swap3A_55] {strides = array<i32>} : memref<208x128xf32, #tpu.memory_space<vmem>>, vector<1x16xf32>,
      %swap3A_57 = vector.shape_cast %swap3A_56 : vector<1x16xf32> to vector<16xf32>
      %swap3A_58 = vector.shape_cast %broadcast_in_dim3A_53 : vector<16xf32> to vector<1x16xf32>
      tpu.vector_store %arg12[%swap3A_54, %swap3A_55], %swap3A_58 {strides = array<i32>} : memref<208x128xf32, #tpu.memory_space<vmem>>, vector<1x16xf32>,
      %broadcast_in_dim3A_59 = arith.constant 0.000000e+00 : f32
      %broadcast_in_dim3A_60 = vector.broadcast %broadcast_in_dim3A_59 : f32 to vector<16xf32>
      %swap3A_61 = arith.index_cast %scan3A_38 : i32 to index
      %swap3A_62 = arith.constant 48 : index
      %swap3A_63 = tpu.vector_load %arg12[%swap3A_61, %swap3A_62] {strides = array<i32>} : memref<208x128xf32, #tpu.memory_space<vmem>>, vector<1x16xf32>,
      %swap3A_64 = vector.shape_cast %swap3A_63 : vector<1x16xf32> to vector<16xf32>
      %swap3A_65 = vector.shape_cast %broadcast_in_dim3A_60 : vector<16xf32> to vector<1x16xf32>
      tpu.vector_store %arg12[%swap3A_61, %swap3A_62], %swap3A_65 {strides = array<i32>} : memref<208x128xf32, #tpu.memory_space<vmem>>, vector<1x16xf32>,
      %broadcast_in_dim3A_66 = arith.constant 0.000000e+00 : f32
      %broadcast_in_dim3A_67 = vector.broadcast %broadcast_in_dim3A_66 : f32 to vector<16xf32>
      %swap3A_68 = arith.index_cast %scan3A_38 : i32 to index
      %swap3A_69 = arith.constant 64 : index
      %swap3A_70 = tpu.vector_load %arg12[%swap3A_68, %swap3A_69] {strides = array<i32>} : memref<208x128xf32, #tpu.memory_space<vmem>>, vector<1x16xf32>,
      %swap3A_71 = vector.shape_cast %swap3A_70 : vector<1x16xf32> to vector<16xf32>
      %swap3A_72 = vector.shape_cast %broadcast_in_dim3A_67 : vector<16xf32> to vector<1x16xf32>
      tpu.vector_store %arg12[%swap3A_68, %swap3A_69], %swap3A_72 {strides = array<i32>} : memref<208x128xf32, #tpu.memory_space<vmem>>, vector<1x16xf32>,
      %broadcast_in_dim3A_73 = arith.constant 0.000000e+00 : f32
      %broadcast_in_dim3A_74 = vector.broadcast %broadcast_in_dim3A_73 : f32 to vector<16xf32>
      %swap3A_75 = arith.index_cast %scan3A_38 : i32 to index
      %swap3A_76 = arith.constant 80 : index
      %swap3A_77 = tpu.vector_load %arg12[%swap3A_75, %swap3A_76] {strides = array<i32>} : memref<208x128xf32, #tpu.memory_space<vmem>>, vector<1x16xf32>,
      %swap3A_78 = vector.shape_cast %swap3A_77 : vector<1x16xf32> to vector<16xf32>
      %swap3A_79 = vector.shape_cast %broadcast_in_dim3A_74 : vector<16xf32> to vector<1x16xf32>
      tpu.vector_store %arg12[%swap3A_75, %swap3A_76], %swap3A_79 {strides = array<i32>} : memref<208x128xf32, #tpu.memory_space<vmem>>, vector<1x16xf32>,
      %broadcast_in_dim3A_80 = arith.constant 0.000000e+00 : f32
      %broadcast_in_dim3A_81 = vector.broadcast %broadcast_in_dim3A_80 : f32 to vector<16xf32>
      %swap3A_82 = arith.index_cast %scan3A_38 : i32 to index
      %swap3A_83 = arith.constant 96 : index
      %swap3A_84 = tpu.vector_load %arg12[%swap3A_82, %swap3A_83] {strides = array<i32>} : memref<208x128xf32, #tpu.memory_space<vmem>>, vector<1x16xf32>,
      %swap3A_85 = vector.shape_cast %swap3A_84 : vector<1x16xf32> to vector<16xf32>
      %swap3A_86 = vector.shape_cast %broadcast_in_dim3A_81 : vector<16xf32> to vector<1x16xf32>
      tpu.vector_store %arg12[%swap3A_82, %swap3A_83], %swap3A_86 {strides = array<i32>} : memref<208x128xf32, #tpu.memory_space<vmem>>, vector<1x16xf32>,
      %broadcast_in_dim3A_87 = arith.constant 0.000000e+00 : f32
      %broadcast_in_dim3A_88 = vector.broadcast %broadcast_in_dim3A_87 : f32 to vector<16xf32>
      %swap3A_89 = arith.index_cast %scan3A_38 : i32 to index
      %swap3A_90 = arith.constant 112 : index
      %swap3A_91 = tpu.vector_load %arg12[%swap3A_89, %swap3A_90] {strides = array<i32>} : memref<208x128xf32, #tpu.memory_space<vmem>>, vector<1x16xf32>,
      %swap3A_92 = vector.shape_cast %swap3A_91 : vector<1x16xf32> to vector<16xf32>
      %swap3A_93 = vector.shape_cast %broadcast_in_dim3A_88 : vector<16xf32> to vector<1x16xf32>
      tpu.vector_store %arg12[%swap3A_89, %swap3A_90], %swap3A_93 {strides = array<i32>} : memref<208x128xf32, #tpu.memory_space<vmem>>, vector<1x16xf32>,
      %scan3A_94 = arith.constant 0 : i32
      scf.yield %scan3A_94 : i32
    }
    %scan3A_6 = arith.constant 208 : i32
    %mul3A_7 = arith.constant 624 : i32
    %mul3A_8 = arith.muli %arg1, %mul3A_7 : i32
    %add3A_9 = arith.constant 0 : i32
    %add3A_10 = arith.addi %mul3A_8, %add3A_9 : i32
    "tpu.region"() ({
      %run_scoped3A = tpu.sem_alloc : memref<!tpu.dma_semaphore, #tpu.memory_space<semaphore_mem>>
      %dma_start3A = arith.constant 0 : i32
      %dma_start3A_38 = tpu.memref_slice %arg7[%add3A_10, %dma_start3A] : memref<10000x128xf32, #tpu.memory_space<vmem_shared>> -> memref<208x128xf32, #tpu.memory_space<vmem_shared>>
      %dma_start3A_39 = arith.constant 0 : i32
      %dma_start3A_40 = tpu.memref_slice %arg7[%add3A_10, %dma_start3A_39] : memref<10000x128xf32, #tpu.memory_space<vmem_shared>> -> memref<208x128xf32, #tpu.memory_space<vmem_shared>>
      tpu.enqueue_dma source(%arg12 : memref<208x128xf32, #tpu.memory_space<vmem>>) target(%dma_start3A_40 : memref<208x128xf32, #tpu.memory_space<vmem_shared>>) target_semaphore(%run_scoped3A : memref<!tpu.dma_semaphore, #tpu.memory_space<semaphore_mem>>)
      %dma_wait3A = arith.constant 0 : i32
      %dma_wait3A_41 = tpu.memref_slice %arg7[%add3A_10, %dma_wait3A] : memref<10000x128xf32, #tpu.memory_space<vmem_shared>> -> memref<208x128xf32, #tpu.memory_space<vmem_shared>>
      %dma_wait3A_42 = arith.constant 0 : i32
      %dma_wait3A_43 = tpu.memref_slice %arg7[%add3A_10, %dma_wait3A_42] : memref<10000x128xf32, #tpu.memory_space<vmem_shared>> -> memref<208x128xf32, #tpu.memory_space<vmem_shared>>
      tpu.wait_dma2 semaphore(%run_scoped3A : memref<!tpu.dma_semaphore, #tpu.memory_space<semaphore_mem>>) src(%arg12 : memref<208x128xf32, #tpu.memory_space<vmem>>) dst(%dma_wait3A_43 : memref<208x128xf32, #tpu.memory_space<vmem_shared>>)
      tpu.yield
    }) : () -> ()
    %mul3A_11 = arith.constant 624 : i32
    %mul3A_12 = arith.muli %arg1, %mul3A_11 : i32
    %add3A_13 = arith.constant 208 : i32
    %add3A_14 = arith.addi %mul3A_12, %add3A_13 : i32
    "tpu.region"() ({
      %run_scoped3A = tpu.sem_alloc : memref<!tpu.dma_semaphore, #tpu.memory_space<semaphore_mem>>
      %dma_start3A = arith.constant 0 : i32
      %dma_start3A_38 = tpu.memref_slice %arg7[%add3A_14, %dma_start3A] : memref<10000x128xf32, #tpu.memory_space<vmem_shared>> -> memref<208x128xf32, #tpu.memory_space<vmem_shared>>
      %dma_start3A_39 = arith.constant 0 : i32
      %dma_start3A_40 = tpu.memref_slice %arg7[%add3A_14, %dma_start3A_39] : memref<10000x128xf32, #tpu.memory_space<vmem_shared>> -> memref<208x128xf32, #tpu.memory_space<vmem_shared>>
      tpu.enqueue_dma source(%arg12 : memref<208x128xf32, #tpu.memory_space<vmem>>) target(%dma_start3A_40 : memref<208x128xf32, #tpu.memory_space<vmem_shared>>) target_semaphore(%run_scoped3A : memref<!tpu.dma_semaphore, #tpu.memory_space<semaphore_mem>>)
      %dma_wait3A = arith.constant 0 : i32
      %dma_wait3A_41 = tpu.memref_slice %arg7[%add3A_14, %dma_wait3A] : memref<10000x128xf32, #tpu.memory_space<vmem_shared>> -> memref<208x128xf32, #tpu.memory_space<vmem_shared>>
      %dma_wait3A_42 = arith.constant 0 : i32
      %dma_wait3A_43 = tpu.memref_slice %arg7[%add3A_14, %dma_wait3A_42] : memref<10000x128xf32, #tpu.memory_space<vmem_shared>> -> memref<208x128xf32, #tpu.memory_space<vmem_shared>>
      tpu.wait_dma2 semaphore(%run_scoped3A : memref<!tpu.dma_semaphore, #tpu.memory_space<semaphore_mem>>) src(%arg12 : memref<208x128xf32, #tpu.memory_space<vmem>>) dst(%dma_wait3A_43 : memref<208x128xf32, #tpu.memory_space<vmem_shared>>)
      tpu.yield
    }) : () -> ()
    %mul3A_15 = arith.constant 624 : i32
    %mul3A_16 = arith.muli %arg1, %mul3A_15 : i32
    %add3A_17 = arith.constant 416 : i32
    %add3A_18 = arith.addi %mul3A_16, %add3A_17 : i32
    "tpu.region"() ({
      %run_scoped3A = tpu.sem_alloc : memref<!tpu.dma_semaphore, #tpu.memory_space<semaphore_mem>>
      %dma_start3A = arith.constant 0 : i32
      %dma_start3A_38 = tpu.memref_slice %arg7[%add3A_18, %dma_start3A] : memref<10000x128xf32, #tpu.memory_space<vmem_shared>> -> memref<208x128xf32, #tpu.memory_space<vmem_shared>>
      %dma_start3A_39 = arith.constant 0 : i32
      %dma_start3A_40 = tpu.memref_slice %arg7[%add3A_18, %dma_start3A_39] : memref<10000x128xf32, #tpu.memory_space<vmem_shared>> -> memref<208x128xf32, #tpu.memory_space<vmem_shared>>
      tpu.enqueue_dma source(%arg12 : memref<208x128xf32, #tpu.memory_space<vmem>>) target(%dma_start3A_40 : memref<208x128xf32, #tpu.memory_space<vmem_shared>>) target_semaphore(%run_scoped3A : memref<!tpu.dma_semaphore, #tpu.memory_space<semaphore_mem>>)
      %dma_wait3A = arith.constant 0 : i32
      %dma_wait3A_41 = tpu.memref_slice %arg7[%add3A_18, %dma_wait3A] : memref<10000x128xf32, #tpu.memory_space<vmem_shared>> -> memref<208x128xf32, #tpu.memory_space<vmem_shared>>
      %dma_wait3A_42 = arith.constant 0 : i32
      %dma_wait3A_43 = tpu.memref_slice %arg7[%add3A_18, %dma_wait3A_42] : memref<10000x128xf32, #tpu.memory_space<vmem_shared>> -> memref<208x128xf32, #tpu.memory_space<vmem_shared>>
      tpu.wait_dma2 semaphore(%run_scoped3A : memref<!tpu.dma_semaphore, #tpu.memory_space<semaphore_mem>>) src(%arg12 : memref<208x128xf32, #tpu.memory_space<vmem>>) dst(%dma_wait3A_43 : memref<208x128xf32, #tpu.memory_space<vmem_shared>>)
      tpu.yield
    }) : () -> ()
    %eq3A = arith.constant 15 : i32
    %eq3A_19 = arith.cmpi eq, %arg1, %eq3A : i32
    %convert_element_type3A = arith.extui %eq3A_19 : i1 to i32
    %cond3A = arith.constant 0 : i32
    %cond3A_20 = arith.cmpi ne, %convert_element_type3A, %cond3A : i32
    scf.if %cond3A_20 {
      "tpu.region"() ({
        %run_scoped3A = tpu.sem_alloc : memref<!tpu.dma_semaphore, #tpu.memory_space<semaphore_mem>>
        %dma_start3A = arith.constant 0 : i32
        %dma_start3A_38 = arith.constant 0 : i32
        %dma_start3A_39 = tpu.memref_slice %arg12[%dma_start3A, %dma_start3A_38] : memref<208x128xf32, #tpu.memory_space<vmem>> -> memref<16x128xf32, #tpu.memory_space<vmem>>
        %dma_start3A_40 = arith.constant 9984 : i32
        %dma_start3A_41 = arith.constant 0 : i32
        %dma_start3A_42 = tpu.memref_slice %arg7[%dma_start3A_40, %dma_start3A_41] : memref<10000x128xf32, #tpu.memory_space<vmem_shared>> -> memref<16x128xf32, #tpu.memory_space<vmem_shared>>
        %dma_start3A_43 = arith.constant 9984 : i32
        %dma_start3A_44 = arith.constant 0 : i32
        %dma_start3A_45 = tpu.memref_slice %arg7[%dma_start3A_43, %dma_start3A_44] : memref<10000x128xf32, #tpu.memory_space<vmem_shared>> -> memref<16x128xf32, #tpu.memory_space<vmem_shared>>
        %dma_start3A_46 = arith.constant 0 : i32
        %dma_start3A_47 = arith.constant 0 : i32
        %dma_start3A_48 = tpu.memref_slice %arg12[%dma_start3A_46, %dma_start3A_47] : memref<208x128xf32, #tpu.memory_space<vmem>> -> memref<16x128xf32, #tpu.memory_space<vmem>>
        tpu.enqueue_dma source(%dma_start3A_48 : memref<16x128xf32, #tpu.memory_space<vmem>>) target(%dma_start3A_45 : memref<16x128xf32, #tpu.memory_space<vmem_shared>>) target_semaphore(%run_scoped3A : memref<!tpu.dma_semaphore, #tpu.memory_space<semaphore_mem>>)
        %dma_wait3A = arith.constant 0 : i32
        %dma_wait3A_49 = arith.constant 0 : i32
        %dma_wait3A_50 = tpu.memref_slice %arg12[%dma_wait3A, %dma_wait3A_49] : memref<208x128xf32, #tpu.memory_space<vmem>> -> memref<16x128xf32, #tpu.memory_space<vmem>>
        %dma_wait3A_51 = arith.constant 9984 : i32
        %dma_wait3A_52 = arith.constant 0 : i32
        %dma_wait3A_53 = tpu.memref_slice %arg7[%dma_wait3A_51, %dma_wait3A_52] : memref<10000x128xf32, #tpu.memory_space<vmem_shared>> -> memref<16x128xf32, #tpu.memory_space<vmem_shared>>
        %dma_wait3A_54 = arith.constant 9984 : i32
        %dma_wait3A_55 = arith.constant 0 : i32
        %dma_wait3A_56 = tpu.memref_slice %arg7[%dma_wait3A_54, %dma_wait3A_55] : memref<10000x128xf32, #tpu.memory_space<vmem_shared>> -> memref<16x128xf32, #tpu.memory_space<vmem_shared>>
        %dma_wait3A_57 = arith.constant 0 : i32
        %dma_wait3A_58 = arith.constant 0 : i32
        %dma_wait3A_59 = tpu.memref_slice %arg12[%dma_wait3A_57, %dma_wait3A_58] : memref<208x128xf32, #tpu.memory_space<vmem>> -> memref<16x128xf32, #tpu.memory_space<vmem>>
        tpu.wait_dma2 semaphore(%run_scoped3A : memref<!tpu.dma_semaphore, #tpu.memory_space<semaphore_mem>>) src(%dma_wait3A_59 : memref<16x128xf32, #tpu.memory_space<vmem>>) dst(%dma_wait3A_56 : memref<16x128xf32, #tpu.memory_space<vmem_shared>>)
        tpu.yield
      }) : () -> ()
    } else {
    }
    "tpu.region"() ({
      %run_scoped3A = tpu.sem_alloc : memref<!tpu.dma_semaphore, #tpu.memory_space<semaphore_mem>>
      tpu.enqueue_dma source(%arg5 : memref<2x128xf32, #tpu.memory_space<hbm>>) target(%arg13 : memref<2x128xf32, #tpu.memory_space<vmem>>) target_semaphore(%run_scoped3A : memref<!tpu.dma_semaphore, #tpu.memory_space<semaphore_mem>>)
      tpu.wait_dma2 semaphore(%run_scoped3A : memref<!tpu.dma_semaphore, #tpu.memory_space<semaphore_mem>>) src(%arg5 : memref<2x128xf32, #tpu.memory_space<hbm>>) dst(%arg13 : memref<2x128xf32, #tpu.memory_space<vmem>>)
      tpu.yield
    }) : () -> ()
    %barrier3A = arith.constant 0 : index
    tpu.barrier barrier_id(%barrier3A)
    %scan3A_21 = arith.constant 0 : i32
    %scan3A_22 = arith.constant 0 : i32
    %scan3A_23 = arith.constant 125 : i32
    %scan3A_24 = arith.addi %scan3A_22, %scan3A_23 : i32
    %scan3A_25 = arith.constant 1 : i32
    %scan3A_26 = scf.for %scan3A_38 = %scan3A_22 to %scan3A_24 step %scan3A_25 iter_args(%scan3A_39 = %scan3A_21) -> (i32)  : i32 {
      %mul3A_40 = arith.constant 10000 : i32
      %mul3A_41 = arith.muli %add3A, %mul3A_40 : i32
      %mul3A_42 = arith.constant 80 : i32
      %mul3A_43 = arith.muli %scan3A_38, %mul3A_42 : i32
      %add3A_44 = arith.addi %mul3A_41, %mul3A_43 : i32
      %dma_start3A = tpu.memref_slice %arg4[%add3A_44] : memref<640000xi32, #tpu.memory_space<hbm>> -> memref<80xi32, #tpu.memory_space<hbm>>
      %dma_start3A_45 = tpu.memref_slice %arg4[%add3A_44] : memref<640000xi32, #tpu.memory_space<hbm>> -> memref<80xi32, #tpu.memory_space<hbm>>
      tpu.enqueue_dma source(%dma_start3A_45 : memref<80xi32, #tpu.memory_space<hbm>>) target(%arg10 : memref<80xi32, #tpu.memory_space<vmem>>) target_semaphore(%arg14 : memref<!tpu.dma_semaphore, #tpu.memory_space<semaphore_mem>>)
      %dma_start3A_46 = arith.constant 0 : i32
      %dma_start3A_47 = arith.constant 0 : i32
      %dma_start3A_48 = tpu.memref_slice %arg3[%dma_start3A_46, %add3A_44, %dma_start3A_47] : memref<4x320000x128xf32, #tpu.memory_space<hbm>> -> memref<1x80x128xf32, #tpu.memory_space<hbm>>
      %dma_start3A_49 = tpu.memref_squeeze %dma_start3A_48 : memref<1x80x128xf32, #tpu.memory_space<hbm>> -> memref<80x128xf32, #tpu.memory_space<hbm>>
      %dma_start3A_50 = arith.constant 0 : i32
      %dma_start3A_51 = tpu.memref_slice %arg3[%dma_start3A_46, %add3A_44, %dma_start3A_50] : memref<4x320000x128xf32, #tpu.memory_space<hbm>> -> memref<1x80x128xf32, #tpu.memory_space<hbm>>
      %dma_start3A_52 = tpu.memref_squeeze %dma_start3A_51 : memref<1x80x128xf32, #tpu.memory_space<hbm>> -> memref<80x128xf32, #tpu.memory_space<hbm>>
      tpu.enqueue_dma source(%dma_start3A_52 : memref<80x128xf32, #tpu.memory_space<hbm>>) target(%arg8 : memref<80x128xf32, #tpu.memory_space<vmem>>) target_semaphore(%arg15 : memref<!tpu.dma_semaphore, #tpu.memory_space<semaphore_mem>>)
      %add3A_53 = arith.constant 320000 : i32
      %add3A_54 = arith.addi %add3A_53, %add3A_44 : i32
      %dma_start3A_55 = tpu.memref_slice %arg4[%add3A_54] : memref<640000xi32, #tpu.memory_space<hbm>> -> memref<80xi32, #tpu.memory_space<hbm>>
      %dma_start3A_56 = tpu.memref_slice %arg4[%add3A_54] : memref<640000xi32, #tpu.memory_space<hbm>> -> memref<80xi32, #tpu.memory_space<hbm>>
      tpu.enqueue_dma source(%dma_start3A_56 : memref<80xi32, #tpu.memory_space<hbm>>) target(%arg11 : memref<80xi32, #tpu.memory_space<vmem>>) target_semaphore(%arg16 : memref<!tpu.dma_semaphore, #tpu.memory_space<semaphore_mem>>)
      %dma_wait3A = tpu.memref_slice %arg4[%add3A_44] : memref<640000xi32, #tpu.memory_space<hbm>> -> memref<80xi32, #tpu.memory_space<hbm>>
      %dma_wait3A_57 = tpu.memref_slice %arg4[%add3A_44] : memref<640000xi32, #tpu.memory_space<hbm>> -> memref<80xi32, #tpu.memory_space<hbm>>
      tpu.wait_dma2 semaphore(%arg14 : memref<!tpu.dma_semaphore, #tpu.memory_space<semaphore_mem>>) src(%dma_wait3A_57 : memref<80xi32, #tpu.memory_space<hbm>>) dst(%arg10 : memref<80xi32, #tpu.memory_space<vmem>>)
      %dma_start3A_58 = arith.constant 0 : i32
      %dma_start3A_59 = arith.constant 0 : i32
      %dma_start3A_60 = tpu.memref_slice %arg2[%dma_start3A_58, %dma_start3A_59] : memref<10000x128xf32, #tpu.memory_space<hbm>> -> memref<10000x128xf32, #tpu.memory_space<hbm>>
      tpu.enqueue_indirect_dma source(%dma_start3A_60 : memref<10000x128xf32, #tpu.memory_space<hbm>>) target(%arg9 : memref<80x128xf32, #tpu.memory_space<vmem>>) offsets(%arg10 : memref<80xi32, #tpu.memory_space<vmem>>) semaphore(%arg17 : memref<!tpu.dma_semaphore, #tpu.memory_space<semaphore_mem>>)
      %dma_wait3A_61 = arith.constant 0 : i32
      %dma_wait3A_62 = arith.constant 0 : i32
      %dma_wait3A_63 = tpu.memref_slice %arg3[%dma_wait3A_61, %add3A_44, %dma_wait3A_62] : memref<4x320000x128xf32, #tpu.memory_space<hbm>> -> memref<1x80x128xf32, #tpu.memory_space<hbm>>
      %dma_wait3A_64 = tpu.memref_squeeze %dma_wait3A_63 : memref<1x80x128xf32, #tpu.memory_space<hbm>> -> memref<80x128xf32, #tpu.memory_space<hbm>>
      %dma_wait3A_65 = arith.constant 0 : i32
      %dma_wait3A_66 = tpu.memref_slice %arg3[%dma_wait3A_61, %add3A_44, %dma_wait3A_65] : memref<4x320000x128xf32, #tpu.memory_space<hbm>> -> memref<1x80x128xf32, #tpu.memory_space<hbm>>
      %dma_wait3A_67 = tpu.memref_squeeze %dma_wait3A_66 : memref<1x80x128xf32, #tpu.memory_space<hbm>> -> memref<80x128xf32, #tpu.memory_space<hbm>>
      tpu.wait_dma2 semaphore(%arg15 : memref<!tpu.dma_semaphore, #tpu.memory_space<semaphore_mem>>) src(%dma_wait3A_67 : memref<80x128xf32, #tpu.memory_space<hbm>>) dst(%arg8 : memref<80x128xf32, #tpu.memory_space<vmem>>)
      %dma_wait3A_68 = arith.constant 0 : i32
      %dma_wait3A_69 = arith.constant 0 : i32
      %dma_wait3A_70 = tpu.memref_slice %arg2[%dma_wait3A_68, %dma_wait3A_69] : memref<10000x128xf32, #tpu.memory_space<hbm>> -> memref<10000x128xf32, #tpu.memory_space<hbm>>
      tpu.wait_indirect_dma semaphore(%arg17 : memref<!tpu.dma_semaphore, #tpu.memory_space<semaphore_mem>>) src(%dma_wait3A_70 : memref<10000x128xf32, #tpu.memory_space<hbm>>) dst(%arg9 : memref<80x128xf32, #tpu.memory_space<vmem>>)
      %scan3A_71 = arith.constant 0 : i32
      %scan3A_72 = arith.constant 0 : i32
      %scan3A_73 = arith.constant 80 : i32
      %scan3A_74 = arith.addi %scan3A_72, %scan3A_73 : i32
      %scan3A_75 = arith.constant 1 : i32
      %scan3A_76 = scf.for %scan3A_81 = %scan3A_72 to %scan3A_74 step %scan3A_75 iter_args(%scan3A_82 = %scan3A_71) -> (i32)  : i32 {
        %get3A = arith.index_cast %scan3A_81 : i32 to index
        %get3A_83 = arith.constant 0 : index
        %get3A_84 = tpu.vector_load %arg9[%get3A, %get3A_83] {strides = array<i32>} : memref<80x128xf32, #tpu.memory_space<vmem>>, vector<1x16xf32>,
        %get3A_85 = vector.shape_cast %get3A_84 : vector<1x16xf32> to vector<16xf32>
        %get3A_86 = arith.index_cast %scan3A_81 : i32 to index
        %get3A_87 = arith.constant 0 : index
        %get3A_88 = tpu.vector_load %arg8[%get3A_86, %get3A_87] {strides = array<i32>} : memref<80x128xf32, #tpu.memory_space<vmem>>, vector<1x16xf32>,
        %get3A_89 = vector.shape_cast %get3A_88 : vector<1x16xf32> to vector<16xf32>
        %add3A_90 = arith.addf %get3A_85, %get3A_89 : vector<16xf32>
        %max3A = arith.constant 0.000000e+00 : f32
        %max3A_91 = vector.broadcast %max3A : f32 to vector<16xf32>
        %max3A_92 = arith.maximumf %add3A_90, %max3A_91 : vector<16xf32>
        %swap3A = arith.index_cast %scan3A_81 : i32 to index
        %swap3A_93 = arith.constant 0 : index
        %swap3A_94 = tpu.vector_load %arg8[%swap3A, %swap3A_93] {strides = array<i32>} : memref<80x128xf32, #tpu.memory_space<vmem>>, vector<1x16xf32>,
        %swap3A_95 = vector.shape_cast %swap3A_94 : vector<1x16xf32> to vector<16xf32>
        %swap3A_96 = vector.shape_cast %max3A_92 : vector<16xf32> to vector<1x16xf32>
        tpu.vector_store %arg8[%swap3A, %swap3A_93], %swap3A_96 {strides = array<i32>} : memref<80x128xf32, #tpu.memory_space<vmem>>, vector<1x16xf32>,
        %get3A_97 = arith.index_cast %scan3A_81 : i32 to index
        %get3A_98 = arith.constant 16 : index
        %get3A_99 = tpu.vector_load %arg9[%get3A_97, %get3A_98] {strides = array<i32>} : memref<80x128xf32, #tpu.memory_space<vmem>>, vector<1x16xf32>,
        %get3A_100 = vector.shape_cast %get3A_99 : vector<1x16xf32> to vector<16xf32>
        %get3A_101 = arith.index_cast %scan3A_81 : i32 to index
        %get3A_102 = arith.constant 16 : index
        %get3A_103 = tpu.vector_load %arg8[%get3A_101, %get3A_102] {strides = array<i32>} : memref<80x128xf32, #tpu.memory_space<vmem>>, vector<1x16xf32>,
        %get3A_104 = vector.shape_cast %get3A_103 : vector<1x16xf32> to vector<16xf32>
        %add3A_105 = arith.addf %get3A_100, %get3A_104 : vector<16xf32>
        %max3A_106 = arith.constant 0.000000e+00 : f32
        %max3A_107 = vector.broadcast %max3A_106 : f32 to vector<16xf32>
        %max3A_108 = arith.maximumf %add3A_105, %max3A_107 : vector<16xf32>
        %swap3A_109 = arith.index_cast %scan3A_81 : i32 to index
        %swap3A_110 = arith.constant 16 : index
        %swap3A_111 = tpu.vector_load %arg8[%swap3A_109, %swap3A_110] {strides = array<i32>} : memref<80x128xf32, #tpu.memory_space<vmem>>, vector<1x16xf32>,
        %swap3A_112 = vector.shape_cast %swap3A_111 : vector<1x16xf32> to vector<16xf32>
        %swap3A_113 = vector.shape_cast %max3A_108 : vector<16xf32> to vector<1x16xf32>
        tpu.vector_store %arg8[%swap3A_109, %swap3A_110], %swap3A_113 {strides = array<i32>} : memref<80x128xf32, #tpu.memory_space<vmem>>, vector<1x16xf32>,
        %get3A_114 = arith.index_cast %scan3A_81 : i32 to index
        %get3A_115 = arith.constant 32 : index
        %get3A_116 = tpu.vector_load %arg9[%get3A_114, %get3A_115] {strides = array<i32>} : memref<80x128xf32, #tpu.memory_space<vmem>>, vector<1x16xf32>,
        %get3A_117 = vector.shape_cast %get3A_116 : vector<1x16xf32> to vector<16xf32>
        %get3A_118 = arith.index_cast %scan3A_81 : i32 to index
        %get3A_119 = arith.constant 32 : index
        %get3A_120 = tpu.vector_load %arg8[%get3A_118, %get3A_119] {strides = array<i32>} : memref<80x128xf32, #tpu.memory_space<vmem>>, vector<1x16xf32>,
        %get3A_121 = vector.shape_cast %get3A_120 : vector<1x16xf32> to vector<16xf32>
        %add3A_122 = arith.addf %get3A_117, %get3A_121 : vector<16xf32>
        %max3A_123 = arith.constant 0.000000e+00 : f32
        %max3A_124 = vector.broadcast %max3A_123 : f32 to vector<16xf32>
        %max3A_125 = arith.maximumf %add3A_122, %max3A_124 : vector<16xf32>
        %swap3A_126 = arith.index_cast %scan3A_81 : i32 to index
        %swap3A_127 = arith.constant 32 : index
        %swap3A_128 = tpu.vector_load %arg8[%swap3A_126, %swap3A_127] {strides = array<i32>} : memref<80x128xf32, #tpu.memory_space<vmem>>, vector<1x16xf32>,
        %swap3A_129 = vector.shape_cast %swap3A_128 : vector<1x16xf32> to vector<16xf32>
        %swap3A_130 = vector.shape_cast %max3A_125 : vector<16xf32> to vector<1x16xf32>
        tpu.vector_store %arg8[%swap3A_126, %swap3A_127], %swap3A_130 {strides = array<i32>} : memref<80x128xf32, #tpu.memory_space<vmem>>, vector<1x16xf32>,
        %get3A_131 = arith.index_cast %scan3A_81 : i32 to index
        %get3A_132 = arith.constant 48 : index
        %get3A_133 = tpu.vector_load %arg9[%get3A_131, %get3A_132] {strides = array<i32>} : memref<80x128xf32, #tpu.memory_space<vmem>>, vector<1x16xf32>,
        %get3A_134 = vector.shape_cast %get3A_133 : vector<1x16xf32> to vector<16xf32>
        %get3A_135 = arith.index_cast %scan3A_81 : i32 to index
        %get3A_136 = arith.constant 48 : index
        %get3A_137 = tpu.vector_load %arg8[%get3A_135, %get3A_136] {strides = array<i32>} : memref<80x128xf32, #tpu.memory_space<vmem>>, vector<1x16xf32>,
        %get3A_138 = vector.shape_cast %get3A_137 : vector<1x16xf32> to vector<16xf32>
        %add3A_139 = arith.addf %get3A_134, %get3A_138 : vector<16xf32>
        %max3A_140 = arith.constant 0.000000e+00 : f32
        %max3A_141 = vector.broadcast %max3A_140 : f32 to vector<16xf32>
        %max3A_142 = arith.maximumf %add3A_139, %max3A_141 : vector<16xf32>
        %swap3A_143 = arith.index_cast %scan3A_81 : i32 to index
        %swap3A_144 = arith.constant 48 : index
        %swap3A_145 = tpu.vector_load %arg8[%swap3A_143, %swap3A_144] {strides = array<i32>} : memref<80x128xf32, #tpu.memory_space<vmem>>, vector<1x16xf32>,
        %swap3A_146 = vector.shape_cast %swap3A_145 : vector<1x16xf32> to vector<16xf32>
        %swap3A_147 = vector.shape_cast %max3A_142 : vector<16xf32> to vector<1x16xf32>
        tpu.vector_store %arg8[%swap3A_143, %swap3A_144], %swap3A_147 {strides = array<i32>} : memref<80x128xf32, #tpu.memory_space<vmem>>, vector<1x16xf32>,
        %get3A_148 = arith.index_cast %scan3A_81 : i32 to index
        %get3A_149 = arith.constant 64 : index
        %get3A_150 = tpu.vector_load %arg9[%get3A_148, %get3A_149] {strides = array<i32>} : memref<80x128xf32, #tpu.memory_space<vmem>>, vector<1x16xf32>,
        %get3A_151 = vector.shape_cast %get3A_150 : vector<1x16xf32> to vector<16xf32>
        %get3A_152 = arith.index_cast %scan3A_81 : i32 to index
        %get3A_153 = arith.constant 64 : index
        %get3A_154 = tpu.vector_load %arg8[%get3A_152, %get3A_153] {strides = array<i32>} : memref<80x128xf32, #tpu.memory_space<vmem>>, vector<1x16xf32>,
        %get3A_155 = vector.shape_cast %get3A_154 : vector<1x16xf32> to vector<16xf32>
        %add3A_156 = arith.addf %get3A_151, %get3A_155 : vector<16xf32>
        %max3A_157 = arith.constant 0.000000e+00 : f32
        %max3A_158 = vector.broadcast %max3A_157 : f32 to vector<16xf32>
        %max3A_159 = arith.maximumf %add3A_156, %max3A_158 : vector<16xf32>
        %swap3A_160 = arith.index_cast %scan3A_81 : i32 to index
        %swap3A_161 = arith.constant 64 : index
        %swap3A_162 = tpu.vector_load %arg8[%swap3A_160, %swap3A_161] {strides = array<i32>} : memref<80x128xf32, #tpu.memory_space<vmem>>, vector<1x16xf32>,
        %swap3A_163 = vector.shape_cast %swap3A_162 : vector<1x16xf32> to vector<16xf32>
        %swap3A_164 = vector.shape_cast %max3A_159 : vector<16xf32> to vector<1x16xf32>
        tpu.vector_store %arg8[%swap3A_160, %swap3A_161], %swap3A_164 {strides = array<i32>} : memref<80x128xf32, #tpu.memory_space<vmem>>, vector<1x16xf32>,
        %get3A_165 = arith.index_cast %scan3A_81 : i32 to index
        %get3A_166 = arith.constant 80 : index
        %get3A_167 = tpu.vector_load %arg9[%get3A_165, %get3A_166] {strides = array<i32>} : memref<80x128xf32, #tpu.memory_space<vmem>>, vector<1x16xf32>,
        %get3A_168 = vector.shape_cast %get3A_167 : vector<1x16xf32> to vector<16xf32>
        %get3A_169 = arith.index_cast %scan3A_81 : i32 to index
        %get3A_170 = arith.constant 80 : index
        %get3A_171 = tpu.vector_load %arg8[%get3A_169, %get3A_170] {strides = array<i32>} : memref<80x128xf32, #tpu.memory_space<vmem>>, vector<1x16xf32>,
        %get3A_172 = vector.shape_cast %get3A_171 : vector<1x16xf32> to vector<16xf32>
        %add3A_173 = arith.addf %get3A_168, %get3A_172 : vector<16xf32>
        %max3A_174 = arith.constant 0.000000e+00 : f32
        %max3A_175 = vector.broadcast %max3A_174 : f32 to vector<16xf32>
        %max3A_176 = arith.maximumf %add3A_173, %max3A_175 : vector<16xf32>
        %swap3A_177 = arith.index_cast %scan3A_81 : i32 to index
        %swap3A_178 = arith.constant 80 : index
        %swap3A_179 = tpu.vector_load %arg8[%swap3A_177, %swap3A_178] {strides = array<i32>} : memref<80x128xf32, #tpu.memory_space<vmem>>, vector<1x16xf32>,
        %swap3A_180 = vector.shape_cast %swap3A_179 : vector<1x16xf32> to vector<16xf32>
        %swap3A_181 = vector.shape_cast %max3A_176 : vector<16xf32> to vector<1x16xf32>
        tpu.vector_store %arg8[%swap3A_177, %swap3A_178], %swap3A_181 {strides = array<i32>} : memref<80x128xf32, #tpu.memory_space<vmem>>, vector<1x16xf32>,
        %get3A_182 = arith.index_cast %scan3A_81 : i32 to index
        %get3A_183 = arith.constant 96 : index
        %get3A_184 = tpu.vector_load %arg9[%get3A_182, %get3A_183] {strides = array<i32>} : memref<80x128xf32, #tpu.memory_space<vmem>>, vector<1x16xf32>,
        %get3A_185 = vector.shape_cast %get3A_184 : vector<1x16xf32> to vector<16xf32>
        %get3A_186 = arith.index_cast %scan3A_81 : i32 to index
        %get3A_187 = arith.constant 96 : index
        %get3A_188 = tpu.vector_load %arg8[%get3A_186, %get3A_187] {strides = array<i32>} : memref<80x128xf32, #tpu.memory_space<vmem>>, vector<1x16xf32>,
        %get3A_189 = vector.shape_cast %get3A_188 : vector<1x16xf32> to vector<16xf32>
        %add3A_190 = arith.addf %get3A_185, %get3A_189 : vector<16xf32>
        %max3A_191 = arith.constant 0.000000e+00 : f32
        %max3A_192 = vector.broadcast %max3A_191 : f32 to vector<16xf32>
        %max3A_193 = arith.maximumf %add3A_190, %max3A_192 : vector<16xf32>
        %swap3A_194 = arith.index_cast %scan3A_81 : i32 to index
        %swap3A_195 = arith.constant 96 : index
        %swap3A_196 = tpu.vector_load %arg8[%swap3A_194, %swap3A_195] {strides = array<i32>} : memref<80x128xf32, #tpu.memory_space<vmem>>, vector<1x16xf32>,
        %swap3A_197 = vector.shape_cast %swap3A_196 : vector<1x16xf32> to vector<16xf32>
        %swap3A_198 = vector.shape_cast %max3A_193 : vector<16xf32> to vector<1x16xf32>
        tpu.vector_store %arg8[%swap3A_194, %swap3A_195], %swap3A_198 {strides = array<i32>} : memref<80x128xf32, #tpu.memory_space<vmem>>, vector<1x16xf32>,
        %get3A_199 = arith.index_cast %scan3A_81 : i32 to index
        %get3A_200 = arith.constant 112 : index
        %get3A_201 = tpu.vector_load %arg9[%get3A_199, %get3A_200] {strides = array<i32>} : memref<80x128xf32, #tpu.memory_space<vmem>>, vector<1x16xf32>,
        %get3A_202 = vector.shape_cast %get3A_201 : vector<1x16xf32> to vector<16xf32>
        %get3A_203 = arith.index_cast %scan3A_81 : i32 to index
        %get3A_204 = arith.constant 112 : index
        %get3A_205 = tpu.vector_load %arg8[%get3A_203, %get3A_204] {strides = array<i32>} : memref<80x128xf32, #tpu.memory_space<vmem>>, vector<1x16xf32>,
        %get3A_206 = vector.shape_cast %get3A_205 : vector<1x16xf32> to vector<16xf32>
        %add3A_207 = arith.addf %get3A_202, %get3A_206 : vector<16xf32>
        %max3A_208 = arith.constant 0.000000e+00 : f32
        %max3A_209 = vector.broadcast %max3A_208 : f32 to vector<16xf32>
        %max3A_210 = arith.maximumf %add3A_207, %max3A_209 : vector<16xf32>
        %swap3A_211 = arith.index_cast %scan3A_81 : i32 to index
        %swap3A_212 = arith.constant 112 : index
        %swap3A_213 = tpu.vector_load %arg8[%swap3A_211, %swap3A_212] {strides = array<i32>} : memref<80x128xf32, #tpu.memory_space<vmem>>, vector<1x16xf32>,
        %swap3A_214 = vector.shape_cast %swap3A_213 : vector<1x16xf32> to vector<16xf32>
        %swap3A_215 = vector.shape_cast %max3A_210 : vector<16xf32> to vector<1x16xf32>
        tpu.vector_store %arg8[%swap3A_211, %swap3A_212], %swap3A_215 {strides = array<i32>} : memref<80x128xf32, #tpu.memory_space<vmem>>, vector<1x16xf32>,
        %scan3A_216 = arith.constant 0 : i32
        scf.yield %scan3A_216 : i32
      }
      %scan3A_77 = arith.constant 80 : i32
      %dma_wait3A_78 = tpu.memref_slice %arg4[%add3A_54] : memref<640000xi32, #tpu.memory_space<hbm>> -> memref<80xi32, #tpu.memory_space<hbm>>
      %dma_wait3A_79 = tpu.memref_slice %arg4[%add3A_54] : memref<640000xi32, #tpu.memory_space<hbm>> -> memref<80xi32, #tpu.memory_space<hbm>>
      tpu.wait_dma2 semaphore(%arg16 : memref<!tpu.dma_semaphore, #tpu.memory_space<semaphore_mem>>) src(%dma_wait3A_79 : memref<80xi32, #tpu.memory_space<hbm>>) dst(%arg11 : memref<80xi32, #tpu.memory_space<vmem>>)
      "tpu.region"() ({
        %run_scoped3A = tpu.sem_alloc : memref<!tpu.dma_semaphore, #tpu.memory_space<semaphore_mem>>
        %dma_start3A_81 = arith.constant 0 : i32
        %dma_start3A_82 = arith.constant 0 : i32
        %dma_start3A_83 = tpu.memref_slice %arg7[%dma_start3A_81, %dma_start3A_82] : memref<10000x128xf32, #tpu.memory_space<vmem_shared>> -> memref<10000x128xf32, #tpu.memory_space<vmem_shared>>
        tpu.enqueue_indirect_dma source(%arg8 : memref<80x128xf32, #tpu.memory_space<vmem>>) target(%dma_start3A_83 : memref<10000x128xf32, #tpu.memory_space<vmem_shared>>) offsets(%arg11 : memref<80xi32, #tpu.memory_space<vmem>>) semaphore(%run_scoped3A : memref<!tpu.dma_semaphore, #tpu.memory_space<semaphore_mem>>) {add = true}
        %dma_wait3A_84 = arith.constant 0 : i32
        %dma_wait3A_85 = arith.constant 0 : i32
        %dma_wait3A_86 = tpu.memref_slice %arg7[%dma_wait3A_84, %dma_wait3A_85] : memref<10000x128xf32, #tpu.memory_space<vmem_shared>> -> memref<10000x128xf32, #tpu.memory_space<vmem_shared>>
        tpu.wait_indirect_dma semaphore(%run_scoped3A : memref<!tpu.dma_semaphore, #tpu.memory_space<semaphore_mem>>) src(%arg8 : memref<80x128xf32, #tpu.memory_space<vmem>>) dst(%dma_wait3A_86 : memref<10000x128xf32, #tpu.memory_space<vmem_shared>>)
        tpu.yield
      }) : () -> ()
      %scan3A_80 = arith.constant 0 : i32
      scf.yield %scan3A_80 : i32
    }
    %scan3A_27 = arith.constant 125 : i32
    %barrier3A_28 = arith.constant 0 : index
    tpu.barrier barrier_id(%barrier3A_28)
    %mul3A_29 = arith.constant 624 : i32
    %mul3A_30 = arith.muli %arg1, %mul3A_29 : i32
    %mul3A_31 = arith.constant 624 : i32
    %mul3A_32 = arith.muli %arg1, %mul3A_31 : i32
    "tpu.region"() ({
      %run_scoped3A = tpu.sem_alloc : memref<!tpu.dma_semaphore, #tpu.memory_space<semaphore_mem>>
      %dma_start3A = arith.constant 0 : i32
      %dma_start3A_38 = tpu.memref_slice %arg6[%arg0, %mul3A_32, %dma_start3A] : memref<2x10000x128xf32, #tpu.memory_space<hbm>> -> memref<1x624x128xf32, #tpu.memory_space<hbm>>
      %dma_start3A_39 = tpu.memref_squeeze %dma_start3A_38 : memref<1x624x128xf32, #tpu.memory_space<hbm>> -> memref<624x128xf32, #tpu.memory_space<hbm>>
      %dma_start3A_40 = arith.constant 0 : i32
      %dma_start3A_41 = tpu.memref_slice %arg7[%mul3A_30, %dma_start3A_40] : memref<10000x128xf32, #tpu.memory_space<vmem_shared>> -> memref<624x128xf32, #tpu.memory_space<vmem_shared>>
      tpu.enqueue_dma source(%dma_start3A_41 : memref<624x128xf32, #tpu.memory_space<vmem_shared>>) target(%dma_start3A_39 : memref<624x128xf32, #tpu.memory_space<hbm>>) target_semaphore(%run_scoped3A : memref<!tpu.dma_semaphore, #tpu.memory_space<semaphore_mem>>)
      %dma_wait3A = arith.constant 0 : i32
      %dma_wait3A_42 = tpu.memref_slice %arg6[%arg0, %mul3A_32, %dma_wait3A] : memref<2x10000x128xf32, #tpu.memory_space<hbm>> -> memref<1x624x128xf32, #tpu.memory_space<hbm>>
      %dma_wait3A_43 = tpu.memref_squeeze %dma_wait3A_42 : memref<1x624x128xf32, #tpu.memory_space<hbm>> -> memref<624x128xf32, #tpu.memory_space<hbm>>
      %dma_wait3A_44 = arith.constant 0 : i32
      %dma_wait3A_45 = tpu.memref_slice %arg7[%mul3A_30, %dma_wait3A_44] : memref<10000x128xf32, #tpu.memory_space<vmem_shared>> -> memref<624x128xf32, #tpu.memory_space<vmem_shared>>
      tpu.wait_dma2 semaphore(%run_scoped3A : memref<!tpu.dma_semaphore, #tpu.memory_space<semaphore_mem>>) src(%dma_wait3A_45 : memref<624x128xf32, #tpu.memory_space<vmem_shared>>) dst(%dma_wait3A_43 : memref<624x128xf32, #tpu.memory_space<hbm>>)
      tpu.yield
    }) : () -> ()
    %eq3A_33 = arith.constant 15 : i32
    %eq3A_34 = arith.cmpi eq, %arg1, %eq3A_33 : i32
    %convert_element_type3A_35 = arith.extui %eq3A_34 : i1 to i32
    %cond3A_36 = arith.constant 0 : i32
    %cond3A_37 = arith.cmpi ne, %convert_element_type3A_35, %cond3A_36 : i32
    scf.if %cond3A_37 {
      "tpu.region"() ({
        %run_scoped3A = tpu.sem_alloc : memref<!tpu.dma_semaphore, #tpu.memory_space<semaphore_mem>>
        %dma_start3A = arith.constant 9984 : i32
        %dma_start3A_38 = arith.constant 0 : i32
        %dma_start3A_39 = tpu.memref_slice %arg6[%arg0, %dma_start3A, %dma_start3A_38] : memref<2x10000x128xf32, #tpu.memory_space<hbm>> -> memref<1x16x128xf32, #tpu.memory_space<hbm>>
        %dma_start3A_40 = tpu.memref_squeeze %dma_start3A_39 : memref<1x16x128xf32, #tpu.memory_space<hbm>> -> memref<16x128xf32, #tpu.memory_space<hbm>>
        %dma_start3A_41 = arith.constant 9984 : i32
        %dma_start3A_42 = arith.constant 0 : i32
        %dma_start3A_43 = tpu.memref_slice %arg7[%dma_start3A_41, %dma_start3A_42] : memref<10000x128xf32, #tpu.memory_space<vmem_shared>> -> memref<16x128xf32, #tpu.memory_space<vmem_shared>>
        tpu.enqueue_dma source(%dma_start3A_43 : memref<16x128xf32, #tpu.memory_space<vmem_shared>>) target(%dma_start3A_40 : memref<16x128xf32, #tpu.memory_space<hbm>>) target_semaphore(%run_scoped3A : memref<!tpu.dma_semaphore, #tpu.memory_space<semaphore_mem>>)
        %dma_wait3A = arith.constant 9984 : i32
        %dma_wait3A_44 = arith.constant 0 : i32
        %dma_wait3A_45 = tpu.memref_slice %arg6[%arg0, %dma_wait3A, %dma_wait3A_44] : memref<2x10000x128xf32, #tpu.memory_space<hbm>> -> memref<1x16x128xf32, #tpu.memory_space<hbm>>
        %dma_wait3A_46 = tpu.memref_squeeze %dma_wait3A_45 : memref<1x16x128xf32, #tpu.memory_space<hbm>> -> memref<16x128xf32, #tpu.memory_space<hbm>>
        %dma_wait3A_47 = arith.constant 9984 : i32
        %dma_wait3A_48 = arith.constant 0 : i32
        %dma_wait3A_49 = tpu.memref_slice %arg7[%dma_wait3A_47, %dma_wait3A_48] : memref<10000x128xf32, #tpu.memory_space<vmem_shared>> -> memref<16x128xf32, #tpu.memory_space<vmem_shared>>
        tpu.wait_dma2 semaphore(%run_scoped3A : memref<!tpu.dma_semaphore, #tpu.memory_space<semaphore_mem>>) src(%dma_wait3A_49 : memref<16x128xf32, #tpu.memory_space<vmem_shared>>) dst(%dma_wait3A_46 : memref<16x128xf32, #tpu.memory_space<hbm>>)
        tpu.yield
      }) : () -> ()
    } else {
    }
    return
  }
}

#map = affine_map<(d0, d1) -> (0, 0)>
#map1 = affine_map<(d0, d1) -> (0, 0, 0)>
#map2 = affine_map<(d0, d1) -> (0)>
module attributes {stable_mosaic.version = 14 : i64} {
  func.func @k(%arg0: i32, %arg1: i32, %arg2: memref<10000x128xf32, #tpu.memory_space<hbm>>, %arg3: memref<4x320000x128xf32, #tpu.memory_space<hbm>>, %arg4: memref<640000xi32, #tpu.memory_space<hbm>>, %arg5: memref<2x128xf32, #tpu.memory_space<hbm>>, %arg6: memref<2x10000x128xf32, #tpu.memory_space<hbm>>, %arg7: memref<10000x128xf32, #tpu.memory_space<vmem_shared>>, %arg8: memref<80x128xf32, #tpu.memory_space<vmem>>, %arg9: memref<80x128xf32, #tpu.memory_space<vmem>>, %arg10: memref<80xi32, #tpu.memory_space<vmem>>, %arg11: memref<80xi32, #tpu.memory_space<vmem>>, %arg12: memref<208x128xf32, #tpu.memory_space<vmem>>, %arg13: memref<2x128xf32, #tpu.memory_space<vmem>>, %arg14: memref<!tpu.dma_semaphore, #tpu.memory_space<semaphore_mem>>, %arg15: memref<!tpu.dma_semaphore, #tpu.memory_space<semaphore_mem>>, %arg16: memref<!tpu.dma_semaphore, #tpu.memory_space<semaphore_mem>>, %arg17: memref<!tpu.dma_semaphore, #tpu.memory_space<semaphore_mem>>) attributes {dimension_semantics = [#tpu.dimension_semantics<core_parallel>, #tpu.dimension_semantics<subcore_parallel>], iteration_bounds = array<i64: 2, 16>, scalar_prefetch = 0 : i64, scratch_operands = 11 : i64, tpu.core_type = #tpu.core_type<sc_vector_subcore>, window_params = [{transform_indices = #map}, {transform_indices = #map1}, {transform_indices = #map2}, {transform_indices = #map}, {transform_indices = #map1}]} {
    %mul3A = arith.constant 16 : i32
    %mul3A_0 = arith.muli %arg0, %mul3A : i32
    %add3A = arith.addi %mul3A_0, %arg1 : i32
    %scan3A = arith.constant 0 : i32
    %scan3A_1 = arith.constant 0 : i32
    %scan3A_2 = arith.constant 208 : i32
    %scan3A_3 = arith.addi %scan3A_1, %scan3A_2 : i32
    %scan3A_4 = arith.constant 1 : i32
    %scan3A_5 = scf.for %scan3A_117 = %scan3A_1 to %scan3A_3 step %scan3A_4 iter_args(%scan3A_118 = %scan3A) -> (i32)  : i32 {
      %broadcast_in_dim3A = arith.constant 0.000000e+00 : f32
      %broadcast_in_dim3A_119 = vector.broadcast %broadcast_in_dim3A : f32 to vector<16xf32>
      %swap3A = arith.index_cast %scan3A_117 : i32 to index
      %swap3A_120 = arith.constant 0 : index
      %swap3A_121 = tpu.vector_load %arg12[%swap3A, %swap3A_120] {strides = array<i32>} : memref<208x128xf32, #tpu.memory_space<vmem>>, vector<1x16xf32>,
      %swap3A_122 = vector.shape_cast %swap3A_121 : vector<1x16xf32> to vector<16xf32>
      %swap3A_123 = vector.shape_cast %broadcast_in_dim3A_119 : vector<16xf32> to vector<1x16xf32>
      tpu.vector_store %arg12[%swap3A, %swap3A_120], %swap3A_123 {strides = array<i32>} : memref<208x128xf32, #tpu.memory_space<vmem>>, vector<1x16xf32>,
      %broadcast_in_dim3A_124 = arith.constant 0.000000e+00 : f32
      %broadcast_in_dim3A_125 = vector.broadcast %broadcast_in_dim3A_124 : f32 to vector<16xf32>
      %swap3A_126 = arith.index_cast %scan3A_117 : i32 to index
      %swap3A_127 = arith.constant 16 : index
      %swap3A_128 = tpu.vector_load %arg12[%swap3A_126, %swap3A_127] {strides = array<i32>} : memref<208x128xf32, #tpu.memory_space<vmem>>, vector<1x16xf32>,
      %swap3A_129 = vector.shape_cast %swap3A_128 : vector<1x16xf32> to vector<16xf32>
      %swap3A_130 = vector.shape_cast %broadcast_in_dim3A_125 : vector<16xf32> to vector<1x16xf32>
      tpu.vector_store %arg12[%swap3A_126, %swap3A_127], %swap3A_130 {strides = array<i32>} : memref<208x128xf32, #tpu.memory_space<vmem>>, vector<1x16xf32>,
      %broadcast_in_dim3A_131 = arith.constant 0.000000e+00 : f32
      %broadcast_in_dim3A_132 = vector.broadcast %broadcast_in_dim3A_131 : f32 to vector<16xf32>
      %swap3A_133 = arith.index_cast %scan3A_117 : i32 to index
      %swap3A_134 = arith.constant 32 : index
      %swap3A_135 = tpu.vector_load %arg12[%swap3A_133, %swap3A_134] {strides = array<i32>} : memref<208x128xf32, #tpu.memory_space<vmem>>, vector<1x16xf32>,
      %swap3A_136 = vector.shape_cast %swap3A_135 : vector<1x16xf32> to vector<16xf32>
      %swap3A_137 = vector.shape_cast %broadcast_in_dim3A_132 : vector<16xf32> to vector<1x16xf32>
      tpu.vector_store %arg12[%swap3A_133, %swap3A_134], %swap3A_137 {strides = array<i32>} : memref<208x128xf32, #tpu.memory_space<vmem>>, vector<1x16xf32>,
      %broadcast_in_dim3A_138 = arith.constant 0.000000e+00 : f32
      %broadcast_in_dim3A_139 = vector.broadcast %broadcast_in_dim3A_138 : f32 to vector<16xf32>
      %swap3A_140 = arith.index_cast %scan3A_117 : i32 to index
      %swap3A_141 = arith.constant 48 : index
      %swap3A_142 = tpu.vector_load %arg12[%swap3A_140, %swap3A_141] {strides = array<i32>} : memref<208x128xf32, #tpu.memory_space<vmem>>, vector<1x16xf32>,
      %swap3A_143 = vector.shape_cast %swap3A_142 : vector<1x16xf32> to vector<16xf32>
      %swap3A_144 = vector.shape_cast %broadcast_in_dim3A_139 : vector<16xf32> to vector<1x16xf32>
      tpu.vector_store %arg12[%swap3A_140, %swap3A_141], %swap3A_144 {strides = array<i32>} : memref<208x128xf32, #tpu.memory_space<vmem>>, vector<1x16xf32>,
      %broadcast_in_dim3A_145 = arith.constant 0.000000e+00 : f32
      %broadcast_in_dim3A_146 = vector.broadcast %broadcast_in_dim3A_145 : f32 to vector<16xf32>
      %swap3A_147 = arith.index_cast %scan3A_117 : i32 to index
      %swap3A_148 = arith.constant 64 : index
      %swap3A_149 = tpu.vector_load %arg12[%swap3A_147, %swap3A_148] {strides = array<i32>} : memref<208x128xf32, #tpu.memory_space<vmem>>, vector<1x16xf32>,
      %swap3A_150 = vector.shape_cast %swap3A_149 : vector<1x16xf32> to vector<16xf32>
      %swap3A_151 = vector.shape_cast %broadcast_in_dim3A_146 : vector<16xf32> to vector<1x16xf32>
      tpu.vector_store %arg12[%swap3A_147, %swap3A_148], %swap3A_151 {strides = array<i32>} : memref<208x128xf32, #tpu.memory_space<vmem>>, vector<1x16xf32>,
      %broadcast_in_dim3A_152 = arith.constant 0.000000e+00 : f32
      %broadcast_in_dim3A_153 = vector.broadcast %broadcast_in_dim3A_152 : f32 to vector<16xf32>
      %swap3A_154 = arith.index_cast %scan3A_117 : i32 to index
      %swap3A_155 = arith.constant 80 : index
      %swap3A_156 = tpu.vector_load %arg12[%swap3A_154, %swap3A_155] {strides = array<i32>} : memref<208x128xf32, #tpu.memory_space<vmem>>, vector<1x16xf32>,
      %swap3A_157 = vector.shape_cast %swap3A_156 : vector<1x16xf32> to vector<16xf32>
      %swap3A_158 = vector.shape_cast %broadcast_in_dim3A_153 : vector<16xf32> to vector<1x16xf32>
      tpu.vector_store %arg12[%swap3A_154, %swap3A_155], %swap3A_158 {strides = array<i32>} : memref<208x128xf32, #tpu.memory_space<vmem>>, vector<1x16xf32>,
      %broadcast_in_dim3A_159 = arith.constant 0.000000e+00 : f32
      %broadcast_in_dim3A_160 = vector.broadcast %broadcast_in_dim3A_159 : f32 to vector<16xf32>
      %swap3A_161 = arith.index_cast %scan3A_117 : i32 to index
      %swap3A_162 = arith.constant 96 : index
      %swap3A_163 = tpu.vector_load %arg12[%swap3A_161, %swap3A_162] {strides = array<i32>} : memref<208x128xf32, #tpu.memory_space<vmem>>, vector<1x16xf32>,
      %swap3A_164 = vector.shape_cast %swap3A_163 : vector<1x16xf32> to vector<16xf32>
      %swap3A_165 = vector.shape_cast %broadcast_in_dim3A_160 : vector<16xf32> to vector<1x16xf32>
      tpu.vector_store %arg12[%swap3A_161, %swap3A_162], %swap3A_165 {strides = array<i32>} : memref<208x128xf32, #tpu.memory_space<vmem>>, vector<1x16xf32>,
      %broadcast_in_dim3A_166 = arith.constant 0.000000e+00 : f32
      %broadcast_in_dim3A_167 = vector.broadcast %broadcast_in_dim3A_166 : f32 to vector<16xf32>
      %swap3A_168 = arith.index_cast %scan3A_117 : i32 to index
      %swap3A_169 = arith.constant 112 : index
      %swap3A_170 = tpu.vector_load %arg12[%swap3A_168, %swap3A_169] {strides = array<i32>} : memref<208x128xf32, #tpu.memory_space<vmem>>, vector<1x16xf32>,
      %swap3A_171 = vector.shape_cast %swap3A_170 : vector<1x16xf32> to vector<16xf32>
      %swap3A_172 = vector.shape_cast %broadcast_in_dim3A_167 : vector<16xf32> to vector<1x16xf32>
      tpu.vector_store %arg12[%swap3A_168, %swap3A_169], %swap3A_172 {strides = array<i32>} : memref<208x128xf32, #tpu.memory_space<vmem>>, vector<1x16xf32>,
      %scan3A_173 = arith.constant 0 : i32
      scf.yield %scan3A_173 : i32
    }
    %scan3A_6 = arith.constant 208 : i32
    %mul3A_7 = arith.constant 624 : i32
    %mul3A_8 = arith.muli %arg1, %mul3A_7 : i32
    %add3A_9 = arith.constant 0 : i32
    %add3A_10 = arith.addi %mul3A_8, %add3A_9 : i32
    "tpu.region"() ({
      %run_scoped3A = tpu.sem_alloc : memref<!tpu.dma_semaphore, #tpu.memory_space<semaphore_mem>>
      %dma_start3A = arith.constant 0 : i32
      %dma_start3A_117 = tpu.memref_slice %arg7[%add3A_10, %dma_start3A] : memref<10000x128xf32, #tpu.memory_space<vmem_shared>> -> memref<208x128xf32, #tpu.memory_space<vmem_shared>>
      %dma_start3A_118 = arith.constant 0 : i32
      %dma_start3A_119 = tpu.memref_slice %arg7[%add3A_10, %dma_start3A_118] : memref<10000x128xf32, #tpu.memory_space<vmem_shared>> -> memref<208x128xf32, #tpu.memory_space<vmem_shared>>
      tpu.enqueue_dma source(%arg12 : memref<208x128xf32, #tpu.memory_space<vmem>>) target(%dma_start3A_119 : memref<208x128xf32, #tpu.memory_space<vmem_shared>>) target_semaphore(%run_scoped3A : memref<!tpu.dma_semaphore, #tpu.memory_space<semaphore_mem>>)
      %dma_wait3A = arith.constant 0 : i32
      %dma_wait3A_120 = tpu.memref_slice %arg7[%add3A_10, %dma_wait3A] : memref<10000x128xf32, #tpu.memory_space<vmem_shared>> -> memref<208x128xf32, #tpu.memory_space<vmem_shared>>
      %dma_wait3A_121 = arith.constant 0 : i32
      %dma_wait3A_122 = tpu.memref_slice %arg7[%add3A_10, %dma_wait3A_121] : memref<10000x128xf32, #tpu.memory_space<vmem_shared>> -> memref<208x128xf32, #tpu.memory_space<vmem_shared>>
      tpu.wait_dma2 semaphore(%run_scoped3A : memref<!tpu.dma_semaphore, #tpu.memory_space<semaphore_mem>>) src(%arg12 : memref<208x128xf32, #tpu.memory_space<vmem>>) dst(%dma_wait3A_122 : memref<208x128xf32, #tpu.memory_space<vmem_shared>>)
      tpu.yield
    }) : () -> ()
    %mul3A_11 = arith.constant 624 : i32
    %mul3A_12 = arith.muli %arg1, %mul3A_11 : i32
    %add3A_13 = arith.constant 208 : i32
    %add3A_14 = arith.addi %mul3A_12, %add3A_13 : i32
    "tpu.region"() ({
      %run_scoped3A = tpu.sem_alloc : memref<!tpu.dma_semaphore, #tpu.memory_space<semaphore_mem>>
      %dma_start3A = arith.constant 0 : i32
      %dma_start3A_117 = tpu.memref_slice %arg7[%add3A_14, %dma_start3A] : memref<10000x128xf32, #tpu.memory_space<vmem_shared>> -> memref<208x128xf32, #tpu.memory_space<vmem_shared>>
      %dma_start3A_118 = arith.constant 0 : i32
      %dma_start3A_119 = tpu.memref_slice %arg7[%add3A_14, %dma_start3A_118] : memref<10000x128xf32, #tpu.memory_space<vmem_shared>> -> memref<208x128xf32, #tpu.memory_space<vmem_shared>>
      tpu.enqueue_dma source(%arg12 : memref<208x128xf32, #tpu.memory_space<vmem>>) target(%dma_start3A_119 : memref<208x128xf32, #tpu.memory_space<vmem_shared>>) target_semaphore(%run_scoped3A : memref<!tpu.dma_semaphore, #tpu.memory_space<semaphore_mem>>)
      %dma_wait3A = arith.constant 0 : i32
      %dma_wait3A_120 = tpu.memref_slice %arg7[%add3A_14, %dma_wait3A] : memref<10000x128xf32, #tpu.memory_space<vmem_shared>> -> memref<208x128xf32, #tpu.memory_space<vmem_shared>>
      %dma_wait3A_121 = arith.constant 0 : i32
      %dma_wait3A_122 = tpu.memref_slice %arg7[%add3A_14, %dma_wait3A_121] : memref<10000x128xf32, #tpu.memory_space<vmem_shared>> -> memref<208x128xf32, #tpu.memory_space<vmem_shared>>
      tpu.wait_dma2 semaphore(%run_scoped3A : memref<!tpu.dma_semaphore, #tpu.memory_space<semaphore_mem>>) src(%arg12 : memref<208x128xf32, #tpu.memory_space<vmem>>) dst(%dma_wait3A_122 : memref<208x128xf32, #tpu.memory_space<vmem_shared>>)
      tpu.yield
    }) : () -> ()
    %mul3A_15 = arith.constant 624 : i32
    %mul3A_16 = arith.muli %arg1, %mul3A_15 : i32
    %add3A_17 = arith.constant 416 : i32
    %add3A_18 = arith.addi %mul3A_16, %add3A_17 : i32
    "tpu.region"() ({
      %run_scoped3A = tpu.sem_alloc : memref<!tpu.dma_semaphore, #tpu.memory_space<semaphore_mem>>
      %dma_start3A = arith.constant 0 : i32
      %dma_start3A_117 = tpu.memref_slice %arg7[%add3A_18, %dma_start3A] : memref<10000x128xf32, #tpu.memory_space<vmem_shared>> -> memref<208x128xf32, #tpu.memory_space<vmem_shared>>
      %dma_start3A_118 = arith.constant 0 : i32
      %dma_start3A_119 = tpu.memref_slice %arg7[%add3A_18, %dma_start3A_118] : memref<10000x128xf32, #tpu.memory_space<vmem_shared>> -> memref<208x128xf32, #tpu.memory_space<vmem_shared>>
      tpu.enqueue_dma source(%arg12 : memref<208x128xf32, #tpu.memory_space<vmem>>) target(%dma_start3A_119 : memref<208x128xf32, #tpu.memory_space<vmem_shared>>) target_semaphore(%run_scoped3A : memref<!tpu.dma_semaphore, #tpu.memory_space<semaphore_mem>>)
      %dma_wait3A = arith.constant 0 : i32
      %dma_wait3A_120 = tpu.memref_slice %arg7[%add3A_18, %dma_wait3A] : memref<10000x128xf32, #tpu.memory_space<vmem_shared>> -> memref<208x128xf32, #tpu.memory_space<vmem_shared>>
      %dma_wait3A_121 = arith.constant 0 : i32
      %dma_wait3A_122 = tpu.memref_slice %arg7[%add3A_18, %dma_wait3A_121] : memref<10000x128xf32, #tpu.memory_space<vmem_shared>> -> memref<208x128xf32, #tpu.memory_space<vmem_shared>>
      tpu.wait_dma2 semaphore(%run_scoped3A : memref<!tpu.dma_semaphore, #tpu.memory_space<semaphore_mem>>) src(%arg12 : memref<208x128xf32, #tpu.memory_space<vmem>>) dst(%dma_wait3A_122 : memref<208x128xf32, #tpu.memory_space<vmem_shared>>)
      tpu.yield
    }) : () -> ()
    %eq3A = arith.constant 15 : i32
    %eq3A_19 = arith.cmpi eq, %arg1, %eq3A : i32
    %convert_element_type3A = arith.extui %eq3A_19 : i1 to i32
    %cond3A = arith.constant 0 : i32
    %cond3A_20 = arith.cmpi ne, %convert_element_type3A, %cond3A : i32
    scf.if %cond3A_20 {
      "tpu.region"() ({
        %run_scoped3A = tpu.sem_alloc : memref<!tpu.dma_semaphore, #tpu.memory_space<semaphore_mem>>
        %dma_start3A = arith.constant 0 : i32
        %dma_start3A_117 = arith.constant 0 : i32
        %dma_start3A_118 = tpu.memref_slice %arg12[%dma_start3A, %dma_start3A_117] : memref<208x128xf32, #tpu.memory_space<vmem>> -> memref<16x128xf32, #tpu.memory_space<vmem>>
        %dma_start3A_119 = arith.constant 9984 : i32
        %dma_start3A_120 = arith.constant 0 : i32
        %dma_start3A_121 = tpu.memref_slice %arg7[%dma_start3A_119, %dma_start3A_120] : memref<10000x128xf32, #tpu.memory_space<vmem_shared>> -> memref<16x128xf32, #tpu.memory_space<vmem_shared>>
        %dma_start3A_122 = arith.constant 9984 : i32
        %dma_start3A_123 = arith.constant 0 : i32
        %dma_start3A_124 = tpu.memref_slice %arg7[%dma_start3A_122, %dma_start3A_123] : memref<10000x128xf32, #tpu.memory_space<vmem_shared>> -> memref<16x128xf32, #tpu.memory_space<vmem_shared>>
        %dma_start3A_125 = arith.constant 0 : i32
        %dma_start3A_126 = arith.constant 0 : i32
        %dma_start3A_127 = tpu.memref_slice %arg12[%dma_start3A_125, %dma_start3A_126] : memref<208x128xf32, #tpu.memory_space<vmem>> -> memref<16x128xf32, #tpu.memory_space<vmem>>
        tpu.enqueue_dma source(%dma_start3A_127 : memref<16x128xf32, #tpu.memory_space<vmem>>) target(%dma_start3A_124 : memref<16x128xf32, #tpu.memory_space<vmem_shared>>) target_semaphore(%run_scoped3A : memref<!tpu.dma_semaphore, #tpu.memory_space<semaphore_mem>>)
        %dma_wait3A = arith.constant 0 : i32
        %dma_wait3A_128 = arith.constant 0 : i32
        %dma_wait3A_129 = tpu.memref_slice %arg12[%dma_wait3A, %dma_wait3A_128] : memref<208x128xf32, #tpu.memory_space<vmem>> -> memref<16x128xf32, #tpu.memory_space<vmem>>
        %dma_wait3A_130 = arith.constant 9984 : i32
        %dma_wait3A_131 = arith.constant 0 : i32
        %dma_wait3A_132 = tpu.memref_slice %arg7[%dma_wait3A_130, %dma_wait3A_131] : memref<10000x128xf32, #tpu.memory_space<vmem_shared>> -> memref<16x128xf32, #tpu.memory_space<vmem_shared>>
        %dma_wait3A_133 = arith.constant 9984 : i32
        %dma_wait3A_134 = arith.constant 0 : i32
        %dma_wait3A_135 = tpu.memref_slice %arg7[%dma_wait3A_133, %dma_wait3A_134] : memref<10000x128xf32, #tpu.memory_space<vmem_shared>> -> memref<16x128xf32, #tpu.memory_space<vmem_shared>>
        %dma_wait3A_136 = arith.constant 0 : i32
        %dma_wait3A_137 = arith.constant 0 : i32
        %dma_wait3A_138 = tpu.memref_slice %arg12[%dma_wait3A_136, %dma_wait3A_137] : memref<208x128xf32, #tpu.memory_space<vmem>> -> memref<16x128xf32, #tpu.memory_space<vmem>>
        tpu.wait_dma2 semaphore(%run_scoped3A : memref<!tpu.dma_semaphore, #tpu.memory_space<semaphore_mem>>) src(%dma_wait3A_138 : memref<16x128xf32, #tpu.memory_space<vmem>>) dst(%dma_wait3A_135 : memref<16x128xf32, #tpu.memory_space<vmem_shared>>)
        tpu.yield
      }) : () -> ()
    } else {
    }
    "tpu.region"() ({
      %run_scoped3A = tpu.sem_alloc : memref<!tpu.dma_semaphore, #tpu.memory_space<semaphore_mem>>
      tpu.enqueue_dma source(%arg5 : memref<2x128xf32, #tpu.memory_space<hbm>>) target(%arg13 : memref<2x128xf32, #tpu.memory_space<vmem>>) target_semaphore(%run_scoped3A : memref<!tpu.dma_semaphore, #tpu.memory_space<semaphore_mem>>)
      tpu.wait_dma2 semaphore(%run_scoped3A : memref<!tpu.dma_semaphore, #tpu.memory_space<semaphore_mem>>) src(%arg5 : memref<2x128xf32, #tpu.memory_space<hbm>>) dst(%arg13 : memref<2x128xf32, #tpu.memory_space<vmem>>)
      tpu.yield
    }) : () -> ()
    %barrier3A = arith.constant 0 : index
    tpu.barrier barrier_id(%barrier3A)
    %get3A = arith.constant 0 : i32
    %get3A_21 = arith.index_cast %get3A : i32 to index
    %get3A_22 = arith.constant 0 : index
    %get3A_23 = tpu.vector_load %arg13[%get3A_21, %get3A_22] {strides = array<i32>} : memref<2x128xf32, #tpu.memory_space<vmem>>, vector<1x16xf32>,
    %get3A_24 = vector.shape_cast %get3A_23 : vector<1x16xf32> to vector<16xf32>
    %get3A_25 = arith.constant 0 : i32
    %get3A_26 = arith.index_cast %get3A_25 : i32 to index
    %get3A_27 = arith.constant 16 : index
    %get3A_28 = tpu.vector_load %arg13[%get3A_26, %get3A_27] {strides = array<i32>} : memref<2x128xf32, #tpu.memory_space<vmem>>, vector<1x16xf32>,
    %get3A_29 = vector.shape_cast %get3A_28 : vector<1x16xf32> to vector<16xf32>
    %get3A_30 = arith.constant 0 : i32
    %get3A_31 = arith.index_cast %get3A_30 : i32 to index
    %get3A_32 = arith.constant 32 : index
    %get3A_33 = tpu.vector_load %arg13[%get3A_31, %get3A_32] {strides = array<i32>} : memref<2x128xf32, #tpu.memory_space<vmem>>, vector<1x16xf32>,
    %get3A_34 = vector.shape_cast %get3A_33 : vector<1x16xf32> to vector<16xf32>
    %get3A_35 = arith.constant 0 : i32
    %get3A_36 = arith.index_cast %get3A_35 : i32 to index
    %get3A_37 = arith.constant 48 : index
    %get3A_38 = tpu.vector_load %arg13[%get3A_36, %get3A_37] {strides = array<i32>} : memref<2x128xf32, #tpu.memory_space<vmem>>, vector<1x16xf32>,
    %get3A_39 = vector.shape_cast %get3A_38 : vector<1x16xf32> to vector<16xf32>
    %get3A_40 = arith.constant 0 : i32
    %get3A_41 = arith.index_cast %get3A_40 : i32 to index
    %get3A_42 = arith.constant 64 : index
    %get3A_43 = tpu.vector_load %arg13[%get3A_41, %get3A_42] {strides = array<i32>} : memref<2x128xf32, #tpu.memory_space<vmem>>, vector<1x16xf32>,
    %get3A_44 = vector.shape_cast %get3A_43 : vector<1x16xf32> to vector<16xf32>
    %get3A_45 = arith.constant 0 : i32
    %get3A_46 = arith.index_cast %get3A_45 : i32 to index
    %get3A_47 = arith.constant 80 : index
    %get3A_48 = tpu.vector_load %arg13[%get3A_46, %get3A_47] {strides = array<i32>} : memref<2x128xf32, #tpu.memory_space<vmem>>, vector<1x16xf32>,
    %get3A_49 = vector.shape_cast %get3A_48 : vector<1x16xf32> to vector<16xf32>
    %get3A_50 = arith.constant 0 : i32
    %get3A_51 = arith.index_cast %get3A_50 : i32 to index
    %get3A_52 = arith.constant 96 : index
    %get3A_53 = tpu.vector_load %arg13[%get3A_51, %get3A_52] {strides = array<i32>} : memref<2x128xf32, #tpu.memory_space<vmem>>, vector<1x16xf32>,
    %get3A_54 = vector.shape_cast %get3A_53 : vector<1x16xf32> to vector<16xf32>
    %get3A_55 = arith.constant 0 : i32
    %get3A_56 = arith.index_cast %get3A_55 : i32 to index
    %get3A_57 = arith.constant 112 : index
    %get3A_58 = tpu.vector_load %arg13[%get3A_56, %get3A_57] {strides = array<i32>} : memref<2x128xf32, #tpu.memory_space<vmem>>, vector<1x16xf32>,
    %get3A_59 = vector.shape_cast %get3A_58 : vector<1x16xf32> to vector<16xf32>
    %get3A_60 = arith.constant 1 : i32
    %get3A_61 = arith.index_cast %get3A_60 : i32 to index
    %get3A_62 = arith.constant 0 : index
    %get3A_63 = tpu.vector_load %arg13[%get3A_61, %get3A_62] {strides = array<i32>} : memref<2x128xf32, #tpu.memory_space<vmem>>, vector<1x16xf32>,
    %get3A_64 = vector.shape_cast %get3A_63 : vector<1x16xf32> to vector<16xf32>
    %get3A_65 = arith.constant 1 : i32
    %get3A_66 = arith.index_cast %get3A_65 : i32 to index
    %get3A_67 = arith.constant 16 : index
    %get3A_68 = tpu.vector_load %arg13[%get3A_66, %get3A_67] {strides = array<i32>} : memref<2x128xf32, #tpu.memory_space<vmem>>, vector<1x16xf32>,
    %get3A_69 = vector.shape_cast %get3A_68 : vector<1x16xf32> to vector<16xf32>
    %get3A_70 = arith.constant 1 : i32
    %get3A_71 = arith.index_cast %get3A_70 : i32 to index
    %get3A_72 = arith.constant 32 : index
    %get3A_73 = tpu.vector_load %arg13[%get3A_71, %get3A_72] {strides = array<i32>} : memref<2x128xf32, #tpu.memory_space<vmem>>, vector<1x16xf32>,
    %get3A_74 = vector.shape_cast %get3A_73 : vector<1x16xf32> to vector<16xf32>
    %get3A_75 = arith.constant 1 : i32
    %get3A_76 = arith.index_cast %get3A_75 : i32 to index
    %get3A_77 = arith.constant 48 : index
    %get3A_78 = tpu.vector_load %arg13[%get3A_76, %get3A_77] {strides = array<i32>} : memref<2x128xf32, #tpu.memory_space<vmem>>, vector<1x16xf32>,
    %get3A_79 = vector.shape_cast %get3A_78 : vector<1x16xf32> to vector<16xf32>
    %get3A_80 = arith.constant 1 : i32
    %get3A_81 = arith.index_cast %get3A_80 : i32 to index
    %get3A_82 = arith.constant 64 : index
    %get3A_83 = tpu.vector_load %arg13[%get3A_81, %get3A_82] {strides = array<i32>} : memref<2x128xf32, #tpu.memory_space<vmem>>, vector<1x16xf32>,
    %get3A_84 = vector.shape_cast %get3A_83 : vector<1x16xf32> to vector<16xf32>
    %get3A_85 = arith.constant 1 : i32
    %get3A_86 = arith.index_cast %get3A_85 : i32 to index
    %get3A_87 = arith.constant 80 : index
    %get3A_88 = tpu.vector_load %arg13[%get3A_86, %get3A_87] {strides = array<i32>} : memref<2x128xf32, #tpu.memory_space<vmem>>, vector<1x16xf32>,
    %get3A_89 = vector.shape_cast %get3A_88 : vector<1x16xf32> to vector<16xf32>
    %get3A_90 = arith.constant 1 : i32
    %get3A_91 = arith.index_cast %get3A_90 : i32 to index
    %get3A_92 = arith.constant 96 : index
    %get3A_93 = tpu.vector_load %arg13[%get3A_91, %get3A_92] {strides = array<i32>} : memref<2x128xf32, #tpu.memory_space<vmem>>, vector<1x16xf32>,
    %get3A_94 = vector.shape_cast %get3A_93 : vector<1x16xf32> to vector<16xf32>
    %get3A_95 = arith.constant 1 : i32
    %get3A_96 = arith.index_cast %get3A_95 : i32 to index
    %get3A_97 = arith.constant 112 : index
    %get3A_98 = tpu.vector_load %arg13[%get3A_96, %get3A_97] {strides = array<i32>} : memref<2x128xf32, #tpu.memory_space<vmem>>, vector<1x16xf32>,
    %get3A_99 = vector.shape_cast %get3A_98 : vector<1x16xf32> to vector<16xf32>
    %scan3A_100 = arith.constant 0 : i32
    %scan3A_101 = arith.constant 0 : i32
    %scan3A_102 = arith.constant 125 : i32
    %scan3A_103 = arith.addi %scan3A_101, %scan3A_102 : i32
    %scan3A_104 = arith.constant 1 : i32
    %scan3A_105 = scf.for %scan3A_117 = %scan3A_101 to %scan3A_103 step %scan3A_104 iter_args(%scan3A_118 = %scan3A_100) -> (i32)  : i32 {
      %mul3A_119 = arith.constant 10000 : i32
      %mul3A_120 = arith.muli %add3A, %mul3A_119 : i32
      %mul3A_121 = arith.constant 80 : i32
      %mul3A_122 = arith.muli %scan3A_117, %mul3A_121 : i32
      %add3A_123 = arith.addi %mul3A_120, %mul3A_122 : i32
      %dma_start3A = tpu.memref_slice %arg4[%add3A_123] : memref<640000xi32, #tpu.memory_space<hbm>> -> memref<80xi32, #tpu.memory_space<hbm>>
      %dma_start3A_124 = tpu.memref_slice %arg4[%add3A_123] : memref<640000xi32, #tpu.memory_space<hbm>> -> memref<80xi32, #tpu.memory_space<hbm>>
      tpu.enqueue_dma source(%dma_start3A_124 : memref<80xi32, #tpu.memory_space<hbm>>) target(%arg10 : memref<80xi32, #tpu.memory_space<vmem>>) target_semaphore(%arg14 : memref<!tpu.dma_semaphore, #tpu.memory_space<semaphore_mem>>)
      %dma_start3A_125 = arith.constant 1 : i32
      %dma_start3A_126 = arith.constant 0 : i32
      %dma_start3A_127 = tpu.memref_slice %arg3[%dma_start3A_125, %add3A_123, %dma_start3A_126] : memref<4x320000x128xf32, #tpu.memory_space<hbm>> -> memref<1x80x128xf32, #tpu.memory_space<hbm>>
      %dma_start3A_128 = tpu.memref_squeeze %dma_start3A_127 : memref<1x80x128xf32, #tpu.memory_space<hbm>> -> memref<80x128xf32, #tpu.memory_space<hbm>>
      %dma_start3A_129 = arith.constant 0 : i32
      %dma_start3A_130 = tpu.memref_slice %arg3[%dma_start3A_125, %add3A_123, %dma_start3A_129] : memref<4x320000x128xf32, #tpu.memory_space<hbm>> -> memref<1x80x128xf32, #tpu.memory_space<hbm>>
      %dma_start3A_131 = tpu.memref_squeeze %dma_start3A_130 : memref<1x80x128xf32, #tpu.memory_space<hbm>> -> memref<80x128xf32, #tpu.memory_space<hbm>>
      tpu.enqueue_dma source(%dma_start3A_131 : memref<80x128xf32, #tpu.memory_space<hbm>>) target(%arg8 : memref<80x128xf32, #tpu.memory_space<vmem>>) target_semaphore(%arg15 : memref<!tpu.dma_semaphore, #tpu.memory_space<semaphore_mem>>)
      %add3A_132 = arith.constant 320000 : i32
      %add3A_133 = arith.addi %add3A_132, %add3A_123 : i32
      %dma_start3A_134 = tpu.memref_slice %arg4[%add3A_133] : memref<640000xi32, #tpu.memory_space<hbm>> -> memref<80xi32, #tpu.memory_space<hbm>>
      %dma_start3A_135 = tpu.memref_slice %arg4[%add3A_133] : memref<640000xi32, #tpu.memory_space<hbm>> -> memref<80xi32, #tpu.memory_space<hbm>>
      tpu.enqueue_dma source(%dma_start3A_135 : memref<80xi32, #tpu.memory_space<hbm>>) target(%arg11 : memref<80xi32, #tpu.memory_space<vmem>>) target_semaphore(%arg16 : memref<!tpu.dma_semaphore, #tpu.memory_space<semaphore_mem>>)
      %dma_wait3A = tpu.memref_slice %arg4[%add3A_123] : memref<640000xi32, #tpu.memory_space<hbm>> -> memref<80xi32, #tpu.memory_space<hbm>>
      %dma_wait3A_136 = tpu.memref_slice %arg4[%add3A_123] : memref<640000xi32, #tpu.memory_space<hbm>> -> memref<80xi32, #tpu.memory_space<hbm>>
      tpu.wait_dma2 semaphore(%arg14 : memref<!tpu.dma_semaphore, #tpu.memory_space<semaphore_mem>>) src(%dma_wait3A_136 : memref<80xi32, #tpu.memory_space<hbm>>) dst(%arg10 : memref<80xi32, #tpu.memory_space<vmem>>)
      %dma_start3A_137 = arith.constant 0 : i32
      %dma_start3A_138 = arith.constant 0 : i32
      %dma_start3A_139 = tpu.memref_slice %arg2[%dma_start3A_137, %dma_start3A_138] : memref<10000x128xf32, #tpu.memory_space<hbm>> -> memref<10000x128xf32, #tpu.memory_space<hbm>>
      tpu.enqueue_indirect_dma source(%dma_start3A_139 : memref<10000x128xf32, #tpu.memory_space<hbm>>) target(%arg9 : memref<80x128xf32, #tpu.memory_space<vmem>>) offsets(%arg10 : memref<80xi32, #tpu.memory_space<vmem>>) semaphore(%arg17 : memref<!tpu.dma_semaphore, #tpu.memory_space<semaphore_mem>>)
      %dma_wait3A_140 = arith.constant 1 : i32
      %dma_wait3A_141 = arith.constant 0 : i32
      %dma_wait3A_142 = tpu.memref_slice %arg3[%dma_wait3A_140, %add3A_123, %dma_wait3A_141] : memref<4x320000x128xf32, #tpu.memory_space<hbm>> -> memref<1x80x128xf32, #tpu.memory_space<hbm>>
      %dma_wait3A_143 = tpu.memref_squeeze %dma_wait3A_142 : memref<1x80x128xf32, #tpu.memory_space<hbm>> -> memref<80x128xf32, #tpu.memory_space<hbm>>
      %dma_wait3A_144 = arith.constant 0 : i32
      %dma_wait3A_145 = tpu.memref_slice %arg3[%dma_wait3A_140, %add3A_123, %dma_wait3A_144] : memref<4x320000x128xf32, #tpu.memory_space<hbm>> -> memref<1x80x128xf32, #tpu.memory_space<hbm>>
      %dma_wait3A_146 = tpu.memref_squeeze %dma_wait3A_145 : memref<1x80x128xf32, #tpu.memory_space<hbm>> -> memref<80x128xf32, #tpu.memory_space<hbm>>
      tpu.wait_dma2 semaphore(%arg15 : memref<!tpu.dma_semaphore, #tpu.memory_space<semaphore_mem>>) src(%dma_wait3A_146 : memref<80x128xf32, #tpu.memory_space<hbm>>) dst(%arg8 : memref<80x128xf32, #tpu.memory_space<vmem>>)
      %dma_wait3A_147 = arith.constant 0 : i32
      %dma_wait3A_148 = arith.constant 0 : i32
      %dma_wait3A_149 = tpu.memref_slice %arg2[%dma_wait3A_147, %dma_wait3A_148] : memref<10000x128xf32, #tpu.memory_space<hbm>> -> memref<10000x128xf32, #tpu.memory_space<hbm>>
      tpu.wait_indirect_dma semaphore(%arg17 : memref<!tpu.dma_semaphore, #tpu.memory_space<semaphore_mem>>) src(%dma_wait3A_149 : memref<10000x128xf32, #tpu.memory_space<hbm>>) dst(%arg9 : memref<80x128xf32, #tpu.memory_space<vmem>>)
      %scan3A_150 = arith.constant 0 : i32
      %scan3A_151 = arith.constant 0 : i32
      %scan3A_152 = arith.constant 80 : i32
      %scan3A_153 = arith.addi %scan3A_151, %scan3A_152 : i32
      %scan3A_154 = arith.constant 1 : i32
      %scan3A_155 = scf.for %scan3A_160 = %scan3A_151 to %scan3A_153 step %scan3A_154 iter_args(%scan3A_161 = %scan3A_150) -> (i32)  : i32 {
        %get3A_162 = arith.index_cast %scan3A_160 : i32 to index
        %get3A_163 = arith.constant 0 : index
        %get3A_164 = tpu.vector_load %arg9[%get3A_162, %get3A_163] {strides = array<i32>} : memref<80x128xf32, #tpu.memory_space<vmem>>, vector<1x16xf32>,
        %get3A_165 = vector.shape_cast %get3A_164 : vector<1x16xf32> to vector<16xf32>
        %mul3A_166 = arith.mulf %get3A_24, %get3A_165 : vector<16xf32>
        %add3A_167 = arith.addf %mul3A_166, %get3A_64 : vector<16xf32>
        %ge3A = arith.constant 0.000000e+00 : f32
        %ge3A_168 = vector.broadcast %ge3A : f32 to vector<16xf32>
        %ge3A_169 = arith.cmpf oge, %add3A_167, %ge3A_168 : vector<16xf32>
        %mul3A_170 = arith.constant 9.99999974E-5 : f32
        %mul3A_171 = vector.broadcast %mul3A_170 : f32 to vector<16xf32>
        %mul3A_172 = arith.mulf %mul3A_171, %add3A_167 : vector<16xf32>
        %select_n3A = arith.select %ge3A_169, %add3A_167, %mul3A_172 : vector<16xi1>, vector<16xf32>
        %get3A_173 = arith.index_cast %scan3A_160 : i32 to index
        %get3A_174 = arith.constant 0 : index
        %get3A_175 = tpu.vector_load %arg8[%get3A_173, %get3A_174] {strides = array<i32>} : memref<80x128xf32, #tpu.memory_space<vmem>>, vector<1x16xf32>,
        %get3A_176 = vector.shape_cast %get3A_175 : vector<1x16xf32> to vector<16xf32>
        %add3A_177 = arith.addf %select_n3A, %get3A_176 : vector<16xf32>
        %max3A = arith.constant 0.000000e+00 : f32
        %max3A_178 = vector.broadcast %max3A : f32 to vector<16xf32>
        %max3A_179 = arith.maximumf %add3A_177, %max3A_178 : vector<16xf32>
        %swap3A = arith.index_cast %scan3A_160 : i32 to index
        %swap3A_180 = arith.constant 0 : index
        %swap3A_181 = tpu.vector_load %arg8[%swap3A, %swap3A_180] {strides = array<i32>} : memref<80x128xf32, #tpu.memory_space<vmem>>, vector<1x16xf32>,
        %swap3A_182 = vector.shape_cast %swap3A_181 : vector<1x16xf32> to vector<16xf32>
        %swap3A_183 = vector.shape_cast %max3A_179 : vector<16xf32> to vector<1x16xf32>
        tpu.vector_store %arg8[%swap3A, %swap3A_180], %swap3A_183 {strides = array<i32>} : memref<80x128xf32, #tpu.memory_space<vmem>>, vector<1x16xf32>,
        %get3A_184 = arith.index_cast %scan3A_160 : i32 to index
        %get3A_185 = arith.constant 16 : index
        %get3A_186 = tpu.vector_load %arg9[%get3A_184, %get3A_185] {strides = array<i32>} : memref<80x128xf32, #tpu.memory_space<vmem>>, vector<1x16xf32>,
        %get3A_187 = vector.shape_cast %get3A_186 : vector<1x16xf32> to vector<16xf32>
        %mul3A_188 = arith.mulf %get3A_29, %get3A_187 : vector<16xf32>
        %add3A_189 = arith.addf %mul3A_188, %get3A_69 : vector<16xf32>
        %ge3A_190 = arith.constant 0.000000e+00 : f32
        %ge3A_191 = vector.broadcast %ge3A_190 : f32 to vector<16xf32>
        %ge3A_192 = arith.cmpf oge, %add3A_189, %ge3A_191 : vector<16xf32>
        %mul3A_193 = arith.constant 9.99999974E-5 : f32
        %mul3A_194 = vector.broadcast %mul3A_193 : f32 to vector<16xf32>
        %mul3A_195 = arith.mulf %mul3A_194, %add3A_189 : vector<16xf32>
        %select_n3A_196 = arith.select %ge3A_192, %add3A_189, %mul3A_195 : vector<16xi1>, vector<16xf32>
        %get3A_197 = arith.index_cast %scan3A_160 : i32 to index
        %get3A_198 = arith.constant 16 : index
        %get3A_199 = tpu.vector_load %arg8[%get3A_197, %get3A_198] {strides = array<i32>} : memref<80x128xf32, #tpu.memory_space<vmem>>, vector<1x16xf32>,
        %get3A_200 = vector.shape_cast %get3A_199 : vector<1x16xf32> to vector<16xf32>
        %add3A_201 = arith.addf %select_n3A_196, %get3A_200 : vector<16xf32>
        %max3A_202 = arith.constant 0.000000e+00 : f32
        %max3A_203 = vector.broadcast %max3A_202 : f32 to vector<16xf32>
        %max3A_204 = arith.maximumf %add3A_201, %max3A_203 : vector<16xf32>
        %swap3A_205 = arith.index_cast %scan3A_160 : i32 to index
        %swap3A_206 = arith.constant 16 : index
        %swap3A_207 = tpu.vector_load %arg8[%swap3A_205, %swap3A_206] {strides = array<i32>} : memref<80x128xf32, #tpu.memory_space<vmem>>, vector<1x16xf32>,
        %swap3A_208 = vector.shape_cast %swap3A_207 : vector<1x16xf32> to vector<16xf32>
        %swap3A_209 = vector.shape_cast %max3A_204 : vector<16xf32> to vector<1x16xf32>
        tpu.vector_store %arg8[%swap3A_205, %swap3A_206], %swap3A_209 {strides = array<i32>} : memref<80x128xf32, #tpu.memory_space<vmem>>, vector<1x16xf32>,
        %get3A_210 = arith.index_cast %scan3A_160 : i32 to index
        %get3A_211 = arith.constant 32 : index
        %get3A_212 = tpu.vector_load %arg9[%get3A_210, %get3A_211] {strides = array<i32>} : memref<80x128xf32, #tpu.memory_space<vmem>>, vector<1x16xf32>,
        %get3A_213 = vector.shape_cast %get3A_212 : vector<1x16xf32> to vector<16xf32>
        %mul3A_214 = arith.mulf %get3A_34, %get3A_213 : vector<16xf32>
        %add3A_215 = arith.addf %mul3A_214, %get3A_74 : vector<16xf32>
        %ge3A_216 = arith.constant 0.000000e+00 : f32
        %ge3A_217 = vector.broadcast %ge3A_216 : f32 to vector<16xf32>
        %ge3A_218 = arith.cmpf oge, %add3A_215, %ge3A_217 : vector<16xf32>
        %mul3A_219 = arith.constant 9.99999974E-5 : f32
        %mul3A_220 = vector.broadcast %mul3A_219 : f32 to vector<16xf32>
        %mul3A_221 = arith.mulf %mul3A_220, %add3A_215 : vector<16xf32>
        %select_n3A_222 = arith.select %ge3A_218, %add3A_215, %mul3A_221 : vector<16xi1>, vector<16xf32>
        %get3A_223 = arith.index_cast %scan3A_160 : i32 to index
        %get3A_224 = arith.constant 32 : index
        %get3A_225 = tpu.vector_load %arg8[%get3A_223, %get3A_224] {strides = array<i32>} : memref<80x128xf32, #tpu.memory_space<vmem>>, vector<1x16xf32>,
        %get3A_226 = vector.shape_cast %get3A_225 : vector<1x16xf32> to vector<16xf32>
        %add3A_227 = arith.addf %select_n3A_222, %get3A_226 : vector<16xf32>
        %max3A_228 = arith.constant 0.000000e+00 : f32
        %max3A_229 = vector.broadcast %max3A_228 : f32 to vector<16xf32>
        %max3A_230 = arith.maximumf %add3A_227, %max3A_229 : vector<16xf32>
        %swap3A_231 = arith.index_cast %scan3A_160 : i32 to index
        %swap3A_232 = arith.constant 32 : index
        %swap3A_233 = tpu.vector_load %arg8[%swap3A_231, %swap3A_232] {strides = array<i32>} : memref<80x128xf32, #tpu.memory_space<vmem>>, vector<1x16xf32>,
        %swap3A_234 = vector.shape_cast %swap3A_233 : vector<1x16xf32> to vector<16xf32>
        %swap3A_235 = vector.shape_cast %max3A_230 : vector<16xf32> to vector<1x16xf32>
        tpu.vector_store %arg8[%swap3A_231, %swap3A_232], %swap3A_235 {strides = array<i32>} : memref<80x128xf32, #tpu.memory_space<vmem>>, vector<1x16xf32>,
        %get3A_236 = arith.index_cast %scan3A_160 : i32 to index
        %get3A_237 = arith.constant 48 : index
        %get3A_238 = tpu.vector_load %arg9[%get3A_236, %get3A_237] {strides = array<i32>} : memref<80x128xf32, #tpu.memory_space<vmem>>, vector<1x16xf32>,
        %get3A_239 = vector.shape_cast %get3A_238 : vector<1x16xf32> to vector<16xf32>
        %mul3A_240 = arith.mulf %get3A_39, %get3A_239 : vector<16xf32>
        %add3A_241 = arith.addf %mul3A_240, %get3A_79 : vector<16xf32>
        %ge3A_242 = arith.constant 0.000000e+00 : f32
        %ge3A_243 = vector.broadcast %ge3A_242 : f32 to vector<16xf32>
        %ge3A_244 = arith.cmpf oge, %add3A_241, %ge3A_243 : vector<16xf32>
        %mul3A_245 = arith.constant 9.99999974E-5 : f32
        %mul3A_246 = vector.broadcast %mul3A_245 : f32 to vector<16xf32>
        %mul3A_247 = arith.mulf %mul3A_246, %add3A_241 : vector<16xf32>
        %select_n3A_248 = arith.select %ge3A_244, %add3A_241, %mul3A_247 : vector<16xi1>, vector<16xf32>
        %get3A_249 = arith.index_cast %scan3A_160 : i32 to index
        %get3A_250 = arith.constant 48 : index
        %get3A_251 = tpu.vector_load %arg8[%get3A_249, %get3A_250] {strides = array<i32>} : memref<80x128xf32, #tpu.memory_space<vmem>>, vector<1x16xf32>,
        %get3A_252 = vector.shape_cast %get3A_251 : vector<1x16xf32> to vector<16xf32>
        %add3A_253 = arith.addf %select_n3A_248, %get3A_252 : vector<16xf32>
        %max3A_254 = arith.constant 0.000000e+00 : f32
        %max3A_255 = vector.broadcast %max3A_254 : f32 to vector<16xf32>
        %max3A_256 = arith.maximumf %add3A_253, %max3A_255 : vector<16xf32>
        %swap3A_257 = arith.index_cast %scan3A_160 : i32 to index
        %swap3A_258 = arith.constant 48 : index
        %swap3A_259 = tpu.vector_load %arg8[%swap3A_257, %swap3A_258] {strides = array<i32>} : memref<80x128xf32, #tpu.memory_space<vmem>>, vector<1x16xf32>,
        %swap3A_260 = vector.shape_cast %swap3A_259 : vector<1x16xf32> to vector<16xf32>
        %swap3A_261 = vector.shape_cast %max3A_256 : vector<16xf32> to vector<1x16xf32>
        tpu.vector_store %arg8[%swap3A_257, %swap3A_258], %swap3A_261 {strides = array<i32>} : memref<80x128xf32, #tpu.memory_space<vmem>>, vector<1x16xf32>,
        %get3A_262 = arith.index_cast %scan3A_160 : i32 to index
        %get3A_263 = arith.constant 64 : index
        %get3A_264 = tpu.vector_load %arg9[%get3A_262, %get3A_263] {strides = array<i32>} : memref<80x128xf32, #tpu.memory_space<vmem>>, vector<1x16xf32>,
        %get3A_265 = vector.shape_cast %get3A_264 : vector<1x16xf32> to vector<16xf32>
        %mul3A_266 = arith.mulf %get3A_44, %get3A_265 : vector<16xf32>
        %add3A_267 = arith.addf %mul3A_266, %get3A_84 : vector<16xf32>
        %ge3A_268 = arith.constant 0.000000e+00 : f32
        %ge3A_269 = vector.broadcast %ge3A_268 : f32 to vector<16xf32>
        %ge3A_270 = arith.cmpf oge, %add3A_267, %ge3A_269 : vector<16xf32>
        %mul3A_271 = arith.constant 9.99999974E-5 : f32
        %mul3A_272 = vector.broadcast %mul3A_271 : f32 to vector<16xf32>
        %mul3A_273 = arith.mulf %mul3A_272, %add3A_267 : vector<16xf32>
        %select_n3A_274 = arith.select %ge3A_270, %add3A_267, %mul3A_273 : vector<16xi1>, vector<16xf32>
        %get3A_275 = arith.index_cast %scan3A_160 : i32 to index
        %get3A_276 = arith.constant 64 : index
        %get3A_277 = tpu.vector_load %arg8[%get3A_275, %get3A_276] {strides = array<i32>} : memref<80x128xf32, #tpu.memory_space<vmem>>, vector<1x16xf32>,
        %get3A_278 = vector.shape_cast %get3A_277 : vector<1x16xf32> to vector<16xf32>
        %add3A_279 = arith.addf %select_n3A_274, %get3A_278 : vector<16xf32>
        %max3A_280 = arith.constant 0.000000e+00 : f32
        %max3A_281 = vector.broadcast %max3A_280 : f32 to vector<16xf32>
        %max3A_282 = arith.maximumf %add3A_279, %max3A_281 : vector<16xf32>
        %swap3A_283 = arith.index_cast %scan3A_160 : i32 to index
        %swap3A_284 = arith.constant 64 : index
        %swap3A_285 = tpu.vector_load %arg8[%swap3A_283, %swap3A_284] {strides = array<i32>} : memref<80x128xf32, #tpu.memory_space<vmem>>, vector<1x16xf32>,
        %swap3A_286 = vector.shape_cast %swap3A_285 : vector<1x16xf32> to vector<16xf32>
        %swap3A_287 = vector.shape_cast %max3A_282 : vector<16xf32> to vector<1x16xf32>
        tpu.vector_store %arg8[%swap3A_283, %swap3A_284], %swap3A_287 {strides = array<i32>} : memref<80x128xf32, #tpu.memory_space<vmem>>, vector<1x16xf32>,
        %get3A_288 = arith.index_cast %scan3A_160 : i32 to index
        %get3A_289 = arith.constant 80 : index
        %get3A_290 = tpu.vector_load %arg9[%get3A_288, %get3A_289] {strides = array<i32>} : memref<80x128xf32, #tpu.memory_space<vmem>>, vector<1x16xf32>,
        %get3A_291 = vector.shape_cast %get3A_290 : vector<1x16xf32> to vector<16xf32>
        %mul3A_292 = arith.mulf %get3A_49, %get3A_291 : vector<16xf32>
        %add3A_293 = arith.addf %mul3A_292, %get3A_89 : vector<16xf32>
        %ge3A_294 = arith.constant 0.000000e+00 : f32
        %ge3A_295 = vector.broadcast %ge3A_294 : f32 to vector<16xf32>
        %ge3A_296 = arith.cmpf oge, %add3A_293, %ge3A_295 : vector<16xf32>
        %mul3A_297 = arith.constant 9.99999974E-5 : f32
        %mul3A_298 = vector.broadcast %mul3A_297 : f32 to vector<16xf32>
        %mul3A_299 = arith.mulf %mul3A_298, %add3A_293 : vector<16xf32>
        %select_n3A_300 = arith.select %ge3A_296, %add3A_293, %mul3A_299 : vector<16xi1>, vector<16xf32>
        %get3A_301 = arith.index_cast %scan3A_160 : i32 to index
        %get3A_302 = arith.constant 80 : index
        %get3A_303 = tpu.vector_load %arg8[%get3A_301, %get3A_302] {strides = array<i32>} : memref<80x128xf32, #tpu.memory_space<vmem>>, vector<1x16xf32>,
        %get3A_304 = vector.shape_cast %get3A_303 : vector<1x16xf32> to vector<16xf32>
        %add3A_305 = arith.addf %select_n3A_300, %get3A_304 : vector<16xf32>
        %max3A_306 = arith.constant 0.000000e+00 : f32
        %max3A_307 = vector.broadcast %max3A_306 : f32 to vector<16xf32>
        %max3A_308 = arith.maximumf %add3A_305, %max3A_307 : vector<16xf32>
        %swap3A_309 = arith.index_cast %scan3A_160 : i32 to index
        %swap3A_310 = arith.constant 80 : index
        %swap3A_311 = tpu.vector_load %arg8[%swap3A_309, %swap3A_310] {strides = array<i32>} : memref<80x128xf32, #tpu.memory_space<vmem>>, vector<1x16xf32>,
        %swap3A_312 = vector.shape_cast %swap3A_311 : vector<1x16xf32> to vector<16xf32>
        %swap3A_313 = vector.shape_cast %max3A_308 : vector<16xf32> to vector<1x16xf32>
        tpu.vector_store %arg8[%swap3A_309, %swap3A_310], %swap3A_313 {strides = array<i32>} : memref<80x128xf32, #tpu.memory_space<vmem>>, vector<1x16xf32>,
        %get3A_314 = arith.index_cast %scan3A_160 : i32 to index
        %get3A_315 = arith.constant 96 : index
        %get3A_316 = tpu.vector_load %arg9[%get3A_314, %get3A_315] {strides = array<i32>} : memref<80x128xf32, #tpu.memory_space<vmem>>, vector<1x16xf32>,
        %get3A_317 = vector.shape_cast %get3A_316 : vector<1x16xf32> to vector<16xf32>
        %mul3A_318 = arith.mulf %get3A_54, %get3A_317 : vector<16xf32>
        %add3A_319 = arith.addf %mul3A_318, %get3A_94 : vector<16xf32>
        %ge3A_320 = arith.constant 0.000000e+00 : f32
        %ge3A_321 = vector.broadcast %ge3A_320 : f32 to vector<16xf32>
        %ge3A_322 = arith.cmpf oge, %add3A_319, %ge3A_321 : vector<16xf32>
        %mul3A_323 = arith.constant 9.99999974E-5 : f32
        %mul3A_324 = vector.broadcast %mul3A_323 : f32 to vector<16xf32>
        %mul3A_325 = arith.mulf %mul3A_324, %add3A_319 : vector<16xf32>
        %select_n3A_326 = arith.select %ge3A_322, %add3A_319, %mul3A_325 : vector<16xi1>, vector<16xf32>
        %get3A_327 = arith.index_cast %scan3A_160 : i32 to index
        %get3A_328 = arith.constant 96 : index
        %get3A_329 = tpu.vector_load %arg8[%get3A_327, %get3A_328] {strides = array<i32>} : memref<80x128xf32, #tpu.memory_space<vmem>>, vector<1x16xf32>,
        %get3A_330 = vector.shape_cast %get3A_329 : vector<1x16xf32> to vector<16xf32>
        %add3A_331 = arith.addf %select_n3A_326, %get3A_330 : vector<16xf32>
        %max3A_332 = arith.constant 0.000000e+00 : f32
        %max3A_333 = vector.broadcast %max3A_332 : f32 to vector<16xf32>
        %max3A_334 = arith.maximumf %add3A_331, %max3A_333 : vector<16xf32>
        %swap3A_335 = arith.index_cast %scan3A_160 : i32 to index
        %swap3A_336 = arith.constant 96 : index
        %swap3A_337 = tpu.vector_load %arg8[%swap3A_335, %swap3A_336] {strides = array<i32>} : memref<80x128xf32, #tpu.memory_space<vmem>>, vector<1x16xf32>,
        %swap3A_338 = vector.shape_cast %swap3A_337 : vector<1x16xf32> to vector<16xf32>
        %swap3A_339 = vector.shape_cast %max3A_334 : vector<16xf32> to vector<1x16xf32>
        tpu.vector_store %arg8[%swap3A_335, %swap3A_336], %swap3A_339 {strides = array<i32>} : memref<80x128xf32, #tpu.memory_space<vmem>>, vector<1x16xf32>,
        %get3A_340 = arith.index_cast %scan3A_160 : i32 to index
        %get3A_341 = arith.constant 112 : index
        %get3A_342 = tpu.vector_load %arg9[%get3A_340, %get3A_341] {strides = array<i32>} : memref<80x128xf32, #tpu.memory_space<vmem>>, vector<1x16xf32>,
        %get3A_343 = vector.shape_cast %get3A_342 : vector<1x16xf32> to vector<16xf32>
        %mul3A_344 = arith.mulf %get3A_59, %get3A_343 : vector<16xf32>
        %add3A_345 = arith.addf %mul3A_344, %get3A_99 : vector<16xf32>
        %ge3A_346 = arith.constant 0.000000e+00 : f32
        %ge3A_347 = vector.broadcast %ge3A_346 : f32 to vector<16xf32>
        %ge3A_348 = arith.cmpf oge, %add3A_345, %ge3A_347 : vector<16xf32>
        %mul3A_349 = arith.constant 9.99999974E-5 : f32
        %mul3A_350 = vector.broadcast %mul3A_349 : f32 to vector<16xf32>
        %mul3A_351 = arith.mulf %mul3A_350, %add3A_345 : vector<16xf32>
        %select_n3A_352 = arith.select %ge3A_348, %add3A_345, %mul3A_351 : vector<16xi1>, vector<16xf32>
        %get3A_353 = arith.index_cast %scan3A_160 : i32 to index
        %get3A_354 = arith.constant 112 : index
        %get3A_355 = tpu.vector_load %arg8[%get3A_353, %get3A_354] {strides = array<i32>} : memref<80x128xf32, #tpu.memory_space<vmem>>, vector<1x16xf32>,
        %get3A_356 = vector.shape_cast %get3A_355 : vector<1x16xf32> to vector<16xf32>
        %add3A_357 = arith.addf %select_n3A_352, %get3A_356 : vector<16xf32>
        %max3A_358 = arith.constant 0.000000e+00 : f32
        %max3A_359 = vector.broadcast %max3A_358 : f32 to vector<16xf32>
        %max3A_360 = arith.maximumf %add3A_357, %max3A_359 : vector<16xf32>
        %swap3A_361 = arith.index_cast %scan3A_160 : i32 to index
        %swap3A_362 = arith.constant 112 : index
        %swap3A_363 = tpu.vector_load %arg8[%swap3A_361, %swap3A_362] {strides = array<i32>} : memref<80x128xf32, #tpu.memory_space<vmem>>, vector<1x16xf32>,
        %swap3A_364 = vector.shape_cast %swap3A_363 : vector<1x16xf32> to vector<16xf32>
        %swap3A_365 = vector.shape_cast %max3A_360 : vector<16xf32> to vector<1x16xf32>
        tpu.vector_store %arg8[%swap3A_361, %swap3A_362], %swap3A_365 {strides = array<i32>} : memref<80x128xf32, #tpu.memory_space<vmem>>, vector<1x16xf32>,
        %scan3A_366 = arith.constant 0 : i32
        scf.yield %scan3A_366 : i32
      }
      %scan3A_156 = arith.constant 80 : i32
      %dma_wait3A_157 = tpu.memref_slice %arg4[%add3A_133] : memref<640000xi32, #tpu.memory_space<hbm>> -> memref<80xi32, #tpu.memory_space<hbm>>
      %dma_wait3A_158 = tpu.memref_slice %arg4[%add3A_133] : memref<640000xi32, #tpu.memory_space<hbm>> -> memref<80xi32, #tpu.memory_space<hbm>>
      tpu.wait_dma2 semaphore(%arg16 : memref<!tpu.dma_semaphore, #tpu.memory_space<semaphore_mem>>) src(%dma_wait3A_158 : memref<80xi32, #tpu.memory_space<hbm>>) dst(%arg11 : memref<80xi32, #tpu.memory_space<vmem>>)
      "tpu.region"() ({
        %run_scoped3A = tpu.sem_alloc : memref<!tpu.dma_semaphore, #tpu.memory_space<semaphore_mem>>
        %dma_start3A_160 = arith.constant 0 : i32
        %dma_start3A_161 = arith.constant 0 : i32
        %dma_start3A_162 = tpu.memref_slice %arg7[%dma_start3A_160, %dma_start3A_161] : memref<10000x128xf32, #tpu.memory_space<vmem_shared>> -> memref<10000x128xf32, #tpu.memory_space<vmem_shared>>
        tpu.enqueue_indirect_dma source(%arg8 : memref<80x128xf32, #tpu.memory_space<vmem>>) target(%dma_start3A_162 : memref<10000x128xf32, #tpu.memory_space<vmem_shared>>) offsets(%arg11 : memref<80xi32, #tpu.memory_space<vmem>>) semaphore(%run_scoped3A : memref<!tpu.dma_semaphore, #tpu.memory_space<semaphore_mem>>) {add = true}
        %dma_wait3A_163 = arith.constant 0 : i32
        %dma_wait3A_164 = arith.constant 0 : i32
        %dma_wait3A_165 = tpu.memref_slice %arg7[%dma_wait3A_163, %dma_wait3A_164] : memref<10000x128xf32, #tpu.memory_space<vmem_shared>> -> memref<10000x128xf32, #tpu.memory_space<vmem_shared>>
        tpu.wait_indirect_dma semaphore(%run_scoped3A : memref<!tpu.dma_semaphore, #tpu.memory_space<semaphore_mem>>) src(%arg8 : memref<80x128xf32, #tpu.memory_space<vmem>>) dst(%dma_wait3A_165 : memref<10000x128xf32, #tpu.memory_space<vmem_shared>>)
        tpu.yield
      }) : () -> ()
      %scan3A_159 = arith.constant 0 : i32
      scf.yield %scan3A_159 : i32
    }
    %scan3A_106 = arith.constant 125 : i32
    %barrier3A_107 = arith.constant 0 : index
    tpu.barrier barrier_id(%barrier3A_107)
    %mul3A_108 = arith.constant 624 : i32
    %mul3A_109 = arith.muli %arg1, %mul3A_108 : i32
    %mul3A_110 = arith.constant 624 : i32
    %mul3A_111 = arith.muli %arg1, %mul3A_110 : i32
    "tpu.region"() ({
      %run_scoped3A = tpu.sem_alloc : memref<!tpu.dma_semaphore, #tpu.memory_space<semaphore_mem>>
      %dma_start3A = arith.constant 0 : i32
      %dma_start3A_117 = tpu.memref_slice %arg6[%arg0, %mul3A_111, %dma_start3A] : memref<2x10000x128xf32, #tpu.memory_space<hbm>> -> memref<1x624x128xf32, #tpu.memory_space<hbm>>
      %dma_start3A_118 = tpu.memref_squeeze %dma_start3A_117 : memref<1x624x128xf32, #tpu.memory_space<hbm>> -> memref<624x128xf32, #tpu.memory_space<hbm>>
      %dma_start3A_119 = arith.constant 0 : i32
      %dma_start3A_120 = tpu.memref_slice %arg7[%mul3A_109, %dma_start3A_119] : memref<10000x128xf32, #tpu.memory_space<vmem_shared>> -> memref<624x128xf32, #tpu.memory_space<vmem_shared>>
      tpu.enqueue_dma source(%dma_start3A_120 : memref<624x128xf32, #tpu.memory_space<vmem_shared>>) target(%dma_start3A_118 : memref<624x128xf32, #tpu.memory_space<hbm>>) target_semaphore(%run_scoped3A : memref<!tpu.dma_semaphore, #tpu.memory_space<semaphore_mem>>)
      %dma_wait3A = arith.constant 0 : i32
      %dma_wait3A_121 = tpu.memref_slice %arg6[%arg0, %mul3A_111, %dma_wait3A] : memref<2x10000x128xf32, #tpu.memory_space<hbm>> -> memref<1x624x128xf32, #tpu.memory_space<hbm>>
      %dma_wait3A_122 = tpu.memref_squeeze %dma_wait3A_121 : memref<1x624x128xf32, #tpu.memory_space<hbm>> -> memref<624x128xf32, #tpu.memory_space<hbm>>
      %dma_wait3A_123 = arith.constant 0 : i32
      %dma_wait3A_124 = tpu.memref_slice %arg7[%mul3A_109, %dma_wait3A_123] : memref<10000x128xf32, #tpu.memory_space<vmem_shared>> -> memref<624x128xf32, #tpu.memory_space<vmem_shared>>
      tpu.wait_dma2 semaphore(%run_scoped3A : memref<!tpu.dma_semaphore, #tpu.memory_space<semaphore_mem>>) src(%dma_wait3A_124 : memref<624x128xf32, #tpu.memory_space<vmem_shared>>) dst(%dma_wait3A_122 : memref<624x128xf32, #tpu.memory_space<hbm>>)
      tpu.yield
    }) : () -> ()
    %eq3A_112 = arith.constant 15 : i32
    %eq3A_113 = arith.cmpi eq, %arg1, %eq3A_112 : i32
    %convert_element_type3A_114 = arith.extui %eq3A_113 : i1 to i32
    %cond3A_115 = arith.constant 0 : i32
    %cond3A_116 = arith.cmpi ne, %convert_element_type3A_114, %cond3A_115 : i32
    scf.if %cond3A_116 {
      "tpu.region"() ({
        %run_scoped3A = tpu.sem_alloc : memref<!tpu.dma_semaphore, #tpu.memory_space<semaphore_mem>>
        %dma_start3A = arith.constant 9984 : i32
        %dma_start3A_117 = arith.constant 0 : i32
        %dma_start3A_118 = tpu.memref_slice %arg6[%arg0, %dma_start3A, %dma_start3A_117] : memref<2x10000x128xf32, #tpu.memory_space<hbm>> -> memref<1x16x128xf32, #tpu.memory_space<hbm>>
        %dma_start3A_119 = tpu.memref_squeeze %dma_start3A_118 : memref<1x16x128xf32, #tpu.memory_space<hbm>> -> memref<16x128xf32, #tpu.memory_space<hbm>>
        %dma_start3A_120 = arith.constant 9984 : i32
        %dma_start3A_121 = arith.constant 0 : i32
        %dma_start3A_122 = tpu.memref_slice %arg7[%dma_start3A_120, %dma_start3A_121] : memref<10000x128xf32, #tpu.memory_space<vmem_shared>> -> memref<16x128xf32, #tpu.memory_space<vmem_shared>>
        tpu.enqueue_dma source(%dma_start3A_122 : memref<16x128xf32, #tpu.memory_space<vmem_shared>>) target(%dma_start3A_119 : memref<16x128xf32, #tpu.memory_space<hbm>>) target_semaphore(%run_scoped3A : memref<!tpu.dma_semaphore, #tpu.memory_space<semaphore_mem>>)
        %dma_wait3A = arith.constant 9984 : i32
        %dma_wait3A_123 = arith.constant 0 : i32
        %dma_wait3A_124 = tpu.memref_slice %arg6[%arg0, %dma_wait3A, %dma_wait3A_123] : memref<2x10000x128xf32, #tpu.memory_space<hbm>> -> memref<1x16x128xf32, #tpu.memory_space<hbm>>
        %dma_wait3A_125 = tpu.memref_squeeze %dma_wait3A_124 : memref<1x16x128xf32, #tpu.memory_space<hbm>> -> memref<16x128xf32, #tpu.memory_space<hbm>>
        %dma_wait3A_126 = arith.constant 9984 : i32
        %dma_wait3A_127 = arith.constant 0 : i32
        %dma_wait3A_128 = tpu.memref_slice %arg7[%dma_wait3A_126, %dma_wait3A_127] : memref<10000x128xf32, #tpu.memory_space<vmem_shared>> -> memref<16x128xf32, #tpu.memory_space<vmem_shared>>
        tpu.wait_dma2 semaphore(%run_scoped3A : memref<!tpu.dma_semaphore, #tpu.memory_space<semaphore_mem>>) src(%dma_wait3A_128 : memref<16x128xf32, #tpu.memory_space<vmem_shared>>) dst(%dma_wait3A_125 : memref<16x128xf32, #tpu.memory_space<hbm>>)
        tpu.yield
      }) : () -> ()
    } else {
    }
    return
  }
}

module attributes {stable_mosaic.version = 14 : i64} {
  func.func @_eproj_body(%arg0: i32, %arg1: i32, %arg2: memref<4000x16xf32, #tpu.memory_space<vmem>>, %arg3: memref<1x16x128xf32, #tpu.memory_space<vmem>>, %arg4: memref<1x1x128xf32, #tpu.memory_space<vmem>>, %arg5: memref<1x4000x128xf32, #tpu.memory_space<vmem>>) attributes {dimension_semantics = [#tpu.dimension_semantics<arbitrary>, #tpu.dimension_semantics<arbitrary>], iteration_bounds = array<i64: 4, 80>, scalar_prefetch = 0 : i64, scratch_operands = 0 : i64, tpu.core_type = #tpu.core_type<tc>, window_params = [{transform_indices = @transform_0, window_bounds = array<i64: 4000, 16>}, {transform_indices = @transform_1, window_bounds = array<i64: 1, 16, 128>}, {transform_indices = @transform_2, window_bounds = array<i64: 1, 1, 128>}, {transform_indices = @transform_3, window_bounds = array<i64: 1, 4000, 128>}]} {
    %get3A = arith.constant 0 : index
    %get3A_0 = arith.constant 0 : index
    %get3A_1 = vector.load %arg2[%get3A, %get3A_0] : memref<4000x16xf32, #tpu.memory_space<vmem>>, vector<4000x16xf32>
    %get3A_2 = arith.constant 0 : index
    %get3A_3 = arith.constant 0 : index
    %get3A_4 = arith.constant 0 : index
    %get3A_5 = vector.load %arg3[%get3A_2, %get3A_3, %get3A_4] : memref<1x16x128xf32, #tpu.memory_space<vmem>>, vector<1x16x128xf32>
    %get3A_6 = vector.shape_cast %get3A_5 : vector<1x16x128xf32> to vector<16x128xf32>
    %dot_general3A = arith.constant dense<0.000000e+00> : vector<4000x128xf32>
    %dot_general3A_7 = tpu.matmul %get3A_1, %get3A_6, %dot_general3A {dimension_numbers = #tpu.dot_dimension_numbers<[1], [0], [0], [1], [0, 0, 1, 1], [], []>, transpose_lhs_hint = false} : vector<4000x16xf32>, vector<16x128xf32>, vector<4000x128xf32> -> vector<4000x128xf32>
    %get3A_8 = arith.constant 0 : index
    %get3A_9 = arith.constant 0 : index
    %get3A_10 = arith.constant 0 : index
    %get3A_11 = vector.load %arg4[%get3A_8, %get3A_9, %get3A_10] : memref<1x1x128xf32, #tpu.memory_space<vmem>>, vector<1x1x128xf32>
    %get3A_12 = vector.shape_cast %get3A_11 : vector<1x1x128xf32> to vector<1x128xf32>
    %add3A = vector.broadcast %get3A_12 : vector<1x128xf32> to vector<4000x128xf32>
    %add3A_13 = arith.addf %dot_general3A_7, %add3A : vector<4000x128xf32>
    %swap3A = arith.constant 0 : index
    %swap3A_14 = arith.constant 0 : index
    %swap3A_15 = arith.constant 0 : index
    %swap3A_16 = vector.load %arg5[%swap3A, %swap3A_14, %swap3A_15] : memref<1x4000x128xf32, #tpu.memory_space<vmem>>, vector<1x4000x128xf32>
    %swap3A_17 = vector.shape_cast %swap3A_16 : vector<1x4000x128xf32> to vector<4000x128xf32>
    %swap3A_18 = vector.shape_cast %add3A_13 : vector<4000x128xf32> to vector<1x4000x128xf32>
    tpu.vector_store %arg5[%swap3A, %swap3A_14, %swap3A_15], %swap3A_18 {strides = array<i32>} : memref<1x4000x128xf32, #tpu.memory_space<vmem>>, vector<1x4000x128xf32>,
    return
  }
  func.func @transform_0(%arg0: i32, %arg1: i32) -> (i32, i32) {
    %c0_i32 = arith.constant 0 : i32
    %c0_i32_0 = arith.constant 0 : i32
    return %arg1, %c0_i32 : i32, i32
  }
  func.func @transform_1(%arg0: i32, %arg1: i32) -> (i32, i32, i32) {
    %c0_i32 = arith.constant 0 : i32
    %c0_i32_0 = arith.constant 0 : i32
    %c0_i32_1 = arith.constant 0 : i32
    return %arg0, %c0_i32, %c0_i32_0 : i32, i32, i32
  }
  func.func @transform_2(%arg0: i32, %arg1: i32) -> (i32, i32, i32) {
    %c0_i32 = arith.constant 0 : i32
    %c0_i32_0 = arith.constant 0 : i32
    %c0_i32_1 = arith.constant 0 : i32
    return %arg0, %c0_i32, %c0_i32_0 : i32, i32, i32
  }
  func.func @transform_3(%arg0: i32, %arg1: i32) -> (i32, i32, i32) {
    %c0_i32 = arith.constant 0 : i32
    %c0_i32_0 = arith.constant 0 : i32
    return %arg0, %arg1, %c0_i32 : i32, i32, i32
  }
}

module attributes {stable_mosaic.version = 14 : i64} {
  func.func @body(%arg0: i32, %arg1: memref<1000x128xf32, #tpu.memory_space<vmem>>, %arg2: memref<2x128xf32, #tpu.memory_space<vmem>>, %arg3: memref<2x1000x128xf32, #tpu.memory_space<vmem>>, %arg4: memref<128x128xf32, #tpu.memory_space<vmem>>, %arg5: memref<1x128xf32, #tpu.memory_space<vmem>>, %arg6: memref<1x1xf32, #tpu.memory_space<smem>>, %arg7: memref<1000x128xf32, #tpu.memory_space<vmem>>, %arg8: memref<2x1x128xf32, #tpu.memory_space<vmem>>) attributes {dimension_semantics = [#tpu.dimension_semantics<arbitrary>], iteration_bounds = array<i64: 10>, scalar_prefetch = 0 : i64, scratch_operands = 0 : i64, tpu.core_type = #tpu.core_type<tc>, window_params = [{transform_indices = @transform_0, window_bounds = array<i64: 1000, 128>}, {pipeline_mode = #tpu.pipeline_mode<synchronous>, transform_indices = @transform_1, window_bounds = array<i64: 2, 128>}, {transform_indices = @transform_2, window_bounds = array<i64: 2, 1000, 128>}, {pipeline_mode = #tpu.pipeline_mode<synchronous>, transform_indices = @transform_3, window_bounds = array<i64: 128, 128>}, {pipeline_mode = #tpu.pipeline_mode<synchronous>, transform_indices = @transform_4, window_bounds = array<i64: 1, 128>}, {transform_indices = @transform_5, window_bounds = array<i64: 1, 1>}, {transform_indices = @transform_6, window_bounds = array<i64: 1000, 128>}, {pipeline_mode = #tpu.pipeline_mode<synchronous>, transform_indices = @transform_7, window_bounds = array<i64: 2, 1, 128>}]} {
    %get3A = arith.constant 0 : index
    %get3A_0 = arith.constant 0 : index
    %get3A_1 = vector.load %arg1[%get3A, %get3A_0] : memref<1000x128xf32, #tpu.memory_space<vmem>>, vector<1000x128xf32>
    %get3A_2 = arith.constant 0 : index
    %get3A_3 = arith.constant 0 : index
    %get3A_4 = memref.load %arg6[%get3A_2, %get3A_3] : memref<1x1xf32, #tpu.memory_space<smem>>
    %add3A = arith.constant 1.000000e+00 : f32
    %add3A_5 = arith.addf %add3A, %get3A_4 : f32
    %mul3A = vector.broadcast %add3A_5 : f32 to vector<1000x128xf32>
    %mul3A_6 = arith.mulf %get3A_1, %mul3A : vector<1000x128xf32>
    %get3A_7 = arith.constant 0 : index
    %get3A_8 = arith.constant 0 : index
    %get3A_9 = arith.constant 0 : index
    %get3A_10 = vector.load %arg3[%get3A_7, %get3A_8, %get3A_9] : memref<2x1000x128xf32, #tpu.memory_space<vmem>>, vector<1x1000x128xf32>
    %get3A_11 = vector.shape_cast %get3A_10 : vector<1x1000x128xf32> to vector<1000x128xf32>
    %add3A_12 = arith.addf %mul3A_6, %get3A_11 : vector<1000x128xf32>
    %get3A_13 = arith.constant 1 : index
    %get3A_14 = arith.constant 0 : index
    %get3A_15 = arith.constant 0 : index
    %get3A_16 = vector.load %arg3[%get3A_13, %get3A_14, %get3A_15] : memref<2x1000x128xf32, #tpu.memory_space<vmem>>, vector<1x1000x128xf32>
    %get3A_17 = vector.shape_cast %get3A_16 : vector<1x1000x128xf32> to vector<1000x128xf32>
    %add3A_18 = arith.addf %add3A_12, %get3A_17 : vector<1000x128xf32>
    %get3A_19 = arith.constant 0 : index
    %get3A_20 = arith.constant 0 : index
    %get3A_21 = vector.load %arg4[%get3A_19, %get3A_20] : memref<128x128xf32, #tpu.memory_space<vmem>>, vector<128x128xf32>
    %dot_general3A = arith.constant dense<0.000000e+00> : vector<1000x128xf32>
    %dot_general3A_22 = tpu.matmul %add3A_18, %get3A_21, %dot_general3A {dimension_numbers = #tpu.dot_dimension_numbers<[1], [0], [0], [1], [0, 0, 1, 1], [], []>, transpose_lhs_hint = false} : vector<1000x128xf32>, vector<128x128xf32>, vector<1000x128xf32> -> vector<1000x128xf32>
    %get3A_23 = arith.constant 0 : index
    %get3A_24 = arith.constant 0 : index
    %get3A_25 = vector.load %arg5[%get3A_23, %get3A_24] : memref<1x128xf32, #tpu.memory_space<vmem>>, vector<1x128xf32>
    %add3A_26 = vector.broadcast %get3A_25 : vector<1x128xf32> to vector<1000x128xf32>
    %add3A_27 = arith.addf %dot_general3A_22, %add3A_26 : vector<1000x128xf32>
    %swap3A = arith.constant 0 : index
    %swap3A_28 = arith.constant 0 : index
    %swap3A_29 = vector.load %arg7[%swap3A, %swap3A_28] : memref<1000x128xf32, #tpu.memory_space<vmem>>, vector<1000x128xf32>
    tpu.vector_store %arg7[%swap3A, %swap3A_28], %add3A_27 {strides = array<i32>} : memref<1000x128xf32, #tpu.memory_space<vmem>>, vector<1000x128xf32>,
    %reduce_sum3A = arith.constant dense<0.000000e+00> : vector<128xf32>
    %reduce_sum3A_30 = vector.multi_reduction <add>, %add3A_27, %reduce_sum3A [0] : vector<1000x128xf32> to vector<128xf32>
    %broadcast_in_dim3A = vector.shape_cast %reduce_sum3A_30 : vector<128xf32> to vector<1x128xf32>
    %mul3A_31 = arith.mulf %add3A_27, %add3A_27 : vector<1000x128xf32>
    %reduce_sum3A_32 = arith.constant dense<0.000000e+00> : vector<128xf32>
    %reduce_sum3A_33 = vector.multi_reduction <add>, %mul3A_31, %reduce_sum3A_32 [0] : vector<1000x128xf32> to vector<128xf32>
    %broadcast_in_dim3A_34 = vector.shape_cast %reduce_sum3A_33 : vector<128xf32> to vector<1x128xf32>
    %stack3A = vector.shape_cast %broadcast_in_dim3A : vector<1x128xf32> to vector<1x1x128xf32>
    %stack3A_35 = vector.shape_cast %broadcast_in_dim3A_34 : vector<1x128xf32> to vector<1x1x128xf32>
    %stack3A_36 = tpu.concatenate %stack3A, %stack3A_35 in 0 : vector<1x1x128xf32>, vector<1x1x128xf32> -> vector<2x1x128xf32>
    %eq3A = arith.constant 0 : i32
    %eq3A_37 = arith.cmpi eq, %arg0, %eq3A : i32
    %convert_element_type3A = arith.extui %eq3A_37 : i1 to i32
    %cond3A = arith.constant 0 : i32
    %cond3A_38 = arith.cmpi ne, %convert_element_type3A, %cond3A : i32
    scf.if %cond3A_38 {
      %swap3A_43 = arith.constant 0 : index
      %swap3A_44 = arith.constant 0 : index
      %swap3A_45 = arith.constant 0 : index
      %swap3A_46 = vector.load %arg8[%swap3A_43, %swap3A_44, %swap3A_45] : memref<2x1x128xf32, #tpu.memory_space<vmem>>, vector<2x1x128xf32>
      tpu.vector_store %arg8[%swap3A_43, %swap3A_44, %swap3A_45], %stack3A_36 {strides = array<i32>} : memref<2x1x128xf32, #tpu.memory_space<vmem>>, vector<2x1x128xf32>,
    } else {
    }
    %gt3A = arith.constant 0 : i32
    %gt3A_39 = arith.cmpi sgt, %arg0, %gt3A : i32
    %convert_element_type3A_40 = arith.extui %gt3A_39 : i1 to i32
    %cond3A_41 = arith.constant 0 : i32
    %cond3A_42 = arith.cmpi ne, %convert_element_type3A_40, %cond3A_41 : i32
    scf.if %cond3A_42 {
      %get3A_43 = arith.constant 0 : index
      %get3A_44 = arith.constant 0 : index
      %get3A_45 = arith.constant 0 : index
      %get3A_46 = vector.load %arg8[%get3A_43, %get3A_44, %get3A_45] : memref<2x1x128xf32, #tpu.memory_space<vmem>>, vector<2x1x128xf32>
      %add3A_47 = arith.addf %get3A_46, %stack3A_36 : vector<2x1x128xf32>
      %swap3A_48 = arith.constant 0 : index
      %swap3A_49 = arith.constant 0 : index
      %swap3A_50 = arith.constant 0 : index
      %swap3A_51 = vector.load %arg8[%swap3A_48, %swap3A_49, %swap3A_50] : memref<2x1x128xf32, #tpu.memory_space<vmem>>, vector<2x1x128xf32>
      tpu.vector_store %arg8[%swap3A_48, %swap3A_49, %swap3A_50], %add3A_47 {strides = array<i32>} : memref<2x1x128xf32, #tpu.memory_space<vmem>>, vector<2x1x128xf32>,
    } else {
    }
    return
  }
  func.func @transform_0(%arg0: i32) -> (i32, i32) {
    %c0_i32 = arith.constant 0 : i32
    %c0_i32_0 = arith.constant 0 : i32
    return %arg0, %c0_i32 : i32, i32
  }
  func.func @transform_1(%arg0: i32) -> (i32, i32) {
    %c0_i32 = arith.constant 0 : i32
    %c0_i32_0 = arith.constant 0 : i32
    %c0_i32_1 = arith.constant 0 : i32
    return %c0_i32, %c0_i32_0 : i32, i32
  }
  func.func @transform_2(%arg0: i32) -> (i32, i32, i32) {
    %c0_i32 = arith.constant 0 : i32
    %c0_i32_0 = arith.constant 0 : i32
    %c0_i32_1 = arith.constant 0 : i32
    return %c0_i32, %arg0, %c0_i32_0 : i32, i32, i32
  }
  func.func @transform_3(%arg0: i32) -> (i32, i32) {
    %c0_i32 = arith.constant 0 : i32
    %c0_i32_0 = arith.constant 0 : i32
    %c0_i32_1 = arith.constant 0 : i32
    return %c0_i32, %c0_i32_0 : i32, i32
  }
  func.func @transform_4(%arg0: i32) -> (i32, i32) {
    %c0_i32 = arith.constant 0 : i32
    %c0_i32_0 = arith.constant 0 : i32
    %c0_i32_1 = arith.constant 0 : i32
    return %c0_i32, %c0_i32_0 : i32, i32
  }
  func.func @transform_5(%arg0: i32) -> (i32, i32) {
    %c0_i32 = arith.constant 0 : i32
    %c0_i32_0 = arith.constant 0 : i32
    %c0_i32_1 = arith.constant 0 : i32
    return %c0_i32, %c0_i32_0 : i32, i32
  }
  func.func @transform_6(%arg0: i32) -> (i32, i32) {
    %c0_i32 = arith.constant 0 : i32
    %c0_i32_0 = arith.constant 0 : i32
    return %arg0, %c0_i32 : i32, i32
  }
  func.func @transform_7(%arg0: i32) -> (i32, i32, i32) {
    %c0_i32 = arith.constant 0 : i32
    %c0_i32_0 = arith.constant 0 : i32
    %c0_i32_1 = arith.constant 0 : i32
    %c0_i32_2 = arith.constant 0 : i32
    return %c0_i32, %c0_i32_0, %c0_i32_1 : i32, i32, i32
  }
}

module attributes {stable_mosaic.version = 14 : i64} {
  func.func @body(%arg0: i32, %arg1: memref<1000x128xf32, #tpu.memory_space<vmem>>, %arg2: memref<2x128xf32, #tpu.memory_space<vmem>>, %arg3: memref<2x1000x128xf32, #tpu.memory_space<vmem>>, %arg4: memref<128x128xf32, #tpu.memory_space<vmem>>, %arg5: memref<1x128xf32, #tpu.memory_space<vmem>>, %arg6: memref<1x1xf32, #tpu.memory_space<smem>>, %arg7: memref<1000x128xf32, #tpu.memory_space<vmem>>, %arg8: memref<2x1x128xf32, #tpu.memory_space<vmem>>) attributes {dimension_semantics = [#tpu.dimension_semantics<arbitrary>], iteration_bounds = array<i64: 10>, scalar_prefetch = 0 : i64, scratch_operands = 0 : i64, tpu.core_type = #tpu.core_type<tc>, window_params = [{transform_indices = @transform_0, window_bounds = array<i64: 1000, 128>}, {pipeline_mode = #tpu.pipeline_mode<synchronous>, transform_indices = @transform_1, window_bounds = array<i64: 2, 128>}, {transform_indices = @transform_2, window_bounds = array<i64: 2, 1000, 128>}, {pipeline_mode = #tpu.pipeline_mode<synchronous>, transform_indices = @transform_3, window_bounds = array<i64: 128, 128>}, {pipeline_mode = #tpu.pipeline_mode<synchronous>, transform_indices = @transform_4, window_bounds = array<i64: 1, 128>}, {transform_indices = @transform_5, window_bounds = array<i64: 1, 1>}, {transform_indices = @transform_6, window_bounds = array<i64: 1000, 128>}, {pipeline_mode = #tpu.pipeline_mode<synchronous>, transform_indices = @transform_7, window_bounds = array<i64: 2, 1, 128>}]} {
    %get3A = arith.constant 0 : index
    %get3A_0 = arith.constant 0 : index
    %get3A_1 = vector.load %arg1[%get3A, %get3A_0] : memref<1000x128xf32, #tpu.memory_space<vmem>>, vector<1000x128xf32>
    %get3A_2 = arith.constant 0 : index
    %get3A_3 = arith.constant 0 : index
    %get3A_4 = vector.load %arg2[%get3A_2, %get3A_3] : memref<2x128xf32, #tpu.memory_space<vmem>>, vector<1x128xf32>
    %mul3A = vector.broadcast %get3A_4 : vector<1x128xf32> to vector<1000x128xf32>
    %mul3A_5 = arith.mulf %get3A_1, %mul3A : vector<1000x128xf32>
    %get3A_6 = arith.constant 1 : index
    %get3A_7 = arith.constant 0 : index
    %get3A_8 = vector.load %arg2[%get3A_6, %get3A_7] : memref<2x128xf32, #tpu.memory_space<vmem>>, vector<1x128xf32>
    %add3A = vector.broadcast %get3A_8 : vector<1x128xf32> to vector<1000x128xf32>
    %add3A_9 = arith.addf %mul3A_5, %add3A : vector<1000x128xf32>
    %ge3A = arith.constant 0.000000e+00 : f32
    %ge3A_10 = vector.broadcast %ge3A : f32 to vector<1000x128xf32>
    %ge3A_11 = arith.cmpf oge, %add3A_9, %ge3A_10 : vector<1000x128xf32>
    %mul3A_12 = arith.constant 9.99999974E-5 : f32
    %mul3A_13 = vector.broadcast %mul3A_12 : f32 to vector<1000x128xf32>
    %mul3A_14 = arith.mulf %mul3A_13, %add3A_9 : vector<1000x128xf32>
    %select_n3A = arith.select %ge3A_11, %add3A_9, %mul3A_14 : vector<1000x128xi1>, vector<1000x128xf32>
    %get3A_15 = arith.constant 0 : index
    %get3A_16 = arith.constant 0 : index
    %get3A_17 = memref.load %arg6[%get3A_15, %get3A_16] : memref<1x1xf32, #tpu.memory_space<smem>>
    %add3A_18 = arith.constant 1.000000e+00 : f32
    %add3A_19 = arith.addf %add3A_18, %get3A_17 : f32
    %mul3A_20 = vector.broadcast %add3A_19 : f32 to vector<1000x128xf32>
    %mul3A_21 = arith.mulf %select_n3A, %mul3A_20 : vector<1000x128xf32>
    %get3A_22 = arith.constant 0 : index
    %get3A_23 = arith.constant 0 : index
    %get3A_24 = arith.constant 0 : index
    %get3A_25 = vector.load %arg3[%get3A_22, %get3A_23, %get3A_24] : memref<2x1000x128xf32, #tpu.memory_space<vmem>>, vector<1x1000x128xf32>
    %get3A_26 = vector.shape_cast %get3A_25 : vector<1x1000x128xf32> to vector<1000x128xf32>
    %add3A_27 = arith.addf %mul3A_21, %get3A_26 : vector<1000x128xf32>
    %get3A_28 = arith.constant 1 : index
    %get3A_29 = arith.constant 0 : index
    %get3A_30 = arith.constant 0 : index
    %get3A_31 = vector.load %arg3[%get3A_28, %get3A_29, %get3A_30] : memref<2x1000x128xf32, #tpu.memory_space<vmem>>, vector<1x1000x128xf32>
    %get3A_32 = vector.shape_cast %get3A_31 : vector<1x1000x128xf32> to vector<1000x128xf32>
    %add3A_33 = arith.addf %add3A_27, %get3A_32 : vector<1000x128xf32>
    %get3A_34 = arith.constant 0 : index
    %get3A_35 = arith.constant 0 : index
    %get3A_36 = vector.load %arg4[%get3A_34, %get3A_35] : memref<128x128xf32, #tpu.memory_space<vmem>>, vector<128x128xf32>
    %dot_general3A = arith.constant dense<0.000000e+00> : vector<1000x128xf32>
    %dot_general3A_37 = tpu.matmul %add3A_33, %get3A_36, %dot_general3A {dimension_numbers = #tpu.dot_dimension_numbers<[1], [0], [0], [1], [0, 0, 1, 1], [], []>, transpose_lhs_hint = false} : vector<1000x128xf32>, vector<128x128xf32>, vector<1000x128xf32> -> vector<1000x128xf32>
    %get3A_38 = arith.constant 0 : index
    %get3A_39 = arith.constant 0 : index
    %get3A_40 = vector.load %arg5[%get3A_38, %get3A_39] : memref<1x128xf32, #tpu.memory_space<vmem>>, vector<1x128xf32>
    %add3A_41 = vector.broadcast %get3A_40 : vector<1x128xf32> to vector<1000x128xf32>
    %add3A_42 = arith.addf %dot_general3A_37, %add3A_41 : vector<1000x128xf32>
    %swap3A = arith.constant 0 : index
    %swap3A_43 = arith.constant 0 : index
    %swap3A_44 = vector.load %arg7[%swap3A, %swap3A_43] : memref<1000x128xf32, #tpu.memory_space<vmem>>, vector<1000x128xf32>
    tpu.vector_store %arg7[%swap3A, %swap3A_43], %add3A_42 {strides = array<i32>} : memref<1000x128xf32, #tpu.memory_space<vmem>>, vector<1000x128xf32>,
    %reduce_sum3A = arith.constant dense<0.000000e+00> : vector<128xf32>
    %reduce_sum3A_45 = vector.multi_reduction <add>, %add3A_42, %reduce_sum3A [0] : vector<1000x128xf32> to vector<128xf32>
    %broadcast_in_dim3A = vector.shape_cast %reduce_sum3A_45 : vector<128xf32> to vector<1x128xf32>
    %mul3A_46 = arith.mulf %add3A_42, %add3A_42 : vector<1000x128xf32>
    %reduce_sum3A_47 = arith.constant dense<0.000000e+00> : vector<128xf32>
    %reduce_sum3A_48 = vector.multi_reduction <add>, %mul3A_46, %reduce_sum3A_47 [0] : vector<1000x128xf32> to vector<128xf32>
    %broadcast_in_dim3A_49 = vector.shape_cast %reduce_sum3A_48 : vector<128xf32> to vector<1x128xf32>
    %stack3A = vector.shape_cast %broadcast_in_dim3A : vector<1x128xf32> to vector<1x1x128xf32>
    %stack3A_50 = vector.shape_cast %broadcast_in_dim3A_49 : vector<1x128xf32> to vector<1x1x128xf32>
    %stack3A_51 = tpu.concatenate %stack3A, %stack3A_50 in 0 : vector<1x1x128xf32>, vector<1x1x128xf32> -> vector<2x1x128xf32>
    %eq3A = arith.constant 0 : i32
    %eq3A_52 = arith.cmpi eq, %arg0, %eq3A : i32
    %convert_element_type3A = arith.extui %eq3A_52 : i1 to i32
    %cond3A = arith.constant 0 : i32
    %cond3A_53 = arith.cmpi ne, %convert_element_type3A, %cond3A : i32
    scf.if %cond3A_53 {
      %swap3A_58 = arith.constant 0 : index
      %swap3A_59 = arith.constant 0 : index
      %swap3A_60 = arith.constant 0 : index
      %swap3A_61 = vector.load %arg8[%swap3A_58, %swap3A_59, %swap3A_60] : memref<2x1x128xf32, #tpu.memory_space<vmem>>, vector<2x1x128xf32>
      tpu.vector_store %arg8[%swap3A_58, %swap3A_59, %swap3A_60], %stack3A_51 {strides = array<i32>} : memref<2x1x128xf32, #tpu.memory_space<vmem>>, vector<2x1x128xf32>,
    } else {
    }
    %gt3A = arith.constant 0 : i32
    %gt3A_54 = arith.cmpi sgt, %arg0, %gt3A : i32
    %convert_element_type3A_55 = arith.extui %gt3A_54 : i1 to i32
    %cond3A_56 = arith.constant 0 : i32
    %cond3A_57 = arith.cmpi ne, %convert_element_type3A_55, %cond3A_56 : i32
    scf.if %cond3A_57 {
      %get3A_58 = arith.constant 0 : index
      %get3A_59 = arith.constant 0 : index
      %get3A_60 = arith.constant 0 : index
      %get3A_61 = vector.load %arg8[%get3A_58, %get3A_59, %get3A_60] : memref<2x1x128xf32, #tpu.memory_space<vmem>>, vector<2x1x128xf32>
      %add3A_62 = arith.addf %get3A_61, %stack3A_51 : vector<2x1x128xf32>
      %swap3A_63 = arith.constant 0 : index
      %swap3A_64 = arith.constant 0 : index
      %swap3A_65 = arith.constant 0 : index
      %swap3A_66 = vector.load %arg8[%swap3A_63, %swap3A_64, %swap3A_65] : memref<2x1x128xf32, #tpu.memory_space<vmem>>, vector<2x1x128xf32>
      tpu.vector_store %arg8[%swap3A_63, %swap3A_64, %swap3A_65], %add3A_62 {strides = array<i32>} : memref<2x1x128xf32, #tpu.memory_space<vmem>>, vector<2x1x128xf32>,
    } else {
    }
    return
  }
  func.func @transform_0(%arg0: i32) -> (i32, i32) {
    %c0_i32 = arith.constant 0 : i32
    %c0_i32_0 = arith.constant 0 : i32
    return %arg0, %c0_i32 : i32, i32
  }
  func.func @transform_1(%arg0: i32) -> (i32, i32) {
    %c0_i32 = arith.constant 0 : i32
    %c0_i32_0 = arith.constant 0 : i32
    %c0_i32_1 = arith.constant 0 : i32
    return %c0_i32, %c0_i32_0 : i32, i32
  }
  func.func @transform_2(%arg0: i32) -> (i32, i32, i32) {
    %c0_i32 = arith.constant 0 : i32
    %c0_i32_0 = arith.constant 0 : i32
    %c0_i32_1 = arith.constant 0 : i32
    return %c0_i32, %arg0, %c0_i32_0 : i32, i32, i32
  }
  func.func @transform_3(%arg0: i32) -> (i32, i32) {
    %c0_i32 = arith.constant 0 : i32
    %c0_i32_0 = arith.constant 0 : i32
    %c0_i32_1 = arith.constant 0 : i32
    return %c0_i32, %c0_i32_0 : i32, i32
  }
  func.func @transform_4(%arg0: i32) -> (i32, i32) {
    %c0_i32 = arith.constant 0 : i32
    %c0_i32_0 = arith.constant 0 : i32
    %c0_i32_1 = arith.constant 0 : i32
    return %c0_i32, %c0_i32_0 : i32, i32
  }
  func.func @transform_5(%arg0: i32) -> (i32, i32) {
    %c0_i32 = arith.constant 0 : i32
    %c0_i32_0 = arith.constant 0 : i32
    %c0_i32_1 = arith.constant 0 : i32
    return %c0_i32, %c0_i32_0 : i32, i32
  }
  func.func @transform_6(%arg0: i32) -> (i32, i32) {
    %c0_i32 = arith.constant 0 : i32
    %c0_i32_0 = arith.constant 0 : i32
    return %arg0, %c0_i32 : i32, i32
  }
  func.func @transform_7(%arg0: i32) -> (i32, i32, i32) {
    %c0_i32 = arith.constant 0 : i32
    %c0_i32_0 = arith.constant 0 : i32
    %c0_i32_1 = arith.constant 0 : i32
    %c0_i32_2 = arith.constant 0 : i32
    return %c0_i32, %c0_i32_0, %c0_i32_1 : i32, i32, i32
  }
}

module attributes {stable_mosaic.version = 14 : i64} {
  func.func @_pool_body(%arg0: i32, %arg1: memref<1000x128xf32, #tpu.memory_space<vmem>>, %arg2: memref<2x128xf32, #tpu.memory_space<vmem>>, %arg3: memref<1x1x1000xf32, #tpu.memory_space<vmem>>, %arg4: memref<64x128xf32, #tpu.memory_space<vmem>>) attributes {dimension_semantics = [#tpu.dimension_semantics<arbitrary>], iteration_bounds = array<i64: 10>, scalar_prefetch = 0 : i64, scratch_operands = 0 : i64, tpu.core_type = #tpu.core_type<tc>, window_params = [{transform_indices = @transform_0, window_bounds = array<i64: 1000, 128>}, {pipeline_mode = #tpu.pipeline_mode<synchronous>, transform_indices = @transform_1, window_bounds = array<i64: 2, 128>}, {transform_indices = @transform_2, window_bounds = array<i64: 1, 1, 1000>}, {pipeline_mode = #tpu.pipeline_mode<synchronous>, transform_indices = @transform_3, window_bounds = array<i64: 64, 128>}]} {
    %get3A = arith.constant 0 : index
    %get3A_0 = arith.constant 0 : index
    %get3A_1 = vector.load %arg1[%get3A, %get3A_0] : memref<1000x128xf32, #tpu.memory_space<vmem>>, vector<1000x128xf32>
    %get3A_2 = arith.constant 0 : index
    %get3A_3 = arith.constant 0 : index
    %get3A_4 = vector.load %arg2[%get3A_2, %get3A_3] : memref<2x128xf32, #tpu.memory_space<vmem>>, vector<1x128xf32>
    %mul3A = vector.broadcast %get3A_4 : vector<1x128xf32> to vector<1000x128xf32>
    %mul3A_5 = arith.mulf %get3A_1, %mul3A : vector<1000x128xf32>
    %get3A_6 = arith.constant 1 : index
    %get3A_7 = arith.constant 0 : index
    %get3A_8 = vector.load %arg2[%get3A_6, %get3A_7] : memref<2x128xf32, #tpu.memory_space<vmem>>, vector<1x128xf32>
    %add3A = vector.broadcast %get3A_8 : vector<1x128xf32> to vector<1000x128xf32>
    %add3A_9 = arith.addf %mul3A_5, %add3A : vector<1000x128xf32>
    %ge3A = arith.constant 0.000000e+00 : f32
    %ge3A_10 = vector.broadcast %ge3A : f32 to vector<1000x128xf32>
    %ge3A_11 = arith.cmpf oge, %add3A_9, %ge3A_10 : vector<1000x128xf32>
    %mul3A_12 = arith.constant 9.99999974E-5 : f32
    %mul3A_13 = vector.broadcast %mul3A_12 : f32 to vector<1000x128xf32>
    %mul3A_14 = arith.mulf %mul3A_13, %add3A_9 : vector<1000x128xf32>
    %select_n3A = arith.select %ge3A_11, %add3A_9, %mul3A_14 : vector<1000x128xi1>, vector<1000x128xf32>
    %get3A_15 = arith.constant 0 : index
    %get3A_16 = arith.constant 0 : index
    %get3A_17 = arith.constant 0 : index
    %get3A_18 = vector.load %arg3[%get3A_15, %get3A_16, %get3A_17] : memref<1x1x1000xf32, #tpu.memory_space<vmem>>, vector<1x1x1000xf32>
    %get3A_19 = vector.shape_cast %get3A_18 : vector<1x1x1000xf32> to vector<1x1000xf32>
    %squeeze3A = vector.shape_cast %get3A_19 : vector<1x1000xf32> to vector<1000xf32>
    %broadcast_in_dim3A = vector.shape_cast %squeeze3A : vector<1000xf32> to vector<1000x1xf32>
    %iota3A = tpu.iota {dimensions = array<i32: 1>} : vector<1000x64xi32>
    %convert_element_type3A = arith.sitofp %iota3A : vector<1000x64xi32> to vector<1000x64xf32>
    %eq3A = vector.broadcast %broadcast_in_dim3A : vector<1000x1xf32> to vector<1000x64xf32>
    %eq3A_20 = arith.cmpf oeq, %eq3A, %convert_element_type3A : vector<1000x64xf32>
    %convert_element_type3A_21 = arith.extui %eq3A_20 : vector<1000x64xi1> to vector<1000x64xi32>
    %convert_element_type3A_22 = arith.sitofp %convert_element_type3A_21 : vector<1000x64xi32> to vector<1000x64xf32>
    %dot_general3A = arith.constant dense<0.000000e+00> : vector<64x128xf32>
    %dot_general3A_23 = tpu.matmul %convert_element_type3A_22, %select_n3A, %dot_general3A {dimension_numbers = #tpu.dot_dimension_numbers<[0], [0], [1], [1], [0, 1, 1, 1], [], []>, transpose_lhs_hint = false} : vector<1000x64xf32>, vector<1000x128xf32>, vector<64x128xf32> -> vector<64x128xf32>
    %eq3A_24 = arith.constant 0 : i32
    %eq3A_25 = arith.cmpi eq, %arg0, %eq3A_24 : i32
    %convert_element_type3A_26 = arith.extui %eq3A_25 : i1 to i32
    %cond3A = arith.constant 0 : i32
    %cond3A_27 = arith.cmpi ne, %convert_element_type3A_26, %cond3A : i32
    scf.if %cond3A_27 {
      %swap3A = arith.constant 0 : index
      %swap3A_32 = arith.constant 0 : index
      %swap3A_33 = vector.load %arg4[%swap3A, %swap3A_32] : memref<64x128xf32, #tpu.memory_space<vmem>>, vector<64x128xf32>
      tpu.vector_store %arg4[%swap3A, %swap3A_32], %dot_general3A_23 {strides = array<i32>} : memref<64x128xf32, #tpu.memory_space<vmem>>, vector<64x128xf32>,
    } else {
    }
    %gt3A = arith.constant 0 : i32
    %gt3A_28 = arith.cmpi sgt, %arg0, %gt3A : i32
    %convert_element_type3A_29 = arith.extui %gt3A_28 : i1 to i32
    %cond3A_30 = arith.constant 0 : i32
    %cond3A_31 = arith.cmpi ne, %convert_element_type3A_29, %cond3A_30 : i32
    scf.if %cond3A_31 {
      %get3A_32 = arith.constant 0 : index
      %get3A_33 = arith.constant 0 : index
      %get3A_34 = vector.load %arg4[%get3A_32, %get3A_33] : memref<64x128xf32, #tpu.memory_space<vmem>>, vector<64x128xf32>
      %add3A_35 = arith.addf %get3A_34, %dot_general3A_23 : vector<64x128xf32>
      %swap3A = arith.constant 0 : index
      %swap3A_36 = arith.constant 0 : index
      %swap3A_37 = vector.load %arg4[%swap3A, %swap3A_36] : memref<64x128xf32, #tpu.memory_space<vmem>>, vector<64x128xf32>
      tpu.vector_store %arg4[%swap3A, %swap3A_36], %add3A_35 {strides = array<i32>} : memref<64x128xf32, #tpu.memory_space<vmem>>, vector<64x128xf32>,
    } else {
    }
    return
  }
  func.func @transform_0(%arg0: i32) -> (i32, i32) {
    %c0_i32 = arith.constant 0 : i32
    %c0_i32_0 = arith.constant 0 : i32
    return %arg0, %c0_i32 : i32, i32
  }
  func.func @transform_1(%arg0: i32) -> (i32, i32) {
    %c0_i32 = arith.constant 0 : i32
    %c0_i32_0 = arith.constant 0 : i32
    %c0_i32_1 = arith.constant 0 : i32
    return %c0_i32, %c0_i32_0 : i32, i32
  }
  func.func @transform_2(%arg0: i32) -> (i32, i32, i32) {
    %c0_i32 = arith.constant 0 : i32
    %c0_i32_0 = arith.constant 0 : i32
    %c0_i32_1 = arith.constant 0 : i32
    return %arg0, %c0_i32, %c0_i32_0 : i32, i32, i32
  }
  func.func @transform_3(%arg0: i32) -> (i32, i32) {
    %c0_i32 = arith.constant 0 : i32
    %c0_i32_0 = arith.constant 0 : i32
    %c0_i32_1 = arith.constant 0 : i32
    return %c0_i32, %c0_i32_0 : i32, i32
  }
}

module attributes {stable_mosaic.version = 14 : i64} {
  func.func @_head_body(%arg0: i32, %arg1: memref<1000x128xf32, #tpu.memory_space<vmem>>, %arg2: memref<1000x128xf32, #tpu.memory_space<vmem>>, %arg3: memref<1000x128xf32, #tpu.memory_space<vmem>>, %arg4: memref<1000x128xf32, #tpu.memory_space<vmem>>, %arg5: memref<4x128xf32, #tpu.memory_space<vmem>>, %arg6: memref<4x128xf32, #tpu.memory_space<vmem>>, %arg7: memref<1x1x1000xf32, #tpu.memory_space<vmem>>, %arg8: memref<64x128xf32, #tpu.memory_space<vmem>>, %arg9: memref<640x256xf32, #tpu.memory_space<vmem>>, %arg10: memref<1x256xf32, #tpu.memory_space<vmem>>, %arg11: memref<2x256x256xf32, #tpu.memory_space<vmem>>, %arg12: memref<2x256xf32, #tpu.memory_space<vmem>>, %arg13: memref<1x256xf32, #tpu.memory_space<vmem>>, %arg14: memref<1x1xf32, #tpu.memory_space<smem>>, %arg15: memref<1000x1xf32, #tpu.memory_space<vmem>>) attributes {dimension_semantics = [#tpu.dimension_semantics<arbitrary>], iteration_bounds = array<i64: 10>, scalar_prefetch = 0 : i64, scratch_operands = 0 : i64, tpu.core_type = #tpu.core_type<tc>, window_params = [{transform_indices = @transform_0, window_bounds = array<i64: 1000, 128>}, {transform_indices = @transform_1, window_bounds = array<i64: 1000, 128>}, {transform_indices = @transform_2, window_bounds = array<i64: 1000, 128>}, {transform_indices = @transform_3, window_bounds = array<i64: 1000, 128>}, {pipeline_mode = #tpu.pipeline_mode<synchronous>, transform_indices = @transform_4, window_bounds = array<i64: 4, 128>}, {pipeline_mode = #tpu.pipeline_mode<synchronous>, transform_indices = @transform_5, window_bounds = array<i64: 4, 128>}, {transform_indices = @transform_6, window_bounds = array<i64: 1, 1, 1000>}, {pipeline_mode = #tpu.pipeline_mode<synchronous>, transform_indices = @transform_7, window_bounds = array<i64: 64, 128>}, {pipeline_mode = #tpu.pipeline_mode<synchronous>, transform_indices = @transform_8, window_bounds = array<i64: 640, 256>}, {pipeline_mode = #tpu.pipeline_mode<synchronous>, transform_indices = @transform_9, window_bounds = array<i64: 1, 256>}, {pipeline_mode = #tpu.pipeline_mode<synchronous>, transform_indices = @transform_10, window_bounds = array<i64: 2, 256, 256>}, {pipeline_mode = #tpu.pipeline_mode<synchronous>, transform_indices = @transform_11, window_bounds = array<i64: 2, 256>}, {pipeline_mode = #tpu.pipeline_mode<synchronous>, transform_indices = @transform_12, window_bounds = array<i64: 1, 256>}, {transform_indices = @transform_13, window_bounds = array<i64: 1, 1>}, {transform_indices = @transform_14, window_bounds = array<i64: 1000, 1>}]} {
    %get3A = arith.constant 0 : index
    %get3A_0 = arith.constant 0 : index
    %get3A_1 = arith.constant 0 : index
    %get3A_2 = vector.load %arg7[%get3A, %get3A_0, %get3A_1] : memref<1x1x1000xf32, #tpu.memory_space<vmem>>, vector<1x1x1000xf32>
    %get3A_3 = vector.shape_cast %get3A_2 : vector<1x1x1000xf32> to vector<1x1000xf32>
    %squeeze3A = vector.shape_cast %get3A_3 : vector<1x1000xf32> to vector<1000xf32>
    %broadcast_in_dim3A = vector.shape_cast %squeeze3A : vector<1000xf32> to vector<1000x1xf32>
    %iota3A = tpu.iota {dimensions = array<i32: 1>} : vector<1000x64xi32>
    %convert_element_type3A = arith.sitofp %iota3A : vector<1000x64xi32> to vector<1000x64xf32>
    %eq3A = vector.broadcast %broadcast_in_dim3A : vector<1000x1xf32> to vector<1000x64xf32>
    %eq3A_4 = arith.cmpf oeq, %eq3A, %convert_element_type3A : vector<1000x64xf32>
    %convert_element_type3A_5 = arith.extui %eq3A_4 : vector<1000x64xi1> to vector<1000x64xi32>
    %convert_element_type3A_6 = arith.sitofp %convert_element_type3A_5 : vector<1000x64xi32> to vector<1000x64xf32>
    %get3A_7 = arith.constant 0 : index
    %get3A_8 = arith.constant 0 : index
    %get3A_9 = vector.load %arg8[%get3A_7, %get3A_8] : memref<64x128xf32, #tpu.memory_space<vmem>>, vector<64x128xf32>
    %dot_general3A = arith.constant dense<0.000000e+00> : vector<1000x128xf32>
    %dot_general3A_10 = tpu.matmul %convert_element_type3A_6, %get3A_9, %dot_general3A {dimension_numbers = #tpu.dot_dimension_numbers<[1], [0], [0], [1], [0, 0, 1, 1], [], []>, transpose_lhs_hint = false} : vector<1000x64xf32>, vector<64x128xf32>, vector<1000x128xf32> -> vector<1000x128xf32>
    %get3A_11 = arith.constant 0 : index
    %get3A_12 = arith.constant 0 : index
    %get3A_13 = vector.load %arg1[%get3A_11, %get3A_12] : memref<1000x128xf32, #tpu.memory_space<vmem>>, vector<1000x128xf32>
    %get3A_14 = arith.constant 0 : index
    %get3A_15 = arith.constant 0 : index
    %get3A_16 = vector.load %arg2[%get3A_14, %get3A_15] : memref<1000x128xf32, #tpu.memory_space<vmem>>, vector<1000x128xf32>
    %get3A_17 = arith.constant 0 : index
    %get3A_18 = arith.constant 0 : index
    %get3A_19 = vector.load %arg3[%get3A_17, %get3A_18] : memref<1000x128xf32, #tpu.memory_space<vmem>>, vector<1000x128xf32>
    %get3A_20 = arith.constant 0 : index
    %get3A_21 = arith.constant 0 : index
    %get3A_22 = vector.load %arg4[%get3A_20, %get3A_21] : memref<1000x128xf32, #tpu.memory_space<vmem>>, vector<1000x128xf32>
    %get3A_23 = arith.constant 0 : index
    %get3A_24 = arith.constant 0 : index
    %get3A_25 = vector.load %arg5[%get3A_23, %get3A_24] : memref<4x128xf32, #tpu.memory_space<vmem>>, vector<1x128xf32>
    %mul3A = vector.broadcast %get3A_25 : vector<1x128xf32> to vector<1000x128xf32>
    %mul3A_26 = arith.mulf %get3A_13, %mul3A : vector<1000x128xf32>
    %get3A_27 = arith.constant 0 : index
    %get3A_28 = arith.constant 0 : index
    %get3A_29 = vector.load %arg6[%get3A_27, %get3A_28] : memref<4x128xf32, #tpu.memory_space<vmem>>, vector<1x128xf32>
    %add3A = vector.broadcast %get3A_29 : vector<1x128xf32> to vector<1000x128xf32>
    %add3A_30 = arith.addf %mul3A_26, %add3A : vector<1000x128xf32>
    %ge3A = arith.constant 0.000000e+00 : f32
    %ge3A_31 = vector.broadcast %ge3A : f32 to vector<1000x128xf32>
    %ge3A_32 = arith.cmpf oge, %add3A_30, %ge3A_31 : vector<1000x128xf32>
    %mul3A_33 = arith.constant 9.99999974E-5 : f32
    %mul3A_34 = vector.broadcast %mul3A_33 : f32 to vector<1000x128xf32>
    %mul3A_35 = arith.mulf %mul3A_34, %add3A_30 : vector<1000x128xf32>
    %select_n3A = arith.select %ge3A_32, %add3A_30, %mul3A_35 : vector<1000x128xi1>, vector<1000x128xf32>
    %get3A_36 = arith.constant 1 : index
    %get3A_37 = arith.constant 0 : index
    %get3A_38 = vector.load %arg5[%get3A_36, %get3A_37] : memref<4x128xf32, #tpu.memory_space<vmem>>, vector<1x128xf32>
    %mul3A_39 = vector.broadcast %get3A_38 : vector<1x128xf32> to vector<1000x128xf32>
    %mul3A_40 = arith.mulf %get3A_16, %mul3A_39 : vector<1000x128xf32>
    %get3A_41 = arith.constant 1 : index
    %get3A_42 = arith.constant 0 : index
    %get3A_43 = vector.load %arg6[%get3A_41, %get3A_42] : memref<4x128xf32, #tpu.memory_space<vmem>>, vector<1x128xf32>
    %add3A_44 = vector.broadcast %get3A_43 : vector<1x128xf32> to vector<1000x128xf32>
    %add3A_45 = arith.addf %mul3A_40, %add3A_44 : vector<1000x128xf32>
    %ge3A_46 = arith.constant 0.000000e+00 : f32
    %ge3A_47 = vector.broadcast %ge3A_46 : f32 to vector<1000x128xf32>
    %ge3A_48 = arith.cmpf oge, %add3A_45, %ge3A_47 : vector<1000x128xf32>
    %mul3A_49 = arith.constant 9.99999974E-5 : f32
    %mul3A_50 = vector.broadcast %mul3A_49 : f32 to vector<1000x128xf32>
    %mul3A_51 = arith.mulf %mul3A_50, %add3A_45 : vector<1000x128xf32>
    %select_n3A_52 = arith.select %ge3A_48, %add3A_45, %mul3A_51 : vector<1000x128xi1>, vector<1000x128xf32>
    %get3A_53 = arith.constant 2 : index
    %get3A_54 = arith.constant 0 : index
    %get3A_55 = vector.load %arg5[%get3A_53, %get3A_54] : memref<4x128xf32, #tpu.memory_space<vmem>>, vector<1x128xf32>
    %mul3A_56 = vector.broadcast %get3A_55 : vector<1x128xf32> to vector<1000x128xf32>
    %mul3A_57 = arith.mulf %get3A_19, %mul3A_56 : vector<1000x128xf32>
    %get3A_58 = arith.constant 2 : index
    %get3A_59 = arith.constant 0 : index
    %get3A_60 = vector.load %arg6[%get3A_58, %get3A_59] : memref<4x128xf32, #tpu.memory_space<vmem>>, vector<1x128xf32>
    %add3A_61 = vector.broadcast %get3A_60 : vector<1x128xf32> to vector<1000x128xf32>
    %add3A_62 = arith.addf %mul3A_57, %add3A_61 : vector<1000x128xf32>
    %ge3A_63 = arith.constant 0.000000e+00 : f32
    %ge3A_64 = vector.broadcast %ge3A_63 : f32 to vector<1000x128xf32>
    %ge3A_65 = arith.cmpf oge, %add3A_62, %ge3A_64 : vector<1000x128xf32>
    %mul3A_66 = arith.constant 9.99999974E-5 : f32
    %mul3A_67 = vector.broadcast %mul3A_66 : f32 to vector<1000x128xf32>
    %mul3A_68 = arith.mulf %mul3A_67, %add3A_62 : vector<1000x128xf32>
    %select_n3A_69 = arith.select %ge3A_65, %add3A_62, %mul3A_68 : vector<1000x128xi1>, vector<1000x128xf32>
    %get3A_70 = arith.constant 3 : index
    %get3A_71 = arith.constant 0 : index
    %get3A_72 = vector.load %arg5[%get3A_70, %get3A_71] : memref<4x128xf32, #tpu.memory_space<vmem>>, vector<1x128xf32>
    %mul3A_73 = vector.broadcast %get3A_72 : vector<1x128xf32> to vector<1000x128xf32>
    %mul3A_74 = arith.mulf %get3A_22, %mul3A_73 : vector<1000x128xf32>
    %get3A_75 = arith.constant 3 : index
    %get3A_76 = arith.constant 0 : index
    %get3A_77 = vector.load %arg6[%get3A_75, %get3A_76] : memref<4x128xf32, #tpu.memory_space<vmem>>, vector<1x128xf32>
    %add3A_78 = vector.broadcast %get3A_77 : vector<1x128xf32> to vector<1000x128xf32>
    %add3A_79 = arith.addf %mul3A_74, %add3A_78 : vector<1000x128xf32>
    %ge3A_80 = arith.constant 0.000000e+00 : f32
    %ge3A_81 = vector.broadcast %ge3A_80 : f32 to vector<1000x128xf32>
    %ge3A_82 = arith.cmpf oge, %add3A_79, %ge3A_81 : vector<1000x128xf32>
    %mul3A_83 = arith.constant 9.99999974E-5 : f32
    %mul3A_84 = vector.broadcast %mul3A_83 : f32 to vector<1000x128xf32>
    %mul3A_85 = arith.mulf %mul3A_84, %add3A_79 : vector<1000x128xf32>
    %select_n3A_86 = arith.select %ge3A_82, %add3A_79, %mul3A_85 : vector<1000x128xi1>, vector<1000x128xf32>
    %concatenate3A = tpu.concatenate %select_n3A, %select_n3A_52, %select_n3A_69, %select_n3A_86, %dot_general3A_10 in 1 : vector<1000x128xf32>, vector<1000x128xf32>, vector<1000x128xf32>, vector<1000x128xf32>, vector<1000x128xf32> -> vector<1000x640xf32>
    %get3A_87 = arith.constant 0 : index
    %get3A_88 = arith.constant 0 : index
    %get3A_89 = vector.load %arg9[%get3A_87, %get3A_88] : memref<640x256xf32, #tpu.memory_space<vmem>>, vector<640x256xf32>
    %dot_general3A_90 = arith.constant dense<0.000000e+00> : vector<1000x256xf32>
    %dot_general3A_91 = tpu.matmul %concatenate3A, %get3A_89, %dot_general3A_90 {dimension_numbers = #tpu.dot_dimension_numbers<[1], [0], [0], [1], [0, 0, 1, 1], [], []>, transpose_lhs_hint = false} : vector<1000x640xf32>, vector<640x256xf32>, vector<1000x256xf32> -> vector<1000x256xf32>
    %get3A_92 = arith.constant 0 : index
    %get3A_93 = arith.constant 0 : index
    %get3A_94 = vector.load %arg10[%get3A_92, %get3A_93] : memref<1x256xf32, #tpu.memory_space<vmem>>, vector<1x256xf32>
    %add3A_95 = vector.broadcast %get3A_94 : vector<1x256xf32> to vector<1000x256xf32>
    %add3A_96 = arith.addf %dot_general3A_91, %add3A_95 : vector<1000x256xf32>
    %get3A_97 = arith.constant 0 : index
    %get3A_98 = arith.constant 0 : index
    %get3A_99 = arith.constant 0 : index
    %get3A_100 = vector.load %arg11[%get3A_97, %get3A_98, %get3A_99] : memref<2x256x256xf32, #tpu.memory_space<vmem>>, vector<1x256x256xf32>
    %get3A_101 = vector.shape_cast %get3A_100 : vector<1x256x256xf32> to vector<256x256xf32>
    %dot_general3A_102 = arith.constant dense<0.000000e+00> : vector<1000x256xf32>
    %dot_general3A_103 = tpu.matmul %add3A_96, %get3A_101, %dot_general3A_102 {dimension_numbers = #tpu.dot_dimension_numbers<[1], [0], [0], [1], [0, 0, 1, 1], [], []>, transpose_lhs_hint = false} : vector<1000x256xf32>, vector<256x256xf32>, vector<1000x256xf32> -> vector<1000x256xf32>
    %get3A_104 = arith.constant 0 : index
    %get3A_105 = arith.constant 0 : index
    %get3A_106 = vector.load %arg12[%get3A_104, %get3A_105] : memref<2x256xf32, #tpu.memory_space<vmem>>, vector<1x256xf32>
    %add3A_107 = vector.broadcast %get3A_106 : vector<1x256xf32> to vector<1000x256xf32>
    %add3A_108 = arith.addf %dot_general3A_103, %add3A_107 : vector<1000x256xf32>
    %ge3A_109 = arith.constant 0.000000e+00 : f32
    %ge3A_110 = vector.broadcast %ge3A_109 : f32 to vector<1000x256xf32>
    %ge3A_111 = arith.cmpf oge, %add3A_108, %ge3A_110 : vector<1000x256xf32>
    %mul3A_112 = arith.constant 0.00999999977 : f32
    %mul3A_113 = vector.broadcast %mul3A_112 : f32 to vector<1000x256xf32>
    %mul3A_114 = arith.mulf %mul3A_113, %add3A_108 : vector<1000x256xf32>
    %select_n3A_115 = arith.select %ge3A_111, %add3A_108, %mul3A_114 : vector<1000x256xi1>, vector<1000x256xf32>
    %get3A_116 = arith.constant 1 : index
    %get3A_117 = arith.constant 0 : index
    %get3A_118 = arith.constant 0 : index
    %get3A_119 = vector.load %arg11[%get3A_116, %get3A_117, %get3A_118] : memref<2x256x256xf32, #tpu.memory_space<vmem>>, vector<1x256x256xf32>
    %get3A_120 = vector.shape_cast %get3A_119 : vector<1x256x256xf32> to vector<256x256xf32>
    %dot_general3A_121 = arith.constant dense<0.000000e+00> : vector<1000x256xf32>
    %dot_general3A_122 = tpu.matmul %select_n3A_115, %get3A_120, %dot_general3A_121 {dimension_numbers = #tpu.dot_dimension_numbers<[1], [0], [0], [1], [0, 0, 1, 1], [], []>, transpose_lhs_hint = false} : vector<1000x256xf32>, vector<256x256xf32>, vector<1000x256xf32> -> vector<1000x256xf32>
    %get3A_123 = arith.constant 1 : index
    %get3A_124 = arith.constant 0 : index
    %get3A_125 = vector.load %arg12[%get3A_123, %get3A_124] : memref<2x256xf32, #tpu.memory_space<vmem>>, vector<1x256xf32>
    %add3A_126 = vector.broadcast %get3A_125 : vector<1x256xf32> to vector<1000x256xf32>
    %add3A_127 = arith.addf %dot_general3A_122, %add3A_126 : vector<1000x256xf32>
    %ge3A_128 = arith.constant 0.000000e+00 : f32
    %ge3A_129 = vector.broadcast %ge3A_128 : f32 to vector<1000x256xf32>
    %ge3A_130 = arith.cmpf oge, %add3A_127, %ge3A_129 : vector<1000x256xf32>
    %mul3A_131 = arith.constant 0.00999999977 : f32
    %mul3A_132 = vector.broadcast %mul3A_131 : f32 to vector<1000x256xf32>
    %mul3A_133 = arith.mulf %mul3A_132, %add3A_127 : vector<1000x256xf32>
    %select_n3A_134 = arith.select %ge3A_130, %add3A_127, %mul3A_133 : vector<1000x256xi1>, vector<1000x256xf32>
    %get3A_135 = arith.constant 0 : index
    %get3A_136 = arith.constant 0 : index
    %get3A_137 = vector.load %arg13[%get3A_135, %get3A_136] : memref<1x256xf32, #tpu.memory_space<vmem>>, vector<1x256xf32>
    %mul3A_138 = vector.broadcast %get3A_137 : vector<1x256xf32> to vector<1000x256xf32>
    %mul3A_139 = arith.mulf %select_n3A_134, %mul3A_138 : vector<1000x256xf32>
    %reduce_sum3A = arith.constant dense<0.000000e+00> : vector<1000xf32>
    %reduce_sum3A_140 = vector.multi_reduction <add>, %mul3A_139, %reduce_sum3A [1] : vector<1000x256xf32> to vector<1000xf32>
    %broadcast_in_dim3A_141 = vector.shape_cast %reduce_sum3A_140 : vector<1000xf32> to vector<1000x1xf32>
    %get3A_142 = arith.constant 0 : index
    %get3A_143 = arith.constant 0 : index
    %get3A_144 = memref.load %arg14[%get3A_142, %get3A_143] : memref<1x1xf32, #tpu.memory_space<smem>>
    %add3A_145 = vector.broadcast %get3A_144 : f32 to vector<1000x1xf32>
    %add3A_146 = arith.addf %broadcast_in_dim3A_141, %add3A_145 : vector<1000x1xf32>
    %logistic3A = arith.negf %add3A_146 : vector<1000x1xf32>
    %logistic3A_147 = math.exp %logistic3A : vector<1000x1xf32>
    %logistic3A_148 = arith.constant 1.000000e+00 : f32
    %logistic3A_149 = vector.broadcast %logistic3A_148 : f32 to vector<1000x1xf32>
    %logistic3A_150 = arith.addf %logistic3A_149, %logistic3A_147 : vector<1000x1xf32>
    %logistic3A_151 = arith.divf %logistic3A_149, %logistic3A_150 : vector<1000x1xf32>
    %swap3A = arith.constant 0 : index
    %swap3A_152 = arith.constant 0 : index
    %swap3A_153 = vector.load %arg15[%swap3A, %swap3A_152] : memref<1000x1xf32, #tpu.memory_space<vmem>>, vector<1000x1xf32>
    tpu.vector_store %arg15[%swap3A, %swap3A_152], %logistic3A_151 {strides = array<i32>} : memref<1000x1xf32, #tpu.memory_space<vmem>>, vector<1000x1xf32>,
    return
  }
  func.func @transform_0(%arg0: i32) -> (i32, i32) {
    %c0_i32 = arith.constant 0 : i32
    %c0_i32_0 = arith.constant 0 : i32
    return %arg0, %c0_i32 : i32, i32
  }
  func.func @transform_1(%arg0: i32) -> (i32, i32) {
    %c0_i32 = arith.constant 0 : i32
    %c0_i32_0 = arith.constant 0 : i32
    return %arg0, %c0_i32 : i32, i32
  }
  func.func @transform_2(%arg0: i32) -> (i32, i32) {
    %c0_i32 = arith.constant 0 : i32
    %c0_i32_0 = arith.constant 0 : i32
    return %arg0, %c0_i32 : i32, i32
  }
  func.func @transform_3(%arg0: i32) -> (i32, i32) {
    %c0_i32 = arith.constant 0 : i32
    %c0_i32_0 = arith.constant 0 : i32
    return %arg0, %c0_i32 : i32, i32
  }
  func.func @transform_4(%arg0: i32) -> (i32, i32) {
    %c0_i32 = arith.constant 0 : i32
    %c0_i32_0 = arith.constant 0 : i32
    %c0_i32_1 = arith.constant 0 : i32
    return %c0_i32, %c0_i32_0 : i32, i32
  }
  func.func @transform_5(%arg0: i32) -> (i32, i32) {
    %c0_i32 = arith.constant 0 : i32
    %c0_i32_0 = arith.constant 0 : i32
    %c0_i32_1 = arith.constant 0 : i32
    return %c0_i32, %c0_i32_0 : i32, i32
  }
  func.func @transform_6(%arg0: i32) -> (i32, i32, i32) {
    %c0_i32 = arith.constant 0 : i32
    %c0_i32_0 = arith.constant 0 : i32
    %c0_i32_1 = arith.constant 0 : i32
    return %arg0, %c0_i32, %c0_i32_0 : i32, i32, i32
  }
  func.func @transform_7(%arg0: i32) -> (i32, i32) {
    %c0_i32 = arith.constant 0 : i32
    %c0_i32_0 = arith.constant 0 : i32
    %c0_i32_1 = arith.constant 0 : i32
    return %c0_i32, %c0_i32_0 : i32, i32
  }
  func.func @transform_8(%arg0: i32) -> (i32, i32) {
    %c0_i32 = arith.constant 0 : i32
    %c0_i32_0 = arith.constant 0 : i32
    %c0_i32_1 = arith.constant 0 : i32
    return %c0_i32, %c0_i32_0 : i32, i32
  }
  func.func @transform_9(%arg0: i32) -> (i32, i32) {
    %c0_i32 = arith.constant 0 : i32
    %c0_i32_0 = arith.constant 0 : i32
    %c0_i32_1 = arith.constant 0 : i32
    return %c0_i32, %c0_i32_0 : i32, i32
  }
  func.func @transform_10(%arg0: i32) -> (i32, i32, i32) {
    %c0_i32 = arith.constant 0 : i32
    %c0_i32_0 = arith.constant 0 : i32
    %c0_i32_1 = arith.constant 0 : i32
    %c0_i32_2 = arith.constant 0 : i32
    return %c0_i32, %c0_i32_0, %c0_i32_1 : i32, i32, i32
  }
  func.func @transform_11(%arg0: i32) -> (i32, i32) {
    %c0_i32 = arith.constant 0 : i32
    %c0_i32_0 = arith.constant 0 : i32
    %c0_i32_1 = arith.constant 0 : i32
    return %c0_i32, %c0_i32_0 : i32, i32
  }
  func.func @transform_12(%arg0: i32) -> (i32, i32) {
    %c0_i32 = arith.constant 0 : i32
    %c0_i32_0 = arith.constant 0 : i32
    %c0_i32_1 = arith.constant 0 : i32
    return %c0_i32, %c0_i32_0 : i32, i32
  }
  func.func @transform_13(%arg0: i32) -> (i32, i32) {
    %c0_i32 = arith.constant 0 : i32
    %c0_i32_0 = arith.constant 0 : i32
    %c0_i32_1 = arith.constant 0 : i32
    return %c0_i32, %c0_i32_0 : i32, i32
  }
  func.func @transform_14(%arg0: i32) -> (i32, i32) {
    %c0_i32 = arith.constant 0 : i32
    %c0_i32_0 = arith.constant 0 : i32
    return %arg0, %c0_i32 : i32, i32
  }
}

</mosaic_0001>

<sc_bundles>
// kernel: kernel.13.cloned.1.call-start
scs
__scs_entry_jumppad:
0x0: {  	(pc) =	sbr.rel $0x88, $3  }
0x1: {  	(tag) =	ssettag $0x0;
	lr =	simm.s32 $0x1  }
0x2: {  	[smem:$0x3F89] =	sst lr;
	_ =	strace $0xD0000000  }
0x3: {  	_ = 	snop  }
0x4: {  	_ = 	snop  }
0x5: {  	_ = 	snop  }
0x6: {  	_ = 	snop  }
0x7: {  	_ = 	snop  }
__scs_overlays_trampoline_lowered:
0x8: {  	[smem:$0x3F98] =	sst s0  }
0x9: {  	[smem:$0x3F99] =	sst s1  }
0xa: {  	[smem:$0x3F9A] =	sst s2  }
0xb: {  	[smem:$0x3F9B] =	sst s3  }
0xc: {  	[smem:$0x3F9C] =	sst s4  }
0xd: {  	[smem:$0x3F9D] =	sst s5  }
0xe: {  	[smem:$0x3F9E] =	sst s6  }
0xf: {  	[smem:$0x3F9F] =	sst s7  }
0x10: {  	[smem:$0x3FA0] =	sst s8  }
0x11: {  	[smem:$0x3FA1] =	sst s9;
	s0 =	simm.s32 @!p0 $0x0  }
0x12: {  	s1 =	sld [smem:$0x3F87];
	s0 =	simm.s32 @p0 $0x1  }
0x13: {  	[smem:$0x3FA2] =	sst s0;
	s0 =	simm.s32 @!p1 $0x0  }
0x14: {  	s2 =	sld [smem:$0x3F86];
	s0 =	simm.s32 @p1 $0x1  }
0x15: {  	[smem:$0x3FA3] =	sst s0;
	s0 =	simm.s32 @!p2 $0x0  }
0x16: {  	s3 =	sld [smem:$0x3FDB];
	s0 =	simm.s32 @p2 $0x1  }
0x17: {  	s4 =	simm.s32 $0x1BF5;
	[smem:$0x3FA5] =	sst s0  }
0x18: {  	s0 =	sld [smem:$0x3F88];
	_ =	swait.ge [sflag:s4], $0x0  }
0x19: {  	s7 =	sld [smem:$0x3F89]  }
0x1a: {  	s8 =	sadd.s32 $0xFFFFE003, lr  }
0x1b: {  	s9 =	sadd.s32 $0xFFFFFEF7, lr;
	s5 =	simm.s32 $0xFFFFFFFF;
	p2 =	slt.u32 s8, $0xFFFFF086  }
0x1c: {  	p1 =	slt.u32 s9, $0xF7A;
	s5 =	simm.s32 @!p2 $0x0  }
0x1d: {  	s5 =	simm.s32 @p1 $0x1;
	p0 =	seq.s32 s7, s2  }
0x1e: {  	s7 =	smul.u32 @!p0 $0xF7A, s2;
	p2 =	seq.s32 @!p0 s5, $0x0  }
0x1f: {  	s9 =	smul.u32 $0xF7A, s1;
	s8 =	simm.s32 @!p0 $0x1BF5;
	p2 =	por !p2, p0  }
0x20: {  	[sflag:s8] =	ssyncset.s32 @!p0 $0xFFFFF086;
	s6 =	sadd.s32 @!p0 s3, s7;
	s7 =	simm.s32 @!p0 $0x108  }
0x21: {  	s3 =	sadd.s32 s3, s9;
	s6 =	sadd.s32 @!p0 $0x88, s6;
	s7 =	simm.s32 @p2 $0x1082  }
0x22: {  	[simem:s7], [sflag:s8] =	dma.local @!p0 [hbm:s6], $0xF7A  }
0x23: {  	s9 =	sor.u32 $0xD0000000, s2;
	s6 =	simm.s32 $0x108;
	_ =	swait.ge @!p0 [sflag:s8], $0x0  }
0x24: {  	s3 =	sadd.s32 $0x88, s3;
	s6 =	simm.s32 @!p1 $0x1082;
	[sflag:s4] =	ssyncset.s32 $0xFFFFF086  }
0x25: {  	[simem:s6], [sflag:s4] =	dma.local [hbm:s3], $0xF7A  }
0x26: {  	[smem:$0x3F89] =	sst s1;
	(tag) =	ssettag s2;
	_ =	strace s9  }
0x27: {  	s1 =	sld [smem:$0x3F99]  }
0x28: {  	s2 =	sld [smem:$0x3F9A]  }
0x29: {  	s4 =	sld [smem:$0x3F9C]  }
0x2a: {  	p0 =	seq.s32 s5, $0x0;
	s5 =	sld [smem:$0x3F9D]  }
0x2b: {  	s6 =	sld [smem:$0x3F9E]  }
0x2c: {  	s7 =	sld [smem:$0x3F9F]  }
0x2d: {  	s3 =	simm.s32 $0x108;
	s8 =	sld [smem:$0x3FA0]  }
0x2e: {  	s3 =	simm.s32 @!p0 $0x1082;
	s9 =	sld [smem:$0x3FA1]  }
0x2f: {  	lr =	sadd.s32 s0, s3;
	s0 =	sld [smem:$0x3F98]  }
0x30: {  	s3 =	sld [smem:$0x3F9B]  }
0x31: {  	[smem:$0x3FA4] =	sst s10  }
0x32: {  	s10 =	sld [smem:$0x3FA2];
	_ =	sdelay $0x3  }
0x33: {  	p0 =	seq.s32 s10, $0x1;
	s10 =	sld [smem:$0x3FA4];
	_ =	sdelay $0x3  }
0x34: {  	[smem:$0x3FA4] =	sst s10  }
0x35: {  	s10 =	sld [smem:$0x3FA3];
	_ =	sdelay $0x3  }
0x36: {  	p1 =	seq.s32 s10, $0x1;
	s10 =	sld [smem:$0x3FA4];
	_ =	sdelay $0x3  }
0x37: {  	[smem:$0x3FA4] =	sst s10  }
0x38: {  	s10 =	sld [smem:$0x3FA5]  }
0x39: {  	_ = 	snop;
	(pc) =	sbr.ind lr, $3  }
0x3a: {  	_ = 	snop  }
0x3b: {  	_ = 	snop  }
0x3c: {  	p2 =	seq.s32 s10, $0x1;
	s10 =	sld [smem:$0x3FA4]  }
0x3d: {  	_ =	shalt  }
0x3e: {  	_ =	shalt  }
0x3f: {  	_ =	shalt  }
0x40: {  	_ =	shalt  }
0x41: {  	_ =	shalt  }
0x42: {  	_ =	shalt  }
0x43: {  	_ =	shalt  }
0x44: {  	_ =	shalt  }
0x45: {  	_ =	shalt  }
0x46: {  	_ =	shalt  }
0x47: {  	_ =	shalt  }
0x48: {  	_ =	shalt  }
0x49: {  	_ =	shalt  }
0x4a: {  	_ =	shalt  }
0x4b: {  	_ =	shalt  }
0x4c: {  	_ =	shalt  }
0x4d: {  	_ =	shalt  }
0x4e: {  	_ =	shalt  }
0x4f: {  	_ =	shalt  }
0x50: {  	_ =	shalt  }
0x51: {  	_ =	shalt  }
0x52: {  	_ =	shalt  }
0x53: {  	_ =	shalt  }
0x54: {  	_ =	shalt  }
0x55: {  	_ =	shalt  }
0x56: {  	_ =	shalt  }
0x57: {  	_ =	shalt  }
0x58: {  	_ =	shalt  }
0x59: {  	_ =	shalt  }
0x5a: {  	_ =	shalt  }
0x5b: {  	_ =	shalt  }
0x5c: {  	_ =	shalt  }
0x5d: {  	_ =	shalt  }
0x5e: {  	_ =	shalt  }
0x5f: {  	_ =	shalt  }
0x60: {  	_ =	shalt  }
0x61: {  	_ =	shalt  }
0x62: {  	_ =	shalt  }
0x63: {  	_ =	shalt  }
0x64: {  	_ =	shalt  }
0x65: {  	_ =	shalt  }
0x66: {  	_ =	shalt  }
0x67: {  	_ =	shalt  }
0x68: {  	_ =	shalt  }
0x69: {  	_ =	shalt  }
0x6a: {  	_ =	shalt  }
0x6b: {  	_ =	shalt  }
0x6c: {  	_ =	shalt  }
0x6d: {  	_ =	shalt  }
0x6e: {  	_ =	shalt  }
0x6f: {  	_ =	shalt  }
0x70: {  	_ =	shalt  }
0x71: {  	_ =	shalt  }
0x72: {  	_ =	shalt  }
0x73: {  	_ =	shalt  }
0x74: {  	_ =	shalt  }
0x75: {  	_ =	shalt  }
0x76: {  	_ =	shalt  }
0x77: {  	_ =	shalt  }
0x78: {  	_ =	shalt  }
0x79: {  	_ =	shalt  }
0x7a: {  	_ =	shalt  }
0x7b: {  	_ =	shalt  }
0x7c: {  	_ =	shalt  }
0x7d: {  	_ =	shalt  }
0x7e: {  	_ =	shalt  }
0x7f: {  	_ =	shalt  }
0x80: {  	_ =	shalt  }
0x81: {  	_ =	shalt  }
0x82: {  	_ =	shalt  }
0x83: {  	_ =	shalt  }
0x84: {  	_ =	shalt  }
0x85: {  	_ =	shalt  }
0x86: {  	_ =	shalt  }
0x87: {  	_ =	shalt  }
.Lfunc_end0:
.L_simem_size_0:
called_computation_lowered:
.L_overlay_start_0:
0x88: {  	s2 =	sld [smem:$0x3FD9]  }
0x89: {  	s3 =	sld [smem:$0x3FFE];
	_ =	sdelay $0x1  }
0x8a: {  	s1 =	srdreg.scid  }
0x8b: {  	s0 =	sand.u32 $0x1, s1  }
0x8c: {  	s17 =	sshll.u32 s0, $0xA;
	s2 =	sadd.s32 s3, s2  }
0x8d: {  	s2 =	sadd.s32 s2, s17  }
0x8e: {  	[smem:$0x3FB0] =	sst s2  }
0x8f: {  	_ = 	snop  }
0x90: {  	s2 =	sld [smem:$0x3FC9]  }
0x91: {  	s18 =	sld [smem:$0x3FD0];
	(tm) =	ssettm $0x1  }
0x92: {  	s4 =	sld [smem:$0x3FFB];
	_ =	sdelay $0x3  }
0x93: {  	_ =	strace s4  }
0x94: {  	s4 =	sld [smem:$0x3FFC];
	_ =	sdelay $0x3  }
0x95: {  	_ =	strace s4  }
0x96: {  	s4 =	sld [smem:$0x3FFD];
	_ =	sdelay $0x3  }
0x97: {  	_ =	strace s4  }
0x98: {  	_ =	strace $0x8FFFFFFF  }
0x99: {  	s19 =	sld [smem:$0x3FDB];
	_ =	sdelay $0x1  }
0x9a: {  	s5 =	simm.s32 $_scs_section_size  }
0x9b: {  	s6 =	simm.s32 $_size__tile_overlayer_lowered;
	s7 =	simm.s32 $_tile_overlayer_lowered  }
0x9c: {  	s22 =	simm.s32 $0x1BFF;
	s21 =	sshll.u32 s7, $0x1;
	s4 =	sadd.s32 s5, s19  }
0x9d: {  	s8 =	simm.s32 $0x0;
	s20 =	sshll.u32 s6, $0x1;
	s6 =	sadd.s32 s21, s4  }
0x9e: {  	[timem:s8], [sflag:s22] =	dma.local [hbm:s6], s20  }
0x9f: {  	_ =	swait.ge [sflag:s22], s20  }
0xa0: {  	s5 =	ssub.s32 $0x0, s20;
	[sflag:s22] =	ssyncset.done $0x0  }
0xa1: {  	[sflag:s22] =	ssyncadd.s32 s5;
	_ =	sdelay $0x1  }
0xa2: {  	s23 =	simm.s32 $0x1B8B  }
0xa3: {  	_ =	swait.ge [sflag:s23], $0x1  }
0xa4: {  	[sflag:s23] =	ssyncset.done $0x0  }
0xa5: {  	s25 =	simm.s32 $0x1B8E;
	s24 =	sld [smem:$0x3FFE];
	[sflag:s23] =	ssyncadd.s32 $0xFFFFFFFF  }
0xa6: {  	s26 =	simm.s32 $execute0_lowered;
	[smem:$0x3FD2] =	sst s25  }
0xa7: {  	s6 =	sshll.u32 s26, $0x1;
	_ =	strace $0x80000046;
	[dreg:$0x1] =	wrdreg $0xFFFFFFFF  }
0xa8: {  	s28 =	simm.s32 $_size_execute0_lowered;
	s4 =	sadd.s32 s4, s6;
	[dreg:$0x0] =	wrdreg $0x0  }
0xa9: {  	s6 =	sshll.u32 s28, $0x1;
	[dreg:$0x2] =	wrdreg s4  }
0xaa: {  	[dreg:$0x3] =	wrdreg s6  }
0xab: {  	[dreg:$0x4] =	wrdreg $0xC0  }
0xac: {  	_ =	task [dreg:s8], $0x5FFFF  }
0xad: {  	[dreg:$0x1] =	wrdreg $0xFFFFFFFF  }
0xae: {  	[dreg:$0x0] =	wrdreg $0x60  }
0xaf: {  	[dreg:$0x2] =	wrdreg s2  }
0xb0: {  	[dreg:$0x3] =	wrdreg s24  }
0xb1: {  	[dreg:$0x4] =	wrdreg s18  }
0xb2: {  	[dreg:$0x5] =	wrdreg $0x0  }
0xb3: {  	[dreg:$0x6] =	wrdreg $0x9  }
0xb4: {  	_ =	task.clear_ibuf [dreg:s8], $0x7FFFF;
	_ =	strace $0x90000046  }
0xb5: {  	s29 =	simm.s32 $0x9;
	_ =	strace $0x80000048  }
0xb6: {  	_ =	swait.ge [sflag:s29], $0x1  }
0xb7: {  	[sflag:s29] =	ssyncadd.s32 $0xFFFFFFFF  }
0xb8: {  	_ =	strace $0x90000048  }
0xb9: {  	_ =	sfence  }
0xba: {  	s30 =	sld [smem:$0x0];
	_ =	sdelay $0x2  }
0xbb: {  	s31 =	sshll.u32 s1, $0xD;
	s1 =	sshrl.u32 s1, $0x2  }
0xbc: {  	s3 =	sand.u32 $0x4000, s31;
	s1 =	sadd.s32 s1, s30  }
0xbd: {  	s0 =	sor.u32 s3, s0;
	s1 =	sshll.u32 s1, $0x11  }
0xbe: {  	s0 =	sor.u32 s1, s0  }
0xbf: {  	s0 =	sadd.s32 $0x8F2B, s0  }
0xc0: {  	[sflag:s0] =	ssyncadd.remote.s32 $0x1  }
0xc1: {  	_ =	sfence.sel $0xFFFF  }
0xc2: {  	[dreg:$0x0] =	wrdreg $0xFFFFFFFF;
	(pc) =	sbr.abs _section_cstart, $3  }
0xc3: {  	[dreg:$0x1] =	wrdreg $0xFFFFFFFF  }
0xc4: {  	_ =	task.clear_ibuf [dreg:s8], $0x2FFFF;
	_ =	strace $0x9FFFFFFF  }
0xc5: {  	(tm) =	ssettm $0x7FFFFFFF  }
tec
execute0_lowered:
.L_overlay_start_1:
0x0: {  	(tag) =	ssettag $0x1  }
0x1: {  	s1 =	rddreg [dreg:$0x0]  }
0x2: {  	s0 =	rddreg [dreg:$0x1]  }
0x3: {  	s3 =	rddreg [dreg:$0x3];
	s4 =	simm.s32 $0x0  }
0x4: {  	s7 =	srdreg.scid;
	s5 =	stileid.u32;
	s17 =	simm.s32 $0x5  }
0x5: {  	s18 =	simm.s32 $0x1F180;
	s19 =	simm.s32 $0x18880;
	s20 =	simm.s32 $0x13880  }
0x6: {  	s21 =	simm.s32 $0x18900;
	s22 =	simm.s32 $0x1;
	s23 =	simm.s32 $0x50  }
0x7: {  	s24 =	simm.s32 $0x16080;
	s25 =	simm.s32 $0x2;
	s26 =	simm.s32 $0x4  }
0x8: {  	s28 =	simm.s32 $0x3;
	[smem:$0x7FF] =	sst s4;
	s6 =	sadd.s32 $0x4FFA00, s0  }
0x9: {  	s8 =	sand.u32 $0x1, s7;
	s7 =	sadd.s32 $0x4EC000, s0;
	s10 =	smul.u32 $0x4E000, s5  }
0xa: {  	s0 =	sadd.s32 $0xA000, s0;
	s13 =	smul.u32 $0x13800, s5;
	p0 =	sne.s32 s5, $0xF  }
0xb: {  	_ =	strace $0x80000047;
	s9 =	ssub.s32 $0x2, s8;
	s12 =	smul.u32 $0x138800, s8  }
0xc: {  	s8 =	sshll.u32 s8, $0x4;
	s11 =	sshrl.u32 s9, $0x1;
	s10 =	sshrl.u32 s10, $0x2  }
0xd: {  	s14 =	sor.u32 s5, s8;
	s15 =	ssub.s32 s9, s11;
	s8 =	sadd.s32 s10, s3  }
0xe: {  	s13 =	sadd.s32 s13, s12;
	s11 =	sadd.s32 $0x138000, s3;
	s16 =	sshrl.u32 s12, $0x3  }
0xf: {  	s12 =	smul.u32 $0x2710, s14;
	s9 =	sadd.s32 $0x6800, s8;
	s13 =	sshrl.u32 s13, $0x3  }
0x10: {  	s10 =	sadd.s32 $0xD000, s8;
	s13 =	sadd.s32 s0, s13;
	s0 =	sadd.s32 s0, s16  }
0x11: {  	v0 =	vimm.f32 $0.0e+00;
	s15 =	smax.u32 s15, $0x1;
	s16 =	simm.s32 $0x18980;
	s14 =	sadd.s32 $0x27000, s0  }
.LBB2_1:
0x12: {  	s0 =	simm.s32 $0x0;
	s29 =	simm.s32 $0x200  }
.LBB2_2:
0x13: {  	p1 =	sne.s32 s29, $0x19E00;
	[tilespmem:s0+$0x189F0] =	vst v0  }
0x14: {  	[tilespmem:s0+$0x18980] =	vst v0  }
0x15: {  	[tilespmem:s0+$0x18990] =	vst v0  }
.Ltmp0:
0x16: {  	[tilespmem:s0+$0x189A0] =	vst v0;
	(pc) =	sbr.rel @p1 .LBB2_2-.Ltmp0, $4  }
0x17: {  	[tilespmem:s0+$0x189B0] =	vst v0  }
0x18: {  	[tilespmem:s0+$0x189C0] =	vst v0  }
0x19: {  	[tilespmem:s0+$0x189D0] =	vst v0  }
0x1a: {  	[tilespmem:s0+$0x189E0] =	vst v0;
	s0 =	sshra.s32 s29, $0x2;
	s29 =	sadd.s32 $0x200, s29  }
0x1b: {  	[tilespmem:s0+$0x189F0] =	vst v0  }
0x1c: {  	[tilespmem:s0+$0x18980] =	vst v0  }
0x1d: {  	[tilespmem:s0+$0x18990] =	vst v0  }
0x1e: {  	[tilespmem:s0+$0x189A0] =	vst v0  }
0x1f: {  	[tilespmem:s0+$0x189B0] =	vst v0  }
0x20: {  	[tilespmem:s0+$0x189C0] =	vst v0  }
0x21: {  	[tilespmem:s0+$0x189D0] =	vst v0  }
0x22: {  	[tilespmem:s0+$0x189E0] =	vst v0  }
0x23: {  	[spmem:s8] =	stream.linear.scatter [tilespmem:s16], [sflag:$0x5], $0x6800, $0x38;
	[tilespmem:$0x1F280] =	vst v63  }
0x24: {  	_ =	swait.ge [sflag:s17], $0x6800  }
0x25: {  	[sflag:s17] =	ssyncset.done $0x0  }
0x26: {  	[sflag:s17] =	ssyncadd.s32 $0xFFFF9800  }
0x27: {  	[spmem:s9] =	stream.linear.scatter [tilespmem:s16], [sflag:$0x5], $0x6800, $0x38;
	[tilespmem:$0x1F280] =	vst v63  }
0x28: {  	_ =	swait.ge [sflag:s17], $0x6800  }
0x29: {  	[sflag:s17] =	ssyncset.done $0x0  }
0x2a: {  	[sflag:s17] =	ssyncadd.s32 $0xFFFF9800  }
0x2b: {  	[spmem:s10] =	stream.linear.scatter [tilespmem:s16], [sflag:$0x5], $0x6800, $0x38;
	[tilespmem:$0x1F280] =	vst v63  }
0x2c: {  	_ =	swait.ge [sflag:s17], $0x6800  }
0x2d: {  	[sflag:s17] =	ssyncset.done $0x0  }
0x2e: {  	s0 =	simm.s32 @!p0 $0x18980;
	[sflag:s17] =	ssyncadd.s32 $0xFFFF9800  }
0x2f: {  	[spmem:s11] =	stream.linear.scatter @!p0 [tilespmem:s0], [sflag:$0x5], $0x800, $0x38;
	[tilespmem:$0x1F280] =	vst v63  }
0x30: {  	s0 =	simm.s32 @!p0 $0x5  }
0x31: {  	_ =	swait.ge @!p0 [sflag:s0], $0x800  }
0x32: {  	[sflag:s0] =	ssyncset.done @!p0 $0x0  }
0x33: {  	[sflag:s0] =	ssyncadd.s32 @!p0 $0xFFFFF800  }
0x34: {  	s29 =	simm.s32 $0x0;
	s0 =	rddreg [dreg:$0x2]  }
0x35: {  	[tilespmem:s18], [sflag:$0x5] =	stream.linear.gather [hbm4b:s0+s29], $0x100, $0x38;
	[tilespmem:$0x1F280] =	vst v63  }
0x36: {  	_ =	swait.ge [sflag:s17], $0x100  }
0x37: {  	[sflag:s17] =	ssyncset.done $0x0  }
0x38: {  	[sflag:s17] =	ssyncadd.s32 $0xFFFFFF00  }
0x39: {  	s30 =	simm.s32 $0x0;
	[bflag:$0x0] =	sbarrier.arrive $0xFFFF  }
.LBB2_4:
0x3a: {  	s0 =	smul.u32 $0x50, s30;
	_ =	sdelay $0x1  }
0x3b: {  	s0 =	sadd.s32 s12, s0  }
0x3c: {  	s31 =	sshrl.u32 s0, $0x3  }
0x3d: {  	s0 =	sshll.u32 s0, $0x4;
	s31 =	sadd.s32 s7, s31  }
0x3e: {  	[tilespmem:s19], [sflag:$0x1] =	stream.linear.gather [hbm4b:s31+s29], $0x50, $0x38;
	[tilespmem:$0x1F280] =	vst v63  }
0x3f: {  	s0 =	sadd.s32 s6, s0  }
0x40: {  	[tilespmem:s20], [sflag:$0x2] =	stream.linear.gather [hbm4b:s0+s29], $0x2800, $0x38;
	[tilespmem:$0x1F280] =	vst v63  }
0x41: {  	s2 =	sadd.s32 $0x9C40, s31  }
0x42: {  	[tilespmem:s21], [sflag:$0x3] =	stream.linear.gather [hbm4b:s2+s29], $0x50, $0x38;
	[tilespmem:$0x1F280] =	vst v63  }
0x43: {  	_ =	swait.ge [sflag:s22], $0x50  }
0x44: {  	[sflag:s22] =	ssyncset.done $0x0  }
0x45: {  	[sflag:s22] =	ssyncadd.s32 $0xFFFFFFB0  }
0x46: {  	[tilespmem:s24], [sflag:$0x4] =	stream.indirect.gather [hbm4b:s1+s23], $0x80, s19, s23, $0xb8;
	[tilespmem:$0x1F280] =	vst v63  }
0x47: {  	_ =	swait.ge [sflag:s25], $0x2800  }
0x48: {  	[sflag:s25] =	ssyncset.done $0x0  }
0x49: {  	[sflag:s25] =	ssyncadd.s32 $0xFFFFD800  }
0x4a: {  	_ =	swait.ge [sflag:s26], $0x2800  }
0x4b: {  	[sflag:s26] =	ssyncset.done $0x0  }
0x4c: {  	s31 =	simm.s32 $0x0;
	[sflag:s26] =	ssyncadd.s32 $0xFFFFD800  }
0x4d: {  	v7 =	vld [tilespmem:s31+$0x16080]  }
0x4e: {  	v12 =	vld [tilespmem:s31+$0x16090]  }
0x4f: {  	v6 =	vld [tilespmem:s31+$0x160A0]  }
0x50: {  	v5 =	vld [tilespmem:s31+$0x160B0]  }
0x51: {  	v4 =	vld [tilespmem:s31+$0x160C0]  }
0x52: {  	v3 =	vld [tilespmem:s31+$0x160D0]  }
0x53: {  	v2 =	vld [tilespmem:s31+$0x160E0]  }
0x54: {  	v1 =	vld [tilespmem:s31+$0x160F0]  }
0x55: {  	v13 =	vld [tilespmem:s31+$0x13880]  }
0x56: {  	v14 =	vld [tilespmem:s31+$0x13890]  }
0x57: {  	v11 =	vld [tilespmem:s31+$0x138A0]  }
0x58: {  	v10 =	vld [tilespmem:s31+$0x138B0]  }
0x59: {  	v9 =	vld [tilespmem:s31+$0x138C0]  }
0x5a: {  	v8 =	vld [tilespmem:s31+$0x138D0];
	v13 =	vadd.f32 v13, v7  }
0x5b: {  	s0 =	simm.s32 $0x200;
	v12 =	vadd.f32 v14, v12;
	v7 =	vld [tilespmem:s31+$0x138E0]  }
.LBB2_5:
0x5c: {  	s2 =	sshra.s32 s0, $0x2;
	p1 =	sne.s32 s0, $0x9E00;
	v13 =	vmax.f32 v13, $0.0e+00;
	v6 =	vadd.f32 v11, v6;
	v11 =	vld [tilespmem:s31+$0x138F0]  }
0x5d: {  	v14 =	vld [tilespmem:s2+$0x16080];
	[tilespmem:s31+$0x13880] =	vst v13;
	v12 =	vmax.f32 v12, $0.0e+00;
	v5 =	vadd.f32 v10, v5  }
0x5e: {  	v15 =	vld [tilespmem:s2+$0x16090];
	[tilespmem:s31+$0x13890] =	vst v12;
	v10 =	vmax.f32 v6, $0.0e+00;
	v4 =	vadd.f32 v9, v4  }
0x5f: {  	v6 =	vld [tilespmem:s2+$0x160A0];
	[tilespmem:s31+$0x138A0] =	vst v10;
	v9 =	vmax.f32 v5, $0.0e+00;
	v3 =	vadd.f32 v8, v3  }
0x60: {  	v5 =	vld [tilespmem:s2+$0x160B0];
	[tilespmem:s31+$0x138B0] =	vst v9;
	v8 =	vmax.f32 v4, $0.0e+00;
	v2 =	vadd.f32 v7, v2  }
0x61: {  	v4 =	vld [tilespmem:s2+$0x160C0];
	[tilespmem:s31+$0x138C0] =	vst v8;
	v7 =	vmax.f32 v3, $0.0e+00;
	v1 =	vadd.f32 v11, v1  }
0x62: {  	v3 =	vld [tilespmem:s2+$0x160D0];
	[tilespmem:s31+$0x138D0] =	vst v7;
	v7 =	vmax.f32 v2, $0.0e+00  }
0x63: {  	v2 =	vld [tilespmem:s2+$0x160E0];
	[tilespmem:s31+$0x138E0] =	vst v7;
	v7 =	vmax.f32 v1, $0.0e+00  }
0x64: {  	v1 =	vld [tilespmem:s2+$0x160F0];
	[tilespmem:s31+$0x138F0] =	vst v7;
	s31 =	smov.u32 s2  }
0x65: {  	v7 =	vld [tilespmem:s31+$0x13880]  }
0x66: {  	v12 =	vld [tilespmem:s31+$0x13890]  }
.Ltmp1:
0x67: {  	v11 =	vld [tilespmem:s31+$0x138A0];
	(pc) =	sbr.rel @p1 .LBB2_5-.Ltmp1, $4  }
0x68: {  	v10 =	vld [tilespmem:s31+$0x138B0]  }
0x69: {  	v9 =	vld [tilespmem:s31+$0x138C0]  }
0x6a: {  	v13 =	vadd.f32 v7, v14;
	v8 =	vld [tilespmem:s31+$0x138D0]  }
0x6b: {  	s0 =	sadd.s32 $0x200, s0;
	v12 =	vadd.f32 v12, v15;
	v7 =	vld [tilespmem:s31+$0x138E0]  }
0x6c: {  	v13 =	vmax.f32 v13, $0.0e+00;
	v6 =	vadd.f32 v11, v6;
	v63 =	vld [tilespmem:s31+$0x138F0]  }
0x6d: {  	[tilespmem:s31+$0x13880] =	vst v13;
	v12 =	vmax.f32 v12, $0.0e+00;
	v5 =	vadd.f32 v10, v5  }
0x6e: {  	[tilespmem:s31+$0x13890] =	vst v12;
	v6 =	vmax.f32 v6, $0.0e+00;
	v4 =	vadd.f32 v9, v4  }
0x6f: {  	[tilespmem:s31+$0x138A0] =	vst v6;
	v5 =	vmax.f32 v5, $0.0e+00;
	v3 =	vadd.f32 v8, v3  }
0x70: {  	[tilespmem:s31+$0x138B0] =	vst v5;
	v4 =	vmax.f32 v4, $0.0e+00;
	v2 =	vadd.f32 v7, v2  }
0x71: {  	[tilespmem:s31+$0x138C0] =	vst v4;
	v3 =	vmax.f32 v3, $0.0e+00;
	v1 =	vadd.f32 v63, v1  }
0x72: {  	[tilespmem:s31+$0x138D0] =	vst v3;
	v2 =	vmax.f32 v2, $0.0e+00  }
0x73: {  	[tilespmem:s31+$0x138E0] =	vst v2;
	v1 =	vmax.f32 v1, $0.0e+00  }
0x74: {  	[tilespmem:s31+$0x138F0] =	vst v1  }
0x75: {  	s30 =	sadd.s32 $0x1, s30;
	_ =	swait.ge [sflag:s28], $0x50  }
0x76: {  	p1 =	sne.s32 s30, $0x7D;
	[sflag:s28] =	ssyncset.done $0x0  }
.Ltmp2:
0x77: {  	[sflag:s28] =	ssyncadd.s32 $0xFFFFFFB0;
	(pc) =	sbr.rel @p1 .LBB2_4-.Ltmp2, $4  }
0x78: {  	[spmem:s3] =	stream.indirect.scatter.add.f32 [tilespmem:s20], [sflag:$0x5], $0x80, s21, s23, $0xb8;
	[tilespmem:$0x1F280] =	vst v63  }
0x79: {  	_ =	swait.ge [sflag:s17], $0x2800  }
0x7a: {  	[sflag:s17] =	ssyncset.done $0x0  }
0x7b: {  	[sflag:s17] =	ssyncadd.s32 $0xFFFFD800  }
0x7c: {  	s0 =	sshll.u32 s5, $0x6  }
0x7d: {  	[bflag:$0x0] =	sbarrier.arrive $0xFFFF;
	s2 =	sshrl.u32 s8, $0x3;
	s0 =	sor.u32 $0x1C05, s0  }
0x7e: {  	[hbm:s13], [sflag:s0] =	dma.local [spmem:s2], $0x2700  }
0x7f: {  	_ =	swait.ge [sflag:s17], $0x2700  }
0x80: {  	s4 =	sadd.s32 $0x1, s4;
	[sflag:s17] =	ssyncset.done $0x0  }
0x81: {  	p1 =	sne.s32 s4, s15;
	s2 =	sshrl.u32 @!p0 s11, $0x3;
	[sflag:s17] =	ssyncadd.s32 $0xFFFFD900  }
0x82: {  	[hbm:s14], [sflag:s0] =	dma.local @!p0 [spmem:s2], $0x100  }
.Ltmp3:
0x83: {  	_ = 	snop;
	(pc) =	sbr.rel @p1 .LBB2_1-.Ltmp3, $4  }
0x84: {  	s0 =	simm.s32 @!p0 $0x5  }
0x85: {  	_ =	swait.ge @!p0 [sflag:s0], $0x100  }
0x86: {  	[sflag:s0] =	ssyncset.done @!p0 $0x0  }
0x87: {  	[sflag:s0] =	ssyncadd.s32 @!p0 $0xFFFFFF00  }
0x88: {  	_ =	sfence.sel $0x180000  }
0x89: {  	[bflag:$0x0] =	sbarrier.arrive $0xFFFF  }
0x8a: {  	_ =	strace $0x90000047  }
0x8b: {  	[bflag:$0x2] =	sbarrier.arrive $0xFFFF  }
0x8c: {  	p0 =	sne.s32 s5, $0x0;
	s0 =	rddreg [dreg:$0x4]  }
0x8d: {  	s0 =	sadd.s32 @!p0 $0x100000, s0  }
0x8e: {  	[sflag:s0] =	ssyncadd.tile.s32 @!p0 $0x1;
	_ =	shalt  }
.Lfunc_end2:
_tile_overlayer_lowered:
.L_overlay_start_2:
0x8f: {  	(tag) =	ssettag $0x2  }
0x90: {  	s0 =	rddreg [dreg:$0x0];
	s2 =	stileid.u32  }
0x91: {  	s1 =	rddreg [dreg:$0x1];
	p0 =	sne.s32 s2, $0x0  }
0x92: {  	s3 =	rddreg [dreg:$0x2];
	[bflag:$0x3] =	sbarrier.arrive $0xFFFF;
	s2 =	simm.s32 @!p0 $0x1C05  }
0x93: {  	[timem:s3], [sflag:s2] =	dma.local @!p0 [hbm:s0], s1  }
0x94: {  	s0 =	simm.s32 @!p0 $0x5  }
0x95: {  	_ =	swait.ge @!p0 [sflag:s0], s1  }
0x96: {  	s1 =	ssub.s32 @!p0 $0x0, s1;
	[sflag:s0] =	ssyncset.done @!p0 $0x0  }
0x97: {  	[sflag:s0] =	ssyncadd.s32 @!p0 s1  }
0x98: {  	[bflag:$0x3] =	sbarrier.arrive $0xFFFF  }
0x99: {  	_ =	shalt  }

// kernel: kernel.16.cloned.1.call-start
scs
__scs_entry_jumppad:
0x0: {  	(pc) =	sbr.rel $0x88, $3  }
0x1: {  	(tag) =	ssettag $0x0;
	lr =	simm.s32 $0x1  }
0x2: {  	[smem:$0x3F89] =	sst lr;
	_ =	strace $0xD0000000  }
0x3: {  	_ = 	snop  }
0x4: {  	_ = 	snop  }
0x5: {  	_ = 	snop  }
0x6: {  	_ = 	snop  }
0x7: {  	_ = 	snop  }
__scs_overlays_trampoline_lowered:
0x8: {  	[smem:$0x3F98] =	sst s0  }
0x9: {  	[smem:$0x3F99] =	sst s1  }
0xa: {  	[smem:$0x3F9A] =	sst s2  }
0xb: {  	[smem:$0x3F9B] =	sst s3  }
0xc: {  	[smem:$0x3F9C] =	sst s4  }
0xd: {  	[smem:$0x3F9D] =	sst s5  }
0xe: {  	[smem:$0x3F9E] =	sst s6  }
0xf: {  	[smem:$0x3F9F] =	sst s7  }
0x10: {  	[smem:$0x3FA0] =	sst s8  }
0x11: {  	[smem:$0x3FA1] =	sst s9;
	s0 =	simm.s32 @!p0 $0x0  }
0x12: {  	s1 =	sld [smem:$0x3F87];
	s0 =	simm.s32 @p0 $0x1  }
0x13: {  	[smem:$0x3FA2] =	sst s0;
	s0 =	simm.s32 @!p1 $0x0  }
0x14: {  	s2 =	sld [smem:$0x3F86];
	s0 =	simm.s32 @p1 $0x1  }
0x15: {  	[smem:$0x3FA3] =	sst s0;
	s0 =	simm.s32 @!p2 $0x0  }
0x16: {  	s3 =	sld [smem:$0x3FDB];
	s0 =	simm.s32 @p2 $0x1  }
0x17: {  	s4 =	simm.s32 $0x1BF5;
	[smem:$0x3FA5] =	sst s0  }
0x18: {  	s0 =	sld [smem:$0x3F88];
	_ =	swait.ge [sflag:s4], $0x0  }
0x19: {  	s7 =	sld [smem:$0x3F89]  }
0x1a: {  	s8 =	sadd.s32 $0xFFFFE003, lr  }
0x1b: {  	s9 =	sadd.s32 $0xFFFFFEF7, lr;
	s5 =	simm.s32 $0xFFFFFFFF;
	p2 =	slt.u32 s8, $0xFFFFF086  }
0x1c: {  	p1 =	slt.u32 s9, $0xF7A;
	s5 =	simm.s32 @!p2 $0x0  }
0x1d: {  	s5 =	simm.s32 @p1 $0x1;
	p0 =	seq.s32 s7, s2  }
0x1e: {  	s7 =	smul.u32 @!p0 $0xF7A, s2;
	p2 =	seq.s32 @!p0 s5, $0x0  }
0x1f: {  	s9 =	smul.u32 $0xF7A, s1;
	s8 =	simm.s32 @!p0 $0x1BF5;
	p2 =	por !p2, p0  }
0x20: {  	[sflag:s8] =	ssyncset.s32 @!p0 $0xFFFFF086;
	s6 =	sadd.s32 @!p0 s3, s7;
	s7 =	simm.s32 @!p0 $0x108  }
0x21: {  	s3 =	sadd.s32 s3, s9;
	s6 =	sadd.s32 @!p0 $0x88, s6;
	s7 =	simm.s32 @p2 $0x1082  }
0x22: {  	[simem:s7], [sflag:s8] =	dma.local @!p0 [hbm:s6], $0xF7A  }
0x23: {  	s9 =	sor.u32 $0xD0000000, s2;
	s6 =	simm.s32 $0x108;
	_ =	swait.ge @!p0 [sflag:s8], $0x0  }
0x24: {  	s3 =	sadd.s32 $0x88, s3;
	s6 =	simm.s32 @!p1 $0x1082;
	[sflag:s4] =	ssyncset.s32 $0xFFFFF086  }
0x25: {  	[simem:s6], [sflag:s4] =	dma.local [hbm:s3], $0xF7A  }
0x26: {  	[smem:$0x3F89] =	sst s1;
	(tag) =	ssettag s2;
	_ =	strace s9  }
0x27: {  	s1 =	sld [smem:$0x3F99]  }
0x28: {  	s2 =	sld [smem:$0x3F9A]  }
0x29: {  	s4 =	sld [smem:$0x3F9C]  }
0x2a: {  	p0 =	seq.s32 s5, $0x0;
	s5 =	sld [smem:$0x3F9D]  }
0x2b: {  	s6 =	sld [smem:$0x3F9E]  }
0x2c: {  	s7 =	sld [smem:$0x3F9F]  }
0x2d: {  	s3 =	simm.s32 $0x108;
	s8 =	sld [smem:$0x3FA0]  }
0x2e: {  	s3 =	simm.s32 @!p0 $0x1082;
	s9 =	sld [smem:$0x3FA1]  }
0x2f: {  	lr =	sadd.s32 s0, s3;
	s0 =	sld [smem:$0x3F98]  }
0x30: {  	s3 =	sld [smem:$0x3F9B]  }
0x31: {  	[smem:$0x3FA4] =	sst s10  }
0x32: {  	s10 =	sld [smem:$0x3FA2];
	_ =	sdelay $0x3  }
0x33: {  	p0 =	seq.s32 s10, $0x1;
	s10 =	sld [smem:$0x3FA4];
	_ =	sdelay $0x3  }
0x34: {  	[smem:$0x3FA4] =	sst s10  }
0x35: {  	s10 =	sld [smem:$0x3FA3];
	_ =	sdelay $0x3  }
0x36: {  	p1 =	seq.s32 s10, $0x1;
	s10 =	sld [smem:$0x3FA4];
	_ =	sdelay $0x3  }
0x37: {  	[smem:$0x3FA4] =	sst s10  }
0x38: {  	s10 =	sld [smem:$0x3FA5]  }
0x39: {  	_ = 	snop;
	(pc) =	sbr.ind lr, $3  }
0x3a: {  	_ = 	snop  }
0x3b: {  	_ = 	snop  }
0x3c: {  	p2 =	seq.s32 s10, $0x1;
	s10 =	sld [smem:$0x3FA4]  }
0x3d: {  	_ =	shalt  }
0x3e: {  	_ =	shalt  }
0x3f: {  	_ =	shalt  }
0x40: {  	_ =	shalt  }
0x41: {  	_ =	shalt  }
0x42: {  	_ =	shalt  }
0x43: {  	_ =	shalt  }
0x44: {  	_ =	shalt  }
0x45: {  	_ =	shalt  }
0x46: {  	_ =	shalt  }
0x47: {  	_ =	shalt  }
0x48: {  	_ =	shalt  }
0x49: {  	_ =	shalt  }
0x4a: {  	_ =	shalt  }
0x4b: {  	_ =	shalt  }
0x4c: {  	_ =	shalt  }
0x4d: {  	_ =	shalt  }
0x4e: {  	_ =	shalt  }
0x4f: {  	_ =	shalt  }
0x50: {  	_ =	shalt  }
0x51: {  	_ =	shalt  }
0x52: {  	_ =	shalt  }
0x53: {  	_ =	shalt  }
0x54: {  	_ =	shalt  }
0x55: {  	_ =	shalt  }
0x56: {  	_ =	shalt  }
0x57: {  	_ =	shalt  }
0x58: {  	_ =	shalt  }
0x59: {  	_ =	shalt  }
0x5a: {  	_ =	shalt  }
0x5b: {  	_ =	shalt  }
0x5c: {  	_ =	shalt  }
0x5d: {  	_ =	shalt  }
0x5e: {  	_ =	shalt  }
0x5f: {  	_ =	shalt  }
0x60: {  	_ =	shalt  }
0x61: {  	_ =	shalt  }
0x62: {  	_ =	shalt  }
0x63: {  	_ =	shalt  }
0x64: {  	_ =	shalt  }
0x65: {  	_ =	shalt  }
0x66: {  	_ =	shalt  }
0x67: {  	_ =	shalt  }
0x68: {  	_ =	shalt  }
0x69: {  	_ =	shalt  }
0x6a: {  	_ =	shalt  }
0x6b: {  	_ =	shalt  }
0x6c: {  	_ =	shalt  }
0x6d: {  	_ =	shalt  }
0x6e: {  	_ =	shalt  }
0x6f: {  	_ =	shalt  }
0x70: {  	_ =	shalt  }
0x71: {  	_ =	shalt  }
0x72: {  	_ =	shalt  }
0x73: {  	_ =	shalt  }
0x74: {  	_ =	shalt  }
0x75: {  	_ =	shalt  }
0x76: {  	_ =	shalt  }
0x77: {  	_ =	shalt  }
0x78: {  	_ =	shalt  }
0x79: {  	_ =	shalt  }
0x7a: {  	_ =	shalt  }
0x7b: {  	_ =	shalt  }
0x7c: {  	_ =	shalt  }
0x7d: {  	_ =	shalt  }
0x7e: {  	_ =	shalt  }
0x7f: {  	_ =	shalt  }
0x80: {  	_ =	shalt  }
0x81: {  	_ =	shalt  }
0x82: {  	_ =	shalt  }
0x83: {  	_ =	shalt  }
0x84: {  	_ =	shalt  }
0x85: {  	_ =	shalt  }
0x86: {  	_ =	shalt  }
0x87: {  	_ =	shalt  }
.Lfunc_end0:
.L_simem_size_0:
called_computation.1_lowered:
.L_overlay_start_0:
0x88: {  	s2 =	sld [smem:$0x3FD9]  }
0x89: {  	s3 =	sld [smem:$0x3FFE];
	_ =	sdelay $0x1  }
0x8a: {  	s1 =	srdreg.scid  }
0x8b: {  	s0 =	sand.u32 $0x1, s1  }
0x8c: {  	s17 =	sshll.u32 s0, $0xA;
	s2 =	sadd.s32 s3, s2  }
0x8d: {  	s2 =	sadd.s32 s2, s17  }
0x8e: {  	[smem:$0x3FB0] =	sst s2  }
0x8f: {  	_ = 	snop  }
0x90: {  	s2 =	sld [smem:$0x3FD0];
	(tm) =	ssettm $0x1  }
0x91: {  	s18 =	sld [smem:$0x3FFB];
	_ =	sdelay $0x3  }
0x92: {  	_ =	strace s18  }
0x93: {  	s3 =	sld [smem:$0x3FFC];
	_ =	sdelay $0x3  }
0x94: {  	_ =	strace s3  }
0x95: {  	s3 =	sld [smem:$0x3FFD];
	_ =	sdelay $0x3  }
0x96: {  	_ =	strace s3  }
0x97: {  	_ =	strace $0x8FFFFFFF  }
0x98: {  	s19 =	sld [smem:$0x3FDB];
	_ =	sdelay $0x1  }
0x99: {  	s4 =	simm.s32 $_scs_section_size  }
0x9a: {  	s5 =	simm.s32 $_size__tile_overlayer_lowered;
	s6 =	simm.s32 $_tile_overlayer_lowered  }
0x9b: {  	s22 =	simm.s32 $0x1BFF;
	s21 =	sshll.u32 s6, $0x1;
	s3 =	sadd.s32 s4, s19  }
0x9c: {  	s7 =	simm.s32 $0x0;
	s20 =	sshll.u32 s5, $0x1;
	s5 =	sadd.s32 s21, s3  }
0x9d: {  	[timem:s7], [sflag:s22] =	dma.local [hbm:s5], s20  }
0x9e: {  	_ =	swait.ge [sflag:s22], s20  }
0x9f: {  	s4 =	ssub.s32 $0x0, s20;
	[sflag:s22] =	ssyncset.done $0x0  }
0xa0: {  	[sflag:s22] =	ssyncadd.s32 s4;
	_ =	sdelay $0x1  }
0xa1: {  	s23 =	simm.s32 $0x1B8B  }
0xa2: {  	_ =	swait.ge [sflag:s23], $0x1  }
0xa3: {  	[sflag:s23] =	ssyncset.done $0x0  }
0xa4: {  	s25 =	simm.s32 $0x1B8E;
	s24 =	sld [smem:$0x3FFE];
	[sflag:s23] =	ssyncadd.s32 $0xFFFFFFFF  }
0xa5: {  	s26 =	simm.s32 $execute0_lowered;
	[smem:$0x3FD2] =	sst s25  }
0xa6: {  	s5 =	sshll.u32 s26, $0x1;
	_ =	strace $0x80000049;
	[dreg:$0x1] =	wrdreg $0xFFFFFFFF  }
0xa7: {  	s28 =	simm.s32 $_size_execute0_lowered;
	s3 =	sadd.s32 s3, s5;
	[dreg:$0x0] =	wrdreg $0x0  }
0xa8: {  	s5 =	sshll.u32 s28, $0x1;
	[dreg:$0x2] =	wrdreg s3  }
0xa9: {  	[dreg:$0x3] =	wrdreg s5  }
0xaa: {  	[dreg:$0x4] =	wrdreg $0xC0  }
0xab: {  	_ =	task [dreg:s7], $0x5FFFF  }
0xac: {  	[dreg:$0x1] =	wrdreg $0xFFFFFFFF  }
0xad: {  	[dreg:$0x0] =	wrdreg $0x60  }
0xae: {  	[dreg:$0x2] =	wrdreg s24  }
0xaf: {  	[dreg:$0x3] =	wrdreg s2  }
0xb0: {  	[dreg:$0x4] =	wrdreg $0x0  }
0xb1: {  	[dreg:$0x5] =	wrdreg $0x9  }
0xb2: {  	_ =	task.clear_ibuf [dreg:s7], $0x6FFFF;
	_ =	strace $0x90000049  }
0xb3: {  	s29 =	simm.s32 $0x9;
	_ =	strace $0x8000004B  }
0xb4: {  	_ =	swait.ge [sflag:s29], $0x1  }
0xb5: {  	[sflag:s29] =	ssyncadd.s32 $0xFFFFFFFF  }
0xb6: {  	_ =	strace $0x9000004B  }
0xb7: {  	_ =	sfence  }
0xb8: {  	s30 =	sld [smem:$0x0];
	_ =	sdelay $0x2  }
0xb9: {  	s31 =	sshll.u32 s1, $0xD;
	s1 =	sshrl.u32 s1, $0x2  }
0xba: {  	s3 =	sand.u32 $0x4000, s31;
	s1 =	sadd.s32 s1, s30  }
0xbb: {  	s0 =	sor.u32 s3, s0;
	s1 =	sshll.u32 s1, $0x11  }
0xbc: {  	s0 =	sor.u32 s1, s0  }
0xbd: {  	s0 =	sadd.s32 $0x8F2B, s0  }
0xbe: {  	[sflag:s0] =	ssyncadd.remote.s32 $0x1  }
0xbf: {  	_ =	sfence.sel $0xFFFF  }
0xc0: {  	[dreg:$0x0] =	wrdreg $0xFFFFFFFF;
	(pc) =	sbr.abs _section_cstart, $3  }
0xc1: {  	[dreg:$0x1] =	wrdreg $0xFFFFFFFF  }
0xc2: {  	_ =	task.clear_ibuf [dreg:s7], $0x2FFFF;
	_ =	strace $0x9FFFFFFF  }
0xc3: {  	(tm) =	ssettm $0x7FFFFFFF  }
tec
execute0_lowered:
.L_overlay_start_1:
0x0: {  	(tag) =	ssettag $0x1  }
0x1: {  	s0 =	rddreg [dreg:$0x0]  }
0x2: {  	s2 =	rddreg [dreg:$0x2]  }
0x3: {  	s4 =	simm.s32 $0x0;
	s1 =	srdreg.scid;
	s3 =	stileid.u32  }
0x4: {  	s17 =	simm.s32 $0x5;
	s18 =	simm.s32 $0x1F180;
	s19 =	simm.s32 $0x18880  }
0x5: {  	s20 =	simm.s32 $0x13880;
	s21 =	simm.s32 $0x18900;
	s22 =	simm.s32 $0x1  }
0x6: {  	s23 =	simm.s32 $0x50;
	s24 =	simm.s32 $0x16080;
	s25 =	simm.s32 $0x2  }
0x7: {  	s26 =	simm.s32 $0x4;
	s28 =	simm.s32 $0x3;
	s29 =	simm.s32 $0x0  }
0x8: {  	[smem:$0x7FF] =	sst s4;
	s5 =	sadd.s32 $0xA000, s0;
	s1 =	sand.u32 $0x1, s1  }
0x9: {  	s7 =	smul.u32 $0x4E000, s3;
	s6 =	sadd.s32 $0x4EC000, s0;
	s14 =	sadd.s32 $0x31600, s0  }
0xa: {  	s11 =	smul.u32 $0x13800, s3;
	s10 =	sadd.s32 $0x138000, s2;
	p0 =	sne.s32 s3, $0xF  }
0xb: {  	_ =	strace $0x8000004A;
	s8 =	ssub.s32 $0x2, s1;
	s12 =	smul.u32 $0x138800, s1  }
0xc: {  	s1 =	sshll.u32 s1, $0x4;
	s9 =	sshrl.u32 s8, $0x1;
	s7 =	sshrl.u32 s7, $0x2  }
0xd: {  	s1 =	sor.u32 s3, s1;
	s7 =	sadd.s32 s7, s2;
	s15 =	ssub.s32 s8, s9  }
0xe: {  	s13 =	sadd.s32 s11, s12;
	s11 =	smul.u32 $0x2710, s1;
	s16 =	sshrl.u32 s12, $0x3  }
0xf: {  	s12 =	sadd.s32 $0x9E1A00, s0;
	s8 =	sadd.s32 $0x6800, s7;
	s9 =	sadd.s32 $0xD000, s7  }
0x10: {  	s30 =	sshrl.u32 s13, $0x3;
	s31 =	sadd.s32 s14, s16;
	s15 =	smax.u32 s15, $0x1  }
0x11: {  	v0 =	vimm.f32 $0.0e+00;
	s16 =	simm.s32 $0x18980;
	s13 =	sadd.s32 s14, s30;
	s14 =	sadd.s32 $0x27000, s31  }
.LBB2_1:
0x12: {  	s0 =	simm.s32 $0x0;
	s1 =	simm.s32 $0x200  }
.LBB2_2:
0x13: {  	p1 =	sne.s32 s1, $0x19E00;
	[tilespmem:s0+$0x189F0] =	vst v0  }
0x14: {  	[tilespmem:s0+$0x18980] =	vst v0  }
0x15: {  	[tilespmem:s0+$0x18990] =	vst v0  }
.Ltmp0:
0x16: {  	[tilespmem:s0+$0x189A0] =	vst v0;
	(pc) =	sbr.rel @p1 .LBB2_2-.Ltmp0, $4  }
0x17: {  	[tilespmem:s0+$0x189B0] =	vst v0  }
0x18: {  	[tilespmem:s0+$0x189C0] =	vst v0  }
0x19: {  	[tilespmem:s0+$0x189D0] =	vst v0  }
0x1a: {  	[tilespmem:s0+$0x189E0] =	vst v0;
	s0 =	sshra.s32 s1, $0x2;
	s1 =	sadd.s32 $0x200, s1  }
0x1b: {  	[tilespmem:s0+$0x189F0] =	vst v0  }
0x1c: {  	[tilespmem:s0+$0x18980] =	vst v0  }
0x1d: {  	[tilespmem:s0+$0x18990] =	vst v0  }
0x1e: {  	[tilespmem:s0+$0x189A0] =	vst v0  }
0x1f: {  	[tilespmem:s0+$0x189B0] =	vst v0  }
0x20: {  	[tilespmem:s0+$0x189C0] =	vst v0  }
0x21: {  	[tilespmem:s0+$0x189D0] =	vst v0  }
0x22: {  	[tilespmem:s0+$0x189E0] =	vst v0  }
0x23: {  	[spmem:s7] =	stream.linear.scatter [tilespmem:s16], [sflag:$0x5], $0x6800, $0x38;
	[tilespmem:$0x1F280] =	vst v63  }
0x24: {  	_ =	swait.ge [sflag:s17], $0x6800  }
0x25: {  	[sflag:s17] =	ssyncset.done $0x0  }
0x26: {  	[sflag:s17] =	ssyncadd.s32 $0xFFFF9800  }
0x27: {  	[spmem:s8] =	stream.linear.scatter [tilespmem:s16], [sflag:$0x5], $0x6800, $0x38;
	[tilespmem:$0x1F280] =	vst v63  }
0x28: {  	_ =	swait.ge [sflag:s17], $0x6800  }
0x29: {  	[sflag:s17] =	ssyncset.done $0x0  }
0x2a: {  	[sflag:s17] =	ssyncadd.s32 $0xFFFF9800  }
0x2b: {  	[spmem:s9] =	stream.linear.scatter [tilespmem:s16], [sflag:$0x5], $0x6800, $0x38;
	[tilespmem:$0x1F280] =	vst v63  }
0x2c: {  	_ =	swait.ge [sflag:s17], $0x6800  }
0x2d: {  	[sflag:s17] =	ssyncset.done $0x0  }
0x2e: {  	s0 =	simm.s32 @!p0 $0x18980;
	[sflag:s17] =	ssyncadd.s32 $0xFFFF9800  }
0x2f: {  	[spmem:s10] =	stream.linear.scatter @!p0 [tilespmem:s0], [sflag:$0x5], $0x800, $0x38;
	[tilespmem:$0x1F280] =	vst v63  }
0x30: {  	s0 =	simm.s32 @!p0 $0x5  }
0x31: {  	_ =	swait.ge @!p0 [sflag:s0], $0x800  }
0x32: {  	[sflag:s0] =	ssyncset.done @!p0 $0x0  }
0x33: {  	[sflag:s0] =	ssyncadd.s32 @!p0 $0xFFFFF800  }
0x34: {  	s0 =	rddreg [dreg:$0x1]  }
0x35: {  	[tilespmem:s18], [sflag:$0x5] =	stream.linear.gather [hbm4b:s0+s29], $0x100, $0x38;
	[tilespmem:$0x1F280] =	vst v63  }
0x36: {  	_ =	swait.ge [sflag:s17], $0x100  }
0x37: {  	[sflag:s17] =	ssyncset.done $0x0  }
0x38: {  	[sflag:s17] =	ssyncadd.s32 $0xFFFFFF00  }
0x39: {  	[bflag:$0x0] =	sbarrier.arrive $0xFFFF  }
0x3a: {  	v1 =	vld [tilespmem:$0x1F180]  }
0x3b: {  	v2 =	vld [tilespmem:$0x1F190]  }
0x3c: {  	v3 =	vld [tilespmem:$0x1F1A0]  }
0x3d: {  	v4 =	vld [tilespmem:$0x1F1B0]  }
0x3e: {  	v5 =	vld [tilespmem:$0x1F1C0]  }
0x3f: {  	v6 =	vld [tilespmem:$0x1F1D0]  }
0x40: {  	v7 =	vld [tilespmem:$0x1F1E0]  }
0x41: {  	v8 =	vld [tilespmem:$0x1F1F0]  }
0x42: {  	v9 =	vld [tilespmem:$0x1F200]  }
0x43: {  	v10 =	vld [tilespmem:$0x1F210]  }
0x44: {  	v11 =	vld [tilespmem:$0x1F220]  }
0x45: {  	v12 =	vld [tilespmem:$0x1F230]  }
0x46: {  	v13 =	vld [tilespmem:$0x1F240]  }
0x47: {  	v14 =	vld [tilespmem:$0x1F250]  }
0x48: {  	v15 =	vld [tilespmem:$0x1F260]  }
0x49: {  	s30 =	simm.s32 $0x0;
	v16 =	vld [tilespmem:$0x1F270]  }
.LBB2_4:
0x4a: {  	s0 =	smul.u32 $0x50, s30;
	_ =	sdelay $0x1  }
0x4b: {  	s0 =	sadd.s32 s11, s0  }
0x4c: {  	s1 =	sshrl.u32 s0, $0x3  }
0x4d: {  	s0 =	sshll.u32 s0, $0x4;
	s1 =	sadd.s32 s6, s1  }
0x4e: {  	[tilespmem:s19], [sflag:$0x1] =	stream.linear.gather [hbm4b:s1+s29], $0x50, $0x38;
	[tilespmem:$0x1F280] =	vst v63  }
0x4f: {  	s0 =	sadd.s32 s0, s12  }
0x50: {  	[tilespmem:s20], [sflag:$0x2] =	stream.linear.gather [hbm4b:s0+s29], $0x2800, $0x38;
	[tilespmem:$0x1F280] =	vst v63  }
0x51: {  	s1 =	sadd.s32 $0x9C40, s1  }
0x52: {  	[tilespmem:s21], [sflag:$0x3] =	stream.linear.gather [hbm4b:s1+s29], $0x50, $0x38;
	[tilespmem:$0x1F280] =	vst v63  }
0x53: {  	_ =	swait.ge [sflag:s22], $0x50  }
0x54: {  	[sflag:s22] =	ssyncset.done $0x0  }
0x55: {  	[sflag:s22] =	ssyncadd.s32 $0xFFFFFFB0  }
0x56: {  	[tilespmem:s24], [sflag:$0x4] =	stream.indirect.gather [hbm4b:s5+s23], $0x80, s19, s23, $0xb8;
	[tilespmem:$0x1F280] =	vst v63  }
0x57: {  	_ =	swait.ge [sflag:s25], $0x2800  }
0x58: {  	[sflag:s25] =	ssyncset.done $0x0  }
0x59: {  	[sflag:s25] =	ssyncadd.s32 $0xFFFFD800  }
0x5a: {  	_ =	swait.ge [sflag:s26], $0x2800  }
0x5b: {  	[sflag:s26] =	ssyncset.done $0x0  }
0x5c: {  	s31 =	simm.s32 $0x0;
	[sflag:s26] =	ssyncadd.s32 $0xFFFFD800  }
0x5d: {  	v17 =	vld [tilespmem:s31+$0x160E0]  }
0x5e: {  	v18 =	vld [tilespmem:s31+$0x160C0]  }
0x5f: {  	v19 =	vld [tilespmem:s31+$0x160D0]  }
0x60: {  	v20 =	vld [tilespmem:s31+$0x160F0]  }
0x61: {  	v22 =	vld [tilespmem:s31+$0x16090]  }
0x62: {  	v23 =	vld [tilespmem:s31+$0x160A0]  }
0x63: {  	v27 =	vld [tilespmem:s31+$0x16080]  }
0x64: {  	v21 =	vld [tilespmem:s31+$0x160B0]  }
0x65: {  	v18 =	vmul.f32 v18, v5  }
0x66: {  	v19 =	vmul.f32 v19, v6;
	v17 =	vmul.f32 v17, v7  }
0x67: {  	v26 =	vld [tilespmem:s31+$0x138C0];
	v20 =	vmul.f32 v20, v8;
	v25 =	vmul.f32 v22, v2;
	v24 =	vadd.f32 v18, v13  }
0x68: {  	v32 =	vmul.f32 v23, v3;
	v33 =	vmul.f32 v27, v1;
	v18 =	vadd.f32 v19, v14  }
0x69: {  	v19 =	vmul.f32 v21, v4;
	v31 =	vadd.f32 v17, v15;
	v29 =	vmul.f32 $9.999999740e-05, v24  }
0x6a: {  	v28 =	vld [tilespmem:s31+$0x138E0];
	v22 =	vadd.f32 v20, v16;
	v25 =	vadd.f32 v25, v10;
	vm1 =	vge.f32 v24, $0.0e+00  }
0x6b: {  	v23 =	vld [tilespmem:s31+$0x138D0];
	v27 =	vadd.f32 v32, v11;
	v20 =	vadd.f32 v19, v12;
	v19 =	vsel vm1, v24, v29  }
0x6c: {  	v17 =	vld [tilespmem:s31+$0x138F0];
	vm0 =	vge.f32 v18, $0.0e+00;
	v21 =	vmul.f32 $9.999999740e-05, v18;
	v26 =	vadd.f32 v19, v26  }
0x6d: {  	vm4 =	vge.f32 v31, $0.0e+00;
	v30 =	vmul.f32 $9.999999740e-05, v22;
	v63 =	vmul.f32 $9.999999740e-05, v31;
	v24 =	vld [tilespmem:s31+$0x138B0]  }
0x6e: {  	vm2 =	vge.f32 v22, $0.0e+00;
	vm3 =	vge.f32 v25, $0.0e+00;
	v29 =	vld [tilespmem:s31+$0x138A0];
	v34 =	vmax.f32 v26, $0.0e+00  }
0x6f: {  	s0 =	simm.s32 $0x200;
	vm1 =	vge.f32 v20, $0.0e+00;
	v31 =	vsel vm4, v31, v63;
	v19 =	vld [tilespmem:s31+$0x13890];
	v26 =	vadd.f32 v33, v9;
	[tilespmem:s31+$0x138C0] =	vst v34  }
.LBB2_5:
0x70: {  	s1 =	sshra.s32 s0, $0x2;
	p1 =	sne.s32 s0, $0x9E00;
	s0 =	sadd.s32 $0x200, s0;
	v32 =	vld [tilespmem:s31+$0x13880];
	v33 =	vmul.f32 $9.999999740e-05, v25;
	v28 =	vadd.f32 v31, v28  }
0x71: {  	v34 =	vmul.f32 $9.999999740e-05, v27;
	v35 =	vmul.f32 $9.999999740e-05, v20;
	v22 =	vsel vm2, v22, v30;
	v31 =	vld [tilespmem:s1+$0x160E0]  }
0x72: {  	vm2 =	vge.f32 v27, $0.0e+00;
	v30 =	vld [tilespmem:s1+$0x160C0];
	v25 =	vsel vm3, v25, v33;
	v28 =	vmax.f32 v28, $0.0e+00  }
0x73: {  	v18 =	vsel vm0, v18, v21;
	v36 =	vmul.f32 $9.999999740e-05, v26;
	v27 =	vsel vm2, v27, v34;
	v33 =	vld [tilespmem:s1+$0x160D0];
	[tilespmem:s31+$0x138E0] =	vst v28  }
0x74: {  	vm0 =	vge.f32 v26, $0.0e+00;
	v18 =	vadd.f32 v18, v23;
	v21 =	vld [tilespmem:s1+$0x160F0];
	v27 =	vadd.f32 v27, v29  }
0x75: {  	v17 =	vadd.f32 v22, v17;
	v20 =	vsel vm1, v20, v35;
	v26 =	vsel vm0, v26, v36;
	v23 =	vld [tilespmem:s1+$0x160B0]  }
0x76: {  	v20 =	vadd.f32 v20, v24;
	v18 =	vmax.f32 v18, $0.0e+00;
	v22 =	vld [tilespmem:s1+$0x16090];
	v27 =	vmax.f32 v27, $0.0e+00  }
0x77: {  	v19 =	vadd.f32 v25, v19;
	v17 =	vmax.f32 v17, $0.0e+00;
	v26 =	vadd.f32 v26, v32;
	v24 =	vld [tilespmem:s1+$0x16080];
	[tilespmem:s31+$0x138D0] =	vst v18  }
0x78: {  	v20 =	vmax.f32 v20, $0.0e+00;
	v18 =	vmul.f32 v30, v5;
	v25 =	vld [tilespmem:s1+$0x160A0];
	v28 =	vmul.f32 v33, v6;
	[tilespmem:s31+$0x138F0] =	vst v17  }
0x79: {  	v19 =	vmax.f32 v19, $0.0e+00;
	v17 =	vmul.f32 v31, v7;
	v21 =	vmul.f32 v21, v8;
	[tilespmem:s31+$0x138A0] =	vst v27  }
0x7a: {  	v27 =	vadd.f32 v18, v13;
	v23 =	vmul.f32 v23, v4;
	v29 =	vld [tilespmem:s1+$0x138C0];
	v18 =	vadd.f32 v28, v14;
	[tilespmem:s31+$0x138B0] =	vst v20  }
0x7b: {  	v26 =	vmax.f32 v26, $0.0e+00;
	v31 =	vadd.f32 v17, v15;
	v20 =	vmul.f32 v22, v2;
	v17 =	vld [tilespmem:s1+$0x138F0];
	[tilespmem:s31+$0x13890] =	vst v19  }
0x7c: {  	v19 =	vmul.f32 $9.999999740e-05, v27;
	v22 =	vadd.f32 v21, v16;
	vm0 =	vge.f32 v18, $0.0e+00;
	[tilespmem:s31+$0x13880] =	vst v26;
	s31 =	smov.u32 s1  }
0x7d: {  	vm1 =	vge.f32 v27, $0.0e+00;
	v21 =	vmul.f32 $9.999999740e-05, v18;
	v26 =	vmul.f32 v25, v3  }
.Ltmp1:
0x7e: {  	v25 =	vadd.f32 v20, v10;
	v20 =	vadd.f32 v23, v12;
	v19 =	vsel vm1, v27, v19;
	v28 =	vld [tilespmem:s31+$0x138E0];
	(pc) =	sbr.rel @p1 .LBB2_5-.Ltmp1, $4  }
0x7f: {  	vm4 =	vge.f32 v31, $0.0e+00;
	v30 =	vmul.f32 $9.999999740e-05, v22;
	v29 =	vadd.f32 v19, v29;
	v23 =	vld [tilespmem:s31+$0x138D0]  }
0x80: {  	v32 =	vmul.f32 v24, v1;
	v33 =	vmul.f32 $9.999999740e-05, v31;
	v27 =	vadd.f32 v26, v11;
	v19 =	vld [tilespmem:s31+$0x13890]  }
0x81: {  	vm2 =	vge.f32 v22, $0.0e+00;
	vm1 =	vge.f32 v20, $0.0e+00;
	v24 =	vld [tilespmem:s31+$0x138B0];
	v34 =	vmax.f32 v29, $0.0e+00  }
0x82: {  	v31 =	vsel vm4, v31, v33;
	v26 =	vadd.f32 v32, v9;
	vm3 =	vge.f32 v25, $0.0e+00;
	v29 =	vld [tilespmem:s31+$0x138A0];
	[tilespmem:s31+$0x138C0] =	vst v34  }
0x83: {  	v32 =	vmul.f32 $9.999999740e-05, v25;
	v28 =	vadd.f32 v31, v28  }
0x84: {  	v60 =	vmul.f32 $9.999999740e-05, v27;
	v33 =	vmul.f32 $9.999999740e-05, v20;
	v18 =	vsel vm0, v18, v21  }
0x85: {  	v22 =	vsel vm2, v22, v30;
	v61 =	vld [tilespmem:s31+$0x13880];
	vm14 =	vge.f32 v27, $0.0e+00;
	v18 =	vadd.f32 v18, v23  }
0x86: {  	v62 =	vmul.f32 $9.999999740e-05, v26;
	v17 =	vadd.f32 v22, v17;
	vm15 =	vge.f32 v26, $0.0e+00  }
0x87: {  	v25 =	vsel vm3, v25, v32;
	v28 =	vmax.f32 v28, $0.0e+00;
	v20 =	vsel vm1, v20, v33  }
0x88: {  	v27 =	vsel vm14, v27, v60;
	[tilespmem:s31+$0x138E0] =	vst v28;
	v18 =	vmax.f32 v18, $0.0e+00;
	v20 =	vadd.f32 v20, v24  }
0x89: {  	v17 =	vmax.f32 v17, $0.0e+00;
	v19 =	vadd.f32 v25, v19;
	[tilespmem:s31+$0x138D0] =	vst v18;
	v18 =	vsel vm15, v26, v62  }
0x8a: {  	v63 =	vadd.f32 v27, v29;
	[tilespmem:s31+$0x138F0] =	vst v17;
	v17 =	vadd.f32 v18, v61;
	v18 =	vmax.f32 v20, $0.0e+00  }
0x8b: {  	v19 =	vmax.f32 v19, $0.0e+00;
	[tilespmem:s31+$0x138B0] =	vst v18  }
0x8c: {  	v22 =	vmax.f32 v63, $0.0e+00;
	[tilespmem:s31+$0x13890] =	vst v19  }
0x8d: {  	[tilespmem:s31+$0x138A0] =	vst v22;
	v17 =	vmax.f32 v17, $0.0e+00  }
0x8e: {  	[tilespmem:s31+$0x13880] =	vst v17  }
0x8f: {  	s30 =	sadd.s32 $0x1, s30;
	_ =	swait.ge [sflag:s28], $0x50  }
0x90: {  	p1 =	sne.s32 s30, $0x7D;
	[sflag:s28] =	ssyncset.done $0x0  }
.Ltmp2:
0x91: {  	[sflag:s28] =	ssyncadd.s32 $0xFFFFFFB0;
	(pc) =	sbr.rel @p1 .LBB2_4-.Ltmp2, $4  }
0x92: {  	[spmem:s2] =	stream.indirect.scatter.add.f32 [tilespmem:s20], [sflag:$0x5], $0x80, s21, s23, $0xb8;
	[tilespmem:$0x1F280] =	vst v63  }
0x93: {  	_ =	swait.ge [sflag:s17], $0x2800  }
0x94: {  	[sflag:s17] =	ssyncset.done $0x0  }
0x95: {  	[sflag:s17] =	ssyncadd.s32 $0xFFFFD800  }
0x96: {  	s0 =	sshll.u32 s3, $0x6  }
0x97: {  	[bflag:$0x0] =	sbarrier.arrive $0xFFFF;
	s1 =	sshrl.u32 s7, $0x3;
	s0 =	sor.u32 $0x1C05, s0  }
0x98: {  	[hbm:s13], [sflag:s0] =	dma.local [spmem:s1], $0x2700  }
0x99: {  	_ =	swait.ge [sflag:s17], $0x2700  }
0x9a: {  	s4 =	sadd.s32 $0x1, s4;
	[sflag:s17] =	ssyncset.done $0x0  }
0x9b: {  	p1 =	sne.s32 s4, s15;
	s1 =	sshrl.u32 @!p0 s10, $0x3;
	[sflag:s17] =	ssyncadd.s32 $0xFFFFD900  }
0x9c: {  	[hbm:s14], [sflag:s0] =	dma.local @!p0 [spmem:s1], $0x100  }
.Ltmp3:
0x9d: {  	_ = 	snop;
	(pc) =	sbr.rel @p1 .LBB2_1-.Ltmp3, $4  }
0x9e: {  	s0 =	simm.s32 @!p0 $0x5  }
0x9f: {  	_ =	swait.ge @!p0 [sflag:s0], $0x100  }
0xa0: {  	[sflag:s0] =	ssyncset.done @!p0 $0x0  }
0xa1: {  	[sflag:s0] =	ssyncadd.s32 @!p0 $0xFFFFFF00  }
0xa2: {  	_ =	sfence.sel $0x180000  }
0xa3: {  	[bflag:$0x0] =	sbarrier.arrive $0xFFFF  }
0xa4: {  	_ =	strace $0x9000004A  }
0xa5: {  	[bflag:$0x2] =	sbarrier.arrive $0xFFFF  }
0xa6: {  	p0 =	sne.s32 s3, $0x0;
	s0 =	rddreg [dreg:$0x3]  }
0xa7: {  	s0 =	sadd.s32 @!p0 $0x100000, s0  }
0xa8: {  	[sflag:s0] =	ssyncadd.tile.s32 @!p0 $0x1;
	_ =	shalt  }
.Lfunc_end2:
_tile_overlayer_lowered:
.L_overlay_start_2:
0xa9: {  	(tag) =	ssettag $0x2  }
0xaa: {  	s0 =	rddreg [dreg:$0x0];
	s2 =	stileid.u32  }
0xab: {  	s1 =	rddreg [dreg:$0x1];
	p0 =	sne.s32 s2, $0x0  }
0xac: {  	s3 =	rddreg [dreg:$0x2];
	[bflag:$0x3] =	sbarrier.arrive $0xFFFF;
	s2 =	simm.s32 @!p0 $0x1C05  }
0xad: {  	[timem:s3], [sflag:s2] =	dma.local @!p0 [hbm:s0], s1  }
0xae: {  	s0 =	simm.s32 @!p0 $0x5  }
0xaf: {  	_ =	swait.ge @!p0 [sflag:s0], s1  }
0xb0: {  	s1 =	ssub.s32 @!p0 $0x0, s1;
	[sflag:s0] =	ssyncset.done @!p0 $0x0  }
0xb1: {  	[sflag:s0] =	ssyncadd.s32 @!p0 s1  }
0xb2: {  	[bflag:$0x3] =	sbarrier.arrive $0xFFFF  }
0xb3: {  	_ =	shalt  }

// kernel: kernel.19.cloned.1.call-start
scs
__scs_entry_jumppad:
0x0: {  	(pc) =	sbr.rel $0x88, $3  }
0x1: {  	(tag) =	ssettag $0x0;
	lr =	simm.s32 $0x1  }
0x2: {  	[smem:$0x3F89] =	sst lr;
	_ =	strace $0xD0000000  }
0x3: {  	_ = 	snop  }
0x4: {  	_ = 	snop  }
0x5: {  	_ = 	snop  }
0x6: {  	_ = 	snop  }
0x7: {  	_ = 	snop  }
__scs_overlays_trampoline_lowered:
0x8: {  	[smem:$0x3F98] =	sst s0  }
0x9: {  	[smem:$0x3F99] =	sst s1  }
0xa: {  	[smem:$0x3F9A] =	sst s2  }
0xb: {  	[smem:$0x3F9B] =	sst s3  }
0xc: {  	[smem:$0x3F9C] =	sst s4  }
0xd: {  	[smem:$0x3F9D] =	sst s5  }
0xe: {  	[smem:$0x3F9E] =	sst s6  }
0xf: {  	[smem:$0x3F9F] =	sst s7  }
0x10: {  	[smem:$0x3FA0] =	sst s8  }
0x11: {  	[smem:$0x3FA1] =	sst s9;
	s0 =	simm.s32 @!p0 $0x0  }
0x12: {  	s1 =	sld [smem:$0x3F87];
	s0 =	simm.s32 @p0 $0x1  }
0x13: {  	[smem:$0x3FA2] =	sst s0;
	s0 =	simm.s32 @!p1 $0x0  }
0x14: {  	s2 =	sld [smem:$0x3F86];
	s0 =	simm.s32 @p1 $0x1  }
0x15: {  	[smem:$0x3FA3] =	sst s0;
	s0 =	simm.s32 @!p2 $0x0  }
0x16: {  	s3 =	sld [smem:$0x3FDB];
	s0 =	simm.s32 @p2 $0x1  }
0x17: {  	s4 =	simm.s32 $0x1BF5;
	[smem:$0x3FA5] =	sst s0  }
0x18: {  	s0 =	sld [smem:$0x3F88];
	_ =	swait.ge [sflag:s4], $0x0  }
0x19: {  	s7 =	sld [smem:$0x3F89]  }
0x1a: {  	s8 =	sadd.s32 $0xFFFFE003, lr  }
0x1b: {  	s9 =	sadd.s32 $0xFFFFFEF7, lr;
	s5 =	simm.s32 $0xFFFFFFFF;
	p2 =	slt.u32 s8, $0xFFFFF086  }
0x1c: {  	p1 =	slt.u32 s9, $0xF7A;
	s5 =	simm.s32 @!p2 $0x0  }
0x1d: {  	s5 =	simm.s32 @p1 $0x1;
	p0 =	seq.s32 s7, s2  }
0x1e: {  	s7 =	smul.u32 @!p0 $0xF7A, s2;
	p2 =	seq.s32 @!p0 s5, $0x0  }
0x1f: {  	s9 =	smul.u32 $0xF7A, s1;
	s8 =	simm.s32 @!p0 $0x1BF5;
	p2 =	por !p2, p0  }
0x20: {  	[sflag:s8] =	ssyncset.s32 @!p0 $0xFFFFF086;
	s6 =	sadd.s32 @!p0 s3, s7;
	s7 =	simm.s32 @!p0 $0x108  }
0x21: {  	s3 =	sadd.s32 s3, s9;
	s6 =	sadd.s32 @!p0 $0x88, s6;
	s7 =	simm.s32 @p2 $0x1082  }
0x22: {  	[simem:s7], [sflag:s8] =	dma.local @!p0 [hbm:s6], $0xF7A  }
0x23: {  	s9 =	sor.u32 $0xD0000000, s2;
	s6 =	simm.s32 $0x108;
	_ =	swait.ge @!p0 [sflag:s8], $0x0  }
0x24: {  	s3 =	sadd.s32 $0x88, s3;
	s6 =	simm.s32 @!p1 $0x1082;
	[sflag:s4] =	ssyncset.s32 $0xFFFFF086  }
0x25: {  	[simem:s6], [sflag:s4] =	dma.local [hbm:s3], $0xF7A  }
0x26: {  	[smem:$0x3F89] =	sst s1;
	(tag) =	ssettag s2;
	_ =	strace s9  }
0x27: {  	s1 =	sld [smem:$0x3F99]  }
0x28: {  	s2 =	sld [smem:$0x3F9A]  }
0x29: {  	s4 =	sld [smem:$0x3F9C]  }
0x2a: {  	p0 =	seq.s32 s5, $0x0;
	s5 =	sld [smem:$0x3F9D]  }
0x2b: {  	s6 =	sld [smem:$0x3F9E]  }
0x2c: {  	s7 =	sld [smem:$0x3F9F]  }
0x2d: {  	s3 =	simm.s32 $0x108;
	s8 =	sld [smem:$0x3FA0]  }
0x2e: {  	s3 =	simm.s32 @!p0 $0x1082;
	s9 =	sld [smem:$0x3FA1]  }
0x2f: {  	lr =	sadd.s32 s0, s3;
	s0 =	sld [smem:$0x3F98]  }
0x30: {  	s3 =	sld [smem:$0x3F9B]  }
0x31: {  	[smem:$0x3FA4] =	sst s10  }
0x32: {  	s10 =	sld [smem:$0x3FA2];
	_ =	sdelay $0x3  }
0x33: {  	p0 =	seq.s32 s10, $0x1;
	s10 =	sld [smem:$0x3FA4];
	_ =	sdelay $0x3  }
0x34: {  	[smem:$0x3FA4] =	sst s10  }
0x35: {  	s10 =	sld [smem:$0x3FA3];
	_ =	sdelay $0x3  }
0x36: {  	p1 =	seq.s32 s10, $0x1;
	s10 =	sld [smem:$0x3FA4];
	_ =	sdelay $0x3  }
0x37: {  	[smem:$0x3FA4] =	sst s10  }
0x38: {  	s10 =	sld [smem:$0x3FA5]  }
0x39: {  	_ = 	snop;
	(pc) =	sbr.ind lr, $3  }
0x3a: {  	_ = 	snop  }
0x3b: {  	_ = 	snop  }
0x3c: {  	p2 =	seq.s32 s10, $0x1;
	s10 =	sld [smem:$0x3FA4]  }
0x3d: {  	_ =	shalt  }
0x3e: {  	_ =	shalt  }
0x3f: {  	_ =	shalt  }
0x40: {  	_ =	shalt  }
0x41: {  	_ =	shalt  }
0x42: {  	_ =	shalt  }
0x43: {  	_ =	shalt  }
0x44: {  	_ =	shalt  }
0x45: {  	_ =	shalt  }
0x46: {  	_ =	shalt  }
0x47: {  	_ =	shalt  }
0x48: {  	_ =	shalt  }
0x49: {  	_ =	shalt  }
0x4a: {  	_ =	shalt  }
0x4b: {  	_ =	shalt  }
0x4c: {  	_ =	shalt  }
0x4d: {  	_ =	shalt  }
0x4e: {  	_ =	shalt  }
0x4f: {  	_ =	shalt  }
0x50: {  	_ =	shalt  }
0x51: {  	_ =	shalt  }
0x52: {  	_ =	shalt  }
0x53: {  	_ =	shalt  }
0x54: {  	_ =	shalt  }
0x55: {  	_ =	shalt  }
0x56: {  	_ =	shalt  }
0x57: {  	_ =	shalt  }
0x58: {  	_ =	shalt  }
0x59: {  	_ =	shalt  }
0x5a: {  	_ =	shalt  }
0x5b: {  	_ =	shalt  }
0x5c: {  	_ =	shalt  }
0x5d: {  	_ =	shalt  }
0x5e: {  	_ =	shalt  }
0x5f: {  	_ =	shalt  }
0x60: {  	_ =	shalt  }
0x61: {  	_ =	shalt  }
0x62: {  	_ =	shalt  }
0x63: {  	_ =	shalt  }
0x64: {  	_ =	shalt  }
0x65: {  	_ =	shalt  }
0x66: {  	_ =	shalt  }
0x67: {  	_ =	shalt  }
0x68: {  	_ =	shalt  }
0x69: {  	_ =	shalt  }
0x6a: {  	_ =	shalt  }
0x6b: {  	_ =	shalt  }
0x6c: {  	_ =	shalt  }
0x6d: {  	_ =	shalt  }
0x6e: {  	_ =	shalt  }
0x6f: {  	_ =	shalt  }
0x70: {  	_ =	shalt  }
0x71: {  	_ =	shalt  }
0x72: {  	_ =	shalt  }
0x73: {  	_ =	shalt  }
0x74: {  	_ =	shalt  }
0x75: {  	_ =	shalt  }
0x76: {  	_ =	shalt  }
0x77: {  	_ =	shalt  }
0x78: {  	_ =	shalt  }
0x79: {  	_ =	shalt  }
0x7a: {  	_ =	shalt  }
0x7b: {  	_ =	shalt  }
0x7c: {  	_ =	shalt  }
0x7d: {  	_ =	shalt  }
0x7e: {  	_ =	shalt  }
0x7f: {  	_ =	shalt  }
0x80: {  	_ =	shalt  }
0x81: {  	_ =	shalt  }
0x82: {  	_ =	shalt  }
0x83: {  	_ =	shalt  }
0x84: {  	_ =	shalt  }
0x85: {  	_ =	shalt  }
0x86: {  	_ =	shalt  }
0x87: {  	_ =	shalt  }
.Lfunc_end0:
.L_simem_size_0:
called_computation.2_lowered:
.L_overlay_start_0:
0x88: {  	s2 =	sld [smem:$0x3FD9]  }
0x89: {  	s3 =	sld [smem:$0x3FFE];
	_ =	sdelay $0x1  }
0x8a: {  	s1 =	srdreg.scid  }
0x8b: {  	s0 =	sand.u32 $0x1, s1  }
0x8c: {  	s17 =	sshll.u32 s0, $0xA;
	s2 =	sadd.s32 s3, s2  }
0x8d: {  	s2 =	sadd.s32 s2, s17  }
0x8e: {  	[smem:$0x3FB0] =	sst s2  }
0x8f: {  	_ = 	snop  }
0x90: {  	s2 =	sld [smem:$0x3FD0];
	(tm) =	ssettm $0x1  }
0x91: {  	s18 =	sld [smem:$0x3FFB];
	_ =	sdelay $0x3  }
0x92: {  	_ =	strace s18  }
0x93: {  	s3 =	sld [smem:$0x3FFC];
	_ =	sdelay $0x3  }
0x94: {  	_ =	strace s3  }
0x95: {  	s3 =	sld [smem:$0x3FFD];
	_ =	sdelay $0x3  }
0x96: {  	_ =	strace s3  }
0x97: {  	_ =	strace $0x8FFFFFFF  }
0x98: {  	s19 =	sld [smem:$0x3FDB];
	_ =	sdelay $0x1  }
0x99: {  	s4 =	simm.s32 $_scs_section_size  }
0x9a: {  	s5 =	simm.s32 $_size__tile_overlayer_lowered;
	s6 =	simm.s32 $_tile_overlayer_lowered  }
0x9b: {  	s22 =	simm.s32 $0x1BFF;
	s21 =	sshll.u32 s6, $0x1;
	s3 =	sadd.s32 s4, s19  }
0x9c: {  	s7 =	simm.s32 $0x0;
	s20 =	sshll.u32 s5, $0x1;
	s5 =	sadd.s32 s21, s3  }
0x9d: {  	[timem:s7], [sflag:s22] =	dma.local [hbm:s5], s20  }
0x9e: {  	_ =	swait.ge [sflag:s22], s20  }
0x9f: {  	s4 =	ssub.s32 $0x0, s20;
	[sflag:s22] =	ssyncset.done $0x0  }
0xa0: {  	[sflag:s22] =	ssyncadd.s32 s4;
	_ =	sdelay $0x1  }
0xa1: {  	s23 =	simm.s32 $0x1B8B  }
0xa2: {  	_ =	swait.ge [sflag:s23], $0x1  }
0xa3: {  	[sflag:s23] =	ssyncset.done $0x0  }
0xa4: {  	s25 =	simm.s32 $0x1B8E;
	s24 =	sld [smem:$0x3FFE];
	[sflag:s23] =	ssyncadd.s32 $0xFFFFFFFF  }
0xa5: {  	s26 =	simm.s32 $execute0_lowered;
	[smem:$0x3FD2] =	sst s25  }
0xa6: {  	s5 =	sshll.u32 s26, $0x1;
	_ =	strace $0x8000004C;
	[dreg:$0x1] =	wrdreg $0xFFFFFFFF  }
0xa7: {  	s28 =	simm.s32 $_size_execute0_lowered;
	s3 =	sadd.s32 s3, s5;
	[dreg:$0x0] =	wrdreg $0x0  }
0xa8: {  	s5 =	sshll.u32 s28, $0x1;
	[dreg:$0x2] =	wrdreg s3  }
0xa9: {  	[dreg:$0x3] =	wrdreg s5  }
0xaa: {  	[dreg:$0x4] =	wrdreg $0xC0  }
0xab: {  	_ =	task [dreg:s7], $0x5FFFF  }
0xac: {  	[dreg:$0x1] =	wrdreg $0xFFFFFFFF  }
0xad: {  	[dreg:$0x0] =	wrdreg $0x60  }
0xae: {  	[dreg:$0x2] =	wrdreg s24  }
0xaf: {  	[dreg:$0x3] =	wrdreg s2  }
0xb0: {  	[dreg:$0x4] =	wrdreg $0x0  }
0xb1: {  	[dreg:$0x5] =	wrdreg $0x9  }
0xb2: {  	_ =	task.clear_ibuf [dreg:s7], $0x6FFFF;
	_ =	strace $0x9000004C  }
0xb3: {  	s29 =	simm.s32 $0x9;
	_ =	strace $0x8000004E  }
0xb4: {  	_ =	swait.ge [sflag:s29], $0x1  }
0xb5: {  	[sflag:s29] =	ssyncadd.s32 $0xFFFFFFFF  }
0xb6: {  	_ =	strace $0x9000004E  }
0xb7: {  	_ =	sfence  }
0xb8: {  	s30 =	sld [smem:$0x0];
	_ =	sdelay $0x2  }
0xb9: {  	s31 =	sshll.u32 s1, $0xD;
	s1 =	sshrl.u32 s1, $0x2  }
0xba: {  	s3 =	sand.u32 $0x4000, s31;
	s1 =	sadd.s32 s1, s30  }
0xbb: {  	s0 =	sor.u32 s3, s0;
	s1 =	sshll.u32 s1, $0x11  }
0xbc: {  	s0 =	sor.u32 s1, s0  }
0xbd: {  	s0 =	sadd.s32 $0x8F2B, s0  }
0xbe: {  	[sflag:s0] =	ssyncadd.remote.s32 $0x1  }
0xbf: {  	_ =	sfence.sel $0xFFFF  }
0xc0: {  	[dreg:$0x0] =	wrdreg $0xFFFFFFFF;
	(pc) =	sbr.abs _section_cstart, $3  }
0xc1: {  	[dreg:$0x1] =	wrdreg $0xFFFFFFFF  }
0xc2: {  	_ =	task.clear_ibuf [dreg:s7], $0x2FFFF;
	_ =	strace $0x9FFFFFFF  }
0xc3: {  	(tm) =	ssettm $0x7FFFFFFF  }
tec
execute0_lowered:
.L_overlay_start_1:
0x0: {  	(tag) =	ssettag $0x1  }
0x1: {  	s0 =	rddreg [dreg:$0x0]  }
0x2: {  	s2 =	rddreg [dreg:$0x2]  }
0x3: {  	s4 =	simm.s32 $0x0;
	s1 =	srdreg.scid;
	s3 =	stileid.u32  }
0x4: {  	s17 =	simm.s32 $0x5;
	s18 =	simm.s32 $0x1F180;
	s19 =	simm.s32 $0x18880  }
0x5: {  	s20 =	simm.s32 $0x13880;
	s21 =	simm.s32 $0x18900;
	s22 =	simm.s32 $0x1  }
0x6: {  	s23 =	simm.s32 $0x50;
	s24 =	simm.s32 $0x16080;
	s25 =	simm.s32 $0x2  }
0x7: {  	s26 =	simm.s32 $0x4;
	s28 =	simm.s32 $0x3;
	s29 =	simm.s32 $0x0  }
0x8: {  	[smem:$0x7FF] =	sst s4;
	s5 =	sadd.s32 $0x31600, s0;
	s1 =	sand.u32 $0x1, s1  }
0x9: {  	s7 =	smul.u32 $0x4E000, s3;
	s6 =	sadd.s32 $0x4EC000, s0;
	s14 =	sadd.s32 $0x81200, s0  }
0xa: {  	s11 =	smul.u32 $0x13800, s3;
	s10 =	sadd.s32 $0x138000, s2;
	p0 =	sne.s32 s3, $0xF  }
0xb: {  	_ =	strace $0x8000004D;
	s8 =	ssub.s32 $0x2, s1;
	s12 =	smul.u32 $0x138800, s1  }
0xc: {  	s1 =	sshll.u32 s1, $0x4;
	s9 =	sshrl.u32 s8, $0x1;
	s7 =	sshrl.u32 s7, $0x2  }
0xd: {  	s1 =	sor.u32 s3, s1;
	s7 =	sadd.s32 s7, s2;
	s15 =	ssub.s32 s8, s9  }
0xe: {  	s13 =	sadd.s32 s11, s12;
	s11 =	smul.u32 $0x2710, s1;
	s16 =	sshrl.u32 s12, $0x3  }
0xf: {  	s12 =	sadd.s32 $0xEC3A00, s0;
	s8 =	sadd.s32 $0x6800, s7;
	s9 =	sadd.s32 $0xD000, s7  }
0x10: {  	s30 =	sshrl.u32 s13, $0x3;
	s31 =	sadd.s32 s14, s16;
	s15 =	smax.u32 s15, $0x1  }
0x11: {  	v0 =	vimm.f32 $0.0e+00;
	s16 =	simm.s32 $0x18980;
	s13 =	sadd.s32 s14, s30;
	s14 =	sadd.s32 $0x27000, s31  }
.LBB2_1:
0x12: {  	s0 =	simm.s32 $0x0;
	s1 =	simm.s32 $0x200  }
.LBB2_2:
0x13: {  	p1 =	sne.s32 s1, $0x19E00;
	[tilespmem:s0+$0x189F0] =	vst v0  }
0x14: {  	[tilespmem:s0+$0x18980] =	vst v0  }
0x15: {  	[tilespmem:s0+$0x18990] =	vst v0  }
.Ltmp0:
0x16: {  	[tilespmem:s0+$0x189A0] =	vst v0;
	(pc) =	sbr.rel @p1 .LBB2_2-.Ltmp0, $4  }
0x17: {  	[tilespmem:s0+$0x189B0] =	vst v0  }
0x18: {  	[tilespmem:s0+$0x189C0] =	vst v0  }
0x19: {  	[tilespmem:s0+$0x189D0] =	vst v0  }
0x1a: {  	[tilespmem:s0+$0x189E0] =	vst v0;
	s0 =	sshra.s32 s1, $0x2;
	s1 =	sadd.s32 $0x200, s1  }
0x1b: {  	[tilespmem:s0+$0x189F0] =	vst v0  }
0x1c: {  	[tilespmem:s0+$0x18980] =	vst v0  }
0x1d: {  	[tilespmem:s0+$0x18990] =	vst v0  }
0x1e: {  	[tilespmem:s0+$0x189A0] =	vst v0  }
0x1f: {  	[tilespmem:s0+$0x189B0] =	vst v0  }
0x20: {  	[tilespmem:s0+$0x189C0] =	vst v0  }
0x21: {  	[tilespmem:s0+$0x189D0] =	vst v0  }
0x22: {  	[tilespmem:s0+$0x189E0] =	vst v0  }
0x23: {  	[spmem:s7] =	stream.linear.scatter [tilespmem:s16], [sflag:$0x5], $0x6800, $0x38;
	[tilespmem:$0x1F280] =	vst v63  }
0x24: {  	_ =	swait.ge [sflag:s17], $0x6800  }
0x25: {  	[sflag:s17] =	ssyncset.done $0x0  }
0x26: {  	[sflag:s17] =	ssyncadd.s32 $0xFFFF9800  }
0x27: {  	[spmem:s8] =	stream.linear.scatter [tilespmem:s16], [sflag:$0x5], $0x6800, $0x38;
	[tilespmem:$0x1F280] =	vst v63  }
0x28: {  	_ =	swait.ge [sflag:s17], $0x6800  }
0x29: {  	[sflag:s17] =	ssyncset.done $0x0  }
0x2a: {  	[sflag:s17] =	ssyncadd.s32 $0xFFFF9800  }
0x2b: {  	[spmem:s9] =	stream.linear.scatter [tilespmem:s16], [sflag:$0x5], $0x6800, $0x38;
	[tilespmem:$0x1F280] =	vst v63  }
0x2c: {  	_ =	swait.ge [sflag:s17], $0x6800  }
0x2d: {  	[sflag:s17] =	ssyncset.done $0x0  }
0x2e: {  	s0 =	simm.s32 @!p0 $0x18980;
	[sflag:s17] =	ssyncadd.s32 $0xFFFF9800  }
0x2f: {  	[spmem:s10] =	stream.linear.scatter @!p0 [tilespmem:s0], [sflag:$0x5], $0x800, $0x38;
	[tilespmem:$0x1F280] =	vst v63  }
0x30: {  	s0 =	simm.s32 @!p0 $0x5  }
0x31: {  	_ =	swait.ge @!p0 [sflag:s0], $0x800  }
0x32: {  	[sflag:s0] =	ssyncset.done @!p0 $0x0  }
0x33: {  	[sflag:s0] =	ssyncadd.s32 @!p0 $0xFFFFF800  }
0x34: {  	s0 =	rddreg [dreg:$0x1]  }
0x35: {  	[tilespmem:s18], [sflag:$0x5] =	stream.linear.gather [hbm4b:s0+s29], $0x100, $0x38;
	[tilespmem:$0x1F280] =	vst v63  }
0x36: {  	_ =	swait.ge [sflag:s17], $0x100  }
0x37: {  	[sflag:s17] =	ssyncset.done $0x0  }
0x38: {  	[sflag:s17] =	ssyncadd.s32 $0xFFFFFF00  }
0x39: {  	[bflag:$0x0] =	sbarrier.arrive $0xFFFF  }
0x3a: {  	v1 =	vld [tilespmem:$0x1F180]  }
0x3b: {  	v2 =	vld [tilespmem:$0x1F190]  }
0x3c: {  	v3 =	vld [tilespmem:$0x1F1A0]  }
0x3d: {  	v4 =	vld [tilespmem:$0x1F1B0]  }
0x3e: {  	v5 =	vld [tilespmem:$0x1F1C0]  }
0x3f: {  	v6 =	vld [tilespmem:$0x1F1D0]  }
0x40: {  	v7 =	vld [tilespmem:$0x1F1E0]  }
0x41: {  	v8 =	vld [tilespmem:$0x1F1F0]  }
0x42: {  	v9 =	vld [tilespmem:$0x1F200]  }
0x43: {  	v10 =	vld [tilespmem:$0x1F210]  }
0x44: {  	v11 =	vld [tilespmem:$0x1F220]  }
0x45: {  	v12 =	vld [tilespmem:$0x1F230]  }
0x46: {  	v13 =	vld [tilespmem:$0x1F240]  }
0x47: {  	v14 =	vld [tilespmem:$0x1F250]  }
0x48: {  	v15 =	vld [tilespmem:$0x1F260]  }
0x49: {  	s30 =	simm.s32 $0x0;
	v16 =	vld [tilespmem:$0x1F270]  }
.LBB2_4:
0x4a: {  	s0 =	smul.u32 $0x50, s30;
	_ =	sdelay $0x1  }
0x4b: {  	s0 =	sadd.s32 s11, s0  }
0x4c: {  	s1 =	sshrl.u32 s0, $0x3  }
0x4d: {  	s0 =	sshll.u32 s0, $0x4;
	s1 =	sadd.s32 s6, s1  }
0x4e: {  	[tilespmem:s19], [sflag:$0x1] =	stream.linear.gather [hbm4b:s1+s29], $0x50, $0x38;
	[tilespmem:$0x1F280] =	vst v63  }
0x4f: {  	s0 =	sadd.s32 s0, s12  }
0x50: {  	[tilespmem:s20], [sflag:$0x2] =	stream.linear.gather [hbm4b:s0+s29], $0x2800, $0x38;
	[tilespmem:$0x1F280] =	vst v63  }
0x51: {  	s1 =	sadd.s32 $0x9C40, s1  }
0x52: {  	[tilespmem:s21], [sflag:$0x3] =	stream.linear.gather [hbm4b:s1+s29], $0x50, $0x38;
	[tilespmem:$0x1F280] =	vst v63  }
0x53: {  	_ =	swait.ge [sflag:s22], $0x50  }
0x54: {  	[sflag:s22] =	ssyncset.done $0x0  }
0x55: {  	[sflag:s22] =	ssyncadd.s32 $0xFFFFFFB0  }
0x56: {  	[tilespmem:s24], [sflag:$0x4] =	stream.indirect.gather [hbm4b:s5+s23], $0x80, s19, s23, $0xb8;
	[tilespmem:$0x1F280] =	vst v63  }
0x57: {  	_ =	swait.ge [sflag:s25], $0x2800  }
0x58: {  	[sflag:s25] =	ssyncset.done $0x0  }
0x59: {  	[sflag:s25] =	ssyncadd.s32 $0xFFFFD800  }
0x5a: {  	_ =	swait.ge [sflag:s26], $0x2800  }
0x5b: {  	[sflag:s26] =	ssyncset.done $0x0  }
0x5c: {  	s31 =	simm.s32 $0x0;
	[sflag:s26] =	ssyncadd.s32 $0xFFFFD800  }
0x5d: {  	v17 =	vld [tilespmem:s31+$0x160E0]  }
0x5e: {  	v18 =	vld [tilespmem:s31+$0x160C0]  }
0x5f: {  	v19 =	vld [tilespmem:s31+$0x160D0]  }
0x60: {  	v20 =	vld [tilespmem:s31+$0x160F0]  }
0x61: {  	v22 =	vld [tilespmem:s31+$0x16090]  }
0x62: {  	v23 =	vld [tilespmem:s31+$0x160A0]  }
0x63: {  	v27 =	vld [tilespmem:s31+$0x16080]  }
0x64: {  	v21 =	vld [tilespmem:s31+$0x160B0]  }
0x65: {  	v18 =	vmul.f32 v18, v5  }
0x66: {  	v19 =	vmul.f32 v19, v6;
	v17 =	vmul.f32 v17, v7  }
0x67: {  	v26 =	vld [tilespmem:s31+$0x138C0];
	v20 =	vmul.f32 v20, v8;
	v25 =	vmul.f32 v22, v2;
	v24 =	vadd.f32 v18, v13  }
0x68: {  	v32 =	vmul.f32 v23, v3;
	v33 =	vmul.f32 v27, v1;
	v18 =	vadd.f32 v19, v14  }
0x69: {  	v19 =	vmul.f32 v21, v4;
	v31 =	vadd.f32 v17, v15;
	v29 =	vmul.f32 $9.999999740e-05, v24  }
0x6a: {  	v28 =	vld [tilespmem:s31+$0x138E0];
	v22 =	vadd.f32 v20, v16;
	v25 =	vadd.f32 v25, v10;
	vm1 =	vge.f32 v24, $0.0e+00  }
0x6b: {  	v23 =	vld [tilespmem:s31+$0x138D0];
	v27 =	vadd.f32 v32, v11;
	v20 =	vadd.f32 v19, v12;
	v19 =	vsel vm1, v24, v29  }
0x6c: {  	v17 =	vld [tilespmem:s31+$0x138F0];
	vm0 =	vge.f32 v18, $0.0e+00;
	v21 =	vmul.f32 $9.999999740e-05, v18;
	v26 =	vadd.f32 v19, v26  }
0x6d: {  	vm4 =	vge.f32 v31, $0.0e+00;
	v30 =	vmul.f32 $9.999999740e-05, v22;
	v63 =	vmul.f32 $9.999999740e-05, v31;
	v24 =	vld [tilespmem:s31+$0x138B0]  }
0x6e: {  	vm2 =	vge.f32 v22, $0.0e+00;
	vm3 =	vge.f32 v25, $0.0e+00;
	v29 =	vld [tilespmem:s31+$0x138A0];
	v34 =	vmax.f32 v26, $0.0e+00  }
0x6f: {  	s0 =	simm.s32 $0x200;
	vm1 =	vge.f32 v20, $0.0e+00;
	v31 =	vsel vm4, v31, v63;
	v19 =	vld [tilespmem:s31+$0x13890];
	v26 =	vadd.f32 v33, v9;
	[tilespmem:s31+$0x138C0] =	vst v34  }
.LBB2_5:
0x70: {  	s1 =	sshra.s32 s0, $0x2;
	p1 =	sne.s32 s0, $0x9E00;
	s0 =	sadd.s32 $0x200, s0;
	v32 =	vld [tilespmem:s31+$0x13880];
	v33 =	vmul.f32 $9.999999740e-05, v25;
	v28 =	vadd.f32 v31, v28  }
0x71: {  	v34 =	vmul.f32 $9.999999740e-05, v27;
	v35 =	vmul.f32 $9.999999740e-05, v20;
	v22 =	vsel vm2, v22, v30;
	v31 =	vld [tilespmem:s1+$0x160E0]  }
0x72: {  	vm2 =	vge.f32 v27, $0.0e+00;
	v30 =	vld [tilespmem:s1+$0x160C0];
	v25 =	vsel vm3, v25, v33;
	v28 =	vmax.f32 v28, $0.0e+00  }
0x73: {  	v18 =	vsel vm0, v18, v21;
	v36 =	vmul.f32 $9.999999740e-05, v26;
	v27 =	vsel vm2, v27, v34;
	v33 =	vld [tilespmem:s1+$0x160D0];
	[tilespmem:s31+$0x138E0] =	vst v28  }
0x74: {  	vm0 =	vge.f32 v26, $0.0e+00;
	v18 =	vadd.f32 v18, v23;
	v21 =	vld [tilespmem:s1+$0x160F0];
	v27 =	vadd.f32 v27, v29  }
0x75: {  	v17 =	vadd.f32 v22, v17;
	v20 =	vsel vm1, v20, v35;
	v26 =	vsel vm0, v26, v36;
	v23 =	vld [tilespmem:s1+$0x160B0]  }
0x76: {  	v20 =	vadd.f32 v20, v24;
	v18 =	vmax.f32 v18, $0.0e+00;
	v22 =	vld [tilespmem:s1+$0x16090];
	v27 =	vmax.f32 v27, $0.0e+00  }
0x77: {  	v19 =	vadd.f32 v25, v19;
	v17 =	vmax.f32 v17, $0.0e+00;
	v26 =	vadd.f32 v26, v32;
	v24 =	vld [tilespmem:s1+$0x16080];
	[tilespmem:s31+$0x138D0] =	vst v18  }
0x78: {  	v20 =	vmax.f32 v20, $0.0e+00;
	v18 =	vmul.f32 v30, v5;
	v25 =	vld [tilespmem:s1+$0x160A0];
	v28 =	vmul.f32 v33, v6;
	[tilespmem:s31+$0x138F0] =	vst v17  }
0x79: {  	v19 =	vmax.f32 v19, $0.0e+00;
	v17 =	vmul.f32 v31, v7;
	v21 =	vmul.f32 v21, v8;
	[tilespmem:s31+$0x138A0] =	vst v27  }
0x7a: {  	v27 =	vadd.f32 v18, v13;
	v23 =	vmul.f32 v23, v4;
	v29 =	vld [tilespmem:s1+$0x138C0];
	v18 =	vadd.f32 v28, v14;
	[tilespmem:s31+$0x138B0] =	vst v20  }
0x7b: {  	v26 =	vmax.f32 v26, $0.0e+00;
	v31 =	vadd.f32 v17, v15;
	v20 =	vmul.f32 v22, v2;
	v17 =	vld [tilespmem:s1+$0x138F0];
	[tilespmem:s31+$0x13890] =	vst v19  }
0x7c: {  	v19 =	vmul.f32 $9.999999740e-05, v27;
	v22 =	vadd.f32 v21, v16;
	vm0 =	vge.f32 v18, $0.0e+00;
	[tilespmem:s31+$0x13880] =	vst v26;
	s31 =	smov.u32 s1  }
0x7d: {  	vm1 =	vge.f32 v27, $0.0e+00;
	v21 =	vmul.f32 $9.999999740e-05, v18;
	v26 =	vmul.f32 v25, v3  }
.Ltmp1:
0x7e: {  	v25 =	vadd.f32 v20, v10;
	v20 =	vadd.f32 v23, v12;
	v19 =	vsel vm1, v27, v19;
	v28 =	vld [tilespmem:s31+$0x138E0];
	(pc) =	sbr.rel @p1 .LBB2_5-.Ltmp1, $4  }
0x7f: {  	vm4 =	vge.f32 v31, $0.0e+00;
	v30 =	vmul.f32 $9.999999740e-05, v22;
	v29 =	vadd.f32 v19, v29;
	v23 =	vld [tilespmem:s31+$0x138D0]  }
0x80: {  	v32 =	vmul.f32 v24, v1;
	v33 =	vmul.f32 $9.999999740e-05, v31;
	v27 =	vadd.f32 v26, v11;
	v19 =	vld [tilespmem:s31+$0x13890]  }
0x81: {  	vm2 =	vge.f32 v22, $0.0e+00;
	vm1 =	vge.f32 v20, $0.0e+00;
	v24 =	vld [tilespmem:s31+$0x138B0];
	v34 =	vmax.f32 v29, $0.0e+00  }
0x82: {  	v31 =	vsel vm4, v31, v33;
	v26 =	vadd.f32 v32, v9;
	vm3 =	vge.f32 v25, $0.0e+00;
	v29 =	vld [tilespmem:s31+$0x138A0];
	[tilespmem:s31+$0x138C0] =	vst v34  }
0x83: {  	v32 =	vmul.f32 $9.999999740e-05, v25;
	v28 =	vadd.f32 v31, v28  }
0x84: {  	v60 =	vmul.f32 $9.999999740e-05, v27;
	v33 =	vmul.f32 $9.999999740e-05, v20;
	v18 =	vsel vm0, v18, v21  }
0x85: {  	v22 =	vsel vm2, v22, v30;
	v61 =	vld [tilespmem:s31+$0x13880];
	vm14 =	vge.f32 v27, $0.0e+00;
	v18 =	vadd.f32 v18, v23  }
0x86: {  	v62 =	vmul.f32 $9.999999740e-05, v26;
	v17 =	vadd.f32 v22, v17;
	vm15 =	vge.f32 v26, $0.0e+00  }
0x87: {  	v25 =	vsel vm3, v25, v32;
	v28 =	vmax.f32 v28, $0.0e+00;
	v20 =	vsel vm1, v20, v33  }
0x88: {  	v27 =	vsel vm14, v27, v60;
	[tilespmem:s31+$0x138E0] =	vst v28;
	v18 =	vmax.f32 v18, $0.0e+00;
	v20 =	vadd.f32 v20, v24  }
0x89: {  	v17 =	vmax.f32 v17, $0.0e+00;
	v19 =	vadd.f32 v25, v19;
	[tilespmem:s31+$0x138D0] =	vst v18;
	v18 =	vsel vm15, v26, v62  }
0x8a: {  	v63 =	vadd.f32 v27, v29;
	[tilespmem:s31+$0x138F0] =	vst v17;
	v17 =	vadd.f32 v18, v61;
	v18 =	vmax.f32 v20, $0.0e+00  }
0x8b: {  	v19 =	vmax.f32 v19, $0.0e+00;
	[tilespmem:s31+$0x138B0] =	vst v18  }
0x8c: {  	v22 =	vmax.f32 v63, $0.0e+00;
	[tilespmem:s31+$0x13890] =	vst v19  }
0x8d: {  	[tilespmem:s31+$0x138A0] =	vst v22;
	v17 =	vmax.f32 v17, $0.0e+00  }
0x8e: {  	[tilespmem:s31+$0x13880] =	vst v17  }
0x8f: {  	s30 =	sadd.s32 $0x1, s30;
	_ =	swait.ge [sflag:s28], $0x50  }
0x90: {  	p1 =	sne.s32 s30, $0x7D;
	[sflag:s28] =	ssyncset.done $0x0  }
.Ltmp2:
0x91: {  	[sflag:s28] =	ssyncadd.s32 $0xFFFFFFB0;
	(pc) =	sbr.rel @p1 .LBB2_4-.Ltmp2, $4  }
0x92: {  	[spmem:s2] =	stream.indirect.scatter.add.f32 [tilespmem:s20], [sflag:$0x5], $0x80, s21, s23, $0xb8;
	[tilespmem:$0x1F280] =	vst v63  }
0x93: {  	_ =	swait.ge [sflag:s17], $0x2800  }
0x94: {  	[sflag:s17] =	ssyncset.done $0x0  }
0x95: {  	[sflag:s17] =	ssyncadd.s32 $0xFFFFD800  }
0x96: {  	s0 =	sshll.u32 s3, $0x6  }
0x97: {  	[bflag:$0x0] =	sbarrier.arrive $0xFFFF;
	s1 =	sshrl.u32 s7, $0x3;
	s0 =	sor.u32 $0x1C05, s0  }
0x98: {  	[hbm:s13], [sflag:s0] =	dma.local [spmem:s1], $0x2700  }
0x99: {  	_ =	swait.ge [sflag:s17], $0x2700  }
0x9a: {  	s4 =	sadd.s32 $0x1, s4;
	[sflag:s17] =	ssyncset.done $0x0  }
0x9b: {  	p1 =	sne.s32 s4, s15;
	s1 =	sshrl.u32 @!p0 s10, $0x3;
	[sflag:s17] =	ssyncadd.s32 $0xFFFFD900  }
0x9c: {  	[hbm:s14], [sflag:s0] =	dma.local @!p0 [spmem:s1], $0x100  }
.Ltmp3:
0x9d: {  	_ = 	snop;
	(pc) =	sbr.rel @p1 .LBB2_1-.Ltmp3, $4  }
0x9e: {  	s0 =	simm.s32 @!p0 $0x5  }
0x9f: {  	_ =	swait.ge @!p0 [sflag:s0], $0x100  }
0xa0: {  	[sflag:s0] =	ssyncset.done @!p0 $0x0  }
0xa1: {  	[sflag:s0] =	ssyncadd.s32 @!p0 $0xFFFFFF00  }
0xa2: {  	_ =	sfence.sel $0x180000  }
0xa3: {  	[bflag:$0x0] =	sbarrier.arrive $0xFFFF  }
0xa4: {  	_ =	strace $0x9000004D  }
0xa5: {  	[bflag:$0x2] =	sbarrier.arrive $0xFFFF  }
0xa6: {  	p0 =	sne.s32 s3, $0x0;
	s0 =	rddreg [dreg:$0x3]  }
0xa7: {  	s0 =	sadd.s32 @!p0 $0x100000, s0  }
0xa8: {  	[sflag:s0] =	ssyncadd.tile.s32 @!p0 $0x1;
	_ =	shalt  }
.Lfunc_end2:
_tile_overlayer_lowered:
.L_overlay_start_2:
0xa9: {  	(tag) =	ssettag $0x2  }
0xaa: {  	s0 =	rddreg [dreg:$0x0];
	s2 =	stileid.u32  }
0xab: {  	s1 =	rddreg [dreg:$0x1];
	p0 =	sne.s32 s2, $0x0  }
0xac: {  	s3 =	rddreg [dreg:$0x2];
	[bflag:$0x3] =	sbarrier.arrive $0xFFFF;
	s2 =	simm.s32 @!p0 $0x1C05  }
0xad: {  	[timem:s3], [sflag:s2] =	dma.local @!p0 [hbm:s0], s1  }
0xae: {  	s0 =	simm.s32 @!p0 $0x5  }
0xaf: {  	_ =	swait.ge @!p0 [sflag:s0], s1  }
0xb0: {  	s1 =	ssub.s32 @!p0 $0x0, s1;
	[sflag:s0] =	ssyncset.done @!p0 $0x0  }
0xb1: {  	[sflag:s0] =	ssyncadd.s32 @!p0 s1  }
0xb2: {  	[bflag:$0x3] =	sbarrier.arrive $0xFFFF  }
0xb3: {  	_ =	shalt  }

// kernel: kernel.22.cloned.1.call-start
scs
__scs_entry_jumppad:
0x0: {  	(pc) =	sbr.rel $0x88, $3  }
0x1: {  	(tag) =	ssettag $0x0;
	lr =	simm.s32 $0x1  }
0x2: {  	[smem:$0x3F89] =	sst lr;
	_ =	strace $0xD0000000  }
0x3: {  	_ = 	snop  }
0x4: {  	_ = 	snop  }
0x5: {  	_ = 	snop  }
0x6: {  	_ = 	snop  }
0x7: {  	_ = 	snop  }
__scs_overlays_trampoline_lowered:
0x8: {  	[smem:$0x3F98] =	sst s0  }
0x9: {  	[smem:$0x3F99] =	sst s1  }
0xa: {  	[smem:$0x3F9A] =	sst s2  }
0xb: {  	[smem:$0x3F9B] =	sst s3  }
0xc: {  	[smem:$0x3F9C] =	sst s4  }
0xd: {  	[smem:$0x3F9D] =	sst s5  }
0xe: {  	[smem:$0x3F9E] =	sst s6  }
0xf: {  	[smem:$0x3F9F] =	sst s7  }
0x10: {  	[smem:$0x3FA0] =	sst s8  }
0x11: {  	[smem:$0x3FA1] =	sst s9;
	s0 =	simm.s32 @!p0 $0x0  }
0x12: {  	s1 =	sld [smem:$0x3F87];
	s0 =	simm.s32 @p0 $0x1  }
0x13: {  	[smem:$0x3FA2] =	sst s0;
	s0 =	simm.s32 @!p1 $0x0  }
0x14: {  	s2 =	sld [smem:$0x3F86];
	s0 =	simm.s32 @p1 $0x1  }
0x15: {  	[smem:$0x3FA3] =	sst s0;
	s0 =	simm.s32 @!p2 $0x0  }
0x16: {  	s3 =	sld [smem:$0x3FDB];
	s0 =	simm.s32 @p2 $0x1  }
0x17: {  	s4 =	simm.s32 $0x1BF5;
	[smem:$0x3FA5] =	sst s0  }
0x18: {  	s0 =	sld [smem:$0x3F88];
	_ =	swait.ge [sflag:s4], $0x0  }
0x19: {  	s7 =	sld [smem:$0x3F89]  }
0x1a: {  	s8 =	sadd.s32 $0xFFFFE003, lr  }
0x1b: {  	s9 =	sadd.s32 $0xFFFFFEF7, lr;
	s5 =	simm.s32 $0xFFFFFFFF;
	p2 =	slt.u32 s8, $0xFFFFF086  }
0x1c: {  	p1 =	slt.u32 s9, $0xF7A;
	s5 =	simm.s32 @!p2 $0x0  }
0x1d: {  	s5 =	simm.s32 @p1 $0x1;
	p0 =	seq.s32 s7, s2  }
0x1e: {  	s7 =	smul.u32 @!p0 $0xF7A, s2;
	p2 =	seq.s32 @!p0 s5, $0x0  }
0x1f: {  	s9 =	smul.u32 $0xF7A, s1;
	s8 =	simm.s32 @!p0 $0x1BF5;
	p2 =	por !p2, p0  }
0x20: {  	[sflag:s8] =	ssyncset.s32 @!p0 $0xFFFFF086;
	s6 =	sadd.s32 @!p0 s3, s7;
	s7 =	simm.s32 @!p0 $0x108  }
0x21: {  	s3 =	sadd.s32 s3, s9;
	s6 =	sadd.s32 @!p0 $0x88, s6;
	s7 =	simm.s32 @p2 $0x1082  }
0x22: {  	[simem:s7], [sflag:s8] =	dma.local @!p0 [hbm:s6], $0xF7A  }
0x23: {  	s9 =	sor.u32 $0xD0000000, s2;
	s6 =	simm.s32 $0x108;
	_ =	swait.ge @!p0 [sflag:s8], $0x0  }
0x24: {  	s3 =	sadd.s32 $0x88, s3;
	s6 =	simm.s32 @!p1 $0x1082;
	[sflag:s4] =	ssyncset.s32 $0xFFFFF086  }
0x25: {  	[simem:s6], [sflag:s4] =	dma.local [hbm:s3], $0xF7A  }
0x26: {  	[smem:$0x3F89] =	sst s1;
	(tag) =	ssettag s2;
	_ =	strace s9  }
0x27: {  	s1 =	sld [smem:$0x3F99]  }
0x28: {  	s2 =	sld [smem:$0x3F9A]  }
0x29: {  	s4 =	sld [smem:$0x3F9C]  }
0x2a: {  	p0 =	seq.s32 s5, $0x0;
	s5 =	sld [smem:$0x3F9D]  }
0x2b: {  	s6 =	sld [smem:$0x3F9E]  }
0x2c: {  	s7 =	sld [smem:$0x3F9F]  }
0x2d: {  	s3 =	simm.s32 $0x108;
	s8 =	sld [smem:$0x3FA0]  }
0x2e: {  	s3 =	simm.s32 @!p0 $0x1082;
	s9 =	sld [smem:$0x3FA1]  }
0x2f: {  	lr =	sadd.s32 s0, s3;
	s0 =	sld [smem:$0x3F98]  }
0x30: {  	s3 =	sld [smem:$0x3F9B]  }
0x31: {  	[smem:$0x3FA4] =	sst s10  }
0x32: {  	s10 =	sld [smem:$0x3FA2];
	_ =	sdelay $0x3  }
0x33: {  	p0 =	seq.s32 s10, $0x1;
	s10 =	sld [smem:$0x3FA4];
	_ =	sdelay $0x3  }
0x34: {  	[smem:$0x3FA4] =	sst s10  }
0x35: {  	s10 =	sld [smem:$0x3FA3];
	_ =	sdelay $0x3  }
0x36: {  	p1 =	seq.s32 s10, $0x1;
	s10 =	sld [smem:$0x3FA4];
	_ =	sdelay $0x3  }
0x37: {  	[smem:$0x3FA4] =	sst s10  }
0x38: {  	s10 =	sld [smem:$0x3FA5]  }
0x39: {  	_ = 	snop;
	(pc) =	sbr.ind lr, $3  }
0x3a: {  	_ = 	snop  }
0x3b: {  	_ = 	snop  }
0x3c: {  	p2 =	seq.s32 s10, $0x1;
	s10 =	sld [smem:$0x3FA4]  }
0x3d: {  	_ =	shalt  }
0x3e: {  	_ =	shalt  }
0x3f: {  	_ =	shalt  }
0x40: {  	_ =	shalt  }
0x41: {  	_ =	shalt  }
0x42: {  	_ =	shalt  }
0x43: {  	_ =	shalt  }
0x44: {  	_ =	shalt  }
0x45: {  	_ =	shalt  }
0x46: {  	_ =	shalt  }
0x47: {  	_ =	shalt  }
0x48: {  	_ =	shalt  }
0x49: {  	_ =	shalt  }
0x4a: {  	_ =	shalt  }
0x4b: {  	_ =	shalt  }
0x4c: {  	_ =	shalt  }
0x4d: {  	_ =	shalt  }
0x4e: {  	_ =	shalt  }
0x4f: {  	_ =	shalt  }
0x50: {  	_ =	shalt  }
0x51: {  	_ =	shalt  }
0x52: {  	_ =	shalt  }
0x53: {  	_ =	shalt  }
0x54: {  	_ =	shalt  }
0x55: {  	_ =	shalt  }
0x56: {  	_ =	shalt  }
0x57: {  	_ =	shalt  }
0x58: {  	_ =	shalt  }
0x59: {  	_ =	shalt  }
0x5a: {  	_ =	shalt  }
0x5b: {  	_ =	shalt  }
0x5c: {  	_ =	shalt  }
0x5d: {  	_ =	shalt  }
0x5e: {  	_ =	shalt  }
0x5f: {  	_ =	shalt  }
0x60: {  	_ =	shalt  }
0x61: {  	_ =	shalt  }
0x62: {  	_ =	shalt  }
0x63: {  	_ =	shalt  }
0x64: {  	_ =	shalt  }
0x65: {  	_ =	shalt  }
0x66: {  	_ =	shalt  }
0x67: {  	_ =	shalt  }
0x68: {  	_ =	shalt  }
0x69: {  	_ =	shalt  }
0x6a: {  	_ =	shalt  }
0x6b: {  	_ =	shalt  }
0x6c: {  	_ =	shalt  }
0x6d: {  	_ =	shalt  }
0x6e: {  	_ =	shalt  }
0x6f: {  	_ =	shalt  }
0x70: {  	_ =	shalt  }
0x71: {  	_ =	shalt  }
0x72: {  	_ =	shalt  }
0x73: {  	_ =	shalt  }
0x74: {  	_ =	shalt  }
0x75: {  	_ =	shalt  }
0x76: {  	_ =	shalt  }
0x77: {  	_ =	shalt  }
0x78: {  	_ =	shalt  }
0x79: {  	_ =	shalt  }
0x7a: {  	_ =	shalt  }
0x7b: {  	_ =	shalt  }
0x7c: {  	_ =	shalt  }
0x7d: {  	_ =	shalt  }
0x7e: {  	_ =	shalt  }
0x7f: {  	_ =	shalt  }
0x80: {  	_ =	shalt  }
0x81: {  	_ =	shalt  }
0x82: {  	_ =	shalt  }
0x83: {  	_ =	shalt  }
0x84: {  	_ =	shalt  }
0x85: {  	_ =	shalt  }
0x86: {  	_ =	shalt  }
0x87: {  	_ =	shalt  }
.Lfunc_end0:
.L_simem_size_0:
called_computation.3_lowered:
.L_overlay_start_0:
0x88: {  	s2 =	sld [smem:$0x3FD9]  }
0x89: {  	s3 =	sld [smem:$0x3FFE];
	_ =	sdelay $0x1  }
0x8a: {  	s1 =	srdreg.scid  }
0x8b: {  	s0 =	sand.u32 $0x1, s1  }
0x8c: {  	s17 =	sshll.u32 s0, $0xA;
	s2 =	sadd.s32 s3, s2  }
0x8d: {  	s2 =	sadd.s32 s2, s17  }
0x8e: {  	[smem:$0x3FB0] =	sst s2  }
0x8f: {  	_ = 	snop  }
0x90: {  	s2 =	sld [smem:$0x3FD0];
	(tm) =	ssettm $0x1  }
0x91: {  	s18 =	sld [smem:$0x3FFB];
	_ =	sdelay $0x3  }
0x92: {  	_ =	strace s18  }
0x93: {  	s3 =	sld [smem:$0x3FFC];
	_ =	sdelay $0x3  }
0x94: {  	_ =	strace s3  }
0x95: {  	s3 =	sld [smem:$0x3FFD];
	_ =	sdelay $0x3  }
0x96: {  	_ =	strace s3  }
0x97: {  	_ =	strace $0x8FFFFFFF  }
0x98: {  	s19 =	sld [smem:$0x3FDB];
	_ =	sdelay $0x1  }
0x99: {  	s4 =	simm.s32 $_scs_section_size  }
0x9a: {  	s5 =	simm.s32 $_size__tile_overlayer_lowered;
	s6 =	simm.s32 $_tile_overlayer_lowered  }
0x9b: {  	s22 =	simm.s32 $0x1BFF;
	s21 =	sshll.u32 s6, $0x1;
	s3 =	sadd.s32 s4, s19  }
0x9c: {  	s7 =	simm.s32 $0x0;
	s20 =	sshll.u32 s5, $0x1;
	s5 =	sadd.s32 s21, s3  }
0x9d: {  	[timem:s7], [sflag:s22] =	dma.local [hbm:s5], s20  }
0x9e: {  	_ =	swait.ge [sflag:s22], s20  }
0x9f: {  	s4 =	ssub.s32 $0x0, s20;
	[sflag:s22] =	ssyncset.done $0x0  }
0xa0: {  	[sflag:s22] =	ssyncadd.s32 s4;
	_ =	sdelay $0x1  }
0xa1: {  	s23 =	simm.s32 $0x1B8B  }
0xa2: {  	_ =	swait.ge [sflag:s23], $0x1  }
0xa3: {  	[sflag:s23] =	ssyncset.done $0x0  }
0xa4: {  	s25 =	simm.s32 $0x1B8E;
	s24 =	sld [smem:$0x3FFE];
	[sflag:s23] =	ssyncadd.s32 $0xFFFFFFFF  }
0xa5: {  	s26 =	simm.s32 $execute0_lowered;
	[smem:$0x3FD2] =	sst s25  }
0xa6: {  	s5 =	sshll.u32 s26, $0x1;
	_ =	strace $0x8000004F;
	[dreg:$0x1] =	wrdreg $0xFFFFFFFF  }
0xa7: {  	s28 =	simm.s32 $_size_execute0_lowered;
	s3 =	sadd.s32 s3, s5;
	[dreg:$0x0] =	wrdreg $0x0  }
0xa8: {  	s5 =	sshll.u32 s28, $0x1;
	[dreg:$0x2] =	wrdreg s3  }
0xa9: {  	[dreg:$0x3] =	wrdreg s5  }
0xaa: {  	[dreg:$0x4] =	wrdreg $0xC0  }
0xab: {  	_ =	task [dreg:s7], $0x5FFFF  }
0xac: {  	[dreg:$0x1] =	wrdreg $0xFFFFFFFF  }
0xad: {  	[dreg:$0x0] =	wrdreg $0x60  }
0xae: {  	[dreg:$0x2] =	wrdreg s24  }
0xaf: {  	[dreg:$0x3] =	wrdreg s2  }
0xb0: {  	[dreg:$0x4] =	wrdreg $0x0  }
0xb1: {  	[dreg:$0x5] =	wrdreg $0x9  }
0xb2: {  	_ =	task.clear_ibuf [dreg:s7], $0x6FFFF;
	_ =	strace $0x9000004F  }
0xb3: {  	s29 =	simm.s32 $0x9;
	_ =	strace $0x80000051  }
0xb4: {  	_ =	swait.ge [sflag:s29], $0x1  }
0xb5: {  	[sflag:s29] =	ssyncadd.s32 $0xFFFFFFFF  }
0xb6: {  	_ =	strace $0x90000051  }
0xb7: {  	_ =	sfence  }
0xb8: {  	s30 =	sld [smem:$0x0];
	_ =	sdelay $0x2  }
0xb9: {  	s31 =	sshll.u32 s1, $0xD;
	s1 =	sshrl.u32 s1, $0x2  }
0xba: {  	s3 =	sand.u32 $0x4000, s31;
	s1 =	sadd.s32 s1, s30  }
0xbb: {  	s0 =	sor.u32 s3, s0;
	s1 =	sshll.u32 s1, $0x11  }
0xbc: {  	s0 =	sor.u32 s1, s0  }
0xbd: {  	s0 =	sadd.s32 $0x8F2B, s0  }
0xbe: {  	[sflag:s0] =	ssyncadd.remote.s32 $0x1  }
0xbf: {  	_ =	sfence.sel $0xFFFF  }
0xc0: {  	[dreg:$0x0] =	wrdreg $0xFFFFFFFF;
	(pc) =	sbr.abs _section_cstart, $3  }
0xc1: {  	[dreg:$0x1] =	wrdreg $0xFFFFFFFF  }
0xc2: {  	_ =	task.clear_ibuf [dreg:s7], $0x2FFFF;
	_ =	strace $0x9FFFFFFF  }
0xc3: {  	(tm) =	ssettm $0x7FFFFFFF  }
tec
execute0_lowered:
.L_overlay_start_1:
0x0: {  	(tag) =	ssettag $0x1  }
0x1: {  	s0 =	rddreg [dreg:$0x0]  }
0x2: {  	s2 =	rddreg [dreg:$0x2]  }
0x3: {  	s4 =	simm.s32 $0x0;
	s1 =	srdreg.scid;
	s3 =	stileid.u32  }
0x4: {  	s17 =	simm.s32 $0x5;
	s18 =	simm.s32 $0x1F180;
	s19 =	simm.s32 $0x18880  }
0x5: {  	s20 =	simm.s32 $0x13880;
	s21 =	simm.s32 $0x18900;
	s22 =	simm.s32 $0x1  }
0x6: {  	s23 =	simm.s32 $0x50;
	s24 =	simm.s32 $0x16080;
	s25 =	simm.s32 $0x2  }
0x7: {  	s26 =	simm.s32 $0x4;
	s28 =	simm.s32 $0x3;
	s29 =	simm.s32 $0x0  }
0x8: {  	[smem:$0x7FF] =	sst s4;
	s5 =	sadd.s32 $0x81200, s0;
	s1 =	sand.u32 $0x1, s1  }
0x9: {  	s7 =	smul.u32 $0x4E000, s3;
	s6 =	sadd.s32 $0x4EC000, s0;
	s14 =	sadd.s32 $0xA8400, s0  }
0xa: {  	s11 =	smul.u32 $0x13800, s3;
	s10 =	sadd.s32 $0x138000, s2;
	p0 =	sne.s32 s3, $0xF  }
0xb: {  	_ =	strace $0x80000050;
	s8 =	ssub.s32 $0x2, s1;
	s12 =	smul.u32 $0x138800, s1  }
0xc: {  	s1 =	sshll.u32 s1, $0x4;
	s9 =	sshrl.u32 s8, $0x1;
	s7 =	sshrl.u32 s7, $0x2  }
0xd: {  	s1 =	sor.u32 s3, s1;
	s7 =	sadd.s32 s7, s2;
	s15 =	ssub.s32 s8, s9  }
0xe: {  	s13 =	sadd.s32 s11, s12;
	s11 =	smul.u32 $0x2710, s1;
	s16 =	sshrl.u32 s12, $0x3  }
0xf: {  	s12 =	sadd.s32 $0x13A5A00, s0;
	s8 =	sadd.s32 $0x6800, s7;
	s9 =	sadd.s32 $0xD000, s7  }
0x10: {  	s30 =	sshrl.u32 s13, $0x3;
	s31 =	sadd.s32 s14, s16;
	s15 =	smax.u32 s15, $0x1  }
0x11: {  	v0 =	vimm.f32 $0.0e+00;
	s16 =	simm.s32 $0x18980;
	s13 =	sadd.s32 s14, s30;
	s14 =	sadd.s32 $0x27000, s31  }
.LBB2_1:
0x12: {  	s0 =	simm.s32 $0x0;
	s1 =	simm.s32 $0x200  }
.LBB2_2:
0x13: {  	p1 =	sne.s32 s1, $0x19E00;
	[tilespmem:s0+$0x189F0] =	vst v0  }
0x14: {  	[tilespmem:s0+$0x18980] =	vst v0  }
0x15: {  	[tilespmem:s0+$0x18990] =	vst v0  }
.Ltmp0:
0x16: {  	[tilespmem:s0+$0x189A0] =	vst v0;
	(pc) =	sbr.rel @p1 .LBB2_2-.Ltmp0, $4  }
0x17: {  	[tilespmem:s0+$0x189B0] =	vst v0  }
0x18: {  	[tilespmem:s0+$0x189C0] =	vst v0  }
0x19: {  	[tilespmem:s0+$0x189D0] =	vst v0  }
0x1a: {  	[tilespmem:s0+$0x189E0] =	vst v0;
	s0 =	sshra.s32 s1, $0x2;
	s1 =	sadd.s32 $0x200, s1  }
0x1b: {  	[tilespmem:s0+$0x189F0] =	vst v0  }
0x1c: {  	[tilespmem:s0+$0x18980] =	vst v0  }
0x1d: {  	[tilespmem:s0+$0x18990] =	vst v0  }
0x1e: {  	[tilespmem:s0+$0x189A0] =	vst v0  }
0x1f: {  	[tilespmem:s0+$0x189B0] =	vst v0  }
0x20: {  	[tilespmem:s0+$0x189C0] =	vst v0  }
0x21: {  	[tilespmem:s0+$0x189D0] =	vst v0  }
0x22: {  	[tilespmem:s0+$0x189E0] =	vst v0  }
0x23: {  	[spmem:s7] =	stream.linear.scatter [tilespmem:s16], [sflag:$0x5], $0x6800, $0x38;
	[tilespmem:$0x1F280] =	vst v63  }
0x24: {  	_ =	swait.ge [sflag:s17], $0x6800  }
0x25: {  	[sflag:s17] =	ssyncset.done $0x0  }
0x26: {  	[sflag:s17] =	ssyncadd.s32 $0xFFFF9800  }
0x27: {  	[spmem:s8] =	stream.linear.scatter [tilespmem:s16], [sflag:$0x5], $0x6800, $0x38;
	[tilespmem:$0x1F280] =	vst v63  }
0x28: {  	_ =	swait.ge [sflag:s17], $0x6800  }
0x29: {  	[sflag:s17] =	ssyncset.done $0x0  }
0x2a: {  	[sflag:s17] =	ssyncadd.s32 $0xFFFF9800  }
0x2b: {  	[spmem:s9] =	stream.linear.scatter [tilespmem:s16], [sflag:$0x5], $0x6800, $0x38;
	[tilespmem:$0x1F280] =	vst v63  }
0x2c: {  	_ =	swait.ge [sflag:s17], $0x6800  }
0x2d: {  	[sflag:s17] =	ssyncset.done $0x0  }
0x2e: {  	s0 =	simm.s32 @!p0 $0x18980;
	[sflag:s17] =	ssyncadd.s32 $0xFFFF9800  }
0x2f: {  	[spmem:s10] =	stream.linear.scatter @!p0 [tilespmem:s0], [sflag:$0x5], $0x800, $0x38;
	[tilespmem:$0x1F280] =	vst v63  }
0x30: {  	s0 =	simm.s32 @!p0 $0x5  }
0x31: {  	_ =	swait.ge @!p0 [sflag:s0], $0x800  }
0x32: {  	[sflag:s0] =	ssyncset.done @!p0 $0x0  }
0x33: {  	[sflag:s0] =	ssyncadd.s32 @!p0 $0xFFFFF800  }
0x34: {  	s0 =	rddreg [dreg:$0x1]  }
0x35: {  	[tilespmem:s18], [sflag:$0x5] =	stream.linear.gather [hbm4b:s0+s29], $0x100, $0x38;
	[tilespmem:$0x1F280] =	vst v63  }
0x36: {  	_ =	swait.ge [sflag:s17], $0x100  }
0x37: {  	[sflag:s17] =	ssyncset.done $0x0  }
0x38: {  	[sflag:s17] =	ssyncadd.s32 $0xFFFFFF00  }
0x39: {  	[bflag:$0x0] =	sbarrier.arrive $0xFFFF  }
0x3a: {  	v1 =	vld [tilespmem:$0x1F180]  }
0x3b: {  	v2 =	vld [tilespmem:$0x1F190]  }
0x3c: {  	v3 =	vld [tilespmem:$0x1F1A0]  }
0x3d: {  	v4 =	vld [tilespmem:$0x1F1B0]  }
0x3e: {  	v5 =	vld [tilespmem:$0x1F1C0]  }
0x3f: {  	v6 =	vld [tilespmem:$0x1F1D0]  }
0x40: {  	v7 =	vld [tilespmem:$0x1F1E0]  }
0x41: {  	v8 =	vld [tilespmem:$0x1F1F0]  }
0x42: {  	v9 =	vld [tilespmem:$0x1F200]  }
0x43: {  	v10 =	vld [tilespmem:$0x1F210]  }
0x44: {  	v11 =	vld [tilespmem:$0x1F220]  }
0x45: {  	v12 =	vld [tilespmem:$0x1F230]  }
0x46: {  	v13 =	vld [tilespmem:$0x1F240]  }
0x47: {  	v14 =	vld [tilespmem:$0x1F250]  }
0x48: {  	v15 =	vld [tilespmem:$0x1F260]  }
0x49: {  	s30 =	simm.s32 $0x0;
	v16 =	vld [tilespmem:$0x1F270]  }
.LBB2_4:
0x4a: {  	s0 =	smul.u32 $0x50, s30;
	_ =	sdelay $0x1  }
0x4b: {  	s0 =	sadd.s32 s11, s0  }
0x4c: {  	s1 =	sshrl.u32 s0, $0x3  }
0x4d: {  	s0 =	sshll.u32 s0, $0x4;
	s1 =	sadd.s32 s6, s1  }
0x4e: {  	[tilespmem:s19], [sflag:$0x1] =	stream.linear.gather [hbm4b:s1+s29], $0x50, $0x38;
	[tilespmem:$0x1F280] =	vst v63  }
0x4f: {  	s0 =	sadd.s32 s0, s12  }
0x50: {  	[tilespmem:s20], [sflag:$0x2] =	stream.linear.gather [hbm4b:s0+s29], $0x2800, $0x38;
	[tilespmem:$0x1F280] =	vst v63  }
0x51: {  	s1 =	sadd.s32 $0x9C40, s1  }
0x52: {  	[tilespmem:s21], [sflag:$0x3] =	stream.linear.gather [hbm4b:s1+s29], $0x50, $0x38;
	[tilespmem:$0x1F280] =	vst v63  }
0x53: {  	_ =	swait.ge [sflag:s22], $0x50  }
0x54: {  	[sflag:s22] =	ssyncset.done $0x0  }
0x55: {  	[sflag:s22] =	ssyncadd.s32 $0xFFFFFFB0  }
0x56: {  	[tilespmem:s24], [sflag:$0x4] =	stream.indirect.gather [hbm4b:s5+s23], $0x80, s19, s23, $0xb8;
	[tilespmem:$0x1F280] =	vst v63  }
0x57: {  	_ =	swait.ge [sflag:s25], $0x2800  }
0x58: {  	[sflag:s25] =	ssyncset.done $0x0  }
0x59: {  	[sflag:s25] =	ssyncadd.s32 $0xFFFFD800  }
0x5a: {  	_ =	swait.ge [sflag:s26], $0x2800  }
0x5b: {  	[sflag:s26] =	ssyncset.done $0x0  }
0x5c: {  	s31 =	simm.s32 $0x0;
	[sflag:s26] =	ssyncadd.s32 $0xFFFFD800  }
0x5d: {  	v17 =	vld [tilespmem:s31+$0x160E0]  }
0x5e: {  	v18 =	vld [tilespmem:s31+$0x160C0]  }
0x5f: {  	v19 =	vld [tilespmem:s31+$0x160D0]  }
0x60: {  	v20 =	vld [tilespmem:s31+$0x160F0]  }
0x61: {  	v22 =	vld [tilespmem:s31+$0x16090]  }
0x62: {  	v23 =	vld [tilespmem:s31+$0x160A0]  }
0x63: {  	v27 =	vld [tilespmem:s31+$0x16080]  }
0x64: {  	v21 =	vld [tilespmem:s31+$0x160B0]  }
0x65: {  	v18 =	vmul.f32 v18, v5  }
0x66: {  	v19 =	vmul.f32 v19, v6;
	v17 =	vmul.f32 v17, v7  }
0x67: {  	v26 =	vld [tilespmem:s31+$0x138C0];
	v20 =	vmul.f32 v20, v8;
	v25 =	vmul.f32 v22, v2;
	v24 =	vadd.f32 v18, v13  }
0x68: {  	v32 =	vmul.f32 v23, v3;
	v33 =	vmul.f32 v27, v1;
	v18 =	vadd.f32 v19, v14  }
0x69: {  	v19 =	vmul.f32 v21, v4;
	v31 =	vadd.f32 v17, v15;
	v29 =	vmul.f32 $9.999999740e-05, v24  }
0x6a: {  	v28 =	vld [tilespmem:s31+$0x138E0];
	v22 =	vadd.f32 v20, v16;
	v25 =	vadd.f32 v25, v10;
	vm1 =	vge.f32 v24, $0.0e+00  }
0x6b: {  	v23 =	vld [tilespmem:s31+$0x138D0];
	v27 =	vadd.f32 v32, v11;
	v20 =	vadd.f32 v19, v12;
	v19 =	vsel vm1, v24, v29  }
0x6c: {  	v17 =	vld [tilespmem:s31+$0x138F0];
	vm0 =	vge.f32 v18, $0.0e+00;
	v21 =	vmul.f32 $9.999999740e-05, v18;
	v26 =	vadd.f32 v19, v26  }
0x6d: {  	vm4 =	vge.f32 v31, $0.0e+00;
	v30 =	vmul.f32 $9.999999740e-05, v22;
	v63 =	vmul.f32 $9.999999740e-05, v31;
	v24 =	vld [tilespmem:s31+$0x138B0]  }
0x6e: {  	vm2 =	vge.f32 v22, $0.0e+00;
	vm3 =	vge.f32 v25, $0.0e+00;
	v29 =	vld [tilespmem:s31+$0x138A0];
	v34 =	vmax.f32 v26, $0.0e+00  }
0x6f: {  	s0 =	simm.s32 $0x200;
	vm1 =	vge.f32 v20, $0.0e+00;
	v31 =	vsel vm4, v31, v63;
	v19 =	vld [tilespmem:s31+$0x13890];
	v26 =	vadd.f32 v33, v9;
	[tilespmem:s31+$0x138C0] =	vst v34  }
.LBB2_5:
0x70: {  	s1 =	sshra.s32 s0, $0x2;
	p1 =	sne.s32 s0, $0x9E00;
	s0 =	sadd.s32 $0x200, s0;
	v32 =	vld [tilespmem:s31+$0x13880];
	v33 =	vmul.f32 $9.999999740e-05, v25;
	v28 =	vadd.f32 v31, v28  }
0x71: {  	v34 =	vmul.f32 $9.999999740e-05, v27;
	v35 =	vmul.f32 $9.999999740e-05, v20;
	v22 =	vsel vm2, v22, v30;
	v31 =	vld [tilespmem:s1+$0x160E0]  }
0x72: {  	vm2 =	vge.f32 v27, $0.0e+00;
	v30 =	vld [tilespmem:s1+$0x160C0];
	v25 =	vsel vm3, v25, v33;
	v28 =	vmax.f32 v28, $0.0e+00  }
0x73: {  	v18 =	vsel vm0, v18, v21;
	v36 =	vmul.f32 $9.999999740e-05, v26;
	v27 =	vsel vm2, v27, v34;
	v33 =	vld [tilespmem:s1+$0x160D0];
	[tilespmem:s31+$0x138E0] =	vst v28  }
0x74: {  	vm0 =	vge.f32 v26, $0.0e+00;
	v18 =	vadd.f32 v18, v23;
	v21 =	vld [tilespmem:s1+$0x160F0];
	v27 =	vadd.f32 v27, v29  }
0x75: {  	v17 =	vadd.f32 v22, v17;
	v20 =	vsel vm1, v20, v35;
	v26 =	vsel vm0, v26, v36;
	v23 =	vld [tilespmem:s1+$0x160B0]  }
0x76: {  	v20 =	vadd.f32 v20, v24;
	v18 =	vmax.f32 v18, $0.0e+00;
	v22 =	vld [tilespmem:s1+$0x16090];
	v27 =	vmax.f32 v27, $0.0e+00  }
0x77: {  	v19 =	vadd.f32 v25, v19;
	v17 =	vmax.f32 v17, $0.0e+00;
	v26 =	vadd.f32 v26, v32;
	v24 =	vld [tilespmem:s1+$0x16080];
	[tilespmem:s31+$0x138D0] =	vst v18  }
0x78: {  	v20 =	vmax.f32 v20, $0.0e+00;
	v18 =	vmul.f32 v30, v5;
	v25 =	vld [tilespmem:s1+$0x160A0];
	v28 =	vmul.f32 v33, v6;
	[tilespmem:s31+$0x138F0] =	vst v17  }
0x79: {  	v19 =	vmax.f32 v19, $0.0e+00;
	v17 =	vmul.f32 v31, v7;
	v21 =	vmul.f32 v21, v8;
	[tilespmem:s31+$0x138A0] =	vst v27  }
0x7a: {  	v27 =	vadd.f32 v18, v13;
	v23 =	vmul.f32 v23, v4;
	v29 =	vld [tilespmem:s1+$0x138C0];
	v18 =	vadd.f32 v28, v14;
	[tilespmem:s31+$0x138B0] =	vst v20  }
0x7b: {  	v26 =	vmax.f32 v26, $0.0e+00;
	v31 =	vadd.f32 v17, v15;
	v20 =	vmul.f32 v22, v2;
	v17 =	vld [tilespmem:s1+$0x138F0];
	[tilespmem:s31+$0x13890] =	vst v19  }
0x7c: {  	v19 =	vmul.f32 $9.999999740e-05, v27;
	v22 =	vadd.f32 v21, v16;
	vm0 =	vge.f32 v18, $0.0e+00;
	[tilespmem:s31+$0x13880] =	vst v26;
	s31 =	smov.u32 s1  }
0x7d: {  	vm1 =	vge.f32 v27, $0.0e+00;
	v21 =	vmul.f32 $9.999999740e-05, v18;
	v26 =	vmul.f32 v25, v3  }
.Ltmp1:
0x7e: {  	v25 =	vadd.f32 v20, v10;
	v20 =	vadd.f32 v23, v12;
	v19 =	vsel vm1, v27, v19;
	v28 =	vld [tilespmem:s31+$0x138E0];
	(pc) =	sbr.rel @p1 .LBB2_5-.Ltmp1, $4  }
0x7f: {  	vm4 =	vge.f32 v31, $0.0e+00;
	v30 =	vmul.f32 $9.999999740e-05, v22;
	v29 =	vadd.f32 v19, v29;
	v23 =	vld [tilespmem:s31+$0x138D0]  }
0x80: {  	v32 =	vmul.f32 v24, v1;
	v33 =	vmul.f32 $9.999999740e-05, v31;
	v27 =	vadd.f32 v26, v11;
	v19 =	vld [tilespmem:s31+$0x13890]  }
0x81: {  	vm2 =	vge.f32 v22, $0.0e+00;
	vm1 =	vge.f32 v20, $0.0e+00;
	v24 =	vld [tilespmem:s31+$0x138B0];
	v34 =	vmax.f32 v29, $0.0e+00  }
0x82: {  	v31 =	vsel vm4, v31, v33;
	v26 =	vadd.f32 v32, v9;
	vm3 =	vge.f32 v25, $0.0e+00;
	v29 =	vld [tilespmem:s31+$0x138A0];
	[tilespmem:s31+$0x138C0] =	vst v34  }
0x83: {  	v32 =	vmul.f32 $9.999999740e-05, v25;
	v28 =	vadd.f32 v31, v28  }
0x84: {  	v60 =	vmul.f32 $9.999999740e-05, v27;
	v33 =	vmul.f32 $9.999999740e-05, v20;
	v18 =	vsel vm0, v18, v21  }
0x85: {  	v22 =	vsel vm2, v22, v30;
	v61 =	vld [tilespmem:s31+$0x13880];
	vm14 =	vge.f32 v27, $0.0e+00;
	v18 =	vadd.f32 v18, v23  }
0x86: {  	v62 =	vmul.f32 $9.999999740e-05, v26;
	v17 =	vadd.f32 v22, v17;
	vm15 =	vge.f32 v26, $0.0e+00  }
0x87: {  	v25 =	vsel vm3, v25, v32;
	v28 =	vmax.f32 v28, $0.0e+00;
	v20 =	vsel vm1, v20, v33  }
0x88: {  	v27 =	vsel vm14, v27, v60;
	[tilespmem:s31+$0x138E0] =	vst v28;
	v18 =	vmax.f32 v18, $0.0e+00;
	v20 =	vadd.f32 v20, v24  }
0x89: {  	v17 =	vmax.f32 v17, $0.0e+00;
	v19 =	vadd.f32 v25, v19;
	[tilespmem:s31+$0x138D0] =	vst v18;
	v18 =	vsel vm15, v26, v62  }
0x8a: {  	v63 =	vadd.f32 v27, v29;
	[tilespmem:s31+$0x138F0] =	vst v17;
	v17 =	vadd.f32 v18, v61;
	v18 =	vmax.f32 v20, $0.0e+00  }
0x8b: {  	v19 =	vmax.f32 v19, $0.0e+00;
	[tilespmem:s31+$0x138B0] =	vst v18  }
0x8c: {  	v22 =	vmax.f32 v63, $0.0e+00;
	[tilespmem:s31+$0x13890] =	vst v19  }
0x8d: {  	[tilespmem:s31+$0x138A0] =	vst v22;
	v17 =	vmax.f32 v17, $0.0e+00  }
0x8e: {  	[tilespmem:s31+$0x13880] =	vst v17  }
0x8f: {  	s30 =	sadd.s32 $0x1, s30;
	_ =	swait.ge [sflag:s28], $0x50  }
0x90: {  	p1 =	sne.s32 s30, $0x7D;
	[sflag:s28] =	ssyncset.done $0x0  }
.Ltmp2:
0x91: {  	[sflag:s28] =	ssyncadd.s32 $0xFFFFFFB0;
	(pc) =	sbr.rel @p1 .LBB2_4-.Ltmp2, $4  }
0x92: {  	[spmem:s2] =	stream.indirect.scatter.add.f32 [tilespmem:s20], [sflag:$0x5], $0x80, s21, s23, $0xb8;
	[tilespmem:$0x1F280] =	vst v63  }
0x93: {  	_ =	swait.ge [sflag:s17], $0x2800  }
0x94: {  	[sflag:s17] =	ssyncset.done $0x0  }
0x95: {  	[sflag:s17] =	ssyncadd.s32 $0xFFFFD800  }
0x96: {  	s0 =	sshll.u32 s3, $0x6  }
0x97: {  	[bflag:$0x0] =	sbarrier.arrive $0xFFFF;
	s1 =	sshrl.u32 s7, $0x3;
	s0 =	sor.u32 $0x1C05, s0  }
0x98: {  	[hbm:s13], [sflag:s0] =	dma.local [spmem:s1], $0x2700  }
0x99: {  	_ =	swait.ge [sflag:s17], $0x2700  }
0x9a: {  	s4 =	sadd.s32 $0x1, s4;
	[sflag:s17] =	ssyncset.done $0x0  }
0x9b: {  	p1 =	sne.s32 s4, s15;
	s1 =	sshrl.u32 @!p0 s10, $0x3;
	[sflag:s17] =	ssyncadd.s32 $0xFFFFD900  }
0x9c: {  	[hbm:s14], [sflag:s0] =	dma.local @!p0 [spmem:s1], $0x100  }
.Ltmp3:
0x9d: {  	_ = 	snop;
	(pc) =	sbr.rel @p1 .LBB2_1-.Ltmp3, $4  }
0x9e: {  	s0 =	simm.s32 @!p0 $0x5  }
0x9f: {  	_ =	swait.ge @!p0 [sflag:s0], $0x100  }
0xa0: {  	[sflag:s0] =	ssyncset.done @!p0 $0x0  }
0xa1: {  	[sflag:s0] =	ssyncadd.s32 @!p0 $0xFFFFFF00  }
0xa2: {  	_ =	sfence.sel $0x180000  }
0xa3: {  	[bflag:$0x0] =	sbarrier.arrive $0xFFFF  }
0xa4: {  	_ =	strace $0x90000050  }
0xa5: {  	[bflag:$0x2] =	sbarrier.arrive $0xFFFF  }
0xa6: {  	p0 =	sne.s32 s3, $0x0;
	s0 =	rddreg [dreg:$0x3]  }
0xa7: {  	s0 =	sadd.s32 @!p0 $0x100000, s0  }
0xa8: {  	[sflag:s0] =	ssyncadd.tile.s32 @!p0 $0x1;
	_ =	shalt  }
.Lfunc_end2:
_tile_overlayer_lowered:
.L_overlay_start_2:
0xa9: {  	(tag) =	ssettag $0x2  }
0xaa: {  	s0 =	rddreg [dreg:$0x0];
	s2 =	stileid.u32  }
0xab: {  	s1 =	rddreg [dreg:$0x1];
	p0 =	sne.s32 s2, $0x0  }
0xac: {  	s3 =	rddreg [dreg:$0x2];
	[bflag:$0x3] =	sbarrier.arrive $0xFFFF;
	s2 =	simm.s32 @!p0 $0x1C05  }
0xad: {  	[timem:s3], [sflag:s2] =	dma.local @!p0 [hbm:s0], s1  }
0xae: {  	s0 =	simm.s32 @!p0 $0x5  }
0xaf: {  	_ =	swait.ge @!p0 [sflag:s0], s1  }
0xb0: {  	s1 =	ssub.s32 @!p0 $0x0, s1;
	[sflag:s0] =	ssyncset.done @!p0 $0x0  }
0xb1: {  	[sflag:s0] =	ssyncadd.s32 @!p0 s1  }
0xb2: {  	[bflag:$0x3] =	sbarrier.arrive $0xFFFF  }
0xb3: {  	_ =	shalt  }

</sc_bundles>
